<compile_context>
chip_gen: v7x
topology: tpu7x:2x2x1
jax: 0.10.2.dev20260603
libtpu: 0.0.44.dev20260713+nightly
codegen_flags: <defaults>
</compile_context>

<pallas_src>
import dataclasses
import functools

import jax
import jax.numpy as jnp
from jax import lax
from jax.experimental import pallas as pl
from jax.experimental.pallas import tpu as pltpu
from jax.experimental.pallas import tpu_sc as plsc

N_NODES = 10000
N_EDGES = 320000
D = 128
B_GRAPHS = 64

NC, NS = 2, 16
NW = NC * NS
WIN = 128
NWIN = 80
NSTAGE_DEG, NSTAGE_PLAIN = 5, 2
EDGES_PER_TILE = WIN * NWIN
E_PAD = EDGES_PER_TILE * NW
NPAD = 10112
ROWS_PER_SUB = NPAD // NS
R = 2000
GRID = N_NODES // R


def _sc_mesh():
    return plsc.VectorSubcoreMesh(
        core_axis_name="c", subcore_axis_name="s", num_cores=NC, num_subcores=NS
    )


def _sc_agg_body(with_deg, *refs):
    if with_deg:
        (x_hbm, src_hbm, dst_hbm, z2d_hbm, z1d_hbm, agg_out, deg_out,
         agg_sh, srcv, dstv, buf_a, buf_b, deg_v,
         sem_a, sem_b) = refs
    else:
        (x_hbm, src_hbm, dst_hbm, z2d_hbm, agg_out,
         agg_sh, srcv, dstv, buf_a, buf_b, sem_a, sem_b) = refs

    nstage = NSTAGE_DEG if with_deg else NSTAGE_PLAIN
    wps = NWIN // nstage
    c = lax.axis_index("c")
    s = lax.axis_index("s")
    w = s * NC + c
    row0 = s * ROWS_PER_SUB

    pltpu.sync_copy(z2d_hbm.at[pl.ds(row0, ROWS_PER_SUB)],
                    agg_sh.at[pl.ds(row0, ROWS_PER_SUB)])
    if with_deg:
        pltpu.sync_copy(z1d_hbm, deg_v)
    plsc.subcore_barrier()

    def deg_window(j):
        for k in range(WIN // 16):
            d = dstv[j, pl.ds(k * 16, 16)]
            cnt, m = plsc.scan_count(d)
            plsc.addupdate_scatter(deg_v, [d], cnt.astype(jnp.float32),
                                   mask=m)

    for t in range(nstage):
        wrow = w * NWIN + t * wps
        pltpu.sync_copy(src_hbm.at[pl.ds(wrow, wps)], srcv)
        pltpu.sync_copy(dst_hbm.at[pl.ds(wrow, wps)], dstv)

        pltpu.async_copy(x_hbm.at[srcv.at[0]], buf_a, sem_a)
        pltpu.async_copy(x_hbm.at[srcv.at[1]], buf_b, sem_b)

        @pl.loop(0, wps, step=2)
        def _(j):
            if with_deg:
                deg_window(j)
            pltpu.make_async_copy(x_hbm.at[srcv.at[j]], buf_a, sem_a).wait()
            pltpu.sync_copy(buf_a, agg_sh.at[dstv.at[j]], add=True)

            @pl.when(j + 2 < wps)
            def _():
                pltpu.async_copy(x_hbm.at[srcv.at[j + 2]], buf_a, sem_a)

            if with_deg:
                deg_window(j + 1)
            pltpu.make_async_copy(x_hbm.at[srcv.at[j + 1]], buf_b, sem_b).wait()
            pltpu.sync_copy(buf_b, agg_sh.at[dstv.at[j + 1]], add=True)

            @pl.when(j + 3 < wps)
            def _():
                pltpu.async_copy(x_hbm.at[srcv.at[j + 3]], buf_b, sem_b)

    plsc.subcore_barrier()

    pltpu.sync_copy(agg_sh.at[pl.ds(row0, ROWS_PER_SUB)],
                    agg_out.at[c, pl.ds(row0, ROWS_PER_SUB)])
    if with_deg:
        pltpu.sync_copy(deg_v, deg_out.at[pl.ds(w * NPAD, NPAD)])


def _make_sc_agg(with_deg):
    wps = NWIN // (NSTAGE_DEG if with_deg else NSTAGE_PLAIN)
    out_type = [jax.ShapeDtypeStruct((NC, NPAD, D), jnp.float32)]
    scratch = [
        pltpu.VMEM_SHARED((NPAD, D), jnp.float32),
        pltpu.VMEM((wps, WIN), jnp.int32),
        pltpu.VMEM((wps, WIN), jnp.int32),
        pltpu.VMEM((WIN, D), jnp.float32),
        pltpu.VMEM((WIN, D), jnp.float32),
    ]
    if with_deg:
        out_type.append(jax.ShapeDtypeStruct((NW * NPAD,), jnp.float32))
        scratch.append(pltpu.VMEM((NPAD,), jnp.float32))
    scratch += [pltpu.SemaphoreType.DMA, pltpu.SemaphoreType.DMA]
    cp = pltpu.CompilerParams()
    if with_deg and "needs_layout_passes" in pltpu.CompilerParams.__dataclass_fields__:
        cp = dataclasses.replace(cp, needs_layout_passes=False)
    return pl.kernel(
        functools.partial(_sc_agg_body, with_deg),
        out_type=tuple(out_type) if with_deg else out_type[0],
        mesh=_sc_mesh(),
        scratch_types=scratch,
        compiler_params=cp,
    )


def _dense_block(x, p0, p1, rdeg, ws, bs, wn, bn):
    agg = (p0 + p1) * rdeg
    h = (jnp.dot(x, ws, preferred_element_type=jnp.float32) + bs
         + jnp.dot(agg, wn, preferred_element_type=jnp.float32) + bn)
    return jnp.maximum(h, 0.0)


def _tc1_body(x_ref, p_ref, dp_ref, ws_ref, bs_ref, wn_ref, bn_ref,
              h_ref, rdeg_ref):
    d = lax.dot_general(dp_ref[0], jnp.ones((NW, 1), jnp.float32),
                        (((0,), (0,)), ((), ())),
                        preferred_element_type=jnp.float32)
    rdeg = 1.0 / jnp.maximum(d, 1.0)
    rdeg_ref[...] = rdeg
    h_ref[...] = _dense_block(x_ref[...], p_ref[0], p_ref[1], rdeg,
                              ws_ref[...], bs_ref[...], wn_ref[...], bn_ref[...])


def _tc2_body(x_ref, p_ref, rdeg_ref, ws_ref, bs_ref, wn_ref, bn_ref, h_ref):
    h_ref[...] = _dense_block(x_ref[...], p_ref[0], p_ref[1], rdeg_ref[...],
                              ws_ref[...], bs_ref[...], wn_ref[...], bn_ref[...])


def _tc3_body(x_ref, p_ref, rdeg_ref, bv_ref, ws_ref, bs_ref, wn_ref, bn_ref,
              out_ref, acc_ref, cnt_ref):
    i = pl.program_id(0)

    @pl.when(i == 0)
    def _():
        acc_ref[...] = jnp.zeros((B_GRAPHS, D), jnp.float32)
        cnt_ref[...] = jnp.zeros((B_GRAPHS, D), jnp.float32)

    h = _dense_block(x_ref[...], p_ref[0], p_ref[1], rdeg_ref[...],
                     ws_ref[...], bs_ref[...], wn_ref[...], bn_ref[...])
    bv = bv_ref[0]
    onehot = (bv == lax.broadcasted_iota(jnp.int32, (B_GRAPHS, R), 0)
              ).astype(jnp.float32)
    acc_ref[...] += jnp.dot(onehot, h, preferred_element_type=jnp.float32)
    cnt_ref[...] += jnp.broadcast_to(
        jnp.sum(onehot, axis=1, keepdims=True), (B_GRAPHS, D))

    @pl.when(i == pl.num_programs(0) - 1)
    def _():
        out_ref[...] = acc_ref[...] / jnp.maximum(cnt_ref[...], 1.0)


def _full(shape):
    return pl.BlockSpec(shape, lambda i: tuple(0 for _ in shape))


_rows = pl.BlockSpec((R, D), lambda i: (i, 0))
_p_spec = pl.BlockSpec((NC, R, D), lambda i: (0, i, 0))
_rdeg_spec = pl.BlockSpec((R, 1), lambda i: (i, 0))
_w_specs = [_full((D, D)), _full((1, D)), _full((D, D)), _full((1, D))]


def _tc1(x, aggp, degp, ws, bs, wn, bn):
    return pl.pallas_call(
        _tc1_body,
        grid=(GRID,),
        in_specs=[_rows, _p_spec, pl.BlockSpec((1, NW, R), lambda i: (i, 0, 0)),
                  *_w_specs],
        out_specs=[_rows, _rdeg_spec],
        out_shape=[jax.ShapeDtypeStruct((N_NODES, D), jnp.float32),
                   jax.ShapeDtypeStruct((N_NODES, 1), jnp.float32)],
    )(x, aggp, degp, ws, bs, wn, bn)


def _tc2(x, aggp, rdeg, ws, bs, wn, bn):
    return pl.pallas_call(
        _tc2_body,
        grid=(GRID,),
        in_specs=[_rows, _p_spec, _rdeg_spec, *_w_specs],
        out_specs=_rows,
        out_shape=jax.ShapeDtypeStruct((N_NODES, D), jnp.float32),
    )(x, aggp, rdeg, ws, bs, wn, bn)


def _tc3(x, aggp, rdeg, bv3, ws, bs, wn, bn):
    return pl.pallas_call(
        _tc3_body,
        grid=(GRID,),
        in_specs=[_rows, _p_spec, _rdeg_spec,
                  pl.BlockSpec((1, 1, R), lambda i: (i, 0, 0)), *_w_specs],
        out_specs=_full((B_GRAPHS, D)),
        out_shape=jax.ShapeDtypeStruct((B_GRAPHS, D), jnp.float32),
        scratch_shapes=[pltpu.VMEM((B_GRAPHS, D), jnp.float32),
                        pltpu.VMEM((B_GRAPHS, D), jnp.float32)],
    )(x, aggp, rdeg, bv3, ws, bs, wn, bn)


def kernel(x, edge_index, batch_vec,
           W_self0, b_self0, W_neigh0, b_neigh0,
           W_self1, b_self1, W_neigh1, b_neigh1,
           W_self2, b_self2, W_neigh2, b_neigh2):
    pad = E_PAD - N_EDGES
    pad_idx = jnp.arange(pad, dtype=jnp.int32)
    src = jnp.concatenate([edge_index[0], pad_idx % N_NODES])
    dst = jnp.concatenate([edge_index[1], N_NODES + pad_idx % (NPAD - N_NODES)])
    src2 = src.reshape(E_PAD // WIN, WIN)
    dst2 = dst.reshape(E_PAD // WIN, WIN)
    z2d = jnp.zeros((NPAD, D), jnp.float32)
    z1d = jnp.zeros((NPAD,), jnp.float32)
    bv3 = batch_vec.reshape(GRID, 1, R)

    sc_agg_deg = _make_sc_agg(True)
    sc_agg = _make_sc_agg(False)

    aggp, degp = sc_agg_deg(x, src2, dst2, z2d, z1d)
    dp3 = (degp.reshape(NW, NPAD)[:, :N_NODES]
           .reshape(NW, GRID, R).transpose(1, 0, 2))
    h1, rdeg = _tc1(x, aggp, dp3,
                    W_self0, b_self0.reshape(1, D), W_neigh0, b_neigh0.reshape(1, D))
    aggp = sc_agg(h1, src2, dst2, z2d)
    h2 = _tc2(h1, aggp, rdeg,
              W_self1, b_self1.reshape(1, D), W_neigh1, b_neigh1.reshape(1, D))
    aggp = sc_agg(h2, src2, dst2, z2d)
    out = _tc3(h2, aggp, rdeg, bv3,
               W_self2, b_self2.reshape(1, D), W_neigh2, b_neigh2.reshape(1, D))
    return out

# --- scband reference (transcript-rebuilt; emitter-appended) ---
"""Pipeline reference for scband-gnntower-79508434583618 (READ-ONLY COPY).

The authoritative reference and input builder live on the scoring server;
editing this copy changes nothing except your own understanding.
"""

import jax, jax.numpy as jnp
import numpy as np

N, E, D, H, B = 10000, 320000, 128, 128, 64


def setup_inputs(seed: int = 0):
    key = jax.random.key(seed)
    ks = jax.random.split(key, 16)
    x = jax.random.normal(ks[0], (N, D), dtype=jnp.float32)
    edge_index = jax.random.randint(ks[1], (2, E), 0, N, dtype=jnp.int32)
    batch_vec = jnp.sort(jax.random.randint(ks[2], (N,), 0, B, dtype=jnp.int32))
    batch_vec = batch_vec.at[0].set(0).at[-1].set(B - 1)
    inp = {"x": x, "edge_index": edge_index, "batch_vec": batch_vec}
    dims = [(D, H), (H, H), (H, H)]
    ki = 3
    for i, (din, dout) in enumerate(dims):
        s = 1.0 / np.sqrt(din)
        inp[f"W_self{i}"] = jax.random.uniform(ks[ki], (din, dout), jnp.float32, -s, s); ki += 1
        inp[f"b_self{i}"] = jax.random.uniform(ks[ki], (dout,), jnp.float32, -s, s); ki += 1
        inp[f"W_neigh{i}"] = jax.random.uniform(ks[ki], (din, dout), jnp.float32, -s, s); ki += 1
        inp[f"b_neigh{i}"] = jax.random.uniform(ks[ki], (dout,), jnp.float32, -s, s); ki += 1
    return inp


def _sage_layer(x, edge_index, Ws, bs, Wn, bn):
    src = edge_index[0]
    dst = edge_index[1]
    n = x.shape[0]
    agg = jnp.zeros_like(x).at[dst].add(x[src])
    deg = jnp.clip(jnp.bincount(dst, length=n), 1, None).astype(x.dtype)[:, None]
    agg = agg / deg
    h = x @ Ws + bs + agg @ Wn + bn
    return jax.nn.relu(h)  # dropout=0.0 (eval) -> identity


def reference(x, edge_index, batch_vec,
              W_self0, b_self0, W_neigh0, b_neigh0,
              W_self1, b_self1, W_neigh1, b_neigh1,
              W_self2, b_self2, W_neigh2, b_neigh2):
    h = _sage_layer(x, edge_index, W_self0, b_self0, W_neigh0, b_neigh0)
    h = _sage_layer(h, edge_index, W_self1, b_self1, W_neigh1, b_neigh1)
    h = _sage_layer(h, edge_index, W_self2, b_self2, W_neigh2, b_neigh2)
    b = B
    out = jnp.zeros((b, h.shape[1]), dtype=h.dtype).at[batch_vec].add(h)
    cnt = jnp.clip(jnp.bincount(batch_vec, length=b), 1, None).astype(h.dtype)[:, None]
    return out / cnt

if __name__ == "__main__":
    import jax
    _d = setup_inputs()
    print(jax.jit(kernel)(*tuple(_d.values())))

</pallas_src>

<mosaic_0001>
#map = affine_map<(d0, d1) -> (0, 0)>
#map1 = affine_map<(d0, d1) -> (0)>
#map2 = affine_map<(d0, d1) -> (0, 0, 0)>
module attributes {stable_mosaic.version = 14 : i64} {
  func.func @_sc_agg_body(%arg0: i32, %arg1: i32, %arg2: memref<10000x128xf32, #tpu.memory_space<hbm>>, %arg3: memref<2560x128xi32, #tpu.memory_space<hbm>>, %arg4: memref<2560x128xi32, #tpu.memory_space<hbm>>, %arg5: memref<10112x128xf32, #tpu.memory_space<hbm>>, %arg6: memref<10112xf32, #tpu.memory_space<hbm>>, %arg7: memref<2x10112x128xf32, #tpu.memory_space<hbm>>, %arg8: memref<323584xf32, #tpu.memory_space<hbm>>, %arg9: memref<10112x128xf32, #tpu.memory_space<vmem_shared>>, %arg10: memref<16x128xi32, #tpu.memory_space<vmem>>, %arg11: memref<16x128xi32, #tpu.memory_space<vmem>>, %arg12: memref<128x128xf32, #tpu.memory_space<vmem>>, %arg13: memref<128x128xf32, #tpu.memory_space<vmem>>, %arg14: memref<10112xf32, #tpu.memory_space<vmem>>, %arg15: memref<!tpu.dma_semaphore, #tpu.memory_space<semaphore_mem>>, %arg16: memref<!tpu.dma_semaphore, #tpu.memory_space<semaphore_mem>>) attributes {dimension_semantics = [#tpu.dimension_semantics<core_parallel>, #tpu.dimension_semantics<subcore_parallel>], iteration_bounds = array<i64: 2, 16>, scalar_prefetch = 0 : i64, scratch_operands = 8 : i64, tpu.core_type = #tpu.core_type<sc_vector_subcore>, window_params = [{transform_indices = #map}, {transform_indices = #map}, {transform_indices = #map}, {transform_indices = #map}, {transform_indices = #map1}, {transform_indices = #map2}, {transform_indices = #map1}]} {
    %mul3A = arith.constant 2 : i32
    %mul3A_0 = arith.muli %arg1, %mul3A : i32
    %add3A = arith.addi %mul3A_0, %arg0 : i32
    %mul3A_1 = arith.constant 632 : i32
    %mul3A_2 = arith.muli %arg1, %mul3A_1 : i32
    "tpu.region"() ({
      %run_scoped3A = tpu.sem_alloc : memref<!tpu.dma_semaphore, #tpu.memory_space<semaphore_mem>>
      %dma_start3A_119 = arith.constant 0 : i32
      %dma_start3A_120 = tpu.memref_slice %arg9[%mul3A_2, %dma_start3A_119] : memref<10112x128xf32, #tpu.memory_space<vmem_shared>> -> memref<632x128xf32, #tpu.memory_space<vmem_shared>>
      %dma_start3A_121 = arith.constant 0 : i32
      %dma_start3A_122 = tpu.memref_slice %arg5[%mul3A_2, %dma_start3A_121] : memref<10112x128xf32, #tpu.memory_space<hbm>> -> memref<632x128xf32, #tpu.memory_space<hbm>>
      tpu.enqueue_dma source(%dma_start3A_122 : memref<632x128xf32, #tpu.memory_space<hbm>>) target(%dma_start3A_120 : memref<632x128xf32, #tpu.memory_space<vmem_shared>>) target_semaphore(%run_scoped3A : memref<!tpu.dma_semaphore, #tpu.memory_space<semaphore_mem>>)
      %dma_wait3A = arith.constant 0 : i32
      %dma_wait3A_123 = tpu.memref_slice %arg9[%mul3A_2, %dma_wait3A] : memref<10112x128xf32, #tpu.memory_space<vmem_shared>> -> memref<632x128xf32, #tpu.memory_space<vmem_shared>>
      %dma_wait3A_124 = arith.constant 0 : i32
      %dma_wait3A_125 = tpu.memref_slice %arg5[%mul3A_2, %dma_wait3A_124] : memref<10112x128xf32, #tpu.memory_space<hbm>> -> memref<632x128xf32, #tpu.memory_space<hbm>>
      tpu.wait_dma2 semaphore(%run_scoped3A : memref<!tpu.dma_semaphore, #tpu.memory_space<semaphore_mem>>) src(%dma_wait3A_125 : memref<632x128xf32, #tpu.memory_space<hbm>>) dst(%dma_wait3A_123 : memref<632x128xf32, #tpu.memory_space<vmem_shared>>)
      tpu.yield
    }) : () -> ()
    "tpu.region"() ({
      %run_scoped3A = tpu.sem_alloc : memref<!tpu.dma_semaphore, #tpu.memory_space<semaphore_mem>>
      tpu.enqueue_dma source(%arg6 : memref<10112xf32, #tpu.memory_space<hbm>>) target(%arg14 : memref<10112xf32, #tpu.memory_space<vmem>>) target_semaphore(%run_scoped3A : memref<!tpu.dma_semaphore, #tpu.memory_space<semaphore_mem>>)
      tpu.wait_dma2 semaphore(%run_scoped3A : memref<!tpu.dma_semaphore, #tpu.memory_space<semaphore_mem>>) src(%arg6 : memref<10112xf32, #tpu.memory_space<hbm>>) dst(%arg14 : memref<10112xf32, #tpu.memory_space<vmem>>)
      tpu.yield
    }) : () -> ()
    %barrier3A = arith.constant 0 : index
    tpu.barrier barrier_id(%barrier3A)
    %mul3A_3 = arith.constant 80 : i32
    %mul3A_4 = arith.muli %add3A, %mul3A_3 : i32
    %add3A_5 = arith.constant 0 : i32
    %add3A_6 = arith.addi %mul3A_4, %add3A_5 : i32
    "tpu.region"() ({
      %run_scoped3A = tpu.sem_alloc : memref<!tpu.dma_semaphore, #tpu.memory_space<semaphore_mem>>
      %dma_start3A_119 = arith.constant 0 : i32
      %dma_start3A_120 = tpu.memref_slice %arg3[%add3A_6, %dma_start3A_119] : memref<2560x128xi32, #tpu.memory_space<hbm>> -> memref<16x128xi32, #tpu.memory_space<hbm>>
      %dma_start3A_121 = arith.constant 0 : i32
      %dma_start3A_122 = tpu.memref_slice %arg3[%add3A_6, %dma_start3A_121] : memref<2560x128xi32, #tpu.memory_space<hbm>> -> memref<16x128xi32, #tpu.memory_space<hbm>>
      tpu.enqueue_dma source(%dma_start3A_122 : memref<16x128xi32, #tpu.memory_space<hbm>>) target(%arg10 : memref<16x128xi32, #tpu.memory_space<vmem>>) target_semaphore(%run_scoped3A : memref<!tpu.dma_semaphore, #tpu.memory_space<semaphore_mem>>)
      %dma_wait3A = arith.constant 0 : i32
      %dma_wait3A_123 = tpu.memref_slice %arg3[%add3A_6, %dma_wait3A] : memref<2560x128xi32, #tpu.memory_space<hbm>> -> memref<16x128xi32, #tpu.memory_space<hbm>>
      %dma_wait3A_124 = arith.constant 0 : i32
      %dma_wait3A_125 = tpu.memref_slice %arg3[%add3A_6, %dma_wait3A_124] : memref<2560x128xi32, #tpu.memory_space<hbm>> -> memref<16x128xi32, #tpu.memory_space<hbm>>
      tpu.wait_dma2 semaphore(%run_scoped3A : memref<!tpu.dma_semaphore, #tpu.memory_space<semaphore_mem>>) src(%dma_wait3A_125 : memref<16x128xi32, #tpu.memory_space<hbm>>) dst(%arg10 : memref<16x128xi32, #tpu.memory_space<vmem>>)
      tpu.yield
    }) : () -> ()
    "tpu.region"() ({
      %run_scoped3A = tpu.sem_alloc : memref<!tpu.dma_semaphore, #tpu.memory_space<semaphore_mem>>
      %dma_start3A_119 = arith.constant 0 : i32
      %dma_start3A_120 = tpu.memref_slice %arg4[%add3A_6, %dma_start3A_119] : memref<2560x128xi32, #tpu.memory_space<hbm>> -> memref<16x128xi32, #tpu.memory_space<hbm>>
      %dma_start3A_121 = arith.constant 0 : i32
      %dma_start3A_122 = tpu.memref_slice %arg4[%add3A_6, %dma_start3A_121] : memref<2560x128xi32, #tpu.memory_space<hbm>> -> memref<16x128xi32, #tpu.memory_space<hbm>>
      tpu.enqueue_dma source(%dma_start3A_122 : memref<16x128xi32, #tpu.memory_space<hbm>>) target(%arg11 : memref<16x128xi32, #tpu.memory_space<vmem>>) target_semaphore(%run_scoped3A : memref<!tpu.dma_semaphore, #tpu.memory_space<semaphore_mem>>)
      %dma_wait3A = arith.constant 0 : i32
      %dma_wait3A_123 = tpu.memref_slice %arg4[%add3A_6, %dma_wait3A] : memref<2560x128xi32, #tpu.memory_space<hbm>> -> memref<16x128xi32, #tpu.memory_space<hbm>>
      %dma_wait3A_124 = arith.constant 0 : i32
      %dma_wait3A_125 = tpu.memref_slice %arg4[%add3A_6, %dma_wait3A_124] : memref<2560x128xi32, #tpu.memory_space<hbm>> -> memref<16x128xi32, #tpu.memory_space<hbm>>
      tpu.wait_dma2 semaphore(%run_scoped3A : memref<!tpu.dma_semaphore, #tpu.memory_space<semaphore_mem>>) src(%dma_wait3A_125 : memref<16x128xi32, #tpu.memory_space<hbm>>) dst(%arg11 : memref<16x128xi32, #tpu.memory_space<vmem>>)
      tpu.yield
    }) : () -> ()
    %dma_start3A = arith.constant 0 : i32
    %dma_start3A_7 = arith.constant 0 : i32
    %dma_start3A_8 = tpu.memref_slice %arg10[%dma_start3A, %dma_start3A_7] : memref<16x128xi32, #tpu.memory_space<vmem>> -> memref<1x128xi32, #tpu.memory_space<vmem>>
    %dma_start3A_9 = tpu.memref_squeeze %dma_start3A_8 : memref<1x128xi32, #tpu.memory_space<vmem>> -> memref<128xi32, #tpu.memory_space<vmem>>
    %dma_start3A_10 = arith.constant 0 : i32
    %dma_start3A_11 = arith.constant 0 : i32
    %dma_start3A_12 = tpu.memref_slice %arg2[%dma_start3A_10, %dma_start3A_11] : memref<10000x128xf32, #tpu.memory_space<hbm>> -> memref<10000x128xf32, #tpu.memory_space<hbm>>
    tpu.enqueue_indirect_dma source(%dma_start3A_12 : memref<10000x128xf32, #tpu.memory_space<hbm>>) target(%arg12 : memref<128x128xf32, #tpu.memory_space<vmem>>) offsets(%dma_start3A_9 : memref<128xi32, #tpu.memory_space<vmem>>) semaphore(%arg15 : memref<!tpu.dma_semaphore, #tpu.memory_space<semaphore_mem>>)
    %dma_start3A_13 = arith.constant 1 : i32
    %dma_start3A_14 = arith.constant 0 : i32
    %dma_start3A_15 = tpu.memref_slice %arg10[%dma_start3A_13, %dma_start3A_14] : memref<16x128xi32, #tpu.memory_space<vmem>> -> memref<1x128xi32, #tpu.memory_space<vmem>>
    %dma_start3A_16 = tpu.memref_squeeze %dma_start3A_15 : memref<1x128xi32, #tpu.memory_space<vmem>> -> memref<128xi32, #tpu.memory_space<vmem>>
    %dma_start3A_17 = arith.constant 0 : i32
    %dma_start3A_18 = arith.constant 0 : i32
    %dma_start3A_19 = tpu.memref_slice %arg2[%dma_start3A_17, %dma_start3A_18] : memref<10000x128xf32, #tpu.memory_space<hbm>> -> memref<10000x128xf32, #tpu.memory_space<hbm>>
    tpu.enqueue_indirect_dma source(%dma_start3A_19 : memref<10000x128xf32, #tpu.memory_space<hbm>>) target(%arg13 : memref<128x128xf32, #tpu.memory_space<vmem>>) offsets(%dma_start3A_16 : memref<128xi32, #tpu.memory_space<vmem>>) semaphore(%arg16 : memref<!tpu.dma_semaphore, #tpu.memory_space<semaphore_mem>>)
    %scan3A = arith.constant 0 : i32
    %scan3A_20 = arith.constant 8 : i32
    %scan3A_21 = arith.addi %scan3A, %scan3A_20 : i32
    %scan3A_22 = arith.constant 1 : i32
    scf.for %scan3A_119 = %scan3A to %scan3A_21 step %scan3A_22  : i32 {
      %mul3A_120 = arith.constant 2 : i32
      %mul3A_121 = arith.muli %scan3A_119, %mul3A_120 : i32
      %add3A_122 = arith.constant 0 : i32
      %add3A_123 = arith.addi %add3A_122, %mul3A_121 : i32
      %get3A = arith.index_cast %add3A_123 : i32 to index
      %get3A_124 = arith.constant 0 : index
      %get3A_125 = tpu.vector_load %arg11[%get3A, %get3A_124] {strides = array<i32>} : memref<16x128xi32, #tpu.memory_space<vmem>>, vector<16xi32>,
      %broadcast_in_dim3A = arith.constant true
      %broadcast_in_dim3A_126 = vector.broadcast %broadcast_in_dim3A : i1 to vector<16xi1>
      %unique3A, %unique3A_127 = tpu.scan_count mask(%broadcast_in_dim3A_126 : vector<16xi1>) value(%get3A_125 : vector<16xi32>) : vector<16xi1>, vector<16xi32>
      %convert_element_type3A = arith.sitofp %unique3A_127 : vector<16xi32> to vector<16xf32>
      tpu.vector_store_idx %arg14[%get3A_125], %convert_element_type3A masked %unique3A {add = true} : memref<10112xf32, #tpu.memory_space<vmem>>[vector<16xi32>], vector<16xf32>, vector<16xi1>
      %get3A_128 = arith.index_cast %add3A_123 : i32 to index
      %get3A_129 = arith.constant 16 : index
      %get3A_130 = tpu.vector_load %arg11[%get3A_128, %get3A_129] {strides = array<i32>} : memref<16x128xi32, #tpu.memory_space<vmem>>, vector<16xi32>,
      %broadcast_in_dim3A_131 = arith.constant true
      %broadcast_in_dim3A_132 = vector.broadcast %broadcast_in_dim3A_131 : i1 to vector<16xi1>
      %unique3A_133, %unique3A_134 = tpu.scan_count mask(%broadcast_in_dim3A_132 : vector<16xi1>) value(%get3A_130 : vector<16xi32>) : vector<16xi1>, vector<16xi32>
      %convert_element_type3A_135 = arith.sitofp %unique3A_134 : vector<16xi32> to vector<16xf32>
      tpu.vector_store_idx %arg14[%get3A_130], %convert_element_type3A_135 masked %unique3A_133 {add = true} : memref<10112xf32, #tpu.memory_space<vmem>>[vector<16xi32>], vector<16xf32>, vector<16xi1>
      %get3A_136 = arith.index_cast %add3A_123 : i32 to index
      %get3A_137 = arith.constant 32 : index
      %get3A_138 = tpu.vector_load %arg11[%get3A_136, %get3A_137] {strides = array<i32>} : memref<16x128xi32, #tpu.memory_space<vmem>>, vector<16xi32>,
      %broadcast_in_dim3A_139 = arith.constant true
      %broadcast_in_dim3A_140 = vector.broadcast %broadcast_in_dim3A_139 : i1 to vector<16xi1>
      %unique3A_141, %unique3A_142 = tpu.scan_count mask(%broadcast_in_dim3A_140 : vector<16xi1>) value(%get3A_138 : vector<16xi32>) : vector<16xi1>, vector<16xi32>
      %convert_element_type3A_143 = arith.sitofp %unique3A_142 : vector<16xi32> to vector<16xf32>
      tpu.vector_store_idx %arg14[%get3A_138], %convert_element_type3A_143 masked %unique3A_141 {add = true} : memref<10112xf32, #tpu.memory_space<vmem>>[vector<16xi32>], vector<16xf32>, vector<16xi1>
      %get3A_144 = arith.index_cast %add3A_123 : i32 to index
      %get3A_145 = arith.constant 48 : index
      %get3A_146 = tpu.vector_load %arg11[%get3A_144, %get3A_145] {strides = array<i32>} : memref<16x128xi32, #tpu.memory_space<vmem>>, vector<16xi32>,
      %broadcast_in_dim3A_147 = arith.constant true
      %broadcast_in_dim3A_148 = vector.broadcast %broadcast_in_dim3A_147 : i1 to vector<16xi1>
      %unique3A_149, %unique3A_150 = tpu.scan_count mask(%broadcast_in_dim3A_148 : vector<16xi1>) value(%get3A_146 : vector<16xi32>) : vector<16xi1>, vector<16xi32>
      %convert_element_type3A_151 = arith.sitofp %unique3A_150 : vector<16xi32> to vector<16xf32>
      tpu.vector_store_idx %arg14[%get3A_146], %convert_element_type3A_151 masked %unique3A_149 {add = true} : memref<10112xf32, #tpu.memory_space<vmem>>[vector<16xi32>], vector<16xf32>, vector<16xi1>
      %get3A_152 = arith.index_cast %add3A_123 : i32 to index
      %get3A_153 = arith.constant 64 : index
      %get3A_154 = tpu.vector_load %arg11[%get3A_152, %get3A_153] {strides = array<i32>} : memref<16x128xi32, #tpu.memory_space<vmem>>, vector<16xi32>,
      %broadcast_in_dim3A_155 = arith.constant true
      %broadcast_in_dim3A_156 = vector.broadcast %broadcast_in_dim3A_155 : i1 to vector<16xi1>
      %unique3A_157, %unique3A_158 = tpu.scan_count mask(%broadcast_in_dim3A_156 : vector<16xi1>) value(%get3A_154 : vector<16xi32>) : vector<16xi1>, vector<16xi32>
      %convert_element_type3A_159 = arith.sitofp %unique3A_158 : vector<16xi32> to vector<16xf32>
      tpu.vector_store_idx %arg14[%get3A_154], %convert_element_type3A_159 masked %unique3A_157 {add = true} : memref<10112xf32, #tpu.memory_space<vmem>>[vector<16xi32>], vector<16xf32>, vector<16xi1>
      %get3A_160 = arith.index_cast %add3A_123 : i32 to index
      %get3A_161 = arith.constant 80 : index
      %get3A_162 = tpu.vector_load %arg11[%get3A_160, %get3A_161] {strides = array<i32>} : memref<16x128xi32, #tpu.memory_space<vmem>>, vector<16xi32>,
      %broadcast_in_dim3A_163 = arith.constant true
      %broadcast_in_dim3A_164 = vector.broadcast %broadcast_in_dim3A_163 : i1 to vector<16xi1>
      %unique3A_165, %unique3A_166 = tpu.scan_count mask(%broadcast_in_dim3A_164 : vector<16xi1>) value(%get3A_162 : vector<16xi32>) : vector<16xi1>, vector<16xi32>
      %convert_element_type3A_167 = arith.sitofp %unique3A_166 : vector<16xi32> to vector<16xf32>
      tpu.vector_store_idx %arg14[%get3A_162], %convert_element_type3A_167 masked %unique3A_165 {add = true} : memref<10112xf32, #tpu.memory_space<vmem>>[vector<16xi32>], vector<16xf32>, vector<16xi1>
      %get3A_168 = arith.index_cast %add3A_123 : i32 to index
      %get3A_169 = arith.constant 96 : index
      %get3A_170 = tpu.vector_load %arg11[%get3A_168, %get3A_169] {strides = array<i32>} : memref<16x128xi32, #tpu.memory_space<vmem>>, vector<16xi32>,
      %broadcast_in_dim3A_171 = arith.constant true
      %broadcast_in_dim3A_172 = vector.broadcast %broadcast_in_dim3A_171 : i1 to vector<16xi1>
      %unique3A_173, %unique3A_174 = tpu.scan_count mask(%broadcast_in_dim3A_172 : vector<16xi1>) value(%get3A_170 : vector<16xi32>) : vector<16xi1>, vector<16xi32>
      %convert_element_type3A_175 = arith.sitofp %unique3A_174 : vector<16xi32> to vector<16xf32>
      tpu.vector_store_idx %arg14[%get3A_170], %convert_element_type3A_175 masked %unique3A_173 {add = true} : memref<10112xf32, #tpu.memory_space<vmem>>[vector<16xi32>], vector<16xf32>, vector<16xi1>
      %get3A_176 = arith.index_cast %add3A_123 : i32 to index
      %get3A_177 = arith.constant 112 : index
      %get3A_178 = tpu.vector_load %arg11[%get3A_176, %get3A_177] {strides = array<i32>} : memref<16x128xi32, #tpu.memory_space<vmem>>, vector<16xi32>,
      %broadcast_in_dim3A_179 = arith.constant true
      %broadcast_in_dim3A_180 = vector.broadcast %broadcast_in_dim3A_179 : i1 to vector<16xi1>
      %unique3A_181, %unique3A_182 = tpu.scan_count mask(%broadcast_in_dim3A_180 : vector<16xi1>) value(%get3A_178 : vector<16xi32>) : vector<16xi1>, vector<16xi32>
      %convert_element_type3A_183 = arith.sitofp %unique3A_182 : vector<16xi32> to vector<16xf32>
      tpu.vector_store_idx %arg14[%get3A_178], %convert_element_type3A_183 masked %unique3A_181 {add = true} : memref<10112xf32, #tpu.memory_space<vmem>>[vector<16xi32>], vector<16xf32>, vector<16xi1>
      %dma_wait3A = arith.constant 0 : i32
      %dma_wait3A_184 = tpu.memref_slice %arg10[%add3A_123, %dma_wait3A] : memref<16x128xi32, #tpu.memory_space<vmem>> -> memref<1x128xi32, #tpu.memory_space<vmem>>
      %dma_wait3A_185 = tpu.memref_squeeze %dma_wait3A_184 : memref<1x128xi32, #tpu.memory_space<vmem>> -> memref<128xi32, #tpu.memory_space<vmem>>
      %dma_wait3A_186 = arith.constant 0 : i32
      %dma_wait3A_187 = arith.constant 0 : i32
      %dma_wait3A_188 = tpu.memref_slice %arg2[%dma_wait3A_186, %dma_wait3A_187] : memref<10000x128xf32, #tpu.memory_space<hbm>> -> memref<10000x128xf32, #tpu.memory_space<hbm>>
      tpu.wait_indirect_dma semaphore(%arg15 : memref<!tpu.dma_semaphore, #tpu.memory_space<semaphore_mem>>) src(%dma_wait3A_188 : memref<10000x128xf32, #tpu.memory_space<hbm>>) dst(%arg12 : memref<128x128xf32, #tpu.memory_space<vmem>>)
      "tpu.region"() ({
        %run_scoped3A = tpu.sem_alloc : memref<!tpu.dma_semaphore, #tpu.memory_space<semaphore_mem>>
        %dma_start3A_277 = arith.constant 0 : i32
        %dma_start3A_278 = tpu.memref_slice %arg11[%add3A_123, %dma_start3A_277] : memref<16x128xi32, #tpu.memory_space<vmem>> -> memref<1x128xi32, #tpu.memory_space<vmem>>
        %dma_start3A_279 = tpu.memref_squeeze %dma_start3A_278 : memref<1x128xi32, #tpu.memory_space<vmem>> -> memref<128xi32, #tpu.memory_space<vmem>>
        %dma_start3A_280 = arith.constant 0 : i32
        %dma_start3A_281 = arith.constant 0 : i32
        %dma_start3A_282 = tpu.memref_slice %arg9[%dma_start3A_280, %dma_start3A_281] : memref<10112x128xf32, #tpu.memory_space<vmem_shared>> -> memref<10112x128xf32, #tpu.memory_space<vmem_shared>>
        tpu.enqueue_indirect_dma source(%arg12 : memref<128x128xf32, #tpu.memory_space<vmem>>) target(%dma_start3A_282 : memref<10112x128xf32, #tpu.memory_space<vmem_shared>>) offsets(%dma_start3A_279 : memref<128xi32, #tpu.memory_space<vmem>>) semaphore(%run_scoped3A : memref<!tpu.dma_semaphore, #tpu.memory_space<semaphore_mem>>) {add = true}
        %dma_wait3A_283 = arith.constant 0 : i32
        %dma_wait3A_284 = tpu.memref_slice %arg11[%add3A_123, %dma_wait3A_283] : memref<16x128xi32, #tpu.memory_space<vmem>> -> memref<1x128xi32, #tpu.memory_space<vmem>>
        %dma_wait3A_285 = tpu.memref_squeeze %dma_wait3A_284 : memref<1x128xi32, #tpu.memory_space<vmem>> -> memref<128xi32, #tpu.memory_space<vmem>>
        %dma_wait3A_286 = arith.constant 0 : i32
        %dma_wait3A_287 = arith.constant 0 : i32
        %dma_wait3A_288 = tpu.memref_slice %arg9[%dma_wait3A_286, %dma_wait3A_287] : memref<10112x128xf32, #tpu.memory_space<vmem_shared>> -> memref<10112x128xf32, #tpu.memory_space<vmem_shared>>
        tpu.wait_indirect_dma semaphore(%run_scoped3A : memref<!tpu.dma_semaphore, #tpu.memory_space<semaphore_mem>>) src(%arg12 : memref<128x128xf32, #tpu.memory_space<vmem>>) dst(%dma_wait3A_288 : memref<10112x128xf32, #tpu.memory_space<vmem_shared>>)
        tpu.yield
      }) : () -> ()
      %add3A_189 = arith.constant 2 : i32
      %add3A_190 = arith.addi %add3A_123, %add3A_189 : i32
      %lt3A = arith.constant 16 : i32
      %lt3A_191 = arith.cmpi slt, %add3A_190, %lt3A : i32
      %convert_element_type3A_192 = arith.extui %lt3A_191 : i1 to i32
      %cond3A = arith.constant 0 : i32
      %cond3A_193 = arith.cmpi ne, %convert_element_type3A_192, %cond3A : i32
      scf.if %cond3A_193 {
        %add3A_277 = arith.constant 2 : i32
        %add3A_278 = arith.addi %add3A_123, %add3A_277 : i32
        %dma_start3A_279 = arith.constant 0 : i32
        %dma_start3A_280 = tpu.memref_slice %arg10[%add3A_278, %dma_start3A_279] : memref<16x128xi32, #tpu.memory_space<vmem>> -> memref<1x128xi32, #tpu.memory_space<vmem>>
        %dma_start3A_281 = tpu.memref_squeeze %dma_start3A_280 : memref<1x128xi32, #tpu.memory_space<vmem>> -> memref<128xi32, #tpu.memory_space<vmem>>
        %dma_start3A_282 = arith.constant 0 : i32
        %dma_start3A_283 = arith.constant 0 : i32
        %dma_start3A_284 = tpu.memref_slice %arg2[%dma_start3A_282, %dma_start3A_283] : memref<10000x128xf32, #tpu.memory_space<hbm>> -> memref<10000x128xf32, #tpu.memory_space<hbm>>
        tpu.enqueue_indirect_dma source(%dma_start3A_284 : memref<10000x128xf32, #tpu.memory_space<hbm>>) target(%arg12 : memref<128x128xf32, #tpu.memory_space<vmem>>) offsets(%dma_start3A_281 : memref<128xi32, #tpu.memory_space<vmem>>) semaphore(%arg15 : memref<!tpu.dma_semaphore, #tpu.memory_space<semaphore_mem>>)
      } else {
      }
      %add3A_194 = arith.constant 1 : i32
      %add3A_195 = arith.addi %add3A_123, %add3A_194 : i32
      %get3A_196 = arith.index_cast %add3A_195 : i32 to index
      %get3A_197 = arith.constant 0 : index
      %get3A_198 = tpu.vector_load %arg11[%get3A_196, %get3A_197] {strides = array<i32>} : memref<16x128xi32, #tpu.memory_space<vmem>>, vector<16xi32>,
      %broadcast_in_dim3A_199 = arith.constant true
      %broadcast_in_dim3A_200 = vector.broadcast %broadcast_in_dim3A_199 : i1 to vector<16xi1>
      %unique3A_201, %unique3A_202 = tpu.scan_count mask(%broadcast_in_dim3A_200 : vector<16xi1>) value(%get3A_198 : vector<16xi32>) : vector<16xi1>, vector<16xi32>
      %convert_element_type3A_203 = arith.sitofp %unique3A_202 : vector<16xi32> to vector<16xf32>
      tpu.vector_store_idx %arg14[%get3A_198], %convert_element_type3A_203 masked %unique3A_201 {add = true} : memref<10112xf32, #tpu.memory_space<vmem>>[vector<16xi32>], vector<16xf32>, vector<16xi1>
      %get3A_204 = arith.index_cast %add3A_195 : i32 to index
      %get3A_205 = arith.constant 16 : index
      %get3A_206 = tpu.vector_load %arg11[%get3A_204, %get3A_205] {strides = array<i32>} : memref<16x128xi32, #tpu.memory_space<vmem>>, vector<16xi32>,
      %broadcast_in_dim3A_207 = arith.constant true
      %broadcast_in_dim3A_208 = vector.broadcast %broadcast_in_dim3A_207 : i1 to vector<16xi1>
      %unique3A_209, %unique3A_210 = tpu.scan_count mask(%broadcast_in_dim3A_208 : vector<16xi1>) value(%get3A_206 : vector<16xi32>) : vector<16xi1>, vector<16xi32>
      %convert_element_type3A_211 = arith.sitofp %unique3A_210 : vector<16xi32> to vector<16xf32>
      tpu.vector_store_idx %arg14[%get3A_206], %convert_element_type3A_211 masked %unique3A_209 {add = true} : memref<10112xf32, #tpu.memory_space<vmem>>[vector<16xi32>], vector<16xf32>, vector<16xi1>
      %get3A_212 = arith.index_cast %add3A_195 : i32 to index
      %get3A_213 = arith.constant 32 : index
      %get3A_214 = tpu.vector_load %arg11[%get3A_212, %get3A_213] {strides = array<i32>} : memref<16x128xi32, #tpu.memory_space<vmem>>, vector<16xi32>,
      %broadcast_in_dim3A_215 = arith.constant true
      %broadcast_in_dim3A_216 = vector.broadcast %broadcast_in_dim3A_215 : i1 to vector<16xi1>
      %unique3A_217, %unique3A_218 = tpu.scan_count mask(%broadcast_in_dim3A_216 : vector<16xi1>) value(%get3A_214 : vector<16xi32>) : vector<16xi1>, vector<16xi32>
      %convert_element_type3A_219 = arith.sitofp %unique3A_218 : vector<16xi32> to vector<16xf32>
      tpu.vector_store_idx %arg14[%get3A_214], %convert_element_type3A_219 masked %unique3A_217 {add = true} : memref<10112xf32, #tpu.memory_space<vmem>>[vector<16xi32>], vector<16xf32>, vector<16xi1>
      %get3A_220 = arith.index_cast %add3A_195 : i32 to index
      %get3A_221 = arith.constant 48 : index
      %get3A_222 = tpu.vector_load %arg11[%get3A_220, %get3A_221] {strides = array<i32>} : memref<16x128xi32, #tpu.memory_space<vmem>>, vector<16xi32>,
      %broadcast_in_dim3A_223 = arith.constant true
      %broadcast_in_dim3A_224 = vector.broadcast %broadcast_in_dim3A_223 : i1 to vector<16xi1>
      %unique3A_225, %unique3A_226 = tpu.scan_count mask(%broadcast_in_dim3A_224 : vector<16xi1>) value(%get3A_222 : vector<16xi32>) : vector<16xi1>, vector<16xi32>
      %convert_element_type3A_227 = arith.sitofp %unique3A_226 : vector<16xi32> to vector<16xf32>
      tpu.vector_store_idx %arg14[%get3A_222], %convert_element_type3A_227 masked %unique3A_225 {add = true} : memref<10112xf32, #tpu.memory_space<vmem>>[vector<16xi32>], vector<16xf32>, vector<16xi1>
      %get3A_228 = arith.index_cast %add3A_195 : i32 to index
      %get3A_229 = arith.constant 64 : index
      %get3A_230 = tpu.vector_load %arg11[%get3A_228, %get3A_229] {strides = array<i32>} : memref<16x128xi32, #tpu.memory_space<vmem>>, vector<16xi32>,
      %broadcast_in_dim3A_231 = arith.constant true
      %broadcast_in_dim3A_232 = vector.broadcast %broadcast_in_dim3A_231 : i1 to vector<16xi1>
      %unique3A_233, %unique3A_234 = tpu.scan_count mask(%broadcast_in_dim3A_232 : vector<16xi1>) value(%get3A_230 : vector<16xi32>) : vector<16xi1>, vector<16xi32>
      %convert_element_type3A_235 = arith.sitofp %unique3A_234 : vector<16xi32> to vector<16xf32>
      tpu.vector_store_idx %arg14[%get3A_230], %convert_element_type3A_235 masked %unique3A_233 {add = true} : memref<10112xf32, #tpu.memory_space<vmem>>[vector<16xi32>], vector<16xf32>, vector<16xi1>
      %get3A_236 = arith.index_cast %add3A_195 : i32 to index
      %get3A_237 = arith.constant 80 : index
      %get3A_238 = tpu.vector_load %arg11[%get3A_236, %get3A_237] {strides = array<i32>} : memref<16x128xi32, #tpu.memory_space<vmem>>, vector<16xi32>,
      %broadcast_in_dim3A_239 = arith.constant true
      %broadcast_in_dim3A_240 = vector.broadcast %broadcast_in_dim3A_239 : i1 to vector<16xi1>
      %unique3A_241, %unique3A_242 = tpu.scan_count mask(%broadcast_in_dim3A_240 : vector<16xi1>) value(%get3A_238 : vector<16xi32>) : vector<16xi1>, vector<16xi32>
      %convert_element_type3A_243 = arith.sitofp %unique3A_242 : vector<16xi32> to vector<16xf32>
      tpu.vector_store_idx %arg14[%get3A_238], %convert_element_type3A_243 masked %unique3A_241 {add = true} : memref<10112xf32, #tpu.memory_space<vmem>>[vector<16xi32>], vector<16xf32>, vector<16xi1>
      %get3A_244 = arith.index_cast %add3A_195 : i32 to index
      %get3A_245 = arith.constant 96 : index
      %get3A_246 = tpu.vector_load %arg11[%get3A_244, %get3A_245] {strides = array<i32>} : memref<16x128xi32, #tpu.memory_space<vmem>>, vector<16xi32>,
      %broadcast_in_dim3A_247 = arith.constant true
      %broadcast_in_dim3A_248 = vector.broadcast %broadcast_in_dim3A_247 : i1 to vector<16xi1>
      %unique3A_249, %unique3A_250 = tpu.scan_count mask(%broadcast_in_dim3A_248 : vector<16xi1>) value(%get3A_246 : vector<16xi32>) : vector<16xi1>, vector<16xi32>
      %convert_element_type3A_251 = arith.sitofp %unique3A_250 : vector<16xi32> to vector<16xf32>
      tpu.vector_store_idx %arg14[%get3A_246], %convert_element_type3A_251 masked %unique3A_249 {add = true} : memref<10112xf32, #tpu.memory_space<vmem>>[vector<16xi32>], vector<16xf32>, vector<16xi1>
      %get3A_252 = arith.index_cast %add3A_195 : i32 to index
      %get3A_253 = arith.constant 112 : index
      %get3A_254 = tpu.vector_load %arg11[%get3A_252, %get3A_253] {strides = array<i32>} : memref<16x128xi32, #tpu.memory_space<vmem>>, vector<16xi32>,
      %broadcast_in_dim3A_255 = arith.constant true
      %broadcast_in_dim3A_256 = vector.broadcast %broadcast_in_dim3A_255 : i1 to vector<16xi1>
      %unique3A_257, %unique3A_258 = tpu.scan_count mask(%broadcast_in_dim3A_256 : vector<16xi1>) value(%get3A_254 : vector<16xi32>) : vector<16xi1>, vector<16xi32>
      %convert_element_type3A_259 = arith.sitofp %unique3A_258 : vector<16xi32> to vector<16xf32>
      tpu.vector_store_idx %arg14[%get3A_254], %convert_element_type3A_259 masked %unique3A_257 {add = true} : memref<10112xf32, #tpu.memory_space<vmem>>[vector<16xi32>], vector<16xf32>, vector<16xi1>
      %add3A_260 = arith.constant 1 : i32
      %add3A_261 = arith.addi %add3A_123, %add3A_260 : i32
      %dma_wait3A_262 = arith.constant 0 : i32
      %dma_wait3A_263 = tpu.memref_slice %arg10[%add3A_261, %dma_wait3A_262] : memref<16x128xi32, #tpu.memory_space<vmem>> -> memref<1x128xi32, #tpu.memory_space<vmem>>
      %dma_wait3A_264 = tpu.memref_squeeze %dma_wait3A_263 : memref<1x128xi32, #tpu.memory_space<vmem>> -> memref<128xi32, #tpu.memory_space<vmem>>
      %dma_wait3A_265 = arith.constant 0 : i32
      %dma_wait3A_266 = arith.constant 0 : i32
      %dma_wait3A_267 = tpu.memref_slice %arg2[%dma_wait3A_265, %dma_wait3A_266] : memref<10000x128xf32, #tpu.memory_space<hbm>> -> memref<10000x128xf32, #tpu.memory_space<hbm>>
      tpu.wait_indirect_dma semaphore(%arg16 : memref<!tpu.dma_semaphore, #tpu.memory_space<semaphore_mem>>) src(%dma_wait3A_267 : memref<10000x128xf32, #tpu.memory_space<hbm>>) dst(%arg13 : memref<128x128xf32, #tpu.memory_space<vmem>>)
      %add3A_268 = arith.constant 1 : i32
      %add3A_269 = arith.addi %add3A_123, %add3A_268 : i32
      "tpu.region"() ({
        %run_scoped3A = tpu.sem_alloc : memref<!tpu.dma_semaphore, #tpu.memory_space<semaphore_mem>>
        %dma_start3A_277 = arith.constant 0 : i32
        %dma_start3A_278 = tpu.memref_slice %arg11[%add3A_269, %dma_start3A_277] : memref<16x128xi32, #tpu.memory_space<vmem>> -> memref<1x128xi32, #tpu.memory_space<vmem>>
        %dma_start3A_279 = tpu.memref_squeeze %dma_start3A_278 : memref<1x128xi32, #tpu.memory_space<vmem>> -> memref<128xi32, #tpu.memory_space<vmem>>
        %dma_start3A_280 = arith.constant 0 : i32
        %dma_start3A_281 = arith.constant 0 : i32
        %dma_start3A_282 = tpu.memref_slice %arg9[%dma_start3A_280, %dma_start3A_281] : memref<10112x128xf32, #tpu.memory_space<vmem_shared>> -> memref<10112x128xf32, #tpu.memory_space<vmem_shared>>
        tpu.enqueue_indirect_dma source(%arg13 : memref<128x128xf32, #tpu.memory_space<vmem>>) target(%dma_start3A_282 : memref<10112x128xf32, #tpu.memory_space<vmem_shared>>) offsets(%dma_start3A_279 : memref<128xi32, #tpu.memory_space<vmem>>) semaphore(%run_scoped3A : memref<!tpu.dma_semaphore, #tpu.memory_space<semaphore_mem>>) {add = true}
        %dma_wait3A_283 = arith.constant 0 : i32
        %dma_wait3A_284 = tpu.memref_slice %arg11[%add3A_269, %dma_wait3A_283] : memref<16x128xi32, #tpu.memory_space<vmem>> -> memref<1x128xi32, #tpu.memory_space<vmem>>
        %dma_wait3A_285 = tpu.memref_squeeze %dma_wait3A_284 : memref<1x128xi32, #tpu.memory_space<vmem>> -> memref<128xi32, #tpu.memory_space<vmem>>
        %dma_wait3A_286 = arith.constant 0 : i32
        %dma_wait3A_287 = arith.constant 0 : i32
        %dma_wait3A_288 = tpu.memref_slice %arg9[%dma_wait3A_286, %dma_wait3A_287] : memref<10112x128xf32, #tpu.memory_space<vmem_shared>> -> memref<10112x128xf32, #tpu.memory_space<vmem_shared>>
        tpu.wait_indirect_dma semaphore(%run_scoped3A : memref<!tpu.dma_semaphore, #tpu.memory_space<semaphore_mem>>) src(%arg13 : memref<128x128xf32, #tpu.memory_space<vmem>>) dst(%dma_wait3A_288 : memref<10112x128xf32, #tpu.memory_space<vmem_shared>>)
        tpu.yield
      }) : () -> ()
      %add3A_270 = arith.constant 3 : i32
      %add3A_271 = arith.addi %add3A_123, %add3A_270 : i32
      %lt3A_272 = arith.constant 16 : i32
      %lt3A_273 = arith.cmpi slt, %add3A_271, %lt3A_272 : i32
      %convert_element_type3A_274 = arith.extui %lt3A_273 : i1 to i32
      %cond3A_275 = arith.constant 0 : i32
      %cond3A_276 = arith.cmpi ne, %convert_element_type3A_274, %cond3A_275 : i32
      scf.if %cond3A_276 {
        %add3A_277 = arith.constant 3 : i32
        %add3A_278 = arith.addi %add3A_123, %add3A_277 : i32
        %dma_start3A_279 = arith.constant 0 : i32
        %dma_start3A_280 = tpu.memref_slice %arg10[%add3A_278, %dma_start3A_279] : memref<16x128xi32, #tpu.memory_space<vmem>> -> memref<1x128xi32, #tpu.memory_space<vmem>>
        %dma_start3A_281 = tpu.memref_squeeze %dma_start3A_280 : memref<1x128xi32, #tpu.memory_space<vmem>> -> memref<128xi32, #tpu.memory_space<vmem>>
        %dma_start3A_282 = arith.constant 0 : i32
        %dma_start3A_283 = arith.constant 0 : i32
        %dma_start3A_284 = tpu.memref_slice %arg2[%dma_start3A_282, %dma_start3A_283] : memref<10000x128xf32, #tpu.memory_space<hbm>> -> memref<10000x128xf32, #tpu.memory_space<hbm>>
        tpu.enqueue_indirect_dma source(%dma_start3A_284 : memref<10000x128xf32, #tpu.memory_space<hbm>>) target(%arg13 : memref<128x128xf32, #tpu.memory_space<vmem>>) offsets(%dma_start3A_281 : memref<128xi32, #tpu.memory_space<vmem>>) semaphore(%arg16 : memref<!tpu.dma_semaphore, #tpu.memory_space<semaphore_mem>>)
      } else {
      }
    }
    %scan3A_23 = arith.constant 8 : i32
    %mul3A_24 = arith.constant 80 : i32
    %mul3A_25 = arith.muli %add3A, %mul3A_24 : i32
    %add3A_26 = arith.constant 16 : i32
    %add3A_27 = arith.addi %mul3A_25, %add3A_26 : i32
    "tpu.region"() ({
      %run_scoped3A = tpu.sem_alloc : memref<!tpu.dma_semaphore, #tpu.memory_space<semaphore_mem>>
      %dma_start3A_119 = arith.constant 0 : i32
      %dma_start3A_120 = tpu.memref_slice %arg3[%add3A_27, %dma_start3A_119] : memref<2560x128xi32, #tpu.memory_space<hbm>> -> memref<16x128xi32, #tpu.memory_space<hbm>>
      %dma_start3A_121 = arith.constant 0 : i32
      %dma_start3A_122 = tpu.memref_slice %arg3[%add3A_27, %dma_start3A_121] : memref<2560x128xi32, #tpu.memory_space<hbm>> -> memref<16x128xi32, #tpu.memory_space<hbm>>
      tpu.enqueue_dma source(%dma_start3A_122 : memref<16x128xi32, #tpu.memory_space<hbm>>) target(%arg10 : memref<16x128xi32, #tpu.memory_space<vmem>>) target_semaphore(%run_scoped3A : memref<!tpu.dma_semaphore, #tpu.memory_space<semaphore_mem>>)
      %dma_wait3A = arith.constant 0 : i32
      %dma_wait3A_123 = tpu.memref_slice %arg3[%add3A_27, %dma_wait3A] : memref<2560x128xi32, #tpu.memory_space<hbm>> -> memref<16x128xi32, #tpu.memory_space<hbm>>
      %dma_wait3A_124 = arith.constant 0 : i32
      %dma_wait3A_125 = tpu.memref_slice %arg3[%add3A_27, %dma_wait3A_124] : memref<2560x128xi32, #tpu.memory_space<hbm>> -> memref<16x128xi32, #tpu.memory_space<hbm>>
      tpu.wait_dma2 semaphore(%run_scoped3A : memref<!tpu.dma_semaphore, #tpu.memory_space<semaphore_mem>>) src(%dma_wait3A_125 : memref<16x128xi32, #tpu.memory_space<hbm>>) dst(%arg10 : memref<16x128xi32, #tpu.memory_space<vmem>>)
      tpu.yield
    }) : () -> ()
    "tpu.region"() ({
      %run_scoped3A = tpu.sem_alloc : memref<!tpu.dma_semaphore, #tpu.memory_space<semaphore_mem>>
      %dma_start3A_119 = arith.constant 0 : i32
      %dma_start3A_120 = tpu.memref_slice %arg4[%add3A_27, %dma_start3A_119] : memref<2560x128xi32, #tpu.memory_space<hbm>> -> memref<16x128xi32, #tpu.memory_space<hbm>>
      %dma_start3A_121 = arith.constant 0 : i32
      %dma_start3A_122 = tpu.memref_slice %arg4[%add3A_27, %dma_start3A_121] : memref<2560x128xi32, #tpu.memory_space<hbm>> -> memref<16x128xi32, #tpu.memory_space<hbm>>
      tpu.enqueue_dma source(%dma_start3A_122 : memref<16x128xi32, #tpu.memory_space<hbm>>) target(%arg11 : memref<16x128xi32, #tpu.memory_space<vmem>>) target_semaphore(%run_scoped3A : memref<!tpu.dma_semaphore, #tpu.memory_space<semaphore_mem>>)
      %dma_wait3A = arith.constant 0 : i32
      %dma_wait3A_123 = tpu.memref_slice %arg4[%add3A_27, %dma_wait3A] : memref<2560x128xi32, #tpu.memory_space<hbm>> -> memref<16x128xi32, #tpu.memory_space<hbm>>
      %dma_wait3A_124 = arith.constant 0 : i32
      %dma_wait3A_125 = tpu.memref_slice %arg4[%add3A_27, %dma_wait3A_124] : memref<2560x128xi32, #tpu.memory_space<hbm>> -> memref<16x128xi32, #tpu.memory_space<hbm>>
      tpu.wait_dma2 semaphore(%run_scoped3A : memref<!tpu.dma_semaphore, #tpu.memory_space<semaphore_mem>>) src(%dma_wait3A_125 : memref<16x128xi32, #tpu.memory_space<hbm>>) dst(%arg11 : memref<16x128xi32, #tpu.memory_space<vmem>>)
      tpu.yield
    }) : () -> ()
    %dma_start3A_28 = arith.constant 0 : i32
    %dma_start3A_29 = arith.constant 0 : i32
    %dma_start3A_30 = tpu.memref_slice %arg10[%dma_start3A_28, %dma_start3A_29] : memref<16x128xi32, #tpu.memory_space<vmem>> -> memref<1x128xi32, #tpu.memory_space<vmem>>
    %dma_start3A_31 = tpu.memref_squeeze %dma_start3A_30 : memref<1x128xi32, #tpu.memory_space<vmem>> -> memref<128xi32, #tpu.memory_space<vmem>>
    %dma_start3A_32 = arith.constant 0 : i32
    %dma_start3A_33 = arith.constant 0 : i32
    %dma_start3A_34 = tpu.memref_slice %arg2[%dma_start3A_32, %dma_start3A_33] : memref<10000x128xf32, #tpu.memory_space<hbm>> -> memref<10000x128xf32, #tpu.memory_space<hbm>>
    tpu.enqueue_indirect_dma source(%dma_start3A_34 : memref<10000x128xf32, #tpu.memory_space<hbm>>) target(%arg12 : memref<128x128xf32, #tpu.memory_space<vmem>>) offsets(%dma_start3A_31 : memref<128xi32, #tpu.memory_space<vmem>>) semaphore(%arg15 : memref<!tpu.dma_semaphore, #tpu.memory_space<semaphore_mem>>)
    %dma_start3A_35 = arith.constant 1 : i32
    %dma_start3A_36 = arith.constant 0 : i32
    %dma_start3A_37 = tpu.memref_slice %arg10[%dma_start3A_35, %dma_start3A_36] : memref<16x128xi32, #tpu.memory_space<vmem>> -> memref<1x128xi32, #tpu.memory_space<vmem>>
    %dma_start3A_38 = tpu.memref_squeeze %dma_start3A_37 : memref<1x128xi32, #tpu.memory_space<vmem>> -> memref<128xi32, #tpu.memory_space<vmem>>
    %dma_start3A_39 = arith.constant 0 : i32
    %dma_start3A_40 = arith.constant 0 : i32
    %dma_start3A_41 = tpu.memref_slice %arg2[%dma_start3A_39, %dma_start3A_40] : memref<10000x128xf32, #tpu.memory_space<hbm>> -> memref<10000x128xf32, #tpu.memory_space<hbm>>
    tpu.enqueue_indirect_dma source(%dma_start3A_41 : memref<10000x128xf32, #tpu.memory_space<hbm>>) target(%arg13 : memref<128x128xf32, #tpu.memory_space<vmem>>) offsets(%dma_start3A_38 : memref<128xi32, #tpu.memory_space<vmem>>) semaphore(%arg16 : memref<!tpu.dma_semaphore, #tpu.memory_space<semaphore_mem>>)
    %scan3A_42 = arith.constant 0 : i32
    %scan3A_43 = arith.constant 8 : i32
    %scan3A_44 = arith.addi %scan3A_42, %scan3A_43 : i32
    %scan3A_45 = arith.constant 1 : i32
    scf.for %scan3A_119 = %scan3A_42 to %scan3A_44 step %scan3A_45  : i32 {
      %mul3A_120 = arith.constant 2 : i32
      %mul3A_121 = arith.muli %scan3A_119, %mul3A_120 : i32
      %add3A_122 = arith.constant 0 : i32
      %add3A_123 = arith.addi %add3A_122, %mul3A_121 : i32
      %get3A = arith.index_cast %add3A_123 : i32 to index
      %get3A_124 = arith.constant 0 : index
      %get3A_125 = tpu.vector_load %arg11[%get3A, %get3A_124] {strides = array<i32>} : memref<16x128xi32, #tpu.memory_space<vmem>>, vector<16xi32>,
      %broadcast_in_dim3A = arith.constant true
      %broadcast_in_dim3A_126 = vector.broadcast %broadcast_in_dim3A : i1 to vector<16xi1>
      %unique3A, %unique3A_127 = tpu.scan_count mask(%broadcast_in_dim3A_126 : vector<16xi1>) value(%get3A_125 : vector<16xi32>) : vector<16xi1>, vector<16xi32>
      %convert_element_type3A = arith.sitofp %unique3A_127 : vector<16xi32> to vector<16xf32>
      tpu.vector_store_idx %arg14[%get3A_125], %convert_element_type3A masked %unique3A {add = true} : memref<10112xf32, #tpu.memory_space<vmem>>[vector<16xi32>], vector<16xf32>, vector<16xi1>
      %get3A_128 = arith.index_cast %add3A_123 : i32 to index
      %get3A_129 = arith.constant 16 : index
      %get3A_130 = tpu.vector_load %arg11[%get3A_128, %get3A_129] {strides = array<i32>} : memref<16x128xi32, #tpu.memory_space<vmem>>, vector<16xi32>,
      %broadcast_in_dim3A_131 = arith.constant true
      %broadcast_in_dim3A_132 = vector.broadcast %broadcast_in_dim3A_131 : i1 to vector<16xi1>
      %unique3A_133, %unique3A_134 = tpu.scan_count mask(%broadcast_in_dim3A_132 : vector<16xi1>) value(%get3A_130 : vector<16xi32>) : vector<16xi1>, vector<16xi32>
      %convert_element_type3A_135 = arith.sitofp %unique3A_134 : vector<16xi32> to vector<16xf32>
      tpu.vector_store_idx %arg14[%get3A_130], %convert_element_type3A_135 masked %unique3A_133 {add = true} : memref<10112xf32, #tpu.memory_space<vmem>>[vector<16xi32>], vector<16xf32>, vector<16xi1>
      %get3A_136 = arith.index_cast %add3A_123 : i32 to index
      %get3A_137 = arith.constant 32 : index
      %get3A_138 = tpu.vector_load %arg11[%get3A_136, %get3A_137] {strides = array<i32>} : memref<16x128xi32, #tpu.memory_space<vmem>>, vector<16xi32>,
      %broadcast_in_dim3A_139 = arith.constant true
      %broadcast_in_dim3A_140 = vector.broadcast %broadcast_in_dim3A_139 : i1 to vector<16xi1>
      %unique3A_141, %unique3A_142 = tpu.scan_count mask(%broadcast_in_dim3A_140 : vector<16xi1>) value(%get3A_138 : vector<16xi32>) : vector<16xi1>, vector<16xi32>
      %convert_element_type3A_143 = arith.sitofp %unique3A_142 : vector<16xi32> to vector<16xf32>
      tpu.vector_store_idx %arg14[%get3A_138], %convert_element_type3A_143 masked %unique3A_141 {add = true} : memref<10112xf32, #tpu.memory_space<vmem>>[vector<16xi32>], vector<16xf32>, vector<16xi1>
      %get3A_144 = arith.index_cast %add3A_123 : i32 to index
      %get3A_145 = arith.constant 48 : index
      %get3A_146 = tpu.vector_load %arg11[%get3A_144, %get3A_145] {strides = array<i32>} : memref<16x128xi32, #tpu.memory_space<vmem>>, vector<16xi32>,
      %broadcast_in_dim3A_147 = arith.constant true
      %broadcast_in_dim3A_148 = vector.broadcast %broadcast_in_dim3A_147 : i1 to vector<16xi1>
      %unique3A_149, %unique3A_150 = tpu.scan_count mask(%broadcast_in_dim3A_148 : vector<16xi1>) value(%get3A_146 : vector<16xi32>) : vector<16xi1>, vector<16xi32>
      %convert_element_type3A_151 = arith.sitofp %unique3A_150 : vector<16xi32> to vector<16xf32>
      tpu.vector_store_idx %arg14[%get3A_146], %convert_element_type3A_151 masked %unique3A_149 {add = true} : memref<10112xf32, #tpu.memory_space<vmem>>[vector<16xi32>], vector<16xf32>, vector<16xi1>
      %get3A_152 = arith.index_cast %add3A_123 : i32 to index
      %get3A_153 = arith.constant 64 : index
      %get3A_154 = tpu.vector_load %arg11[%get3A_152, %get3A_153] {strides = array<i32>} : memref<16x128xi32, #tpu.memory_space<vmem>>, vector<16xi32>,
      %broadcast_in_dim3A_155 = arith.constant true
      %broadcast_in_dim3A_156 = vector.broadcast %broadcast_in_dim3A_155 : i1 to vector<16xi1>
      %unique3A_157, %unique3A_158 = tpu.scan_count mask(%broadcast_in_dim3A_156 : vector<16xi1>) value(%get3A_154 : vector<16xi32>) : vector<16xi1>, vector<16xi32>
      %convert_element_type3A_159 = arith.sitofp %unique3A_158 : vector<16xi32> to vector<16xf32>
      tpu.vector_store_idx %arg14[%get3A_154], %convert_element_type3A_159 masked %unique3A_157 {add = true} : memref<10112xf32, #tpu.memory_space<vmem>>[vector<16xi32>], vector<16xf32>, vector<16xi1>
      %get3A_160 = arith.index_cast %add3A_123 : i32 to index
      %get3A_161 = arith.constant 80 : index
      %get3A_162 = tpu.vector_load %arg11[%get3A_160, %get3A_161] {strides = array<i32>} : memref<16x128xi32, #tpu.memory_space<vmem>>, vector<16xi32>,
      %broadcast_in_dim3A_163 = arith.constant true
      %broadcast_in_dim3A_164 = vector.broadcast %broadcast_in_dim3A_163 : i1 to vector<16xi1>
      %unique3A_165, %unique3A_166 = tpu.scan_count mask(%broadcast_in_dim3A_164 : vector<16xi1>) value(%get3A_162 : vector<16xi32>) : vector<16xi1>, vector<16xi32>
      %convert_element_type3A_167 = arith.sitofp %unique3A_166 : vector<16xi32> to vector<16xf32>
      tpu.vector_store_idx %arg14[%get3A_162], %convert_element_type3A_167 masked %unique3A_165 {add = true} : memref<10112xf32, #tpu.memory_space<vmem>>[vector<16xi32>], vector<16xf32>, vector<16xi1>
      %get3A_168 = arith.index_cast %add3A_123 : i32 to index
      %get3A_169 = arith.constant 96 : index
      %get3A_170 = tpu.vector_load %arg11[%get3A_168, %get3A_169] {strides = array<i32>} : memref<16x128xi32, #tpu.memory_space<vmem>>, vector<16xi32>,
      %broadcast_in_dim3A_171 = arith.constant true
      %broadcast_in_dim3A_172 = vector.broadcast %broadcast_in_dim3A_171 : i1 to vector<16xi1>
      %unique3A_173, %unique3A_174 = tpu.scan_count mask(%broadcast_in_dim3A_172 : vector<16xi1>) value(%get3A_170 : vector<16xi32>) : vector<16xi1>, vector<16xi32>
      %convert_element_type3A_175 = arith.sitofp %unique3A_174 : vector<16xi32> to vector<16xf32>
      tpu.vector_store_idx %arg14[%get3A_170], %convert_element_type3A_175 masked %unique3A_173 {add = true} : memref<10112xf32, #tpu.memory_space<vmem>>[vector<16xi32>], vector<16xf32>, vector<16xi1>
      %get3A_176 = arith.index_cast %add3A_123 : i32 to index
      %get3A_177 = arith.constant 112 : index
      %get3A_178 = tpu.vector_load %arg11[%get3A_176, %get3A_177] {strides = array<i32>} : memref<16x128xi32, #tpu.memory_space<vmem>>, vector<16xi32>,
      %broadcast_in_dim3A_179 = arith.constant true
      %broadcast_in_dim3A_180 = vector.broadcast %broadcast_in_dim3A_179 : i1 to vector<16xi1>
      %unique3A_181, %unique3A_182 = tpu.scan_count mask(%broadcast_in_dim3A_180 : vector<16xi1>) value(%get3A_178 : vector<16xi32>) : vector<16xi1>, vector<16xi32>
      %convert_element_type3A_183 = arith.sitofp %unique3A_182 : vector<16xi32> to vector<16xf32>
      tpu.vector_store_idx %arg14[%get3A_178], %convert_element_type3A_183 masked %unique3A_181 {add = true} : memref<10112xf32, #tpu.memory_space<vmem>>[vector<16xi32>], vector<16xf32>, vector<16xi1>
      %dma_wait3A = arith.constant 0 : i32
      %dma_wait3A_184 = tpu.memref_slice %arg10[%add3A_123, %dma_wait3A] : memref<16x128xi32, #tpu.memory_space<vmem>> -> memref<1x128xi32, #tpu.memory_space<vmem>>
      %dma_wait3A_185 = tpu.memref_squeeze %dma_wait3A_184 : memref<1x128xi32, #tpu.memory_space<vmem>> -> memref<128xi32, #tpu.memory_space<vmem>>
      %dma_wait3A_186 = arith.constant 0 : i32
      %dma_wait3A_187 = arith.constant 0 : i32
      %dma_wait3A_188 = tpu.memref_slice %arg2[%dma_wait3A_186, %dma_wait3A_187] : memref<10000x128xf32, #tpu.memory_space<hbm>> -> memref<10000x128xf32, #tpu.memory_space<hbm>>
      tpu.wait_indirect_dma semaphore(%arg15 : memref<!tpu.dma_semaphore, #tpu.memory_space<semaphore_mem>>) src(%dma_wait3A_188 : memref<10000x128xf32, #tpu.memory_space<hbm>>) dst(%arg12 : memref<128x128xf32, #tpu.memory_space<vmem>>)
      "tpu.region"() ({
        %run_scoped3A = tpu.sem_alloc : memref<!tpu.dma_semaphore, #tpu.memory_space<semaphore_mem>>
        %dma_start3A_277 = arith.constant 0 : i32
        %dma_start3A_278 = tpu.memref_slice %arg11[%add3A_123, %dma_start3A_277] : memref<16x128xi32, #tpu.memory_space<vmem>> -> memref<1x128xi32, #tpu.memory_space<vmem>>
        %dma_start3A_279 = tpu.memref_squeeze %dma_start3A_278 : memref<1x128xi32, #tpu.memory_space<vmem>> -> memref<128xi32, #tpu.memory_space<vmem>>
        %dma_start3A_280 = arith.constant 0 : i32
        %dma_start3A_281 = arith.constant 0 : i32
        %dma_start3A_282 = tpu.memref_slice %arg9[%dma_start3A_280, %dma_start3A_281] : memref<10112x128xf32, #tpu.memory_space<vmem_shared>> -> memref<10112x128xf32, #tpu.memory_space<vmem_shared>>
        tpu.enqueue_indirect_dma source(%arg12 : memref<128x128xf32, #tpu.memory_space<vmem>>) target(%dma_start3A_282 : memref<10112x128xf32, #tpu.memory_space<vmem_shared>>) offsets(%dma_start3A_279 : memref<128xi32, #tpu.memory_space<vmem>>) semaphore(%run_scoped3A : memref<!tpu.dma_semaphore, #tpu.memory_space<semaphore_mem>>) {add = true}
        %dma_wait3A_283 = arith.constant 0 : i32
        %dma_wait3A_284 = tpu.memref_slice %arg11[%add3A_123, %dma_wait3A_283] : memref<16x128xi32, #tpu.memory_space<vmem>> -> memref<1x128xi32, #tpu.memory_space<vmem>>
        %dma_wait3A_285 = tpu.memref_squeeze %dma_wait3A_284 : memref<1x128xi32, #tpu.memory_space<vmem>> -> memref<128xi32, #tpu.memory_space<vmem>>
        %dma_wait3A_286 = arith.constant 0 : i32
        %dma_wait3A_287 = arith.constant 0 : i32
        %dma_wait3A_288 = tpu.memref_slice %arg9[%dma_wait3A_286, %dma_wait3A_287] : memref<10112x128xf32, #tpu.memory_space<vmem_shared>> -> memref<10112x128xf32, #tpu.memory_space<vmem_shared>>
        tpu.wait_indirect_dma semaphore(%run_scoped3A : memref<!tpu.dma_semaphore, #tpu.memory_space<semaphore_mem>>) src(%arg12 : memref<128x128xf32, #tpu.memory_space<vmem>>) dst(%dma_wait3A_288 : memref<10112x128xf32, #tpu.memory_space<vmem_shared>>)
        tpu.yield
      }) : () -> ()
      %add3A_189 = arith.constant 2 : i32
      %add3A_190 = arith.addi %add3A_123, %add3A_189 : i32
      %lt3A = arith.constant 16 : i32
      %lt3A_191 = arith.cmpi slt, %add3A_190, %lt3A : i32
      %convert_element_type3A_192 = arith.extui %lt3A_191 : i1 to i32
      %cond3A = arith.constant 0 : i32
      %cond3A_193 = arith.cmpi ne, %convert_element_type3A_192, %cond3A : i32
      scf.if %cond3A_193 {
        %add3A_277 = arith.constant 2 : i32
        %add3A_278 = arith.addi %add3A_123, %add3A_277 : i32
        %dma_start3A_279 = arith.constant 0 : i32
        %dma_start3A_280 = tpu.memref_slice %arg10[%add3A_278, %dma_start3A_279] : memref<16x128xi32, #tpu.memory_space<vmem>> -> memref<1x128xi32, #tpu.memory_space<vmem>>
        %dma_start3A_281 = tpu.memref_squeeze %dma_start3A_280 : memref<1x128xi32, #tpu.memory_space<vmem>> -> memref<128xi32, #tpu.memory_space<vmem>>
        %dma_start3A_282 = arith.constant 0 : i32
        %dma_start3A_283 = arith.constant 0 : i32
        %dma_start3A_284 = tpu.memref_slice %arg2[%dma_start3A_282, %dma_start3A_283] : memref<10000x128xf32, #tpu.memory_space<hbm>> -> memref<10000x128xf32, #tpu.memory_space<hbm>>
        tpu.enqueue_indirect_dma source(%dma_start3A_284 : memref<10000x128xf32, #tpu.memory_space<hbm>>) target(%arg12 : memref<128x128xf32, #tpu.memory_space<vmem>>) offsets(%dma_start3A_281 : memref<128xi32, #tpu.memory_space<vmem>>) semaphore(%arg15 : memref<!tpu.dma_semaphore, #tpu.memory_space<semaphore_mem>>)
      } else {
      }
      %add3A_194 = arith.constant 1 : i32
      %add3A_195 = arith.addi %add3A_123, %add3A_194 : i32
      %get3A_196 = arith.index_cast %add3A_195 : i32 to index
      %get3A_197 = arith.constant 0 : index
      %get3A_198 = tpu.vector_load %arg11[%get3A_196, %get3A_197] {strides = array<i32>} : memref<16x128xi32, #tpu.memory_space<vmem>>, vector<16xi32>,
      %broadcast_in_dim3A_199 = arith.constant true
      %broadcast_in_dim3A_200 = vector.broadcast %broadcast_in_dim3A_199 : i1 to vector<16xi1>
      %unique3A_201, %unique3A_202 = tpu.scan_count mask(%broadcast_in_dim3A_200 : vector<16xi1>) value(%get3A_198 : vector<16xi32>) : vector<16xi1>, vector<16xi32>
      %convert_element_type3A_203 = arith.sitofp %unique3A_202 : vector<16xi32> to vector<16xf32>
      tpu.vector_store_idx %arg14[%get3A_198], %convert_element_type3A_203 masked %unique3A_201 {add = true} : memref<10112xf32, #tpu.memory_space<vmem>>[vector<16xi32>], vector<16xf32>, vector<16xi1>
      %get3A_204 = arith.index_cast %add3A_195 : i32 to index
      %get3A_205 = arith.constant 16 : index
      %get3A_206 = tpu.vector_load %arg11[%get3A_204, %get3A_205] {strides = array<i32>} : memref<16x128xi32, #tpu.memory_space<vmem>>, vector<16xi32>,
      %broadcast_in_dim3A_207 = arith.constant true
      %broadcast_in_dim3A_208 = vector.broadcast %broadcast_in_dim3A_207 : i1 to vector<16xi1>
      %unique3A_209, %unique3A_210 = tpu.scan_count mask(%broadcast_in_dim3A_208 : vector<16xi1>) value(%get3A_206 : vector<16xi32>) : vector<16xi1>, vector<16xi32>
      %convert_element_type3A_211 = arith.sitofp %unique3A_210 : vector<16xi32> to vector<16xf32>
      tpu.vector_store_idx %arg14[%get3A_206], %convert_element_type3A_211 masked %unique3A_209 {add = true} : memref<10112xf32, #tpu.memory_space<vmem>>[vector<16xi32>], vector<16xf32>, vector<16xi1>
      %get3A_212 = arith.index_cast %add3A_195 : i32 to index
      %get3A_213 = arith.constant 32 : index
      %get3A_214 = tpu.vector_load %arg11[%get3A_212, %get3A_213] {strides = array<i32>} : memref<16x128xi32, #tpu.memory_space<vmem>>, vector<16xi32>,
      %broadcast_in_dim3A_215 = arith.constant true
      %broadcast_in_dim3A_216 = vector.broadcast %broadcast_in_dim3A_215 : i1 to vector<16xi1>
      %unique3A_217, %unique3A_218 = tpu.scan_count mask(%broadcast_in_dim3A_216 : vector<16xi1>) value(%get3A_214 : vector<16xi32>) : vector<16xi1>, vector<16xi32>
      %convert_element_type3A_219 = arith.sitofp %unique3A_218 : vector<16xi32> to vector<16xf32>
      tpu.vector_store_idx %arg14[%get3A_214], %convert_element_type3A_219 masked %unique3A_217 {add = true} : memref<10112xf32, #tpu.memory_space<vmem>>[vector<16xi32>], vector<16xf32>, vector<16xi1>
      %get3A_220 = arith.index_cast %add3A_195 : i32 to index
      %get3A_221 = arith.constant 48 : index
      %get3A_222 = tpu.vector_load %arg11[%get3A_220, %get3A_221] {strides = array<i32>} : memref<16x128xi32, #tpu.memory_space<vmem>>, vector<16xi32>,
      %broadcast_in_dim3A_223 = arith.constant true
      %broadcast_in_dim3A_224 = vector.broadcast %broadcast_in_dim3A_223 : i1 to vector<16xi1>
      %unique3A_225, %unique3A_226 = tpu.scan_count mask(%broadcast_in_dim3A_224 : vector<16xi1>) value(%get3A_222 : vector<16xi32>) : vector<16xi1>, vector<16xi32>
      %convert_element_type3A_227 = arith.sitofp %unique3A_226 : vector<16xi32> to vector<16xf32>
      tpu.vector_store_idx %arg14[%get3A_222], %convert_element_type3A_227 masked %unique3A_225 {add = true} : memref<10112xf32, #tpu.memory_space<vmem>>[vector<16xi32>], vector<16xf32>, vector<16xi1>
      %get3A_228 = arith.index_cast %add3A_195 : i32 to index
      %get3A_229 = arith.constant 64 : index
      %get3A_230 = tpu.vector_load %arg11[%get3A_228, %get3A_229] {strides = array<i32>} : memref<16x128xi32, #tpu.memory_space<vmem>>, vector<16xi32>,
      %broadcast_in_dim3A_231 = arith.constant true
      %broadcast_in_dim3A_232 = vector.broadcast %broadcast_in_dim3A_231 : i1 to vector<16xi1>
      %unique3A_233, %unique3A_234 = tpu.scan_count mask(%broadcast_in_dim3A_232 : vector<16xi1>) value(%get3A_230 : vector<16xi32>) : vector<16xi1>, vector<16xi32>
      %convert_element_type3A_235 = arith.sitofp %unique3A_234 : vector<16xi32> to vector<16xf32>
      tpu.vector_store_idx %arg14[%get3A_230], %convert_element_type3A_235 masked %unique3A_233 {add = true} : memref<10112xf32, #tpu.memory_space<vmem>>[vector<16xi32>], vector<16xf32>, vector<16xi1>
      %get3A_236 = arith.index_cast %add3A_195 : i32 to index
      %get3A_237 = arith.constant 80 : index
      %get3A_238 = tpu.vector_load %arg11[%get3A_236, %get3A_237] {strides = array<i32>} : memref<16x128xi32, #tpu.memory_space<vmem>>, vector<16xi32>,
      %broadcast_in_dim3A_239 = arith.constant true
      %broadcast_in_dim3A_240 = vector.broadcast %broadcast_in_dim3A_239 : i1 to vector<16xi1>
      %unique3A_241, %unique3A_242 = tpu.scan_count mask(%broadcast_in_dim3A_240 : vector<16xi1>) value(%get3A_238 : vector<16xi32>) : vector<16xi1>, vector<16xi32>
      %convert_element_type3A_243 = arith.sitofp %unique3A_242 : vector<16xi32> to vector<16xf32>
      tpu.vector_store_idx %arg14[%get3A_238], %convert_element_type3A_243 masked %unique3A_241 {add = true} : memref<10112xf32, #tpu.memory_space<vmem>>[vector<16xi32>], vector<16xf32>, vector<16xi1>
      %get3A_244 = arith.index_cast %add3A_195 : i32 to index
      %get3A_245 = arith.constant 96 : index
      %get3A_246 = tpu.vector_load %arg11[%get3A_244, %get3A_245] {strides = array<i32>} : memref<16x128xi32, #tpu.memory_space<vmem>>, vector<16xi32>,
      %broadcast_in_dim3A_247 = arith.constant true
      %broadcast_in_dim3A_248 = vector.broadcast %broadcast_in_dim3A_247 : i1 to vector<16xi1>
      %unique3A_249, %unique3A_250 = tpu.scan_count mask(%broadcast_in_dim3A_248 : vector<16xi1>) value(%get3A_246 : vector<16xi32>) : vector<16xi1>, vector<16xi32>
      %convert_element_type3A_251 = arith.sitofp %unique3A_250 : vector<16xi32> to vector<16xf32>
      tpu.vector_store_idx %arg14[%get3A_246], %convert_element_type3A_251 masked %unique3A_249 {add = true} : memref<10112xf32, #tpu.memory_space<vmem>>[vector<16xi32>], vector<16xf32>, vector<16xi1>
      %get3A_252 = arith.index_cast %add3A_195 : i32 to index
      %get3A_253 = arith.constant 112 : index
      %get3A_254 = tpu.vector_load %arg11[%get3A_252, %get3A_253] {strides = array<i32>} : memref<16x128xi32, #tpu.memory_space<vmem>>, vector<16xi32>,
      %broadcast_in_dim3A_255 = arith.constant true
      %broadcast_in_dim3A_256 = vector.broadcast %broadcast_in_dim3A_255 : i1 to vector<16xi1>
      %unique3A_257, %unique3A_258 = tpu.scan_count mask(%broadcast_in_dim3A_256 : vector<16xi1>) value(%get3A_254 : vector<16xi32>) : vector<16xi1>, vector<16xi32>
      %convert_element_type3A_259 = arith.sitofp %unique3A_258 : vector<16xi32> to vector<16xf32>
      tpu.vector_store_idx %arg14[%get3A_254], %convert_element_type3A_259 masked %unique3A_257 {add = true} : memref<10112xf32, #tpu.memory_space<vmem>>[vector<16xi32>], vector<16xf32>, vector<16xi1>
      %add3A_260 = arith.constant 1 : i32
      %add3A_261 = arith.addi %add3A_123, %add3A_260 : i32
      %dma_wait3A_262 = arith.constant 0 : i32
      %dma_wait3A_263 = tpu.memref_slice %arg10[%add3A_261, %dma_wait3A_262] : memref<16x128xi32, #tpu.memory_space<vmem>> -> memref<1x128xi32, #tpu.memory_space<vmem>>
      %dma_wait3A_264 = tpu.memref_squeeze %dma_wait3A_263 : memref<1x128xi32, #tpu.memory_space<vmem>> -> memref<128xi32, #tpu.memory_space<vmem>>
      %dma_wait3A_265 = arith.constant 0 : i32
      %dma_wait3A_266 = arith.constant 0 : i32
      %dma_wait3A_267 = tpu.memref_slice %arg2[%dma_wait3A_265, %dma_wait3A_266] : memref<10000x128xf32, #tpu.memory_space<hbm>> -> memref<10000x128xf32, #tpu.memory_space<hbm>>
      tpu.wait_indirect_dma semaphore(%arg16 : memref<!tpu.dma_semaphore, #tpu.memory_space<semaphore_mem>>) src(%dma_wait3A_267 : memref<10000x128xf32, #tpu.memory_space<hbm>>) dst(%arg13 : memref<128x128xf32, #tpu.memory_space<vmem>>)
      %add3A_268 = arith.constant 1 : i32
      %add3A_269 = arith.addi %add3A_123, %add3A_268 : i32
      "tpu.region"() ({
        %run_scoped3A = tpu.sem_alloc : memref<!tpu.dma_semaphore, #tpu.memory_space<semaphore_mem>>
        %dma_start3A_277 = arith.constant 0 : i32
        %dma_start3A_278 = tpu.memref_slice %arg11[%add3A_269, %dma_start3A_277] : memref<16x128xi32, #tpu.memory_space<vmem>> -> memref<1x128xi32, #tpu.memory_space<vmem>>
        %dma_start3A_279 = tpu.memref_squeeze %dma_start3A_278 : memref<1x128xi32, #tpu.memory_space<vmem>> -> memref<128xi32, #tpu.memory_space<vmem>>
        %dma_start3A_280 = arith.constant 0 : i32
        %dma_start3A_281 = arith.constant 0 : i32
        %dma_start3A_282 = tpu.memref_slice %arg9[%dma_start3A_280, %dma_start3A_281] : memref<10112x128xf32, #tpu.memory_space<vmem_shared>> -> memref<10112x128xf32, #tpu.memory_space<vmem_shared>>
        tpu.enqueue_indirect_dma source(%arg13 : memref<128x128xf32, #tpu.memory_space<vmem>>) target(%dma_start3A_282 : memref<10112x128xf32, #tpu.memory_space<vmem_shared>>) offsets(%dma_start3A_279 : memref<128xi32, #tpu.memory_space<vmem>>) semaphore(%run_scoped3A : memref<!tpu.dma_semaphore, #tpu.memory_space<semaphore_mem>>) {add = true}
        %dma_wait3A_283 = arith.constant 0 : i32
        %dma_wait3A_284 = tpu.memref_slice %arg11[%add3A_269, %dma_wait3A_283] : memref<16x128xi32, #tpu.memory_space<vmem>> -> memref<1x128xi32, #tpu.memory_space<vmem>>
        %dma_wait3A_285 = tpu.memref_squeeze %dma_wait3A_284 : memref<1x128xi32, #tpu.memory_space<vmem>> -> memref<128xi32, #tpu.memory_space<vmem>>
        %dma_wait3A_286 = arith.constant 0 : i32
        %dma_wait3A_287 = arith.constant 0 : i32
        %dma_wait3A_288 = tpu.memref_slice %arg9[%dma_wait3A_286, %dma_wait3A_287] : memref<10112x128xf32, #tpu.memory_space<vmem_shared>> -> memref<10112x128xf32, #tpu.memory_space<vmem_shared>>
        tpu.wait_indirect_dma semaphore(%run_scoped3A : memref<!tpu.dma_semaphore, #tpu.memory_space<semaphore_mem>>) src(%arg13 : memref<128x128xf32, #tpu.memory_space<vmem>>) dst(%dma_wait3A_288 : memref<10112x128xf32, #tpu.memory_space<vmem_shared>>)
        tpu.yield
      }) : () -> ()
      %add3A_270 = arith.constant 3 : i32
      %add3A_271 = arith.addi %add3A_123, %add3A_270 : i32
      %lt3A_272 = arith.constant 16 : i32
      %lt3A_273 = arith.cmpi slt, %add3A_271, %lt3A_272 : i32
      %convert_element_type3A_274 = arith.extui %lt3A_273 : i1 to i32
      %cond3A_275 = arith.constant 0 : i32
      %cond3A_276 = arith.cmpi ne, %convert_element_type3A_274, %cond3A_275 : i32
      scf.if %cond3A_276 {
        %add3A_277 = arith.constant 3 : i32
        %add3A_278 = arith.addi %add3A_123, %add3A_277 : i32
        %dma_start3A_279 = arith.constant 0 : i32
        %dma_start3A_280 = tpu.memref_slice %arg10[%add3A_278, %dma_start3A_279] : memref<16x128xi32, #tpu.memory_space<vmem>> -> memref<1x128xi32, #tpu.memory_space<vmem>>
        %dma_start3A_281 = tpu.memref_squeeze %dma_start3A_280 : memref<1x128xi32, #tpu.memory_space<vmem>> -> memref<128xi32, #tpu.memory_space<vmem>>
        %dma_start3A_282 = arith.constant 0 : i32
        %dma_start3A_283 = arith.constant 0 : i32
        %dma_start3A_284 = tpu.memref_slice %arg2[%dma_start3A_282, %dma_start3A_283] : memref<10000x128xf32, #tpu.memory_space<hbm>> -> memref<10000x128xf32, #tpu.memory_space<hbm>>
        tpu.enqueue_indirect_dma source(%dma_start3A_284 : memref<10000x128xf32, #tpu.memory_space<hbm>>) target(%arg13 : memref<128x128xf32, #tpu.memory_space<vmem>>) offsets(%dma_start3A_281 : memref<128xi32, #tpu.memory_space<vmem>>) semaphore(%arg16 : memref<!tpu.dma_semaphore, #tpu.memory_space<semaphore_mem>>)
      } else {
      }
    }
    %scan3A_46 = arith.constant 8 : i32
    %mul3A_47 = arith.constant 80 : i32
    %mul3A_48 = arith.muli %add3A, %mul3A_47 : i32
    %add3A_49 = arith.constant 32 : i32
    %add3A_50 = arith.addi %mul3A_48, %add3A_49 : i32
    "tpu.region"() ({
      %run_scoped3A = tpu.sem_alloc : memref<!tpu.dma_semaphore, #tpu.memory_space<semaphore_mem>>
      %dma_start3A_119 = arith.constant 0 : i32
      %dma_start3A_120 = tpu.memref_slice %arg3[%add3A_50, %dma_start3A_119] : memref<2560x128xi32, #tpu.memory_space<hbm>> -> memref<16x128xi32, #tpu.memory_space<hbm>>
      %dma_start3A_121 = arith.constant 0 : i32
      %dma_start3A_122 = tpu.memref_slice %arg3[%add3A_50, %dma_start3A_121] : memref<2560x128xi32, #tpu.memory_space<hbm>> -> memref<16x128xi32, #tpu.memory_space<hbm>>
      tpu.enqueue_dma source(%dma_start3A_122 : memref<16x128xi32, #tpu.memory_space<hbm>>) target(%arg10 : memref<16x128xi32, #tpu.memory_space<vmem>>) target_semaphore(%run_scoped3A : memref<!tpu.dma_semaphore, #tpu.memory_space<semaphore_mem>>)
      %dma_wait3A = arith.constant 0 : i32
      %dma_wait3A_123 = tpu.memref_slice %arg3[%add3A_50, %dma_wait3A] : memref<2560x128xi32, #tpu.memory_space<hbm>> -> memref<16x128xi32, #tpu.memory_space<hbm>>
      %dma_wait3A_124 = arith.constant 0 : i32
      %dma_wait3A_125 = tpu.memref_slice %arg3[%add3A_50, %dma_wait3A_124] : memref<2560x128xi32, #tpu.memory_space<hbm>> -> memref<16x128xi32, #tpu.memory_space<hbm>>
      tpu.wait_dma2 semaphore(%run_scoped3A : memref<!tpu.dma_semaphore, #tpu.memory_space<semaphore_mem>>) src(%dma_wait3A_125 : memref<16x128xi32, #tpu.memory_space<hbm>>) dst(%arg10 : memref<16x128xi32, #tpu.memory_space<vmem>>)
      tpu.yield
    }) : () -> ()
    "tpu.region"() ({
      %run_scoped3A = tpu.sem_alloc : memref<!tpu.dma_semaphore, #tpu.memory_space<semaphore_mem>>
      %dma_start3A_119 = arith.constant 0 : i32
      %dma_start3A_120 = tpu.memref_slice %arg4[%add3A_50, %dma_start3A_119] : memref<2560x128xi32, #tpu.memory_space<hbm>> -> memref<16x128xi32, #tpu.memory_space<hbm>>
      %dma_start3A_121 = arith.constant 0 : i32
      %dma_start3A_122 = tpu.memref_slice %arg4[%add3A_50, %dma_start3A_121] : memref<2560x128xi32, #tpu.memory_space<hbm>> -> memref<16x128xi32, #tpu.memory_space<hbm>>
      tpu.enqueue_dma source(%dma_start3A_122 : memref<16x128xi32, #tpu.memory_space<hbm>>) target(%arg11 : memref<16x128xi32, #tpu.memory_space<vmem>>) target_semaphore(%run_scoped3A : memref<!tpu.dma_semaphore, #tpu.memory_space<semaphore_mem>>)
      %dma_wait3A = arith.constant 0 : i32
      %dma_wait3A_123 = tpu.memref_slice %arg4[%add3A_50, %dma_wait3A] : memref<2560x128xi32, #tpu.memory_space<hbm>> -> memref<16x128xi32, #tpu.memory_space<hbm>>
      %dma_wait3A_124 = arith.constant 0 : i32
      %dma_wait3A_125 = tpu.memref_slice %arg4[%add3A_50, %dma_wait3A_124] : memref<2560x128xi32, #tpu.memory_space<hbm>> -> memref<16x128xi32, #tpu.memory_space<hbm>>
      tpu.wait_dma2 semaphore(%run_scoped3A : memref<!tpu.dma_semaphore, #tpu.memory_space<semaphore_mem>>) src(%dma_wait3A_125 : memref<16x128xi32, #tpu.memory_space<hbm>>) dst(%arg11 : memref<16x128xi32, #tpu.memory_space<vmem>>)
      tpu.yield
    }) : () -> ()
    %dma_start3A_51 = arith.constant 0 : i32
    %dma_start3A_52 = arith.constant 0 : i32
    %dma_start3A_53 = tpu.memref_slice %arg10[%dma_start3A_51, %dma_start3A_52] : memref<16x128xi32, #tpu.memory_space<vmem>> -> memref<1x128xi32, #tpu.memory_space<vmem>>
    %dma_start3A_54 = tpu.memref_squeeze %dma_start3A_53 : memref<1x128xi32, #tpu.memory_space<vmem>> -> memref<128xi32, #tpu.memory_space<vmem>>
    %dma_start3A_55 = arith.constant 0 : i32
    %dma_start3A_56 = arith.constant 0 : i32
    %dma_start3A_57 = tpu.memref_slice %arg2[%dma_start3A_55, %dma_start3A_56] : memref<10000x128xf32, #tpu.memory_space<hbm>> -> memref<10000x128xf32, #tpu.memory_space<hbm>>
    tpu.enqueue_indirect_dma source(%dma_start3A_57 : memref<10000x128xf32, #tpu.memory_space<hbm>>) target(%arg12 : memref<128x128xf32, #tpu.memory_space<vmem>>) offsets(%dma_start3A_54 : memref<128xi32, #tpu.memory_space<vmem>>) semaphore(%arg15 : memref<!tpu.dma_semaphore, #tpu.memory_space<semaphore_mem>>)
    %dma_start3A_58 = arith.constant 1 : i32
    %dma_start3A_59 = arith.constant 0 : i32
    %dma_start3A_60 = tpu.memref_slice %arg10[%dma_start3A_58, %dma_start3A_59] : memref<16x128xi32, #tpu.memory_space<vmem>> -> memref<1x128xi32, #tpu.memory_space<vmem>>
    %dma_start3A_61 = tpu.memref_squeeze %dma_start3A_60 : memref<1x128xi32, #tpu.memory_space<vmem>> -> memref<128xi32, #tpu.memory_space<vmem>>
    %dma_start3A_62 = arith.constant 0 : i32
    %dma_start3A_63 = arith.constant 0 : i32
    %dma_start3A_64 = tpu.memref_slice %arg2[%dma_start3A_62, %dma_start3A_63] : memref<10000x128xf32, #tpu.memory_space<hbm>> -> memref<10000x128xf32, #tpu.memory_space<hbm>>
    tpu.enqueue_indirect_dma source(%dma_start3A_64 : memref<10000x128xf32, #tpu.memory_space<hbm>>) target(%arg13 : memref<128x128xf32, #tpu.memory_space<vmem>>) offsets(%dma_start3A_61 : memref<128xi32, #tpu.memory_space<vmem>>) semaphore(%arg16 : memref<!tpu.dma_semaphore, #tpu.memory_space<semaphore_mem>>)
    %scan3A_65 = arith.constant 0 : i32
    %scan3A_66 = arith.constant 8 : i32
    %scan3A_67 = arith.addi %scan3A_65, %scan3A_66 : i32
    %scan3A_68 = arith.constant 1 : i32
    scf.for %scan3A_119 = %scan3A_65 to %scan3A_67 step %scan3A_68  : i32 {
      %mul3A_120 = arith.constant 2 : i32
      %mul3A_121 = arith.muli %scan3A_119, %mul3A_120 : i32
      %add3A_122 = arith.constant 0 : i32
      %add3A_123 = arith.addi %add3A_122, %mul3A_121 : i32
      %get3A = arith.index_cast %add3A_123 : i32 to index
      %get3A_124 = arith.constant 0 : index
      %get3A_125 = tpu.vector_load %arg11[%get3A, %get3A_124] {strides = array<i32>} : memref<16x128xi32, #tpu.memory_space<vmem>>, vector<16xi32>,
      %broadcast_in_dim3A = arith.constant true
      %broadcast_in_dim3A_126 = vector.broadcast %broadcast_in_dim3A : i1 to vector<16xi1>
      %unique3A, %unique3A_127 = tpu.scan_count mask(%broadcast_in_dim3A_126 : vector<16xi1>) value(%get3A_125 : vector<16xi32>) : vector<16xi1>, vector<16xi32>
      %convert_element_type3A = arith.sitofp %unique3A_127 : vector<16xi32> to vector<16xf32>
      tpu.vector_store_idx %arg14[%get3A_125], %convert_element_type3A masked %unique3A {add = true} : memref<10112xf32, #tpu.memory_space<vmem>>[vector<16xi32>], vector<16xf32>, vector<16xi1>
      %get3A_128 = arith.index_cast %add3A_123 : i32 to index
      %get3A_129 = arith.constant 16 : index
      %get3A_130 = tpu.vector_load %arg11[%get3A_128, %get3A_129] {strides = array<i32>} : memref<16x128xi32, #tpu.memory_space<vmem>>, vector<16xi32>,
      %broadcast_in_dim3A_131 = arith.constant true
      %broadcast_in_dim3A_132 = vector.broadcast %broadcast_in_dim3A_131 : i1 to vector<16xi1>
      %unique3A_133, %unique3A_134 = tpu.scan_count mask(%broadcast_in_dim3A_132 : vector<16xi1>) value(%get3A_130 : vector<16xi32>) : vector<16xi1>, vector<16xi32>
      %convert_element_type3A_135 = arith.sitofp %unique3A_134 : vector<16xi32> to vector<16xf32>
      tpu.vector_store_idx %arg14[%get3A_130], %convert_element_type3A_135 masked %unique3A_133 {add = true} : memref<10112xf32, #tpu.memory_space<vmem>>[vector<16xi32>], vector<16xf32>, vector<16xi1>
      %get3A_136 = arith.index_cast %add3A_123 : i32 to index
      %get3A_137 = arith.constant 32 : index
      %get3A_138 = tpu.vector_load %arg11[%get3A_136, %get3A_137] {strides = array<i32>} : memref<16x128xi32, #tpu.memory_space<vmem>>, vector<16xi32>,
      %broadcast_in_dim3A_139 = arith.constant true
      %broadcast_in_dim3A_140 = vector.broadcast %broadcast_in_dim3A_139 : i1 to vector<16xi1>
      %unique3A_141, %unique3A_142 = tpu.scan_count mask(%broadcast_in_dim3A_140 : vector<16xi1>) value(%get3A_138 : vector<16xi32>) : vector<16xi1>, vector<16xi32>
      %convert_element_type3A_143 = arith.sitofp %unique3A_142 : vector<16xi32> to vector<16xf32>
      tpu.vector_store_idx %arg14[%get3A_138], %convert_element_type3A_143 masked %unique3A_141 {add = true} : memref<10112xf32, #tpu.memory_space<vmem>>[vector<16xi32>], vector<16xf32>, vector<16xi1>
      %get3A_144 = arith.index_cast %add3A_123 : i32 to index
      %get3A_145 = arith.constant 48 : index
      %get3A_146 = tpu.vector_load %arg11[%get3A_144, %get3A_145] {strides = array<i32>} : memref<16x128xi32, #tpu.memory_space<vmem>>, vector<16xi32>,
      %broadcast_in_dim3A_147 = arith.constant true
      %broadcast_in_dim3A_148 = vector.broadcast %broadcast_in_dim3A_147 : i1 to vector<16xi1>
      %unique3A_149, %unique3A_150 = tpu.scan_count mask(%broadcast_in_dim3A_148 : vector<16xi1>) value(%get3A_146 : vector<16xi32>) : vector<16xi1>, vector<16xi32>
      %convert_element_type3A_151 = arith.sitofp %unique3A_150 : vector<16xi32> to vector<16xf32>
      tpu.vector_store_idx %arg14[%get3A_146], %convert_element_type3A_151 masked %unique3A_149 {add = true} : memref<10112xf32, #tpu.memory_space<vmem>>[vector<16xi32>], vector<16xf32>, vector<16xi1>
      %get3A_152 = arith.index_cast %add3A_123 : i32 to index
      %get3A_153 = arith.constant 64 : index
      %get3A_154 = tpu.vector_load %arg11[%get3A_152, %get3A_153] {strides = array<i32>} : memref<16x128xi32, #tpu.memory_space<vmem>>, vector<16xi32>,
      %broadcast_in_dim3A_155 = arith.constant true
      %broadcast_in_dim3A_156 = vector.broadcast %broadcast_in_dim3A_155 : i1 to vector<16xi1>
      %unique3A_157, %unique3A_158 = tpu.scan_count mask(%broadcast_in_dim3A_156 : vector<16xi1>) value(%get3A_154 : vector<16xi32>) : vector<16xi1>, vector<16xi32>
      %convert_element_type3A_159 = arith.sitofp %unique3A_158 : vector<16xi32> to vector<16xf32>
      tpu.vector_store_idx %arg14[%get3A_154], %convert_element_type3A_159 masked %unique3A_157 {add = true} : memref<10112xf32, #tpu.memory_space<vmem>>[vector<16xi32>], vector<16xf32>, vector<16xi1>
      %get3A_160 = arith.index_cast %add3A_123 : i32 to index
      %get3A_161 = arith.constant 80 : index
      %get3A_162 = tpu.vector_load %arg11[%get3A_160, %get3A_161] {strides = array<i32>} : memref<16x128xi32, #tpu.memory_space<vmem>>, vector<16xi32>,
      %broadcast_in_dim3A_163 = arith.constant true
      %broadcast_in_dim3A_164 = vector.broadcast %broadcast_in_dim3A_163 : i1 to vector<16xi1>
      %unique3A_165, %unique3A_166 = tpu.scan_count mask(%broadcast_in_dim3A_164 : vector<16xi1>) value(%get3A_162 : vector<16xi32>) : vector<16xi1>, vector<16xi32>
      %convert_element_type3A_167 = arith.sitofp %unique3A_166 : vector<16xi32> to vector<16xf32>
      tpu.vector_store_idx %arg14[%get3A_162], %convert_element_type3A_167 masked %unique3A_165 {add = true} : memref<10112xf32, #tpu.memory_space<vmem>>[vector<16xi32>], vector<16xf32>, vector<16xi1>
      %get3A_168 = arith.index_cast %add3A_123 : i32 to index
      %get3A_169 = arith.constant 96 : index
      %get3A_170 = tpu.vector_load %arg11[%get3A_168, %get3A_169] {strides = array<i32>} : memref<16x128xi32, #tpu.memory_space<vmem>>, vector<16xi32>,
      %broadcast_in_dim3A_171 = arith.constant true
      %broadcast_in_dim3A_172 = vector.broadcast %broadcast_in_dim3A_171 : i1 to vector<16xi1>
      %unique3A_173, %unique3A_174 = tpu.scan_count mask(%broadcast_in_dim3A_172 : vector<16xi1>) value(%get3A_170 : vector<16xi32>) : vector<16xi1>, vector<16xi32>
      %convert_element_type3A_175 = arith.sitofp %unique3A_174 : vector<16xi32> to vector<16xf32>
      tpu.vector_store_idx %arg14[%get3A_170], %convert_element_type3A_175 masked %unique3A_173 {add = true} : memref<10112xf32, #tpu.memory_space<vmem>>[vector<16xi32>], vector<16xf32>, vector<16xi1>
      %get3A_176 = arith.index_cast %add3A_123 : i32 to index
      %get3A_177 = arith.constant 112 : index
      %get3A_178 = tpu.vector_load %arg11[%get3A_176, %get3A_177] {strides = array<i32>} : memref<16x128xi32, #tpu.memory_space<vmem>>, vector<16xi32>,
      %broadcast_in_dim3A_179 = arith.constant true
      %broadcast_in_dim3A_180 = vector.broadcast %broadcast_in_dim3A_179 : i1 to vector<16xi1>
      %unique3A_181, %unique3A_182 = tpu.scan_count mask(%broadcast_in_dim3A_180 : vector<16xi1>) value(%get3A_178 : vector<16xi32>) : vector<16xi1>, vector<16xi32>
      %convert_element_type3A_183 = arith.sitofp %unique3A_182 : vector<16xi32> to vector<16xf32>
      tpu.vector_store_idx %arg14[%get3A_178], %convert_element_type3A_183 masked %unique3A_181 {add = true} : memref<10112xf32, #tpu.memory_space<vmem>>[vector<16xi32>], vector<16xf32>, vector<16xi1>
      %dma_wait3A = arith.constant 0 : i32
      %dma_wait3A_184 = tpu.memref_slice %arg10[%add3A_123, %dma_wait3A] : memref<16x128xi32, #tpu.memory_space<vmem>> -> memref<1x128xi32, #tpu.memory_space<vmem>>
      %dma_wait3A_185 = tpu.memref_squeeze %dma_wait3A_184 : memref<1x128xi32, #tpu.memory_space<vmem>> -> memref<128xi32, #tpu.memory_space<vmem>>
      %dma_wait3A_186 = arith.constant 0 : i32
      %dma_wait3A_187 = arith.constant 0 : i32
      %dma_wait3A_188 = tpu.memref_slice %arg2[%dma_wait3A_186, %dma_wait3A_187] : memref<10000x128xf32, #tpu.memory_space<hbm>> -> memref<10000x128xf32, #tpu.memory_space<hbm>>
      tpu.wait_indirect_dma semaphore(%arg15 : memref<!tpu.dma_semaphore, #tpu.memory_space<semaphore_mem>>) src(%dma_wait3A_188 : memref<10000x128xf32, #tpu.memory_space<hbm>>) dst(%arg12 : memref<128x128xf32, #tpu.memory_space<vmem>>)
      "tpu.region"() ({
        %run_scoped3A = tpu.sem_alloc : memref<!tpu.dma_semaphore, #tpu.memory_space<semaphore_mem>>
        %dma_start3A_277 = arith.constant 0 : i32
        %dma_start3A_278 = tpu.memref_slice %arg11[%add3A_123, %dma_start3A_277] : memref<16x128xi32, #tpu.memory_space<vmem>> -> memref<1x128xi32, #tpu.memory_space<vmem>>
        %dma_start3A_279 = tpu.memref_squeeze %dma_start3A_278 : memref<1x128xi32, #tpu.memory_space<vmem>> -> memref<128xi32, #tpu.memory_space<vmem>>
        %dma_start3A_280 = arith.constant 0 : i32
        %dma_start3A_281 = arith.constant 0 : i32
        %dma_start3A_282 = tpu.memref_slice %arg9[%dma_start3A_280, %dma_start3A_281] : memref<10112x128xf32, #tpu.memory_space<vmem_shared>> -> memref<10112x128xf32, #tpu.memory_space<vmem_shared>>
        tpu.enqueue_indirect_dma source(%arg12 : memref<128x128xf32, #tpu.memory_space<vmem>>) target(%dma_start3A_282 : memref<10112x128xf32, #tpu.memory_space<vmem_shared>>) offsets(%dma_start3A_279 : memref<128xi32, #tpu.memory_space<vmem>>) semaphore(%run_scoped3A : memref<!tpu.dma_semaphore, #tpu.memory_space<semaphore_mem>>) {add = true}
        %dma_wait3A_283 = arith.constant 0 : i32
        %dma_wait3A_284 = tpu.memref_slice %arg11[%add3A_123, %dma_wait3A_283] : memref<16x128xi32, #tpu.memory_space<vmem>> -> memref<1x128xi32, #tpu.memory_space<vmem>>
        %dma_wait3A_285 = tpu.memref_squeeze %dma_wait3A_284 : memref<1x128xi32, #tpu.memory_space<vmem>> -> memref<128xi32, #tpu.memory_space<vmem>>
        %dma_wait3A_286 = arith.constant 0 : i32
        %dma_wait3A_287 = arith.constant 0 : i32
        %dma_wait3A_288 = tpu.memref_slice %arg9[%dma_wait3A_286, %dma_wait3A_287] : memref<10112x128xf32, #tpu.memory_space<vmem_shared>> -> memref<10112x128xf32, #tpu.memory_space<vmem_shared>>
        tpu.wait_indirect_dma semaphore(%run_scoped3A : memref<!tpu.dma_semaphore, #tpu.memory_space<semaphore_mem>>) src(%arg12 : memref<128x128xf32, #tpu.memory_space<vmem>>) dst(%dma_wait3A_288 : memref<10112x128xf32, #tpu.memory_space<vmem_shared>>)
        tpu.yield
      }) : () -> ()
      %add3A_189 = arith.constant 2 : i32
      %add3A_190 = arith.addi %add3A_123, %add3A_189 : i32
      %lt3A = arith.constant 16 : i32
      %lt3A_191 = arith.cmpi slt, %add3A_190, %lt3A : i32
      %convert_element_type3A_192 = arith.extui %lt3A_191 : i1 to i32
      %cond3A = arith.constant 0 : i32
      %cond3A_193 = arith.cmpi ne, %convert_element_type3A_192, %cond3A : i32
      scf.if %cond3A_193 {
        %add3A_277 = arith.constant 2 : i32
        %add3A_278 = arith.addi %add3A_123, %add3A_277 : i32
        %dma_start3A_279 = arith.constant 0 : i32
        %dma_start3A_280 = tpu.memref_slice %arg10[%add3A_278, %dma_start3A_279] : memref<16x128xi32, #tpu.memory_space<vmem>> -> memref<1x128xi32, #tpu.memory_space<vmem>>
        %dma_start3A_281 = tpu.memref_squeeze %dma_start3A_280 : memref<1x128xi32, #tpu.memory_space<vmem>> -> memref<128xi32, #tpu.memory_space<vmem>>
        %dma_start3A_282 = arith.constant 0 : i32
        %dma_start3A_283 = arith.constant 0 : i32
        %dma_start3A_284 = tpu.memref_slice %arg2[%dma_start3A_282, %dma_start3A_283] : memref<10000x128xf32, #tpu.memory_space<hbm>> -> memref<10000x128xf32, #tpu.memory_space<hbm>>
        tpu.enqueue_indirect_dma source(%dma_start3A_284 : memref<10000x128xf32, #tpu.memory_space<hbm>>) target(%arg12 : memref<128x128xf32, #tpu.memory_space<vmem>>) offsets(%dma_start3A_281 : memref<128xi32, #tpu.memory_space<vmem>>) semaphore(%arg15 : memref<!tpu.dma_semaphore, #tpu.memory_space<semaphore_mem>>)
      } else {
      }
      %add3A_194 = arith.constant 1 : i32
      %add3A_195 = arith.addi %add3A_123, %add3A_194 : i32
      %get3A_196 = arith.index_cast %add3A_195 : i32 to index
      %get3A_197 = arith.constant 0 : index
      %get3A_198 = tpu.vector_load %arg11[%get3A_196, %get3A_197] {strides = array<i32>} : memref<16x128xi32, #tpu.memory_space<vmem>>, vector<16xi32>,
      %broadcast_in_dim3A_199 = arith.constant true
      %broadcast_in_dim3A_200 = vector.broadcast %broadcast_in_dim3A_199 : i1 to vector<16xi1>
      %unique3A_201, %unique3A_202 = tpu.scan_count mask(%broadcast_in_dim3A_200 : vector<16xi1>) value(%get3A_198 : vector<16xi32>) : vector<16xi1>, vector<16xi32>
      %convert_element_type3A_203 = arith.sitofp %unique3A_202 : vector<16xi32> to vector<16xf32>
      tpu.vector_store_idx %arg14[%get3A_198], %convert_element_type3A_203 masked %unique3A_201 {add = true} : memref<10112xf32, #tpu.memory_space<vmem>>[vector<16xi32>], vector<16xf32>, vector<16xi1>
      %get3A_204 = arith.index_cast %add3A_195 : i32 to index
      %get3A_205 = arith.constant 16 : index
      %get3A_206 = tpu.vector_load %arg11[%get3A_204, %get3A_205] {strides = array<i32>} : memref<16x128xi32, #tpu.memory_space<vmem>>, vector<16xi32>,
      %broadcast_in_dim3A_207 = arith.constant true
      %broadcast_in_dim3A_208 = vector.broadcast %broadcast_in_dim3A_207 : i1 to vector<16xi1>
      %unique3A_209, %unique3A_210 = tpu.scan_count mask(%broadcast_in_dim3A_208 : vector<16xi1>) value(%get3A_206 : vector<16xi32>) : vector<16xi1>, vector<16xi32>
      %convert_element_type3A_211 = arith.sitofp %unique3A_210 : vector<16xi32> to vector<16xf32>
      tpu.vector_store_idx %arg14[%get3A_206], %convert_element_type3A_211 masked %unique3A_209 {add = true} : memref<10112xf32, #tpu.memory_space<vmem>>[vector<16xi32>], vector<16xf32>, vector<16xi1>
      %get3A_212 = arith.index_cast %add3A_195 : i32 to index
      %get3A_213 = arith.constant 32 : index
      %get3A_214 = tpu.vector_load %arg11[%get3A_212, %get3A_213] {strides = array<i32>} : memref<16x128xi32, #tpu.memory_space<vmem>>, vector<16xi32>,
      %broadcast_in_dim3A_215 = arith.constant true
      %broadcast_in_dim3A_216 = vector.broadcast %broadcast_in_dim3A_215 : i1 to vector<16xi1>
      %unique3A_217, %unique3A_218 = tpu.scan_count mask(%broadcast_in_dim3A_216 : vector<16xi1>) value(%get3A_214 : vector<16xi32>) : vector<16xi1>, vector<16xi32>
      %convert_element_type3A_219 = arith.sitofp %unique3A_218 : vector<16xi32> to vector<16xf32>
      tpu.vector_store_idx %arg14[%get3A_214], %convert_element_type3A_219 masked %unique3A_217 {add = true} : memref<10112xf32, #tpu.memory_space<vmem>>[vector<16xi32>], vector<16xf32>, vector<16xi1>
      %get3A_220 = arith.index_cast %add3A_195 : i32 to index
      %get3A_221 = arith.constant 48 : index
      %get3A_222 = tpu.vector_load %arg11[%get3A_220, %get3A_221] {strides = array<i32>} : memref<16x128xi32, #tpu.memory_space<vmem>>, vector<16xi32>,
      %broadcast_in_dim3A_223 = arith.constant true
      %broadcast_in_dim3A_224 = vector.broadcast %broadcast_in_dim3A_223 : i1 to vector<16xi1>
      %unique3A_225, %unique3A_226 = tpu.scan_count mask(%broadcast_in_dim3A_224 : vector<16xi1>) value(%get3A_222 : vector<16xi32>) : vector<16xi1>, vector<16xi32>
      %convert_element_type3A_227 = arith.sitofp %unique3A_226 : vector<16xi32> to vector<16xf32>
      tpu.vector_store_idx %arg14[%get3A_222], %convert_element_type3A_227 masked %unique3A_225 {add = true} : memref<10112xf32, #tpu.memory_space<vmem>>[vector<16xi32>], vector<16xf32>, vector<16xi1>
      %get3A_228 = arith.index_cast %add3A_195 : i32 to index
      %get3A_229 = arith.constant 64 : index
      %get3A_230 = tpu.vector_load %arg11[%get3A_228, %get3A_229] {strides = array<i32>} : memref<16x128xi32, #tpu.memory_space<vmem>>, vector<16xi32>,
      %broadcast_in_dim3A_231 = arith.constant true
      %broadcast_in_dim3A_232 = vector.broadcast %broadcast_in_dim3A_231 : i1 to vector<16xi1>
      %unique3A_233, %unique3A_234 = tpu.scan_count mask(%broadcast_in_dim3A_232 : vector<16xi1>) value(%get3A_230 : vector<16xi32>) : vector<16xi1>, vector<16xi32>
      %convert_element_type3A_235 = arith.sitofp %unique3A_234 : vector<16xi32> to vector<16xf32>
      tpu.vector_store_idx %arg14[%get3A_230], %convert_element_type3A_235 masked %unique3A_233 {add = true} : memref<10112xf32, #tpu.memory_space<vmem>>[vector<16xi32>], vector<16xf32>, vector<16xi1>
      %get3A_236 = arith.index_cast %add3A_195 : i32 to index
      %get3A_237 = arith.constant 80 : index
      %get3A_238 = tpu.vector_load %arg11[%get3A_236, %get3A_237] {strides = array<i32>} : memref<16x128xi32, #tpu.memory_space<vmem>>, vector<16xi32>,
      %broadcast_in_dim3A_239 = arith.constant true
      %broadcast_in_dim3A_240 = vector.broadcast %broadcast_in_dim3A_239 : i1 to vector<16xi1>
      %unique3A_241, %unique3A_242 = tpu.scan_count mask(%broadcast_in_dim3A_240 : vector<16xi1>) value(%get3A_238 : vector<16xi32>) : vector<16xi1>, vector<16xi32>
      %convert_element_type3A_243 = arith.sitofp %unique3A_242 : vector<16xi32> to vector<16xf32>
      tpu.vector_store_idx %arg14[%get3A_238], %convert_element_type3A_243 masked %unique3A_241 {add = true} : memref<10112xf32, #tpu.memory_space<vmem>>[vector<16xi32>], vector<16xf32>, vector<16xi1>
      %get3A_244 = arith.index_cast %add3A_195 : i32 to index
      %get3A_245 = arith.constant 96 : index
      %get3A_246 = tpu.vector_load %arg11[%get3A_244, %get3A_245] {strides = array<i32>} : memref<16x128xi32, #tpu.memory_space<vmem>>, vector<16xi32>,
      %broadcast_in_dim3A_247 = arith.constant true
      %broadcast_in_dim3A_248 = vector.broadcast %broadcast_in_dim3A_247 : i1 to vector<16xi1>
      %unique3A_249, %unique3A_250 = tpu.scan_count mask(%broadcast_in_dim3A_248 : vector<16xi1>) value(%get3A_246 : vector<16xi32>) : vector<16xi1>, vector<16xi32>
      %convert_element_type3A_251 = arith.sitofp %unique3A_250 : vector<16xi32> to vector<16xf32>
      tpu.vector_store_idx %arg14[%get3A_246], %convert_element_type3A_251 masked %unique3A_249 {add = true} : memref<10112xf32, #tpu.memory_space<vmem>>[vector<16xi32>], vector<16xf32>, vector<16xi1>
      %get3A_252 = arith.index_cast %add3A_195 : i32 to index
      %get3A_253 = arith.constant 112 : index
      %get3A_254 = tpu.vector_load %arg11[%get3A_252, %get3A_253] {strides = array<i32>} : memref<16x128xi32, #tpu.memory_space<vmem>>, vector<16xi32>,
      %broadcast_in_dim3A_255 = arith.constant true
      %broadcast_in_dim3A_256 = vector.broadcast %broadcast_in_dim3A_255 : i1 to vector<16xi1>
      %unique3A_257, %unique3A_258 = tpu.scan_count mask(%broadcast_in_dim3A_256 : vector<16xi1>) value(%get3A_254 : vector<16xi32>) : vector<16xi1>, vector<16xi32>
      %convert_element_type3A_259 = arith.sitofp %unique3A_258 : vector<16xi32> to vector<16xf32>
      tpu.vector_store_idx %arg14[%get3A_254], %convert_element_type3A_259 masked %unique3A_257 {add = true} : memref<10112xf32, #tpu.memory_space<vmem>>[vector<16xi32>], vector<16xf32>, vector<16xi1>
      %add3A_260 = arith.constant 1 : i32
      %add3A_261 = arith.addi %add3A_123, %add3A_260 : i32
      %dma_wait3A_262 = arith.constant 0 : i32
      %dma_wait3A_263 = tpu.memref_slice %arg10[%add3A_261, %dma_wait3A_262] : memref<16x128xi32, #tpu.memory_space<vmem>> -> memref<1x128xi32, #tpu.memory_space<vmem>>
      %dma_wait3A_264 = tpu.memref_squeeze %dma_wait3A_263 : memref<1x128xi32, #tpu.memory_space<vmem>> -> memref<128xi32, #tpu.memory_space<vmem>>
      %dma_wait3A_265 = arith.constant 0 : i32
      %dma_wait3A_266 = arith.constant 0 : i32
      %dma_wait3A_267 = tpu.memref_slice %arg2[%dma_wait3A_265, %dma_wait3A_266] : memref<10000x128xf32, #tpu.memory_space<hbm>> -> memref<10000x128xf32, #tpu.memory_space<hbm>>
      tpu.wait_indirect_dma semaphore(%arg16 : memref<!tpu.dma_semaphore, #tpu.memory_space<semaphore_mem>>) src(%dma_wait3A_267 : memref<10000x128xf32, #tpu.memory_space<hbm>>) dst(%arg13 : memref<128x128xf32, #tpu.memory_space<vmem>>)
      %add3A_268 = arith.constant 1 : i32
      %add3A_269 = arith.addi %add3A_123, %add3A_268 : i32
      "tpu.region"() ({
        %run_scoped3A = tpu.sem_alloc : memref<!tpu.dma_semaphore, #tpu.memory_space<semaphore_mem>>
        %dma_start3A_277 = arith.constant 0 : i32
        %dma_start3A_278 = tpu.memref_slice %arg11[%add3A_269, %dma_start3A_277] : memref<16x128xi32, #tpu.memory_space<vmem>> -> memref<1x128xi32, #tpu.memory_space<vmem>>
        %dma_start3A_279 = tpu.memref_squeeze %dma_start3A_278 : memref<1x128xi32, #tpu.memory_space<vmem>> -> memref<128xi32, #tpu.memory_space<vmem>>
        %dma_start3A_280 = arith.constant 0 : i32
        %dma_start3A_281 = arith.constant 0 : i32
        %dma_start3A_282 = tpu.memref_slice %arg9[%dma_start3A_280, %dma_start3A_281] : memref<10112x128xf32, #tpu.memory_space<vmem_shared>> -> memref<10112x128xf32, #tpu.memory_space<vmem_shared>>
        tpu.enqueue_indirect_dma source(%arg13 : memref<128x128xf32, #tpu.memory_space<vmem>>) target(%dma_start3A_282 : memref<10112x128xf32, #tpu.memory_space<vmem_shared>>) offsets(%dma_start3A_279 : memref<128xi32, #tpu.memory_space<vmem>>) semaphore(%run_scoped3A : memref<!tpu.dma_semaphore, #tpu.memory_space<semaphore_mem>>) {add = true}
        %dma_wait3A_283 = arith.constant 0 : i32
        %dma_wait3A_284 = tpu.memref_slice %arg11[%add3A_269, %dma_wait3A_283] : memref<16x128xi32, #tpu.memory_space<vmem>> -> memref<1x128xi32, #tpu.memory_space<vmem>>
        %dma_wait3A_285 = tpu.memref_squeeze %dma_wait3A_284 : memref<1x128xi32, #tpu.memory_space<vmem>> -> memref<128xi32, #tpu.memory_space<vmem>>
        %dma_wait3A_286 = arith.constant 0 : i32
        %dma_wait3A_287 = arith.constant 0 : i32
        %dma_wait3A_288 = tpu.memref_slice %arg9[%dma_wait3A_286, %dma_wait3A_287] : memref<10112x128xf32, #tpu.memory_space<vmem_shared>> -> memref<10112x128xf32, #tpu.memory_space<vmem_shared>>
        tpu.wait_indirect_dma semaphore(%run_scoped3A : memref<!tpu.dma_semaphore, #tpu.memory_space<semaphore_mem>>) src(%arg13 : memref<128x128xf32, #tpu.memory_space<vmem>>) dst(%dma_wait3A_288 : memref<10112x128xf32, #tpu.memory_space<vmem_shared>>)
        tpu.yield
      }) : () -> ()
      %add3A_270 = arith.constant 3 : i32
      %add3A_271 = arith.addi %add3A_123, %add3A_270 : i32
      %lt3A_272 = arith.constant 16 : i32
      %lt3A_273 = arith.cmpi slt, %add3A_271, %lt3A_272 : i32
      %convert_element_type3A_274 = arith.extui %lt3A_273 : i1 to i32
      %cond3A_275 = arith.constant 0 : i32
      %cond3A_276 = arith.cmpi ne, %convert_element_type3A_274, %cond3A_275 : i32
      scf.if %cond3A_276 {
        %add3A_277 = arith.constant 3 : i32
        %add3A_278 = arith.addi %add3A_123, %add3A_277 : i32
        %dma_start3A_279 = arith.constant 0 : i32
        %dma_start3A_280 = tpu.memref_slice %arg10[%add3A_278, %dma_start3A_279] : memref<16x128xi32, #tpu.memory_space<vmem>> -> memref<1x128xi32, #tpu.memory_space<vmem>>
        %dma_start3A_281 = tpu.memref_squeeze %dma_start3A_280 : memref<1x128xi32, #tpu.memory_space<vmem>> -> memref<128xi32, #tpu.memory_space<vmem>>
        %dma_start3A_282 = arith.constant 0 : i32
        %dma_start3A_283 = arith.constant 0 : i32
        %dma_start3A_284 = tpu.memref_slice %arg2[%dma_start3A_282, %dma_start3A_283] : memref<10000x128xf32, #tpu.memory_space<hbm>> -> memref<10000x128xf32, #tpu.memory_space<hbm>>
        tpu.enqueue_indirect_dma source(%dma_start3A_284 : memref<10000x128xf32, #tpu.memory_space<hbm>>) target(%arg13 : memref<128x128xf32, #tpu.memory_space<vmem>>) offsets(%dma_start3A_281 : memref<128xi32, #tpu.memory_space<vmem>>) semaphore(%arg16 : memref<!tpu.dma_semaphore, #tpu.memory_space<semaphore_mem>>)
      } else {
      }
    }
    %scan3A_69 = arith.constant 8 : i32
    %mul3A_70 = arith.constant 80 : i32
    %mul3A_71 = arith.muli %add3A, %mul3A_70 : i32
    %add3A_72 = arith.constant 48 : i32
    %add3A_73 = arith.addi %mul3A_71, %add3A_72 : i32
    "tpu.region"() ({
      %run_scoped3A = tpu.sem_alloc : memref<!tpu.dma_semaphore, #tpu.memory_space<semaphore_mem>>
      %dma_start3A_119 = arith.constant 0 : i32
      %dma_start3A_120 = tpu.memref_slice %arg3[%add3A_73, %dma_start3A_119] : memref<2560x128xi32, #tpu.memory_space<hbm>> -> memref<16x128xi32, #tpu.memory_space<hbm>>
      %dma_start3A_121 = arith.constant 0 : i32
      %dma_start3A_122 = tpu.memref_slice %arg3[%add3A_73, %dma_start3A_121] : memref<2560x128xi32, #tpu.memory_space<hbm>> -> memref<16x128xi32, #tpu.memory_space<hbm>>
      tpu.enqueue_dma source(%dma_start3A_122 : memref<16x128xi32, #tpu.memory_space<hbm>>) target(%arg10 : memref<16x128xi32, #tpu.memory_space<vmem>>) target_semaphore(%run_scoped3A : memref<!tpu.dma_semaphore, #tpu.memory_space<semaphore_mem>>)
      %dma_wait3A = arith.constant 0 : i32
      %dma_wait3A_123 = tpu.memref_slice %arg3[%add3A_73, %dma_wait3A] : memref<2560x128xi32, #tpu.memory_space<hbm>> -> memref<16x128xi32, #tpu.memory_space<hbm>>
      %dma_wait3A_124 = arith.constant 0 : i32
      %dma_wait3A_125 = tpu.memref_slice %arg3[%add3A_73, %dma_wait3A_124] : memref<2560x128xi32, #tpu.memory_space<hbm>> -> memref<16x128xi32, #tpu.memory_space<hbm>>
      tpu.wait_dma2 semaphore(%run_scoped3A : memref<!tpu.dma_semaphore, #tpu.memory_space<semaphore_mem>>) src(%dma_wait3A_125 : memref<16x128xi32, #tpu.memory_space<hbm>>) dst(%arg10 : memref<16x128xi32, #tpu.memory_space<vmem>>)
      tpu.yield
    }) : () -> ()
    "tpu.region"() ({
      %run_scoped3A = tpu.sem_alloc : memref<!tpu.dma_semaphore, #tpu.memory_space<semaphore_mem>>
      %dma_start3A_119 = arith.constant 0 : i32
      %dma_start3A_120 = tpu.memref_slice %arg4[%add3A_73, %dma_start3A_119] : memref<2560x128xi32, #tpu.memory_space<hbm>> -> memref<16x128xi32, #tpu.memory_space<hbm>>
      %dma_start3A_121 = arith.constant 0 : i32
      %dma_start3A_122 = tpu.memref_slice %arg4[%add3A_73, %dma_start3A_121] : memref<2560x128xi32, #tpu.memory_space<hbm>> -> memref<16x128xi32, #tpu.memory_space<hbm>>
      tpu.enqueue_dma source(%dma_start3A_122 : memref<16x128xi32, #tpu.memory_space<hbm>>) target(%arg11 : memref<16x128xi32, #tpu.memory_space<vmem>>) target_semaphore(%run_scoped3A : memref<!tpu.dma_semaphore, #tpu.memory_space<semaphore_mem>>)
      %dma_wait3A = arith.constant 0 : i32
      %dma_wait3A_123 = tpu.memref_slice %arg4[%add3A_73, %dma_wait3A] : memref<2560x128xi32, #tpu.memory_space<hbm>> -> memref<16x128xi32, #tpu.memory_space<hbm>>
      %dma_wait3A_124 = arith.constant 0 : i32
      %dma_wait3A_125 = tpu.memref_slice %arg4[%add3A_73, %dma_wait3A_124] : memref<2560x128xi32, #tpu.memory_space<hbm>> -> memref<16x128xi32, #tpu.memory_space<hbm>>
      tpu.wait_dma2 semaphore(%run_scoped3A : memref<!tpu.dma_semaphore, #tpu.memory_space<semaphore_mem>>) src(%dma_wait3A_125 : memref<16x128xi32, #tpu.memory_space<hbm>>) dst(%arg11 : memref<16x128xi32, #tpu.memory_space<vmem>>)
      tpu.yield
    }) : () -> ()
    %dma_start3A_74 = arith.constant 0 : i32
    %dma_start3A_75 = arith.constant 0 : i32
    %dma_start3A_76 = tpu.memref_slice %arg10[%dma_start3A_74, %dma_start3A_75] : memref<16x128xi32, #tpu.memory_space<vmem>> -> memref<1x128xi32, #tpu.memory_space<vmem>>
    %dma_start3A_77 = tpu.memref_squeeze %dma_start3A_76 : memref<1x128xi32, #tpu.memory_space<vmem>> -> memref<128xi32, #tpu.memory_space<vmem>>
    %dma_start3A_78 = arith.constant 0 : i32
    %dma_start3A_79 = arith.constant 0 : i32
    %dma_start3A_80 = tpu.memref_slice %arg2[%dma_start3A_78, %dma_start3A_79] : memref<10000x128xf32, #tpu.memory_space<hbm>> -> memref<10000x128xf32, #tpu.memory_space<hbm>>
    tpu.enqueue_indirect_dma source(%dma_start3A_80 : memref<10000x128xf32, #tpu.memory_space<hbm>>) target(%arg12 : memref<128x128xf32, #tpu.memory_space<vmem>>) offsets(%dma_start3A_77 : memref<128xi32, #tpu.memory_space<vmem>>) semaphore(%arg15 : memref<!tpu.dma_semaphore, #tpu.memory_space<semaphore_mem>>)
    %dma_start3A_81 = arith.constant 1 : i32
    %dma_start3A_82 = arith.constant 0 : i32
    %dma_start3A_83 = tpu.memref_slice %arg10[%dma_start3A_81, %dma_start3A_82] : memref<16x128xi32, #tpu.memory_space<vmem>> -> memref<1x128xi32, #tpu.memory_space<vmem>>
    %dma_start3A_84 = tpu.memref_squeeze %dma_start3A_83 : memref<1x128xi32, #tpu.memory_space<vmem>> -> memref<128xi32, #tpu.memory_space<vmem>>
    %dma_start3A_85 = arith.constant 0 : i32
    %dma_start3A_86 = arith.constant 0 : i32
    %dma_start3A_87 = tpu.memref_slice %arg2[%dma_start3A_85, %dma_start3A_86] : memref<10000x128xf32, #tpu.memory_space<hbm>> -> memref<10000x128xf32, #tpu.memory_space<hbm>>
    tpu.enqueue_indirect_dma source(%dma_start3A_87 : memref<10000x128xf32, #tpu.memory_space<hbm>>) target(%arg13 : memref<128x128xf32, #tpu.memory_space<vmem>>) offsets(%dma_start3A_84 : memref<128xi32, #tpu.memory_space<vmem>>) semaphore(%arg16 : memref<!tpu.dma_semaphore, #tpu.memory_space<semaphore_mem>>)
    %scan3A_88 = arith.constant 0 : i32
    %scan3A_89 = arith.constant 8 : i32
    %scan3A_90 = arith.addi %scan3A_88, %scan3A_89 : i32
    %scan3A_91 = arith.constant 1 : i32
    scf.for %scan3A_119 = %scan3A_88 to %scan3A_90 step %scan3A_91  : i32 {
      %mul3A_120 = arith.constant 2 : i32
      %mul3A_121 = arith.muli %scan3A_119, %mul3A_120 : i32
      %add3A_122 = arith.constant 0 : i32
      %add3A_123 = arith.addi %add3A_122, %mul3A_121 : i32
      %get3A = arith.index_cast %add3A_123 : i32 to index
      %get3A_124 = arith.constant 0 : index
      %get3A_125 = tpu.vector_load %arg11[%get3A, %get3A_124] {strides = array<i32>} : memref<16x128xi32, #tpu.memory_space<vmem>>, vector<16xi32>,
      %broadcast_in_dim3A = arith.constant true
      %broadcast_in_dim3A_126 = vector.broadcast %broadcast_in_dim3A : i1 to vector<16xi1>
      %unique3A, %unique3A_127 = tpu.scan_count mask(%broadcast_in_dim3A_126 : vector<16xi1>) value(%get3A_125 : vector<16xi32>) : vector<16xi1>, vector<16xi32>
      %convert_element_type3A = arith.sitofp %unique3A_127 : vector<16xi32> to vector<16xf32>
      tpu.vector_store_idx %arg14[%get3A_125], %convert_element_type3A masked %unique3A {add = true} : memref<10112xf32, #tpu.memory_space<vmem>>[vector<16xi32>], vector<16xf32>, vector<16xi1>
      %get3A_128 = arith.index_cast %add3A_123 : i32 to index
      %get3A_129 = arith.constant 16 : index
      %get3A_130 = tpu.vector_load %arg11[%get3A_128, %get3A_129] {strides = array<i32>} : memref<16x128xi32, #tpu.memory_space<vmem>>, vector<16xi32>,
      %broadcast_in_dim3A_131 = arith.constant true
      %broadcast_in_dim3A_132 = vector.broadcast %broadcast_in_dim3A_131 : i1 to vector<16xi1>
      %unique3A_133, %unique3A_134 = tpu.scan_count mask(%broadcast_in_dim3A_132 : vector<16xi1>) value(%get3A_130 : vector<16xi32>) : vector<16xi1>, vector<16xi32>
      %convert_element_type3A_135 = arith.sitofp %unique3A_134 : vector<16xi32> to vector<16xf32>
      tpu.vector_store_idx %arg14[%get3A_130], %convert_element_type3A_135 masked %unique3A_133 {add = true} : memref<10112xf32, #tpu.memory_space<vmem>>[vector<16xi32>], vector<16xf32>, vector<16xi1>
      %get3A_136 = arith.index_cast %add3A_123 : i32 to index
      %get3A_137 = arith.constant 32 : index
      %get3A_138 = tpu.vector_load %arg11[%get3A_136, %get3A_137] {strides = array<i32>} : memref<16x128xi32, #tpu.memory_space<vmem>>, vector<16xi32>,
      %broadcast_in_dim3A_139 = arith.constant true
      %broadcast_in_dim3A_140 = vector.broadcast %broadcast_in_dim3A_139 : i1 to vector<16xi1>
      %unique3A_141, %unique3A_142 = tpu.scan_count mask(%broadcast_in_dim3A_140 : vector<16xi1>) value(%get3A_138 : vector<16xi32>) : vector<16xi1>, vector<16xi32>
      %convert_element_type3A_143 = arith.sitofp %unique3A_142 : vector<16xi32> to vector<16xf32>
      tpu.vector_store_idx %arg14[%get3A_138], %convert_element_type3A_143 masked %unique3A_141 {add = true} : memref<10112xf32, #tpu.memory_space<vmem>>[vector<16xi32>], vector<16xf32>, vector<16xi1>
      %get3A_144 = arith.index_cast %add3A_123 : i32 to index
      %get3A_145 = arith.constant 48 : index
      %get3A_146 = tpu.vector_load %arg11[%get3A_144, %get3A_145] {strides = array<i32>} : memref<16x128xi32, #tpu.memory_space<vmem>>, vector<16xi32>,
      %broadcast_in_dim3A_147 = arith.constant true
      %broadcast_in_dim3A_148 = vector.broadcast %broadcast_in_dim3A_147 : i1 to vector<16xi1>
      %unique3A_149, %unique3A_150 = tpu.scan_count mask(%broadcast_in_dim3A_148 : vector<16xi1>) value(%get3A_146 : vector<16xi32>) : vector<16xi1>, vector<16xi32>
      %convert_element_type3A_151 = arith.sitofp %unique3A_150 : vector<16xi32> to vector<16xf32>
      tpu.vector_store_idx %arg14[%get3A_146], %convert_element_type3A_151 masked %unique3A_149 {add = true} : memref<10112xf32, #tpu.memory_space<vmem>>[vector<16xi32>], vector<16xf32>, vector<16xi1>
      %get3A_152 = arith.index_cast %add3A_123 : i32 to index
      %get3A_153 = arith.constant 64 : index
      %get3A_154 = tpu.vector_load %arg11[%get3A_152, %get3A_153] {strides = array<i32>} : memref<16x128xi32, #tpu.memory_space<vmem>>, vector<16xi32>,
      %broadcast_in_dim3A_155 = arith.constant true
      %broadcast_in_dim3A_156 = vector.broadcast %broadcast_in_dim3A_155 : i1 to vector<16xi1>
      %unique3A_157, %unique3A_158 = tpu.scan_count mask(%broadcast_in_dim3A_156 : vector<16xi1>) value(%get3A_154 : vector<16xi32>) : vector<16xi1>, vector<16xi32>
      %convert_element_type3A_159 = arith.sitofp %unique3A_158 : vector<16xi32> to vector<16xf32>
      tpu.vector_store_idx %arg14[%get3A_154], %convert_element_type3A_159 masked %unique3A_157 {add = true} : memref<10112xf32, #tpu.memory_space<vmem>>[vector<16xi32>], vector<16xf32>, vector<16xi1>
      %get3A_160 = arith.index_cast %add3A_123 : i32 to index
      %get3A_161 = arith.constant 80 : index
      %get3A_162 = tpu.vector_load %arg11[%get3A_160, %get3A_161] {strides = array<i32>} : memref<16x128xi32, #tpu.memory_space<vmem>>, vector<16xi32>,
      %broadcast_in_dim3A_163 = arith.constant true
      %broadcast_in_dim3A_164 = vector.broadcast %broadcast_in_dim3A_163 : i1 to vector<16xi1>
      %unique3A_165, %unique3A_166 = tpu.scan_count mask(%broadcast_in_dim3A_164 : vector<16xi1>) value(%get3A_162 : vector<16xi32>) : vector<16xi1>, vector<16xi32>
      %convert_element_type3A_167 = arith.sitofp %unique3A_166 : vector<16xi32> to vector<16xf32>
      tpu.vector_store_idx %arg14[%get3A_162], %convert_element_type3A_167 masked %unique3A_165 {add = true} : memref<10112xf32, #tpu.memory_space<vmem>>[vector<16xi32>], vector<16xf32>, vector<16xi1>
      %get3A_168 = arith.index_cast %add3A_123 : i32 to index
      %get3A_169 = arith.constant 96 : index
      %get3A_170 = tpu.vector_load %arg11[%get3A_168, %get3A_169] {strides = array<i32>} : memref<16x128xi32, #tpu.memory_space<vmem>>, vector<16xi32>,
      %broadcast_in_dim3A_171 = arith.constant true
      %broadcast_in_dim3A_172 = vector.broadcast %broadcast_in_dim3A_171 : i1 to vector<16xi1>
      %unique3A_173, %unique3A_174 = tpu.scan_count mask(%broadcast_in_dim3A_172 : vector<16xi1>) value(%get3A_170 : vector<16xi32>) : vector<16xi1>, vector<16xi32>
      %convert_element_type3A_175 = arith.sitofp %unique3A_174 : vector<16xi32> to vector<16xf32>
      tpu.vector_store_idx %arg14[%get3A_170], %convert_element_type3A_175 masked %unique3A_173 {add = true} : memref<10112xf32, #tpu.memory_space<vmem>>[vector<16xi32>], vector<16xf32>, vector<16xi1>
      %get3A_176 = arith.index_cast %add3A_123 : i32 to index
      %get3A_177 = arith.constant 112 : index
      %get3A_178 = tpu.vector_load %arg11[%get3A_176, %get3A_177] {strides = array<i32>} : memref<16x128xi32, #tpu.memory_space<vmem>>, vector<16xi32>,
      %broadcast_in_dim3A_179 = arith.constant true
      %broadcast_in_dim3A_180 = vector.broadcast %broadcast_in_dim3A_179 : i1 to vector<16xi1>
      %unique3A_181, %unique3A_182 = tpu.scan_count mask(%broadcast_in_dim3A_180 : vector<16xi1>) value(%get3A_178 : vector<16xi32>) : vector<16xi1>, vector<16xi32>
      %convert_element_type3A_183 = arith.sitofp %unique3A_182 : vector<16xi32> to vector<16xf32>
      tpu.vector_store_idx %arg14[%get3A_178], %convert_element_type3A_183 masked %unique3A_181 {add = true} : memref<10112xf32, #tpu.memory_space<vmem>>[vector<16xi32>], vector<16xf32>, vector<16xi1>
      %dma_wait3A = arith.constant 0 : i32
      %dma_wait3A_184 = tpu.memref_slice %arg10[%add3A_123, %dma_wait3A] : memref<16x128xi32, #tpu.memory_space<vmem>> -> memref<1x128xi32, #tpu.memory_space<vmem>>
      %dma_wait3A_185 = tpu.memref_squeeze %dma_wait3A_184 : memref<1x128xi32, #tpu.memory_space<vmem>> -> memref<128xi32, #tpu.memory_space<vmem>>
      %dma_wait3A_186 = arith.constant 0 : i32
      %dma_wait3A_187 = arith.constant 0 : i32
      %dma_wait3A_188 = tpu.memref_slice %arg2[%dma_wait3A_186, %dma_wait3A_187] : memref<10000x128xf32, #tpu.memory_space<hbm>> -> memref<10000x128xf32, #tpu.memory_space<hbm>>
      tpu.wait_indirect_dma semaphore(%arg15 : memref<!tpu.dma_semaphore, #tpu.memory_space<semaphore_mem>>) src(%dma_wait3A_188 : memref<10000x128xf32, #tpu.memory_space<hbm>>) dst(%arg12 : memref<128x128xf32, #tpu.memory_space<vmem>>)
      "tpu.region"() ({
        %run_scoped3A = tpu.sem_alloc : memref<!tpu.dma_semaphore, #tpu.memory_space<semaphore_mem>>
        %dma_start3A_277 = arith.constant 0 : i32
        %dma_start3A_278 = tpu.memref_slice %arg11[%add3A_123, %dma_start3A_277] : memref<16x128xi32, #tpu.memory_space<vmem>> -> memref<1x128xi32, #tpu.memory_space<vmem>>
        %dma_start3A_279 = tpu.memref_squeeze %dma_start3A_278 : memref<1x128xi32, #tpu.memory_space<vmem>> -> memref<128xi32, #tpu.memory_space<vmem>>
        %dma_start3A_280 = arith.constant 0 : i32
        %dma_start3A_281 = arith.constant 0 : i32
        %dma_start3A_282 = tpu.memref_slice %arg9[%dma_start3A_280, %dma_start3A_281] : memref<10112x128xf32, #tpu.memory_space<vmem_shared>> -> memref<10112x128xf32, #tpu.memory_space<vmem_shared>>
        tpu.enqueue_indirect_dma source(%arg12 : memref<128x128xf32, #tpu.memory_space<vmem>>) target(%dma_start3A_282 : memref<10112x128xf32, #tpu.memory_space<vmem_shared>>) offsets(%dma_start3A_279 : memref<128xi32, #tpu.memory_space<vmem>>) semaphore(%run_scoped3A : memref<!tpu.dma_semaphore, #tpu.memory_space<semaphore_mem>>) {add = true}
        %dma_wait3A_283 = arith.constant 0 : i32
        %dma_wait3A_284 = tpu.memref_slice %arg11[%add3A_123, %dma_wait3A_283] : memref<16x128xi32, #tpu.memory_space<vmem>> -> memref<1x128xi32, #tpu.memory_space<vmem>>
        %dma_wait3A_285 = tpu.memref_squeeze %dma_wait3A_284 : memref<1x128xi32, #tpu.memory_space<vmem>> -> memref<128xi32, #tpu.memory_space<vmem>>
        %dma_wait3A_286 = arith.constant 0 : i32
        %dma_wait3A_287 = arith.constant 0 : i32
        %dma_wait3A_288 = tpu.memref_slice %arg9[%dma_wait3A_286, %dma_wait3A_287] : memref<10112x128xf32, #tpu.memory_space<vmem_shared>> -> memref<10112x128xf32, #tpu.memory_space<vmem_shared>>
        tpu.wait_indirect_dma semaphore(%run_scoped3A : memref<!tpu.dma_semaphore, #tpu.memory_space<semaphore_mem>>) src(%arg12 : memref<128x128xf32, #tpu.memory_space<vmem>>) dst(%dma_wait3A_288 : memref<10112x128xf32, #tpu.memory_space<vmem_shared>>)
        tpu.yield
      }) : () -> ()
      %add3A_189 = arith.constant 2 : i32
      %add3A_190 = arith.addi %add3A_123, %add3A_189 : i32
      %lt3A = arith.constant 16 : i32
      %lt3A_191 = arith.cmpi slt, %add3A_190, %lt3A : i32
      %convert_element_type3A_192 = arith.extui %lt3A_191 : i1 to i32
      %cond3A = arith.constant 0 : i32
      %cond3A_193 = arith.cmpi ne, %convert_element_type3A_192, %cond3A : i32
      scf.if %cond3A_193 {
        %add3A_277 = arith.constant 2 : i32
        %add3A_278 = arith.addi %add3A_123, %add3A_277 : i32
        %dma_start3A_279 = arith.constant 0 : i32
        %dma_start3A_280 = tpu.memref_slice %arg10[%add3A_278, %dma_start3A_279] : memref<16x128xi32, #tpu.memory_space<vmem>> -> memref<1x128xi32, #tpu.memory_space<vmem>>
        %dma_start3A_281 = tpu.memref_squeeze %dma_start3A_280 : memref<1x128xi32, #tpu.memory_space<vmem>> -> memref<128xi32, #tpu.memory_space<vmem>>
        %dma_start3A_282 = arith.constant 0 : i32
        %dma_start3A_283 = arith.constant 0 : i32
        %dma_start3A_284 = tpu.memref_slice %arg2[%dma_start3A_282, %dma_start3A_283] : memref<10000x128xf32, #tpu.memory_space<hbm>> -> memref<10000x128xf32, #tpu.memory_space<hbm>>
        tpu.enqueue_indirect_dma source(%dma_start3A_284 : memref<10000x128xf32, #tpu.memory_space<hbm>>) target(%arg12 : memref<128x128xf32, #tpu.memory_space<vmem>>) offsets(%dma_start3A_281 : memref<128xi32, #tpu.memory_space<vmem>>) semaphore(%arg15 : memref<!tpu.dma_semaphore, #tpu.memory_space<semaphore_mem>>)
      } else {
      }
      %add3A_194 = arith.constant 1 : i32
      %add3A_195 = arith.addi %add3A_123, %add3A_194 : i32
      %get3A_196 = arith.index_cast %add3A_195 : i32 to index
      %get3A_197 = arith.constant 0 : index
      %get3A_198 = tpu.vector_load %arg11[%get3A_196, %get3A_197] {strides = array<i32>} : memref<16x128xi32, #tpu.memory_space<vmem>>, vector<16xi32>,
      %broadcast_in_dim3A_199 = arith.constant true
      %broadcast_in_dim3A_200 = vector.broadcast %broadcast_in_dim3A_199 : i1 to vector<16xi1>
      %unique3A_201, %unique3A_202 = tpu.scan_count mask(%broadcast_in_dim3A_200 : vector<16xi1>) value(%get3A_198 : vector<16xi32>) : vector<16xi1>, vector<16xi32>
      %convert_element_type3A_203 = arith.sitofp %unique3A_202 : vector<16xi32> to vector<16xf32>
      tpu.vector_store_idx %arg14[%get3A_198], %convert_element_type3A_203 masked %unique3A_201 {add = true} : memref<10112xf32, #tpu.memory_space<vmem>>[vector<16xi32>], vector<16xf32>, vector<16xi1>
      %get3A_204 = arith.index_cast %add3A_195 : i32 to index
      %get3A_205 = arith.constant 16 : index
      %get3A_206 = tpu.vector_load %arg11[%get3A_204, %get3A_205] {strides = array<i32>} : memref<16x128xi32, #tpu.memory_space<vmem>>, vector<16xi32>,
      %broadcast_in_dim3A_207 = arith.constant true
      %broadcast_in_dim3A_208 = vector.broadcast %broadcast_in_dim3A_207 : i1 to vector<16xi1>
      %unique3A_209, %unique3A_210 = tpu.scan_count mask(%broadcast_in_dim3A_208 : vector<16xi1>) value(%get3A_206 : vector<16xi32>) : vector<16xi1>, vector<16xi32>
      %convert_element_type3A_211 = arith.sitofp %unique3A_210 : vector<16xi32> to vector<16xf32>
      tpu.vector_store_idx %arg14[%get3A_206], %convert_element_type3A_211 masked %unique3A_209 {add = true} : memref<10112xf32, #tpu.memory_space<vmem>>[vector<16xi32>], vector<16xf32>, vector<16xi1>
      %get3A_212 = arith.index_cast %add3A_195 : i32 to index
      %get3A_213 = arith.constant 32 : index
      %get3A_214 = tpu.vector_load %arg11[%get3A_212, %get3A_213] {strides = array<i32>} : memref<16x128xi32, #tpu.memory_space<vmem>>, vector<16xi32>,
      %broadcast_in_dim3A_215 = arith.constant true
      %broadcast_in_dim3A_216 = vector.broadcast %broadcast_in_dim3A_215 : i1 to vector<16xi1>
      %unique3A_217, %unique3A_218 = tpu.scan_count mask(%broadcast_in_dim3A_216 : vector<16xi1>) value(%get3A_214 : vector<16xi32>) : vector<16xi1>, vector<16xi32>
      %convert_element_type3A_219 = arith.sitofp %unique3A_218 : vector<16xi32> to vector<16xf32>
      tpu.vector_store_idx %arg14[%get3A_214], %convert_element_type3A_219 masked %unique3A_217 {add = true} : memref<10112xf32, #tpu.memory_space<vmem>>[vector<16xi32>], vector<16xf32>, vector<16xi1>
      %get3A_220 = arith.index_cast %add3A_195 : i32 to index
      %get3A_221 = arith.constant 48 : index
      %get3A_222 = tpu.vector_load %arg11[%get3A_220, %get3A_221] {strides = array<i32>} : memref<16x128xi32, #tpu.memory_space<vmem>>, vector<16xi32>,
      %broadcast_in_dim3A_223 = arith.constant true
      %broadcast_in_dim3A_224 = vector.broadcast %broadcast_in_dim3A_223 : i1 to vector<16xi1>
      %unique3A_225, %unique3A_226 = tpu.scan_count mask(%broadcast_in_dim3A_224 : vector<16xi1>) value(%get3A_222 : vector<16xi32>) : vector<16xi1>, vector<16xi32>
      %convert_element_type3A_227 = arith.sitofp %unique3A_226 : vector<16xi32> to vector<16xf32>
      tpu.vector_store_idx %arg14[%get3A_222], %convert_element_type3A_227 masked %unique3A_225 {add = true} : memref<10112xf32, #tpu.memory_space<vmem>>[vector<16xi32>], vector<16xf32>, vector<16xi1>
      %get3A_228 = arith.index_cast %add3A_195 : i32 to index
      %get3A_229 = arith.constant 64 : index
      %get3A_230 = tpu.vector_load %arg11[%get3A_228, %get3A_229] {strides = array<i32>} : memref<16x128xi32, #tpu.memory_space<vmem>>, vector<16xi32>,
      %broadcast_in_dim3A_231 = arith.constant true
      %broadcast_in_dim3A_232 = vector.broadcast %broadcast_in_dim3A_231 : i1 to vector<16xi1>
      %unique3A_233, %unique3A_234 = tpu.scan_count mask(%broadcast_in_dim3A_232 : vector<16xi1>) value(%get3A_230 : vector<16xi32>) : vector<16xi1>, vector<16xi32>
      %convert_element_type3A_235 = arith.sitofp %unique3A_234 : vector<16xi32> to vector<16xf32>
      tpu.vector_store_idx %arg14[%get3A_230], %convert_element_type3A_235 masked %unique3A_233 {add = true} : memref<10112xf32, #tpu.memory_space<vmem>>[vector<16xi32>], vector<16xf32>, vector<16xi1>
      %get3A_236 = arith.index_cast %add3A_195 : i32 to index
      %get3A_237 = arith.constant 80 : index
      %get3A_238 = tpu.vector_load %arg11[%get3A_236, %get3A_237] {strides = array<i32>} : memref<16x128xi32, #tpu.memory_space<vmem>>, vector<16xi32>,
      %broadcast_in_dim3A_239 = arith.constant true
      %broadcast_in_dim3A_240 = vector.broadcast %broadcast_in_dim3A_239 : i1 to vector<16xi1>
      %unique3A_241, %unique3A_242 = tpu.scan_count mask(%broadcast_in_dim3A_240 : vector<16xi1>) value(%get3A_238 : vector<16xi32>) : vector<16xi1>, vector<16xi32>
      %convert_element_type3A_243 = arith.sitofp %unique3A_242 : vector<16xi32> to vector<16xf32>
      tpu.vector_store_idx %arg14[%get3A_238], %convert_element_type3A_243 masked %unique3A_241 {add = true} : memref<10112xf32, #tpu.memory_space<vmem>>[vector<16xi32>], vector<16xf32>, vector<16xi1>
      %get3A_244 = arith.index_cast %add3A_195 : i32 to index
      %get3A_245 = arith.constant 96 : index
      %get3A_246 = tpu.vector_load %arg11[%get3A_244, %get3A_245] {strides = array<i32>} : memref<16x128xi32, #tpu.memory_space<vmem>>, vector<16xi32>,
      %broadcast_in_dim3A_247 = arith.constant true
      %broadcast_in_dim3A_248 = vector.broadcast %broadcast_in_dim3A_247 : i1 to vector<16xi1>
      %unique3A_249, %unique3A_250 = tpu.scan_count mask(%broadcast_in_dim3A_248 : vector<16xi1>) value(%get3A_246 : vector<16xi32>) : vector<16xi1>, vector<16xi32>
      %convert_element_type3A_251 = arith.sitofp %unique3A_250 : vector<16xi32> to vector<16xf32>
      tpu.vector_store_idx %arg14[%get3A_246], %convert_element_type3A_251 masked %unique3A_249 {add = true} : memref<10112xf32, #tpu.memory_space<vmem>>[vector<16xi32>], vector<16xf32>, vector<16xi1>
      %get3A_252 = arith.index_cast %add3A_195 : i32 to index
      %get3A_253 = arith.constant 112 : index
      %get3A_254 = tpu.vector_load %arg11[%get3A_252, %get3A_253] {strides = array<i32>} : memref<16x128xi32, #tpu.memory_space<vmem>>, vector<16xi32>,
      %broadcast_in_dim3A_255 = arith.constant true
      %broadcast_in_dim3A_256 = vector.broadcast %broadcast_in_dim3A_255 : i1 to vector<16xi1>
      %unique3A_257, %unique3A_258 = tpu.scan_count mask(%broadcast_in_dim3A_256 : vector<16xi1>) value(%get3A_254 : vector<16xi32>) : vector<16xi1>, vector<16xi32>
      %convert_element_type3A_259 = arith.sitofp %unique3A_258 : vector<16xi32> to vector<16xf32>
      tpu.vector_store_idx %arg14[%get3A_254], %convert_element_type3A_259 masked %unique3A_257 {add = true} : memref<10112xf32, #tpu.memory_space<vmem>>[vector<16xi32>], vector<16xf32>, vector<16xi1>
      %add3A_260 = arith.constant 1 : i32
      %add3A_261 = arith.addi %add3A_123, %add3A_260 : i32
      %dma_wait3A_262 = arith.constant 0 : i32
      %dma_wait3A_263 = tpu.memref_slice %arg10[%add3A_261, %dma_wait3A_262] : memref<16x128xi32, #tpu.memory_space<vmem>> -> memref<1x128xi32, #tpu.memory_space<vmem>>
      %dma_wait3A_264 = tpu.memref_squeeze %dma_wait3A_263 : memref<1x128xi32, #tpu.memory_space<vmem>> -> memref<128xi32, #tpu.memory_space<vmem>>
      %dma_wait3A_265 = arith.constant 0 : i32
      %dma_wait3A_266 = arith.constant 0 : i32
      %dma_wait3A_267 = tpu.memref_slice %arg2[%dma_wait3A_265, %dma_wait3A_266] : memref<10000x128xf32, #tpu.memory_space<hbm>> -> memref<10000x128xf32, #tpu.memory_space<hbm>>
      tpu.wait_indirect_dma semaphore(%arg16 : memref<!tpu.dma_semaphore, #tpu.memory_space<semaphore_mem>>) src(%dma_wait3A_267 : memref<10000x128xf32, #tpu.memory_space<hbm>>) dst(%arg13 : memref<128x128xf32, #tpu.memory_space<vmem>>)
      %add3A_268 = arith.constant 1 : i32
      %add3A_269 = arith.addi %add3A_123, %add3A_268 : i32
      "tpu.region"() ({
        %run_scoped3A = tpu.sem_alloc : memref<!tpu.dma_semaphore, #tpu.memory_space<semaphore_mem>>
        %dma_start3A_277 = arith.constant 0 : i32
        %dma_start3A_278 = tpu.memref_slice %arg11[%add3A_269, %dma_start3A_277] : memref<16x128xi32, #tpu.memory_space<vmem>> -> memref<1x128xi32, #tpu.memory_space<vmem>>
        %dma_start3A_279 = tpu.memref_squeeze %dma_start3A_278 : memref<1x128xi32, #tpu.memory_space<vmem>> -> memref<128xi32, #tpu.memory_space<vmem>>
        %dma_start3A_280 = arith.constant 0 : i32
        %dma_start3A_281 = arith.constant 0 : i32
        %dma_start3A_282 = tpu.memref_slice %arg9[%dma_start3A_280, %dma_start3A_281] : memref<10112x128xf32, #tpu.memory_space<vmem_shared>> -> memref<10112x128xf32, #tpu.memory_space<vmem_shared>>
        tpu.enqueue_indirect_dma source(%arg13 : memref<128x128xf32, #tpu.memory_space<vmem>>) target(%dma_start3A_282 : memref<10112x128xf32, #tpu.memory_space<vmem_shared>>) offsets(%dma_start3A_279 : memref<128xi32, #tpu.memory_space<vmem>>) semaphore(%run_scoped3A : memref<!tpu.dma_semaphore, #tpu.memory_space<semaphore_mem>>) {add = true}
        %dma_wait3A_283 = arith.constant 0 : i32
        %dma_wait3A_284 = tpu.memref_slice %arg11[%add3A_269, %dma_wait3A_283] : memref<16x128xi32, #tpu.memory_space<vmem>> -> memref<1x128xi32, #tpu.memory_space<vmem>>
        %dma_wait3A_285 = tpu.memref_squeeze %dma_wait3A_284 : memref<1x128xi32, #tpu.memory_space<vmem>> -> memref<128xi32, #tpu.memory_space<vmem>>
        %dma_wait3A_286 = arith.constant 0 : i32
        %dma_wait3A_287 = arith.constant 0 : i32
        %dma_wait3A_288 = tpu.memref_slice %arg9[%dma_wait3A_286, %dma_wait3A_287] : memref<10112x128xf32, #tpu.memory_space<vmem_shared>> -> memref<10112x128xf32, #tpu.memory_space<vmem_shared>>
        tpu.wait_indirect_dma semaphore(%run_scoped3A : memref<!tpu.dma_semaphore, #tpu.memory_space<semaphore_mem>>) src(%arg13 : memref<128x128xf32, #tpu.memory_space<vmem>>) dst(%dma_wait3A_288 : memref<10112x128xf32, #tpu.memory_space<vmem_shared>>)
        tpu.yield
      }) : () -> ()
      %add3A_270 = arith.constant 3 : i32
      %add3A_271 = arith.addi %add3A_123, %add3A_270 : i32
      %lt3A_272 = arith.constant 16 : i32
      %lt3A_273 = arith.cmpi slt, %add3A_271, %lt3A_272 : i32
      %convert_element_type3A_274 = arith.extui %lt3A_273 : i1 to i32
      %cond3A_275 = arith.constant 0 : i32
      %cond3A_276 = arith.cmpi ne, %convert_element_type3A_274, %cond3A_275 : i32
      scf.if %cond3A_276 {
        %add3A_277 = arith.constant 3 : i32
        %add3A_278 = arith.addi %add3A_123, %add3A_277 : i32
        %dma_start3A_279 = arith.constant 0 : i32
        %dma_start3A_280 = tpu.memref_slice %arg10[%add3A_278, %dma_start3A_279] : memref<16x128xi32, #tpu.memory_space<vmem>> -> memref<1x128xi32, #tpu.memory_space<vmem>>
        %dma_start3A_281 = tpu.memref_squeeze %dma_start3A_280 : memref<1x128xi32, #tpu.memory_space<vmem>> -> memref<128xi32, #tpu.memory_space<vmem>>
        %dma_start3A_282 = arith.constant 0 : i32
        %dma_start3A_283 = arith.constant 0 : i32
        %dma_start3A_284 = tpu.memref_slice %arg2[%dma_start3A_282, %dma_start3A_283] : memref<10000x128xf32, #tpu.memory_space<hbm>> -> memref<10000x128xf32, #tpu.memory_space<hbm>>
        tpu.enqueue_indirect_dma source(%dma_start3A_284 : memref<10000x128xf32, #tpu.memory_space<hbm>>) target(%arg13 : memref<128x128xf32, #tpu.memory_space<vmem>>) offsets(%dma_start3A_281 : memref<128xi32, #tpu.memory_space<vmem>>) semaphore(%arg16 : memref<!tpu.dma_semaphore, #tpu.memory_space<semaphore_mem>>)
      } else {
      }
    }
    %scan3A_92 = arith.constant 8 : i32
    %mul3A_93 = arith.constant 80 : i32
    %mul3A_94 = arith.muli %add3A, %mul3A_93 : i32
    %add3A_95 = arith.constant 64 : i32
    %add3A_96 = arith.addi %mul3A_94, %add3A_95 : i32
    "tpu.region"() ({
      %run_scoped3A = tpu.sem_alloc : memref<!tpu.dma_semaphore, #tpu.memory_space<semaphore_mem>>
      %dma_start3A_119 = arith.constant 0 : i32
      %dma_start3A_120 = tpu.memref_slice %arg3[%add3A_96, %dma_start3A_119] : memref<2560x128xi32, #tpu.memory_space<hbm>> -> memref<16x128xi32, #tpu.memory_space<hbm>>
      %dma_start3A_121 = arith.constant 0 : i32
      %dma_start3A_122 = tpu.memref_slice %arg3[%add3A_96, %dma_start3A_121] : memref<2560x128xi32, #tpu.memory_space<hbm>> -> memref<16x128xi32, #tpu.memory_space<hbm>>
      tpu.enqueue_dma source(%dma_start3A_122 : memref<16x128xi32, #tpu.memory_space<hbm>>) target(%arg10 : memref<16x128xi32, #tpu.memory_space<vmem>>) target_semaphore(%run_scoped3A : memref<!tpu.dma_semaphore, #tpu.memory_space<semaphore_mem>>)
      %dma_wait3A = arith.constant 0 : i32
      %dma_wait3A_123 = tpu.memref_slice %arg3[%add3A_96, %dma_wait3A] : memref<2560x128xi32, #tpu.memory_space<hbm>> -> memref<16x128xi32, #tpu.memory_space<hbm>>
      %dma_wait3A_124 = arith.constant 0 : i32
      %dma_wait3A_125 = tpu.memref_slice %arg3[%add3A_96, %dma_wait3A_124] : memref<2560x128xi32, #tpu.memory_space<hbm>> -> memref<16x128xi32, #tpu.memory_space<hbm>>
      tpu.wait_dma2 semaphore(%run_scoped3A : memref<!tpu.dma_semaphore, #tpu.memory_space<semaphore_mem>>) src(%dma_wait3A_125 : memref<16x128xi32, #tpu.memory_space<hbm>>) dst(%arg10 : memref<16x128xi32, #tpu.memory_space<vmem>>)
      tpu.yield
    }) : () -> ()
    "tpu.region"() ({
      %run_scoped3A = tpu.sem_alloc : memref<!tpu.dma_semaphore, #tpu.memory_space<semaphore_mem>>
      %dma_start3A_119 = arith.constant 0 : i32
      %dma_start3A_120 = tpu.memref_slice %arg4[%add3A_96, %dma_start3A_119] : memref<2560x128xi32, #tpu.memory_space<hbm>> -> memref<16x128xi32, #tpu.memory_space<hbm>>
      %dma_start3A_121 = arith.constant 0 : i32
      %dma_start3A_122 = tpu.memref_slice %arg4[%add3A_96, %dma_start3A_121] : memref<2560x128xi32, #tpu.memory_space<hbm>> -> memref<16x128xi32, #tpu.memory_space<hbm>>
      tpu.enqueue_dma source(%dma_start3A_122 : memref<16x128xi32, #tpu.memory_space<hbm>>) target(%arg11 : memref<16x128xi32, #tpu.memory_space<vmem>>) target_semaphore(%run_scoped3A : memref<!tpu.dma_semaphore, #tpu.memory_space<semaphore_mem>>)
      %dma_wait3A = arith.constant 0 : i32
      %dma_wait3A_123 = tpu.memref_slice %arg4[%add3A_96, %dma_wait3A] : memref<2560x128xi32, #tpu.memory_space<hbm>> -> memref<16x128xi32, #tpu.memory_space<hbm>>
      %dma_wait3A_124 = arith.constant 0 : i32
      %dma_wait3A_125 = tpu.memref_slice %arg4[%add3A_96, %dma_wait3A_124] : memref<2560x128xi32, #tpu.memory_space<hbm>> -> memref<16x128xi32, #tpu.memory_space<hbm>>
      tpu.wait_dma2 semaphore(%run_scoped3A : memref<!tpu.dma_semaphore, #tpu.memory_space<semaphore_mem>>) src(%dma_wait3A_125 : memref<16x128xi32, #tpu.memory_space<hbm>>) dst(%arg11 : memref<16x128xi32, #tpu.memory_space<vmem>>)
      tpu.yield
    }) : () -> ()
    %dma_start3A_97 = arith.constant 0 : i32
    %dma_start3A_98 = arith.constant 0 : i32
    %dma_start3A_99 = tpu.memref_slice %arg10[%dma_start3A_97, %dma_start3A_98] : memref<16x128xi32, #tpu.memory_space<vmem>> -> memref<1x128xi32, #tpu.memory_space<vmem>>
    %dma_start3A_100 = tpu.memref_squeeze %dma_start3A_99 : memref<1x128xi32, #tpu.memory_space<vmem>> -> memref<128xi32, #tpu.memory_space<vmem>>
    %dma_start3A_101 = arith.constant 0 : i32
    %dma_start3A_102 = arith.constant 0 : i32
    %dma_start3A_103 = tpu.memref_slice %arg2[%dma_start3A_101, %dma_start3A_102] : memref<10000x128xf32, #tpu.memory_space<hbm>> -> memref<10000x128xf32, #tpu.memory_space<hbm>>
    tpu.enqueue_indirect_dma source(%dma_start3A_103 : memref<10000x128xf32, #tpu.memory_space<hbm>>) target(%arg12 : memref<128x128xf32, #tpu.memory_space<vmem>>) offsets(%dma_start3A_100 : memref<128xi32, #tpu.memory_space<vmem>>) semaphore(%arg15 : memref<!tpu.dma_semaphore, #tpu.memory_space<semaphore_mem>>)
    %dma_start3A_104 = arith.constant 1 : i32
    %dma_start3A_105 = arith.constant 0 : i32
    %dma_start3A_106 = tpu.memref_slice %arg10[%dma_start3A_104, %dma_start3A_105] : memref<16x128xi32, #tpu.memory_space<vmem>> -> memref<1x128xi32, #tpu.memory_space<vmem>>
    %dma_start3A_107 = tpu.memref_squeeze %dma_start3A_106 : memref<1x128xi32, #tpu.memory_space<vmem>> -> memref<128xi32, #tpu.memory_space<vmem>>
    %dma_start3A_108 = arith.constant 0 : i32
    %dma_start3A_109 = arith.constant 0 : i32
    %dma_start3A_110 = tpu.memref_slice %arg2[%dma_start3A_108, %dma_start3A_109] : memref<10000x128xf32, #tpu.memory_space<hbm>> -> memref<10000x128xf32, #tpu.memory_space<hbm>>
    tpu.enqueue_indirect_dma source(%dma_start3A_110 : memref<10000x128xf32, #tpu.memory_space<hbm>>) target(%arg13 : memref<128x128xf32, #tpu.memory_space<vmem>>) offsets(%dma_start3A_107 : memref<128xi32, #tpu.memory_space<vmem>>) semaphore(%arg16 : memref<!tpu.dma_semaphore, #tpu.memory_space<semaphore_mem>>)
    %scan3A_111 = arith.constant 0 : i32
    %scan3A_112 = arith.constant 8 : i32
    %scan3A_113 = arith.addi %scan3A_111, %scan3A_112 : i32
    %scan3A_114 = arith.constant 1 : i32
    scf.for %scan3A_119 = %scan3A_111 to %scan3A_113 step %scan3A_114  : i32 {
      %mul3A_120 = arith.constant 2 : i32
      %mul3A_121 = arith.muli %scan3A_119, %mul3A_120 : i32
      %add3A_122 = arith.constant 0 : i32
      %add3A_123 = arith.addi %add3A_122, %mul3A_121 : i32
      %get3A = arith.index_cast %add3A_123 : i32 to index
      %get3A_124 = arith.constant 0 : index
      %get3A_125 = tpu.vector_load %arg11[%get3A, %get3A_124] {strides = array<i32>} : memref<16x128xi32, #tpu.memory_space<vmem>>, vector<16xi32>,
      %broadcast_in_dim3A = arith.constant true
      %broadcast_in_dim3A_126 = vector.broadcast %broadcast_in_dim3A : i1 to vector<16xi1>
      %unique3A, %unique3A_127 = tpu.scan_count mask(%broadcast_in_dim3A_126 : vector<16xi1>) value(%get3A_125 : vector<16xi32>) : vector<16xi1>, vector<16xi32>
      %convert_element_type3A = arith.sitofp %unique3A_127 : vector<16xi32> to vector<16xf32>
      tpu.vector_store_idx %arg14[%get3A_125], %convert_element_type3A masked %unique3A {add = true} : memref<10112xf32, #tpu.memory_space<vmem>>[vector<16xi32>], vector<16xf32>, vector<16xi1>
      %get3A_128 = arith.index_cast %add3A_123 : i32 to index
      %get3A_129 = arith.constant 16 : index
      %get3A_130 = tpu.vector_load %arg11[%get3A_128, %get3A_129] {strides = array<i32>} : memref<16x128xi32, #tpu.memory_space<vmem>>, vector<16xi32>,
      %broadcast_in_dim3A_131 = arith.constant true
      %broadcast_in_dim3A_132 = vector.broadcast %broadcast_in_dim3A_131 : i1 to vector<16xi1>
      %unique3A_133, %unique3A_134 = tpu.scan_count mask(%broadcast_in_dim3A_132 : vector<16xi1>) value(%get3A_130 : vector<16xi32>) : vector<16xi1>, vector<16xi32>
      %convert_element_type3A_135 = arith.sitofp %unique3A_134 : vector<16xi32> to vector<16xf32>
      tpu.vector_store_idx %arg14[%get3A_130], %convert_element_type3A_135 masked %unique3A_133 {add = true} : memref<10112xf32, #tpu.memory_space<vmem>>[vector<16xi32>], vector<16xf32>, vector<16xi1>
      %get3A_136 = arith.index_cast %add3A_123 : i32 to index
      %get3A_137 = arith.constant 32 : index
      %get3A_138 = tpu.vector_load %arg11[%get3A_136, %get3A_137] {strides = array<i32>} : memref<16x128xi32, #tpu.memory_space<vmem>>, vector<16xi32>,
      %broadcast_in_dim3A_139 = arith.constant true
      %broadcast_in_dim3A_140 = vector.broadcast %broadcast_in_dim3A_139 : i1 to vector<16xi1>
      %unique3A_141, %unique3A_142 = tpu.scan_count mask(%broadcast_in_dim3A_140 : vector<16xi1>) value(%get3A_138 : vector<16xi32>) : vector<16xi1>, vector<16xi32>
      %convert_element_type3A_143 = arith.sitofp %unique3A_142 : vector<16xi32> to vector<16xf32>
      tpu.vector_store_idx %arg14[%get3A_138], %convert_element_type3A_143 masked %unique3A_141 {add = true} : memref<10112xf32, #tpu.memory_space<vmem>>[vector<16xi32>], vector<16xf32>, vector<16xi1>
      %get3A_144 = arith.index_cast %add3A_123 : i32 to index
      %get3A_145 = arith.constant 48 : index
      %get3A_146 = tpu.vector_load %arg11[%get3A_144, %get3A_145] {strides = array<i32>} : memref<16x128xi32, #tpu.memory_space<vmem>>, vector<16xi32>,
      %broadcast_in_dim3A_147 = arith.constant true
      %broadcast_in_dim3A_148 = vector.broadcast %broadcast_in_dim3A_147 : i1 to vector<16xi1>
      %unique3A_149, %unique3A_150 = tpu.scan_count mask(%broadcast_in_dim3A_148 : vector<16xi1>) value(%get3A_146 : vector<16xi32>) : vector<16xi1>, vector<16xi32>
      %convert_element_type3A_151 = arith.sitofp %unique3A_150 : vector<16xi32> to vector<16xf32>
      tpu.vector_store_idx %arg14[%get3A_146], %convert_element_type3A_151 masked %unique3A_149 {add = true} : memref<10112xf32, #tpu.memory_space<vmem>>[vector<16xi32>], vector<16xf32>, vector<16xi1>
      %get3A_152 = arith.index_cast %add3A_123 : i32 to index
      %get3A_153 = arith.constant 64 : index
      %get3A_154 = tpu.vector_load %arg11[%get3A_152, %get3A_153] {strides = array<i32>} : memref<16x128xi32, #tpu.memory_space<vmem>>, vector<16xi32>,
      %broadcast_in_dim3A_155 = arith.constant true
      %broadcast_in_dim3A_156 = vector.broadcast %broadcast_in_dim3A_155 : i1 to vector<16xi1>
      %unique3A_157, %unique3A_158 = tpu.scan_count mask(%broadcast_in_dim3A_156 : vector<16xi1>) value(%get3A_154 : vector<16xi32>) : vector<16xi1>, vector<16xi32>
      %convert_element_type3A_159 = arith.sitofp %unique3A_158 : vector<16xi32> to vector<16xf32>
      tpu.vector_store_idx %arg14[%get3A_154], %convert_element_type3A_159 masked %unique3A_157 {add = true} : memref<10112xf32, #tpu.memory_space<vmem>>[vector<16xi32>], vector<16xf32>, vector<16xi1>
      %get3A_160 = arith.index_cast %add3A_123 : i32 to index
      %get3A_161 = arith.constant 80 : index
      %get3A_162 = tpu.vector_load %arg11[%get3A_160, %get3A_161] {strides = array<i32>} : memref<16x128xi32, #tpu.memory_space<vmem>>, vector<16xi32>,
      %broadcast_in_dim3A_163 = arith.constant true
      %broadcast_in_dim3A_164 = vector.broadcast %broadcast_in_dim3A_163 : i1 to vector<16xi1>
      %unique3A_165, %unique3A_166 = tpu.scan_count mask(%broadcast_in_dim3A_164 : vector<16xi1>) value(%get3A_162 : vector<16xi32>) : vector<16xi1>, vector<16xi32>
      %convert_element_type3A_167 = arith.sitofp %unique3A_166 : vector<16xi32> to vector<16xf32>
      tpu.vector_store_idx %arg14[%get3A_162], %convert_element_type3A_167 masked %unique3A_165 {add = true} : memref<10112xf32, #tpu.memory_space<vmem>>[vector<16xi32>], vector<16xf32>, vector<16xi1>
      %get3A_168 = arith.index_cast %add3A_123 : i32 to index
      %get3A_169 = arith.constant 96 : index
      %get3A_170 = tpu.vector_load %arg11[%get3A_168, %get3A_169] {strides = array<i32>} : memref<16x128xi32, #tpu.memory_space<vmem>>, vector<16xi32>,
      %broadcast_in_dim3A_171 = arith.constant true
      %broadcast_in_dim3A_172 = vector.broadcast %broadcast_in_dim3A_171 : i1 to vector<16xi1>
      %unique3A_173, %unique3A_174 = tpu.scan_count mask(%broadcast_in_dim3A_172 : vector<16xi1>) value(%get3A_170 : vector<16xi32>) : vector<16xi1>, vector<16xi32>
      %convert_element_type3A_175 = arith.sitofp %unique3A_174 : vector<16xi32> to vector<16xf32>
      tpu.vector_store_idx %arg14[%get3A_170], %convert_element_type3A_175 masked %unique3A_173 {add = true} : memref<10112xf32, #tpu.memory_space<vmem>>[vector<16xi32>], vector<16xf32>, vector<16xi1>
      %get3A_176 = arith.index_cast %add3A_123 : i32 to index
      %get3A_177 = arith.constant 112 : index
      %get3A_178 = tpu.vector_load %arg11[%get3A_176, %get3A_177] {strides = array<i32>} : memref<16x128xi32, #tpu.memory_space<vmem>>, vector<16xi32>,
      %broadcast_in_dim3A_179 = arith.constant true
      %broadcast_in_dim3A_180 = vector.broadcast %broadcast_in_dim3A_179 : i1 to vector<16xi1>
      %unique3A_181, %unique3A_182 = tpu.scan_count mask(%broadcast_in_dim3A_180 : vector<16xi1>) value(%get3A_178 : vector<16xi32>) : vector<16xi1>, vector<16xi32>
      %convert_element_type3A_183 = arith.sitofp %unique3A_182 : vector<16xi32> to vector<16xf32>
      tpu.vector_store_idx %arg14[%get3A_178], %convert_element_type3A_183 masked %unique3A_181 {add = true} : memref<10112xf32, #tpu.memory_space<vmem>>[vector<16xi32>], vector<16xf32>, vector<16xi1>
      %dma_wait3A = arith.constant 0 : i32
      %dma_wait3A_184 = tpu.memref_slice %arg10[%add3A_123, %dma_wait3A] : memref<16x128xi32, #tpu.memory_space<vmem>> -> memref<1x128xi32, #tpu.memory_space<vmem>>
      %dma_wait3A_185 = tpu.memref_squeeze %dma_wait3A_184 : memref<1x128xi32, #tpu.memory_space<vmem>> -> memref<128xi32, #tpu.memory_space<vmem>>
      %dma_wait3A_186 = arith.constant 0 : i32
      %dma_wait3A_187 = arith.constant 0 : i32
      %dma_wait3A_188 = tpu.memref_slice %arg2[%dma_wait3A_186, %dma_wait3A_187] : memref<10000x128xf32, #tpu.memory_space<hbm>> -> memref<10000x128xf32, #tpu.memory_space<hbm>>
      tpu.wait_indirect_dma semaphore(%arg15 : memref<!tpu.dma_semaphore, #tpu.memory_space<semaphore_mem>>) src(%dma_wait3A_188 : memref<10000x128xf32, #tpu.memory_space<hbm>>) dst(%arg12 : memref<128x128xf32, #tpu.memory_space<vmem>>)
      "tpu.region"() ({
        %run_scoped3A = tpu.sem_alloc : memref<!tpu.dma_semaphore, #tpu.memory_space<semaphore_mem>>
        %dma_start3A_277 = arith.constant 0 : i32
        %dma_start3A_278 = tpu.memref_slice %arg11[%add3A_123, %dma_start3A_277] : memref<16x128xi32, #tpu.memory_space<vmem>> -> memref<1x128xi32, #tpu.memory_space<vmem>>
        %dma_start3A_279 = tpu.memref_squeeze %dma_start3A_278 : memref<1x128xi32, #tpu.memory_space<vmem>> -> memref<128xi32, #tpu.memory_space<vmem>>
        %dma_start3A_280 = arith.constant 0 : i32
        %dma_start3A_281 = arith.constant 0 : i32
        %dma_start3A_282 = tpu.memref_slice %arg9[%dma_start3A_280, %dma_start3A_281] : memref<10112x128xf32, #tpu.memory_space<vmem_shared>> -> memref<10112x128xf32, #tpu.memory_space<vmem_shared>>
        tpu.enqueue_indirect_dma source(%arg12 : memref<128x128xf32, #tpu.memory_space<vmem>>) target(%dma_start3A_282 : memref<10112x128xf32, #tpu.memory_space<vmem_shared>>) offsets(%dma_start3A_279 : memref<128xi32, #tpu.memory_space<vmem>>) semaphore(%run_scoped3A : memref<!tpu.dma_semaphore, #tpu.memory_space<semaphore_mem>>) {add = true}
        %dma_wait3A_283 = arith.constant 0 : i32
        %dma_wait3A_284 = tpu.memref_slice %arg11[%add3A_123, %dma_wait3A_283] : memref<16x128xi32, #tpu.memory_space<vmem>> -> memref<1x128xi32, #tpu.memory_space<vmem>>
        %dma_wait3A_285 = tpu.memref_squeeze %dma_wait3A_284 : memref<1x128xi32, #tpu.memory_space<vmem>> -> memref<128xi32, #tpu.memory_space<vmem>>
        %dma_wait3A_286 = arith.constant 0 : i32
        %dma_wait3A_287 = arith.constant 0 : i32
        %dma_wait3A_288 = tpu.memref_slice %arg9[%dma_wait3A_286, %dma_wait3A_287] : memref<10112x128xf32, #tpu.memory_space<vmem_shared>> -> memref<10112x128xf32, #tpu.memory_space<vmem_shared>>
        tpu.wait_indirect_dma semaphore(%run_scoped3A : memref<!tpu.dma_semaphore, #tpu.memory_space<semaphore_mem>>) src(%arg12 : memref<128x128xf32, #tpu.memory_space<vmem>>) dst(%dma_wait3A_288 : memref<10112x128xf32, #tpu.memory_space<vmem_shared>>)
        tpu.yield
      }) : () -> ()
      %add3A_189 = arith.constant 2 : i32
      %add3A_190 = arith.addi %add3A_123, %add3A_189 : i32
      %lt3A = arith.constant 16 : i32
      %lt3A_191 = arith.cmpi slt, %add3A_190, %lt3A : i32
      %convert_element_type3A_192 = arith.extui %lt3A_191 : i1 to i32
      %cond3A = arith.constant 0 : i32
      %cond3A_193 = arith.cmpi ne, %convert_element_type3A_192, %cond3A : i32
      scf.if %cond3A_193 {
        %add3A_277 = arith.constant 2 : i32
        %add3A_278 = arith.addi %add3A_123, %add3A_277 : i32
        %dma_start3A_279 = arith.constant 0 : i32
        %dma_start3A_280 = tpu.memref_slice %arg10[%add3A_278, %dma_start3A_279] : memref<16x128xi32, #tpu.memory_space<vmem>> -> memref<1x128xi32, #tpu.memory_space<vmem>>
        %dma_start3A_281 = tpu.memref_squeeze %dma_start3A_280 : memref<1x128xi32, #tpu.memory_space<vmem>> -> memref<128xi32, #tpu.memory_space<vmem>>
        %dma_start3A_282 = arith.constant 0 : i32
        %dma_start3A_283 = arith.constant 0 : i32
        %dma_start3A_284 = tpu.memref_slice %arg2[%dma_start3A_282, %dma_start3A_283] : memref<10000x128xf32, #tpu.memory_space<hbm>> -> memref<10000x128xf32, #tpu.memory_space<hbm>>
        tpu.enqueue_indirect_dma source(%dma_start3A_284 : memref<10000x128xf32, #tpu.memory_space<hbm>>) target(%arg12 : memref<128x128xf32, #tpu.memory_space<vmem>>) offsets(%dma_start3A_281 : memref<128xi32, #tpu.memory_space<vmem>>) semaphore(%arg15 : memref<!tpu.dma_semaphore, #tpu.memory_space<semaphore_mem>>)
      } else {
      }
      %add3A_194 = arith.constant 1 : i32
      %add3A_195 = arith.addi %add3A_123, %add3A_194 : i32
      %get3A_196 = arith.index_cast %add3A_195 : i32 to index
      %get3A_197 = arith.constant 0 : index
      %get3A_198 = tpu.vector_load %arg11[%get3A_196, %get3A_197] {strides = array<i32>} : memref<16x128xi32, #tpu.memory_space<vmem>>, vector<16xi32>,
      %broadcast_in_dim3A_199 = arith.constant true
      %broadcast_in_dim3A_200 = vector.broadcast %broadcast_in_dim3A_199 : i1 to vector<16xi1>
      %unique3A_201, %unique3A_202 = tpu.scan_count mask(%broadcast_in_dim3A_200 : vector<16xi1>) value(%get3A_198 : vector<16xi32>) : vector<16xi1>, vector<16xi32>
      %convert_element_type3A_203 = arith.sitofp %unique3A_202 : vector<16xi32> to vector<16xf32>
      tpu.vector_store_idx %arg14[%get3A_198], %convert_element_type3A_203 masked %unique3A_201 {add = true} : memref<10112xf32, #tpu.memory_space<vmem>>[vector<16xi32>], vector<16xf32>, vector<16xi1>
      %get3A_204 = arith.index_cast %add3A_195 : i32 to index
      %get3A_205 = arith.constant 16 : index
      %get3A_206 = tpu.vector_load %arg11[%get3A_204, %get3A_205] {strides = array<i32>} : memref<16x128xi32, #tpu.memory_space<vmem>>, vector<16xi32>,
      %broadcast_in_dim3A_207 = arith.constant true
      %broadcast_in_dim3A_208 = vector.broadcast %broadcast_in_dim3A_207 : i1 to vector<16xi1>
      %unique3A_209, %unique3A_210 = tpu.scan_count mask(%broadcast_in_dim3A_208 : vector<16xi1>) value(%get3A_206 : vector<16xi32>) : vector<16xi1>, vector<16xi32>
      %convert_element_type3A_211 = arith.sitofp %unique3A_210 : vector<16xi32> to vector<16xf32>
      tpu.vector_store_idx %arg14[%get3A_206], %convert_element_type3A_211 masked %unique3A_209 {add = true} : memref<10112xf32, #tpu.memory_space<vmem>>[vector<16xi32>], vector<16xf32>, vector<16xi1>
      %get3A_212 = arith.index_cast %add3A_195 : i32 to index
      %get3A_213 = arith.constant 32 : index
      %get3A_214 = tpu.vector_load %arg11[%get3A_212, %get3A_213] {strides = array<i32>} : memref<16x128xi32, #tpu.memory_space<vmem>>, vector<16xi32>,
      %broadcast_in_dim3A_215 = arith.constant true
      %broadcast_in_dim3A_216 = vector.broadcast %broadcast_in_dim3A_215 : i1 to vector<16xi1>
      %unique3A_217, %unique3A_218 = tpu.scan_count mask(%broadcast_in_dim3A_216 : vector<16xi1>) value(%get3A_214 : vector<16xi32>) : vector<16xi1>, vector<16xi32>
      %convert_element_type3A_219 = arith.sitofp %unique3A_218 : vector<16xi32> to vector<16xf32>
      tpu.vector_store_idx %arg14[%get3A_214], %convert_element_type3A_219 masked %unique3A_217 {add = true} : memref<10112xf32, #tpu.memory_space<vmem>>[vector<16xi32>], vector<16xf32>, vector<16xi1>
      %get3A_220 = arith.index_cast %add3A_195 : i32 to index
      %get3A_221 = arith.constant 48 : index
      %get3A_222 = tpu.vector_load %arg11[%get3A_220, %get3A_221] {strides = array<i32>} : memref<16x128xi32, #tpu.memory_space<vmem>>, vector<16xi32>,
      %broadcast_in_dim3A_223 = arith.constant true
      %broadcast_in_dim3A_224 = vector.broadcast %broadcast_in_dim3A_223 : i1 to vector<16xi1>
      %unique3A_225, %unique3A_226 = tpu.scan_count mask(%broadcast_in_dim3A_224 : vector<16xi1>) value(%get3A_222 : vector<16xi32>) : vector<16xi1>, vector<16xi32>
      %convert_element_type3A_227 = arith.sitofp %unique3A_226 : vector<16xi32> to vector<16xf32>
      tpu.vector_store_idx %arg14[%get3A_222], %convert_element_type3A_227 masked %unique3A_225 {add = true} : memref<10112xf32, #tpu.memory_space<vmem>>[vector<16xi32>], vector<16xf32>, vector<16xi1>
      %get3A_228 = arith.index_cast %add3A_195 : i32 to index
      %get3A_229 = arith.constant 64 : index
      %get3A_230 = tpu.vector_load %arg11[%get3A_228, %get3A_229] {strides = array<i32>} : memref<16x128xi32, #tpu.memory_space<vmem>>, vector<16xi32>,
      %broadcast_in_dim3A_231 = arith.constant true
      %broadcast_in_dim3A_232 = vector.broadcast %broadcast_in_dim3A_231 : i1 to vector<16xi1>
      %unique3A_233, %unique3A_234 = tpu.scan_count mask(%broadcast_in_dim3A_232 : vector<16xi1>) value(%get3A_230 : vector<16xi32>) : vector<16xi1>, vector<16xi32>
      %convert_element_type3A_235 = arith.sitofp %unique3A_234 : vector<16xi32> to vector<16xf32>
      tpu.vector_store_idx %arg14[%get3A_230], %convert_element_type3A_235 masked %unique3A_233 {add = true} : memref<10112xf32, #tpu.memory_space<vmem>>[vector<16xi32>], vector<16xf32>, vector<16xi1>
      %get3A_236 = arith.index_cast %add3A_195 : i32 to index
      %get3A_237 = arith.constant 80 : index
      %get3A_238 = tpu.vector_load %arg11[%get3A_236, %get3A_237] {strides = array<i32>} : memref<16x128xi32, #tpu.memory_space<vmem>>, vector<16xi32>,
      %broadcast_in_dim3A_239 = arith.constant true
      %broadcast_in_dim3A_240 = vector.broadcast %broadcast_in_dim3A_239 : i1 to vector<16xi1>
      %unique3A_241, %unique3A_242 = tpu.scan_count mask(%broadcast_in_dim3A_240 : vector<16xi1>) value(%get3A_238 : vector<16xi32>) : vector<16xi1>, vector<16xi32>
      %convert_element_type3A_243 = arith.sitofp %unique3A_242 : vector<16xi32> to vector<16xf32>
      tpu.vector_store_idx %arg14[%get3A_238], %convert_element_type3A_243 masked %unique3A_241 {add = true} : memref<10112xf32, #tpu.memory_space<vmem>>[vector<16xi32>], vector<16xf32>, vector<16xi1>
      %get3A_244 = arith.index_cast %add3A_195 : i32 to index
      %get3A_245 = arith.constant 96 : index
      %get3A_246 = tpu.vector_load %arg11[%get3A_244, %get3A_245] {strides = array<i32>} : memref<16x128xi32, #tpu.memory_space<vmem>>, vector<16xi32>,
      %broadcast_in_dim3A_247 = arith.constant true
      %broadcast_in_dim3A_248 = vector.broadcast %broadcast_in_dim3A_247 : i1 to vector<16xi1>
      %unique3A_249, %unique3A_250 = tpu.scan_count mask(%broadcast_in_dim3A_248 : vector<16xi1>) value(%get3A_246 : vector<16xi32>) : vector<16xi1>, vector<16xi32>
      %convert_element_type3A_251 = arith.sitofp %unique3A_250 : vector<16xi32> to vector<16xf32>
      tpu.vector_store_idx %arg14[%get3A_246], %convert_element_type3A_251 masked %unique3A_249 {add = true} : memref<10112xf32, #tpu.memory_space<vmem>>[vector<16xi32>], vector<16xf32>, vector<16xi1>
      %get3A_252 = arith.index_cast %add3A_195 : i32 to index
      %get3A_253 = arith.constant 112 : index
      %get3A_254 = tpu.vector_load %arg11[%get3A_252, %get3A_253] {strides = array<i32>} : memref<16x128xi32, #tpu.memory_space<vmem>>, vector<16xi32>,
      %broadcast_in_dim3A_255 = arith.constant true
      %broadcast_in_dim3A_256 = vector.broadcast %broadcast_in_dim3A_255 : i1 to vector<16xi1>
      %unique3A_257, %unique3A_258 = tpu.scan_count mask(%broadcast_in_dim3A_256 : vector<16xi1>) value(%get3A_254 : vector<16xi32>) : vector<16xi1>, vector<16xi32>
      %convert_element_type3A_259 = arith.sitofp %unique3A_258 : vector<16xi32> to vector<16xf32>
      tpu.vector_store_idx %arg14[%get3A_254], %convert_element_type3A_259 masked %unique3A_257 {add = true} : memref<10112xf32, #tpu.memory_space<vmem>>[vector<16xi32>], vector<16xf32>, vector<16xi1>
      %add3A_260 = arith.constant 1 : i32
      %add3A_261 = arith.addi %add3A_123, %add3A_260 : i32
      %dma_wait3A_262 = arith.constant 0 : i32
      %dma_wait3A_263 = tpu.memref_slice %arg10[%add3A_261, %dma_wait3A_262] : memref<16x128xi32, #tpu.memory_space<vmem>> -> memref<1x128xi32, #tpu.memory_space<vmem>>
      %dma_wait3A_264 = tpu.memref_squeeze %dma_wait3A_263 : memref<1x128xi32, #tpu.memory_space<vmem>> -> memref<128xi32, #tpu.memory_space<vmem>>
      %dma_wait3A_265 = arith.constant 0 : i32
      %dma_wait3A_266 = arith.constant 0 : i32
      %dma_wait3A_267 = tpu.memref_slice %arg2[%dma_wait3A_265, %dma_wait3A_266] : memref<10000x128xf32, #tpu.memory_space<hbm>> -> memref<10000x128xf32, #tpu.memory_space<hbm>>
      tpu.wait_indirect_dma semaphore(%arg16 : memref<!tpu.dma_semaphore, #tpu.memory_space<semaphore_mem>>) src(%dma_wait3A_267 : memref<10000x128xf32, #tpu.memory_space<hbm>>) dst(%arg13 : memref<128x128xf32, #tpu.memory_space<vmem>>)
      %add3A_268 = arith.constant 1 : i32
      %add3A_269 = arith.addi %add3A_123, %add3A_268 : i32
      "tpu.region"() ({
        %run_scoped3A = tpu.sem_alloc : memref<!tpu.dma_semaphore, #tpu.memory_space<semaphore_mem>>
        %dma_start3A_277 = arith.constant 0 : i32
        %dma_start3A_278 = tpu.memref_slice %arg11[%add3A_269, %dma_start3A_277] : memref<16x128xi32, #tpu.memory_space<vmem>> -> memref<1x128xi32, #tpu.memory_space<vmem>>
        %dma_start3A_279 = tpu.memref_squeeze %dma_start3A_278 : memref<1x128xi32, #tpu.memory_space<vmem>> -> memref<128xi32, #tpu.memory_space<vmem>>
        %dma_start3A_280 = arith.constant 0 : i32
        %dma_start3A_281 = arith.constant 0 : i32
        %dma_start3A_282 = tpu.memref_slice %arg9[%dma_start3A_280, %dma_start3A_281] : memref<10112x128xf32, #tpu.memory_space<vmem_shared>> -> memref<10112x128xf32, #tpu.memory_space<vmem_shared>>
        tpu.enqueue_indirect_dma source(%arg13 : memref<128x128xf32, #tpu.memory_space<vmem>>) target(%dma_start3A_282 : memref<10112x128xf32, #tpu.memory_space<vmem_shared>>) offsets(%dma_start3A_279 : memref<128xi32, #tpu.memory_space<vmem>>) semaphore(%run_scoped3A : memref<!tpu.dma_semaphore, #tpu.memory_space<semaphore_mem>>) {add = true}
        %dma_wait3A_283 = arith.constant 0 : i32
        %dma_wait3A_284 = tpu.memref_slice %arg11[%add3A_269, %dma_wait3A_283] : memref<16x128xi32, #tpu.memory_space<vmem>> -> memref<1x128xi32, #tpu.memory_space<vmem>>
        %dma_wait3A_285 = tpu.memref_squeeze %dma_wait3A_284 : memref<1x128xi32, #tpu.memory_space<vmem>> -> memref<128xi32, #tpu.memory_space<vmem>>
        %dma_wait3A_286 = arith.constant 0 : i32
        %dma_wait3A_287 = arith.constant 0 : i32
        %dma_wait3A_288 = tpu.memref_slice %arg9[%dma_wait3A_286, %dma_wait3A_287] : memref<10112x128xf32, #tpu.memory_space<vmem_shared>> -> memref<10112x128xf32, #tpu.memory_space<vmem_shared>>
        tpu.wait_indirect_dma semaphore(%run_scoped3A : memref<!tpu.dma_semaphore, #tpu.memory_space<semaphore_mem>>) src(%arg13 : memref<128x128xf32, #tpu.memory_space<vmem>>) dst(%dma_wait3A_288 : memref<10112x128xf32, #tpu.memory_space<vmem_shared>>)
        tpu.yield
      }) : () -> ()
      %add3A_270 = arith.constant 3 : i32
      %add3A_271 = arith.addi %add3A_123, %add3A_270 : i32
      %lt3A_272 = arith.constant 16 : i32
      %lt3A_273 = arith.cmpi slt, %add3A_271, %lt3A_272 : i32
      %convert_element_type3A_274 = arith.extui %lt3A_273 : i1 to i32
      %cond3A_275 = arith.constant 0 : i32
      %cond3A_276 = arith.cmpi ne, %convert_element_type3A_274, %cond3A_275 : i32
      scf.if %cond3A_276 {
        %add3A_277 = arith.constant 3 : i32
        %add3A_278 = arith.addi %add3A_123, %add3A_277 : i32
        %dma_start3A_279 = arith.constant 0 : i32
        %dma_start3A_280 = tpu.memref_slice %arg10[%add3A_278, %dma_start3A_279] : memref<16x128xi32, #tpu.memory_space<vmem>> -> memref<1x128xi32, #tpu.memory_space<vmem>>
        %dma_start3A_281 = tpu.memref_squeeze %dma_start3A_280 : memref<1x128xi32, #tpu.memory_space<vmem>> -> memref<128xi32, #tpu.memory_space<vmem>>
        %dma_start3A_282 = arith.constant 0 : i32
        %dma_start3A_283 = arith.constant 0 : i32
        %dma_start3A_284 = tpu.memref_slice %arg2[%dma_start3A_282, %dma_start3A_283] : memref<10000x128xf32, #tpu.memory_space<hbm>> -> memref<10000x128xf32, #tpu.memory_space<hbm>>
        tpu.enqueue_indirect_dma source(%dma_start3A_284 : memref<10000x128xf32, #tpu.memory_space<hbm>>) target(%arg13 : memref<128x128xf32, #tpu.memory_space<vmem>>) offsets(%dma_start3A_281 : memref<128xi32, #tpu.memory_space<vmem>>) semaphore(%arg16 : memref<!tpu.dma_semaphore, #tpu.memory_space<semaphore_mem>>)
      } else {
      }
    }
    %scan3A_115 = arith.constant 8 : i32
    %barrier3A_116 = arith.constant 0 : index
    tpu.barrier barrier_id(%barrier3A_116)
    "tpu.region"() ({
      %run_scoped3A = tpu.sem_alloc : memref<!tpu.dma_semaphore, #tpu.memory_space<semaphore_mem>>
      %dma_start3A_119 = arith.constant 0 : i32
      %dma_start3A_120 = tpu.memref_slice %arg7[%arg0, %mul3A_2, %dma_start3A_119] : memref<2x10112x128xf32, #tpu.memory_space<hbm>> -> memref<1x632x128xf32, #tpu.memory_space<hbm>>
      %dma_start3A_121 = tpu.memref_squeeze %dma_start3A_120 : memref<1x632x128xf32, #tpu.memory_space<hbm>> -> memref<632x128xf32, #tpu.memory_space<hbm>>
      %dma_start3A_122 = arith.constant 0 : i32
      %dma_start3A_123 = tpu.memref_slice %arg9[%mul3A_2, %dma_start3A_122] : memref<10112x128xf32, #tpu.memory_space<vmem_shared>> -> memref<632x128xf32, #tpu.memory_space<vmem_shared>>
      tpu.enqueue_dma source(%dma_start3A_123 : memref<632x128xf32, #tpu.memory_space<vmem_shared>>) target(%dma_start3A_121 : memref<632x128xf32, #tpu.memory_space<hbm>>) target_semaphore(%run_scoped3A : memref<!tpu.dma_semaphore, #tpu.memory_space<semaphore_mem>>)
      %dma_wait3A = arith.constant 0 : i32
      %dma_wait3A_124 = tpu.memref_slice %arg7[%arg0, %mul3A_2, %dma_wait3A] : memref<2x10112x128xf32, #tpu.memory_space<hbm>> -> memref<1x632x128xf32, #tpu.memory_space<hbm>>
      %dma_wait3A_125 = tpu.memref_squeeze %dma_wait3A_124 : memref<1x632x128xf32, #tpu.memory_space<hbm>> -> memref<632x128xf32, #tpu.memory_space<hbm>>
      %dma_wait3A_126 = arith.constant 0 : i32
      %dma_wait3A_127 = tpu.memref_slice %arg9[%mul3A_2, %dma_wait3A_126] : memref<10112x128xf32, #tpu.memory_space<vmem_shared>> -> memref<632x128xf32, #tpu.memory_space<vmem_shared>>
      tpu.wait_dma2 semaphore(%run_scoped3A : memref<!tpu.dma_semaphore, #tpu.memory_space<semaphore_mem>>) src(%dma_wait3A_127 : memref<632x128xf32, #tpu.memory_space<vmem_shared>>) dst(%dma_wait3A_125 : memref<632x128xf32, #tpu.memory_space<hbm>>)
      tpu.yield
    }) : () -> ()
    %mul3A_117 = arith.constant 10112 : i32
    %mul3A_118 = arith.muli %add3A, %mul3A_117 : i32
    "tpu.region"() ({
      %run_scoped3A = tpu.sem_alloc : memref<!tpu.dma_semaphore, #tpu.memory_space<semaphore_mem>>
      %dma_start3A_119 = tpu.memref_slice %arg8[%mul3A_118] : memref<323584xf32, #tpu.memory_space<hbm>> -> memref<10112xf32, #tpu.memory_space<hbm>>
      %dma_start3A_120 = tpu.memref_slice %arg8[%mul3A_118] : memref<323584xf32, #tpu.memory_space<hbm>> -> memref<10112xf32, #tpu.memory_space<hbm>>
      tpu.enqueue_dma source(%arg14 : memref<10112xf32, #tpu.memory_space<vmem>>) target(%dma_start3A_120 : memref<10112xf32, #tpu.memory_space<hbm>>) target_semaphore(%run_scoped3A : memref<!tpu.dma_semaphore, #tpu.memory_space<semaphore_mem>>)
      %dma_wait3A = tpu.memref_slice %arg8[%mul3A_118] : memref<323584xf32, #tpu.memory_space<hbm>> -> memref<10112xf32, #tpu.memory_space<hbm>>
      %dma_wait3A_121 = tpu.memref_slice %arg8[%mul3A_118] : memref<323584xf32, #tpu.memory_space<hbm>> -> memref<10112xf32, #tpu.memory_space<hbm>>
      tpu.wait_dma2 semaphore(%run_scoped3A : memref<!tpu.dma_semaphore, #tpu.memory_space<semaphore_mem>>) src(%arg14 : memref<10112xf32, #tpu.memory_space<vmem>>) dst(%dma_wait3A_121 : memref<10112xf32, #tpu.memory_space<hbm>>)
      tpu.yield
    }) : () -> ()
    return
  }
}

#map = affine_map<(d0, d1) -> (0, 0)>
#map1 = affine_map<(d0, d1) -> (0, 0, 0)>
module attributes {stable_mosaic.version = 14 : i64} {
  func.func @_sc_agg_body(%arg0: i32, %arg1: i32, %arg2: memref<10000x128xf32, #tpu.memory_space<hbm>>, %arg3: memref<2560x128xi32, #tpu.memory_space<hbm>>, %arg4: memref<2560x128xi32, #tpu.memory_space<hbm>>, %arg5: memref<10112x128xf32, #tpu.memory_space<hbm>>, %arg6: memref<2x10112x128xf32, #tpu.memory_space<hbm>>, %arg7: memref<10112x128xf32, #tpu.memory_space<vmem_shared>>, %arg8: memref<40x128xi32, #tpu.memory_space<vmem>>, %arg9: memref<40x128xi32, #tpu.memory_space<vmem>>, %arg10: memref<128x128xf32, #tpu.memory_space<vmem>>, %arg11: memref<128x128xf32, #tpu.memory_space<vmem>>, %arg12: memref<!tpu.dma_semaphore, #tpu.memory_space<semaphore_mem>>, %arg13: memref<!tpu.dma_semaphore, #tpu.memory_space<semaphore_mem>>) attributes {dimension_semantics = [#tpu.dimension_semantics<core_parallel>, #tpu.dimension_semantics<subcore_parallel>], iteration_bounds = array<i64: 2, 16>, scalar_prefetch = 0 : i64, scratch_operands = 7 : i64, tpu.core_type = #tpu.core_type<sc_vector_subcore>, window_params = [{transform_indices = #map}, {transform_indices = #map}, {transform_indices = #map}, {transform_indices = #map}, {transform_indices = #map1}]} {
    %mul3A = arith.constant 2 : i32
    %mul3A_0 = arith.muli %arg1, %mul3A : i32
    %add3A = arith.addi %mul3A_0, %arg0 : i32
    %mul3A_1 = arith.constant 632 : i32
    %mul3A_2 = arith.muli %arg1, %mul3A_1 : i32
    "tpu.region"() ({
      %run_scoped3A = tpu.sem_alloc : memref<!tpu.dma_semaphore, #tpu.memory_space<semaphore_mem>>
      %dma_start3A_48 = arith.constant 0 : i32
      %dma_start3A_49 = tpu.memref_slice %arg7[%mul3A_2, %dma_start3A_48] : memref<10112x128xf32, #tpu.memory_space<vmem_shared>> -> memref<632x128xf32, #tpu.memory_space<vmem_shared>>
      %dma_start3A_50 = arith.constant 0 : i32
      %dma_start3A_51 = tpu.memref_slice %arg5[%mul3A_2, %dma_start3A_50] : memref<10112x128xf32, #tpu.memory_space<hbm>> -> memref<632x128xf32, #tpu.memory_space<hbm>>
      tpu.enqueue_dma source(%dma_start3A_51 : memref<632x128xf32, #tpu.memory_space<hbm>>) target(%dma_start3A_49 : memref<632x128xf32, #tpu.memory_space<vmem_shared>>) target_semaphore(%run_scoped3A : memref<!tpu.dma_semaphore, #tpu.memory_space<semaphore_mem>>)
      %dma_wait3A = arith.constant 0 : i32
      %dma_wait3A_52 = tpu.memref_slice %arg7[%mul3A_2, %dma_wait3A] : memref<10112x128xf32, #tpu.memory_space<vmem_shared>> -> memref<632x128xf32, #tpu.memory_space<vmem_shared>>
      %dma_wait3A_53 = arith.constant 0 : i32
      %dma_wait3A_54 = tpu.memref_slice %arg5[%mul3A_2, %dma_wait3A_53] : memref<10112x128xf32, #tpu.memory_space<hbm>> -> memref<632x128xf32, #tpu.memory_space<hbm>>
      tpu.wait_dma2 semaphore(%run_scoped3A : memref<!tpu.dma_semaphore, #tpu.memory_space<semaphore_mem>>) src(%dma_wait3A_54 : memref<632x128xf32, #tpu.memory_space<hbm>>) dst(%dma_wait3A_52 : memref<632x128xf32, #tpu.memory_space<vmem_shared>>)
      tpu.yield
    }) : () -> ()
    %barrier3A = arith.constant 0 : index
    tpu.barrier barrier_id(%barrier3A)
    %mul3A_3 = arith.constant 80 : i32
    %mul3A_4 = arith.muli %add3A, %mul3A_3 : i32
    %add3A_5 = arith.constant 0 : i32
    %add3A_6 = arith.addi %mul3A_4, %add3A_5 : i32
    "tpu.region"() ({
      %run_scoped3A = tpu.sem_alloc : memref<!tpu.dma_semaphore, #tpu.memory_space<semaphore_mem>>
      %dma_start3A_48 = arith.constant 0 : i32
      %dma_start3A_49 = tpu.memref_slice %arg3[%add3A_6, %dma_start3A_48] : memref<2560x128xi32, #tpu.memory_space<hbm>> -> memref<40x128xi32, #tpu.memory_space<hbm>>
      %dma_start3A_50 = arith.constant 0 : i32
      %dma_start3A_51 = tpu.memref_slice %arg3[%add3A_6, %dma_start3A_50] : memref<2560x128xi32, #tpu.memory_space<hbm>> -> memref<40x128xi32, #tpu.memory_space<hbm>>
      tpu.enqueue_dma source(%dma_start3A_51 : memref<40x128xi32, #tpu.memory_space<hbm>>) target(%arg8 : memref<40x128xi32, #tpu.memory_space<vmem>>) target_semaphore(%run_scoped3A : memref<!tpu.dma_semaphore, #tpu.memory_space<semaphore_mem>>)
      %dma_wait3A = arith.constant 0 : i32
      %dma_wait3A_52 = tpu.memref_slice %arg3[%add3A_6, %dma_wait3A] : memref<2560x128xi32, #tpu.memory_space<hbm>> -> memref<40x128xi32, #tpu.memory_space<hbm>>
      %dma_wait3A_53 = arith.constant 0 : i32
      %dma_wait3A_54 = tpu.memref_slice %arg3[%add3A_6, %dma_wait3A_53] : memref<2560x128xi32, #tpu.memory_space<hbm>> -> memref<40x128xi32, #tpu.memory_space<hbm>>
      tpu.wait_dma2 semaphore(%run_scoped3A : memref<!tpu.dma_semaphore, #tpu.memory_space<semaphore_mem>>) src(%dma_wait3A_54 : memref<40x128xi32, #tpu.memory_space<hbm>>) dst(%arg8 : memref<40x128xi32, #tpu.memory_space<vmem>>)
      tpu.yield
    }) : () -> ()
    "tpu.region"() ({
      %run_scoped3A = tpu.sem_alloc : memref<!tpu.dma_semaphore, #tpu.memory_space<semaphore_mem>>
      %dma_start3A_48 = arith.constant 0 : i32
      %dma_start3A_49 = tpu.memref_slice %arg4[%add3A_6, %dma_start3A_48] : memref<2560x128xi32, #tpu.memory_space<hbm>> -> memref<40x128xi32, #tpu.memory_space<hbm>>
      %dma_start3A_50 = arith.constant 0 : i32
      %dma_start3A_51 = tpu.memref_slice %arg4[%add3A_6, %dma_start3A_50] : memref<2560x128xi32, #tpu.memory_space<hbm>> -> memref<40x128xi32, #tpu.memory_space<hbm>>
      tpu.enqueue_dma source(%dma_start3A_51 : memref<40x128xi32, #tpu.memory_space<hbm>>) target(%arg9 : memref<40x128xi32, #tpu.memory_space<vmem>>) target_semaphore(%run_scoped3A : memref<!tpu.dma_semaphore, #tpu.memory_space<semaphore_mem>>)
      %dma_wait3A = arith.constant 0 : i32
      %dma_wait3A_52 = tpu.memref_slice %arg4[%add3A_6, %dma_wait3A] : memref<2560x128xi32, #tpu.memory_space<hbm>> -> memref<40x128xi32, #tpu.memory_space<hbm>>
      %dma_wait3A_53 = arith.constant 0 : i32
      %dma_wait3A_54 = tpu.memref_slice %arg4[%add3A_6, %dma_wait3A_53] : memref<2560x128xi32, #tpu.memory_space<hbm>> -> memref<40x128xi32, #tpu.memory_space<hbm>>
      tpu.wait_dma2 semaphore(%run_scoped3A : memref<!tpu.dma_semaphore, #tpu.memory_space<semaphore_mem>>) src(%dma_wait3A_54 : memref<40x128xi32, #tpu.memory_space<hbm>>) dst(%arg9 : memref<40x128xi32, #tpu.memory_space<vmem>>)
      tpu.yield
    }) : () -> ()
    %dma_start3A = arith.constant 0 : i32
    %dma_start3A_7 = arith.constant 0 : i32
    %dma_start3A_8 = tpu.memref_slice %arg8[%dma_start3A, %dma_start3A_7] : memref<40x128xi32, #tpu.memory_space<vmem>> -> memref<1x128xi32, #tpu.memory_space<vmem>>
    %dma_start3A_9 = tpu.memref_squeeze %dma_start3A_8 : memref<1x128xi32, #tpu.memory_space<vmem>> -> memref<128xi32, #tpu.memory_space<vmem>>
    %dma_start3A_10 = arith.constant 0 : i32
    %dma_start3A_11 = arith.constant 0 : i32
    %dma_start3A_12 = tpu.memref_slice %arg2[%dma_start3A_10, %dma_start3A_11] : memref<10000x128xf32, #tpu.memory_space<hbm>> -> memref<10000x128xf32, #tpu.memory_space<hbm>>
    tpu.enqueue_indirect_dma source(%dma_start3A_12 : memref<10000x128xf32, #tpu.memory_space<hbm>>) target(%arg10 : memref<128x128xf32, #tpu.memory_space<vmem>>) offsets(%dma_start3A_9 : memref<128xi32, #tpu.memory_space<vmem>>) semaphore(%arg12 : memref<!tpu.dma_semaphore, #tpu.memory_space<semaphore_mem>>)
    %dma_start3A_13 = arith.constant 1 : i32
    %dma_start3A_14 = arith.constant 0 : i32
    %dma_start3A_15 = tpu.memref_slice %arg8[%dma_start3A_13, %dma_start3A_14] : memref<40x128xi32, #tpu.memory_space<vmem>> -> memref<1x128xi32, #tpu.memory_space<vmem>>
    %dma_start3A_16 = tpu.memref_squeeze %dma_start3A_15 : memref<1x128xi32, #tpu.memory_space<vmem>> -> memref<128xi32, #tpu.memory_space<vmem>>
    %dma_start3A_17 = arith.constant 0 : i32
    %dma_start3A_18 = arith.constant 0 : i32
    %dma_start3A_19 = tpu.memref_slice %arg2[%dma_start3A_17, %dma_start3A_18] : memref<10000x128xf32, #tpu.memory_space<hbm>> -> memref<10000x128xf32, #tpu.memory_space<hbm>>
    tpu.enqueue_indirect_dma source(%dma_start3A_19 : memref<10000x128xf32, #tpu.memory_space<hbm>>) target(%arg11 : memref<128x128xf32, #tpu.memory_space<vmem>>) offsets(%dma_start3A_16 : memref<128xi32, #tpu.memory_space<vmem>>) semaphore(%arg13 : memref<!tpu.dma_semaphore, #tpu.memory_space<semaphore_mem>>)
    %scan3A = arith.constant 0 : i32
    %scan3A_20 = arith.constant 20 : i32
    %scan3A_21 = arith.addi %scan3A, %scan3A_20 : i32
    %scan3A_22 = arith.constant 1 : i32
    scf.for %scan3A_48 = %scan3A to %scan3A_21 step %scan3A_22  : i32 {
      %mul3A_49 = arith.constant 2 : i32
      %mul3A_50 = arith.muli %scan3A_48, %mul3A_49 : i32
      %add3A_51 = arith.constant 0 : i32
      %add3A_52 = arith.addi %add3A_51, %mul3A_50 : i32
      %dma_wait3A = arith.constant 0 : i32
      %dma_wait3A_53 = tpu.memref_slice %arg8[%add3A_52, %dma_wait3A] : memref<40x128xi32, #tpu.memory_space<vmem>> -> memref<1x128xi32, #tpu.memory_space<vmem>>
      %dma_wait3A_54 = tpu.memref_squeeze %dma_wait3A_53 : memref<1x128xi32, #tpu.memory_space<vmem>> -> memref<128xi32, #tpu.memory_space<vmem>>
      %dma_wait3A_55 = arith.constant 0 : i32
      %dma_wait3A_56 = arith.constant 0 : i32
      %dma_wait3A_57 = tpu.memref_slice %arg2[%dma_wait3A_55, %dma_wait3A_56] : memref<10000x128xf32, #tpu.memory_space<hbm>> -> memref<10000x128xf32, #tpu.memory_space<hbm>>
      tpu.wait_indirect_dma semaphore(%arg12 : memref<!tpu.dma_semaphore, #tpu.memory_space<semaphore_mem>>) src(%dma_wait3A_57 : memref<10000x128xf32, #tpu.memory_space<hbm>>) dst(%arg10 : memref<128x128xf32, #tpu.memory_space<vmem>>)
      "tpu.region"() ({
        %run_scoped3A = tpu.sem_alloc : memref<!tpu.dma_semaphore, #tpu.memory_space<semaphore_mem>>
        %dma_start3A_79 = arith.constant 0 : i32
        %dma_start3A_80 = tpu.memref_slice %arg9[%add3A_52, %dma_start3A_79] : memref<40x128xi32, #tpu.memory_space<vmem>> -> memref<1x128xi32, #tpu.memory_space<vmem>>
        %dma_start3A_81 = tpu.memref_squeeze %dma_start3A_80 : memref<1x128xi32, #tpu.memory_space<vmem>> -> memref<128xi32, #tpu.memory_space<vmem>>
        %dma_start3A_82 = arith.constant 0 : i32
        %dma_start3A_83 = arith.constant 0 : i32
        %dma_start3A_84 = tpu.memref_slice %arg7[%dma_start3A_82, %dma_start3A_83] : memref<10112x128xf32, #tpu.memory_space<vmem_shared>> -> memref<10112x128xf32, #tpu.memory_space<vmem_shared>>
        tpu.enqueue_indirect_dma source(%arg10 : memref<128x128xf32, #tpu.memory_space<vmem>>) target(%dma_start3A_84 : memref<10112x128xf32, #tpu.memory_space<vmem_shared>>) offsets(%dma_start3A_81 : memref<128xi32, #tpu.memory_space<vmem>>) semaphore(%run_scoped3A : memref<!tpu.dma_semaphore, #tpu.memory_space<semaphore_mem>>) {add = true}
        %dma_wait3A_85 = arith.constant 0 : i32
        %dma_wait3A_86 = tpu.memref_slice %arg9[%add3A_52, %dma_wait3A_85] : memref<40x128xi32, #tpu.memory_space<vmem>> -> memref<1x128xi32, #tpu.memory_space<vmem>>
        %dma_wait3A_87 = tpu.memref_squeeze %dma_wait3A_86 : memref<1x128xi32, #tpu.memory_space<vmem>> -> memref<128xi32, #tpu.memory_space<vmem>>
        %dma_wait3A_88 = arith.constant 0 : i32
        %dma_wait3A_89 = arith.constant 0 : i32
        %dma_wait3A_90 = tpu.memref_slice %arg7[%dma_wait3A_88, %dma_wait3A_89] : memref<10112x128xf32, #tpu.memory_space<vmem_shared>> -> memref<10112x128xf32, #tpu.memory_space<vmem_shared>>
        tpu.wait_indirect_dma semaphore(%run_scoped3A : memref<!tpu.dma_semaphore, #tpu.memory_space<semaphore_mem>>) src(%arg10 : memref<128x128xf32, #tpu.memory_space<vmem>>) dst(%dma_wait3A_90 : memref<10112x128xf32, #tpu.memory_space<vmem_shared>>)
        tpu.yield
      }) : () -> ()
      %add3A_58 = arith.constant 2 : i32
      %add3A_59 = arith.addi %add3A_52, %add3A_58 : i32
      %lt3A = arith.constant 40 : i32
      %lt3A_60 = arith.cmpi slt, %add3A_59, %lt3A : i32
      %convert_element_type3A = arith.extui %lt3A_60 : i1 to i32
      %cond3A = arith.constant 0 : i32
      %cond3A_61 = arith.cmpi ne, %convert_element_type3A, %cond3A : i32
      scf.if %cond3A_61 {
        %add3A_79 = arith.constant 2 : i32
        %add3A_80 = arith.addi %add3A_52, %add3A_79 : i32
        %dma_start3A_81 = arith.constant 0 : i32
        %dma_start3A_82 = tpu.memref_slice %arg8[%add3A_80, %dma_start3A_81] : memref<40x128xi32, #tpu.memory_space<vmem>> -> memref<1x128xi32, #tpu.memory_space<vmem>>
        %dma_start3A_83 = tpu.memref_squeeze %dma_start3A_82 : memref<1x128xi32, #tpu.memory_space<vmem>> -> memref<128xi32, #tpu.memory_space<vmem>>
        %dma_start3A_84 = arith.constant 0 : i32
        %dma_start3A_85 = arith.constant 0 : i32
        %dma_start3A_86 = tpu.memref_slice %arg2[%dma_start3A_84, %dma_start3A_85] : memref<10000x128xf32, #tpu.memory_space<hbm>> -> memref<10000x128xf32, #tpu.memory_space<hbm>>
        tpu.enqueue_indirect_dma source(%dma_start3A_86 : memref<10000x128xf32, #tpu.memory_space<hbm>>) target(%arg10 : memref<128x128xf32, #tpu.memory_space<vmem>>) offsets(%dma_start3A_83 : memref<128xi32, #tpu.memory_space<vmem>>) semaphore(%arg12 : memref<!tpu.dma_semaphore, #tpu.memory_space<semaphore_mem>>)
      } else {
      }
      %add3A_62 = arith.constant 1 : i32
      %add3A_63 = arith.addi %add3A_52, %add3A_62 : i32
      %dma_wait3A_64 = arith.constant 0 : i32
      %dma_wait3A_65 = tpu.memref_slice %arg8[%add3A_63, %dma_wait3A_64] : memref<40x128xi32, #tpu.memory_space<vmem>> -> memref<1x128xi32, #tpu.memory_space<vmem>>
      %dma_wait3A_66 = tpu.memref_squeeze %dma_wait3A_65 : memref<1x128xi32, #tpu.memory_space<vmem>> -> memref<128xi32, #tpu.memory_space<vmem>>
      %dma_wait3A_67 = arith.constant 0 : i32
      %dma_wait3A_68 = arith.constant 0 : i32
      %dma_wait3A_69 = tpu.memref_slice %arg2[%dma_wait3A_67, %dma_wait3A_68] : memref<10000x128xf32, #tpu.memory_space<hbm>> -> memref<10000x128xf32, #tpu.memory_space<hbm>>
      tpu.wait_indirect_dma semaphore(%arg13 : memref<!tpu.dma_semaphore, #tpu.memory_space<semaphore_mem>>) src(%dma_wait3A_69 : memref<10000x128xf32, #tpu.memory_space<hbm>>) dst(%arg11 : memref<128x128xf32, #tpu.memory_space<vmem>>)
      %add3A_70 = arith.constant 1 : i32
      %add3A_71 = arith.addi %add3A_52, %add3A_70 : i32
      "tpu.region"() ({
        %run_scoped3A = tpu.sem_alloc : memref<!tpu.dma_semaphore, #tpu.memory_space<semaphore_mem>>
        %dma_start3A_79 = arith.constant 0 : i32
        %dma_start3A_80 = tpu.memref_slice %arg9[%add3A_71, %dma_start3A_79] : memref<40x128xi32, #tpu.memory_space<vmem>> -> memref<1x128xi32, #tpu.memory_space<vmem>>
        %dma_start3A_81 = tpu.memref_squeeze %dma_start3A_80 : memref<1x128xi32, #tpu.memory_space<vmem>> -> memref<128xi32, #tpu.memory_space<vmem>>
        %dma_start3A_82 = arith.constant 0 : i32
        %dma_start3A_83 = arith.constant 0 : i32
        %dma_start3A_84 = tpu.memref_slice %arg7[%dma_start3A_82, %dma_start3A_83] : memref<10112x128xf32, #tpu.memory_space<vmem_shared>> -> memref<10112x128xf32, #tpu.memory_space<vmem_shared>>
        tpu.enqueue_indirect_dma source(%arg11 : memref<128x128xf32, #tpu.memory_space<vmem>>) target(%dma_start3A_84 : memref<10112x128xf32, #tpu.memory_space<vmem_shared>>) offsets(%dma_start3A_81 : memref<128xi32, #tpu.memory_space<vmem>>) semaphore(%run_scoped3A : memref<!tpu.dma_semaphore, #tpu.memory_space<semaphore_mem>>) {add = true}
        %dma_wait3A_85 = arith.constant 0 : i32
        %dma_wait3A_86 = tpu.memref_slice %arg9[%add3A_71, %dma_wait3A_85] : memref<40x128xi32, #tpu.memory_space<vmem>> -> memref<1x128xi32, #tpu.memory_space<vmem>>
        %dma_wait3A_87 = tpu.memref_squeeze %dma_wait3A_86 : memref<1x128xi32, #tpu.memory_space<vmem>> -> memref<128xi32, #tpu.memory_space<vmem>>
        %dma_wait3A_88 = arith.constant 0 : i32
        %dma_wait3A_89 = arith.constant 0 : i32
        %dma_wait3A_90 = tpu.memref_slice %arg7[%dma_wait3A_88, %dma_wait3A_89] : memref<10112x128xf32, #tpu.memory_space<vmem_shared>> -> memref<10112x128xf32, #tpu.memory_space<vmem_shared>>
        tpu.wait_indirect_dma semaphore(%run_scoped3A : memref<!tpu.dma_semaphore, #tpu.memory_space<semaphore_mem>>) src(%arg11 : memref<128x128xf32, #tpu.memory_space<vmem>>) dst(%dma_wait3A_90 : memref<10112x128xf32, #tpu.memory_space<vmem_shared>>)
        tpu.yield
      }) : () -> ()
      %add3A_72 = arith.constant 3 : i32
      %add3A_73 = arith.addi %add3A_52, %add3A_72 : i32
      %lt3A_74 = arith.constant 40 : i32
      %lt3A_75 = arith.cmpi slt, %add3A_73, %lt3A_74 : i32
      %convert_element_type3A_76 = arith.extui %lt3A_75 : i1 to i32
      %cond3A_77 = arith.constant 0 : i32
      %cond3A_78 = arith.cmpi ne, %convert_element_type3A_76, %cond3A_77 : i32
      scf.if %cond3A_78 {
        %add3A_79 = arith.constant 3 : i32
        %add3A_80 = arith.addi %add3A_52, %add3A_79 : i32
        %dma_start3A_81 = arith.constant 0 : i32
        %dma_start3A_82 = tpu.memref_slice %arg8[%add3A_80, %dma_start3A_81] : memref<40x128xi32, #tpu.memory_space<vmem>> -> memref<1x128xi32, #tpu.memory_space<vmem>>
        %dma_start3A_83 = tpu.memref_squeeze %dma_start3A_82 : memref<1x128xi32, #tpu.memory_space<vmem>> -> memref<128xi32, #tpu.memory_space<vmem>>
        %dma_start3A_84 = arith.constant 0 : i32
        %dma_start3A_85 = arith.constant 0 : i32
        %dma_start3A_86 = tpu.memref_slice %arg2[%dma_start3A_84, %dma_start3A_85] : memref<10000x128xf32, #tpu.memory_space<hbm>> -> memref<10000x128xf32, #tpu.memory_space<hbm>>
        tpu.enqueue_indirect_dma source(%dma_start3A_86 : memref<10000x128xf32, #tpu.memory_space<hbm>>) target(%arg11 : memref<128x128xf32, #tpu.memory_space<vmem>>) offsets(%dma_start3A_83 : memref<128xi32, #tpu.memory_space<vmem>>) semaphore(%arg13 : memref<!tpu.dma_semaphore, #tpu.memory_space<semaphore_mem>>)
      } else {
      }
    }
    %scan3A_23 = arith.constant 20 : i32
    %mul3A_24 = arith.constant 80 : i32
    %mul3A_25 = arith.muli %add3A, %mul3A_24 : i32
    %add3A_26 = arith.constant 40 : i32
    %add3A_27 = arith.addi %mul3A_25, %add3A_26 : i32
    "tpu.region"() ({
      %run_scoped3A = tpu.sem_alloc : memref<!tpu.dma_semaphore, #tpu.memory_space<semaphore_mem>>
      %dma_start3A_48 = arith.constant 0 : i32
      %dma_start3A_49 = tpu.memref_slice %arg3[%add3A_27, %dma_start3A_48] : memref<2560x128xi32, #tpu.memory_space<hbm>> -> memref<40x128xi32, #tpu.memory_space<hbm>>
      %dma_start3A_50 = arith.constant 0 : i32
      %dma_start3A_51 = tpu.memref_slice %arg3[%add3A_27, %dma_start3A_50] : memref<2560x128xi32, #tpu.memory_space<hbm>> -> memref<40x128xi32, #tpu.memory_space<hbm>>
      tpu.enqueue_dma source(%dma_start3A_51 : memref<40x128xi32, #tpu.memory_space<hbm>>) target(%arg8 : memref<40x128xi32, #tpu.memory_space<vmem>>) target_semaphore(%run_scoped3A : memref<!tpu.dma_semaphore, #tpu.memory_space<semaphore_mem>>)
      %dma_wait3A = arith.constant 0 : i32
      %dma_wait3A_52 = tpu.memref_slice %arg3[%add3A_27, %dma_wait3A] : memref<2560x128xi32, #tpu.memory_space<hbm>> -> memref<40x128xi32, #tpu.memory_space<hbm>>
      %dma_wait3A_53 = arith.constant 0 : i32
      %dma_wait3A_54 = tpu.memref_slice %arg3[%add3A_27, %dma_wait3A_53] : memref<2560x128xi32, #tpu.memory_space<hbm>> -> memref<40x128xi32, #tpu.memory_space<hbm>>
      tpu.wait_dma2 semaphore(%run_scoped3A : memref<!tpu.dma_semaphore, #tpu.memory_space<semaphore_mem>>) src(%dma_wait3A_54 : memref<40x128xi32, #tpu.memory_space<hbm>>) dst(%arg8 : memref<40x128xi32, #tpu.memory_space<vmem>>)
      tpu.yield
    }) : () -> ()
    "tpu.region"() ({
      %run_scoped3A = tpu.sem_alloc : memref<!tpu.dma_semaphore, #tpu.memory_space<semaphore_mem>>
      %dma_start3A_48 = arith.constant 0 : i32
      %dma_start3A_49 = tpu.memref_slice %arg4[%add3A_27, %dma_start3A_48] : memref<2560x128xi32, #tpu.memory_space<hbm>> -> memref<40x128xi32, #tpu.memory_space<hbm>>
      %dma_start3A_50 = arith.constant 0 : i32
      %dma_start3A_51 = tpu.memref_slice %arg4[%add3A_27, %dma_start3A_50] : memref<2560x128xi32, #tpu.memory_space<hbm>> -> memref<40x128xi32, #tpu.memory_space<hbm>>
      tpu.enqueue_dma source(%dma_start3A_51 : memref<40x128xi32, #tpu.memory_space<hbm>>) target(%arg9 : memref<40x128xi32, #tpu.memory_space<vmem>>) target_semaphore(%run_scoped3A : memref<!tpu.dma_semaphore, #tpu.memory_space<semaphore_mem>>)
      %dma_wait3A = arith.constant 0 : i32
      %dma_wait3A_52 = tpu.memref_slice %arg4[%add3A_27, %dma_wait3A] : memref<2560x128xi32, #tpu.memory_space<hbm>> -> memref<40x128xi32, #tpu.memory_space<hbm>>
      %dma_wait3A_53 = arith.constant 0 : i32
      %dma_wait3A_54 = tpu.memref_slice %arg4[%add3A_27, %dma_wait3A_53] : memref<2560x128xi32, #tpu.memory_space<hbm>> -> memref<40x128xi32, #tpu.memory_space<hbm>>
      tpu.wait_dma2 semaphore(%run_scoped3A : memref<!tpu.dma_semaphore, #tpu.memory_space<semaphore_mem>>) src(%dma_wait3A_54 : memref<40x128xi32, #tpu.memory_space<hbm>>) dst(%arg9 : memref<40x128xi32, #tpu.memory_space<vmem>>)
      tpu.yield
    }) : () -> ()
    %dma_start3A_28 = arith.constant 0 : i32
    %dma_start3A_29 = arith.constant 0 : i32
    %dma_start3A_30 = tpu.memref_slice %arg8[%dma_start3A_28, %dma_start3A_29] : memref<40x128xi32, #tpu.memory_space<vmem>> -> memref<1x128xi32, #tpu.memory_space<vmem>>
    %dma_start3A_31 = tpu.memref_squeeze %dma_start3A_30 : memref<1x128xi32, #tpu.memory_space<vmem>> -> memref<128xi32, #tpu.memory_space<vmem>>
    %dma_start3A_32 = arith.constant 0 : i32
    %dma_start3A_33 = arith.constant 0 : i32
    %dma_start3A_34 = tpu.memref_slice %arg2[%dma_start3A_32, %dma_start3A_33] : memref<10000x128xf32, #tpu.memory_space<hbm>> -> memref<10000x128xf32, #tpu.memory_space<hbm>>
    tpu.enqueue_indirect_dma source(%dma_start3A_34 : memref<10000x128xf32, #tpu.memory_space<hbm>>) target(%arg10 : memref<128x128xf32, #tpu.memory_space<vmem>>) offsets(%dma_start3A_31 : memref<128xi32, #tpu.memory_space<vmem>>) semaphore(%arg12 : memref<!tpu.dma_semaphore, #tpu.memory_space<semaphore_mem>>)
    %dma_start3A_35 = arith.constant 1 : i32
    %dma_start3A_36 = arith.constant 0 : i32
    %dma_start3A_37 = tpu.memref_slice %arg8[%dma_start3A_35, %dma_start3A_36] : memref<40x128xi32, #tpu.memory_space<vmem>> -> memref<1x128xi32, #tpu.memory_space<vmem>>
    %dma_start3A_38 = tpu.memref_squeeze %dma_start3A_37 : memref<1x128xi32, #tpu.memory_space<vmem>> -> memref<128xi32, #tpu.memory_space<vmem>>
    %dma_start3A_39 = arith.constant 0 : i32
    %dma_start3A_40 = arith.constant 0 : i32
    %dma_start3A_41 = tpu.memref_slice %arg2[%dma_start3A_39, %dma_start3A_40] : memref<10000x128xf32, #tpu.memory_space<hbm>> -> memref<10000x128xf32, #tpu.memory_space<hbm>>
    tpu.enqueue_indirect_dma source(%dma_start3A_41 : memref<10000x128xf32, #tpu.memory_space<hbm>>) target(%arg11 : memref<128x128xf32, #tpu.memory_space<vmem>>) offsets(%dma_start3A_38 : memref<128xi32, #tpu.memory_space<vmem>>) semaphore(%arg13 : memref<!tpu.dma_semaphore, #tpu.memory_space<semaphore_mem>>)
    %scan3A_42 = arith.constant 0 : i32
    %scan3A_43 = arith.constant 20 : i32
    %scan3A_44 = arith.addi %scan3A_42, %scan3A_43 : i32
    %scan3A_45 = arith.constant 1 : i32
    scf.for %scan3A_48 = %scan3A_42 to %scan3A_44 step %scan3A_45  : i32 {
      %mul3A_49 = arith.constant 2 : i32
      %mul3A_50 = arith.muli %scan3A_48, %mul3A_49 : i32
      %add3A_51 = arith.constant 0 : i32
      %add3A_52 = arith.addi %add3A_51, %mul3A_50 : i32
      %dma_wait3A = arith.constant 0 : i32
      %dma_wait3A_53 = tpu.memref_slice %arg8[%add3A_52, %dma_wait3A] : memref<40x128xi32, #tpu.memory_space<vmem>> -> memref<1x128xi32, #tpu.memory_space<vmem>>
      %dma_wait3A_54 = tpu.memref_squeeze %dma_wait3A_53 : memref<1x128xi32, #tpu.memory_space<vmem>> -> memref<128xi32, #tpu.memory_space<vmem>>
      %dma_wait3A_55 = arith.constant 0 : i32
      %dma_wait3A_56 = arith.constant 0 : i32
      %dma_wait3A_57 = tpu.memref_slice %arg2[%dma_wait3A_55, %dma_wait3A_56] : memref<10000x128xf32, #tpu.memory_space<hbm>> -> memref<10000x128xf32, #tpu.memory_space<hbm>>
      tpu.wait_indirect_dma semaphore(%arg12 : memref<!tpu.dma_semaphore, #tpu.memory_space<semaphore_mem>>) src(%dma_wait3A_57 : memref<10000x128xf32, #tpu.memory_space<hbm>>) dst(%arg10 : memref<128x128xf32, #tpu.memory_space<vmem>>)
      "tpu.region"() ({
        %run_scoped3A = tpu.sem_alloc : memref<!tpu.dma_semaphore, #tpu.memory_space<semaphore_mem>>
        %dma_start3A_79 = arith.constant 0 : i32
        %dma_start3A_80 = tpu.memref_slice %arg9[%add3A_52, %dma_start3A_79] : memref<40x128xi32, #tpu.memory_space<vmem>> -> memref<1x128xi32, #tpu.memory_space<vmem>>
        %dma_start3A_81 = tpu.memref_squeeze %dma_start3A_80 : memref<1x128xi32, #tpu.memory_space<vmem>> -> memref<128xi32, #tpu.memory_space<vmem>>
        %dma_start3A_82 = arith.constant 0 : i32
        %dma_start3A_83 = arith.constant 0 : i32
        %dma_start3A_84 = tpu.memref_slice %arg7[%dma_start3A_82, %dma_start3A_83] : memref<10112x128xf32, #tpu.memory_space<vmem_shared>> -> memref<10112x128xf32, #tpu.memory_space<vmem_shared>>
        tpu.enqueue_indirect_dma source(%arg10 : memref<128x128xf32, #tpu.memory_space<vmem>>) target(%dma_start3A_84 : memref<10112x128xf32, #tpu.memory_space<vmem_shared>>) offsets(%dma_start3A_81 : memref<128xi32, #tpu.memory_space<vmem>>) semaphore(%run_scoped3A : memref<!tpu.dma_semaphore, #tpu.memory_space<semaphore_mem>>) {add = true}
        %dma_wait3A_85 = arith.constant 0 : i32
        %dma_wait3A_86 = tpu.memref_slice %arg9[%add3A_52, %dma_wait3A_85] : memref<40x128xi32, #tpu.memory_space<vmem>> -> memref<1x128xi32, #tpu.memory_space<vmem>>
        %dma_wait3A_87 = tpu.memref_squeeze %dma_wait3A_86 : memref<1x128xi32, #tpu.memory_space<vmem>> -> memref<128xi32, #tpu.memory_space<vmem>>
        %dma_wait3A_88 = arith.constant 0 : i32
        %dma_wait3A_89 = arith.constant 0 : i32
        %dma_wait3A_90 = tpu.memref_slice %arg7[%dma_wait3A_88, %dma_wait3A_89] : memref<10112x128xf32, #tpu.memory_space<vmem_shared>> -> memref<10112x128xf32, #tpu.memory_space<vmem_shared>>
        tpu.wait_indirect_dma semaphore(%run_scoped3A : memref<!tpu.dma_semaphore, #tpu.memory_space<semaphore_mem>>) src(%arg10 : memref<128x128xf32, #tpu.memory_space<vmem>>) dst(%dma_wait3A_90 : memref<10112x128xf32, #tpu.memory_space<vmem_shared>>)
        tpu.yield
      }) : () -> ()
      %add3A_58 = arith.constant 2 : i32
      %add3A_59 = arith.addi %add3A_52, %add3A_58 : i32
      %lt3A = arith.constant 40 : i32
      %lt3A_60 = arith.cmpi slt, %add3A_59, %lt3A : i32
      %convert_element_type3A = arith.extui %lt3A_60 : i1 to i32
      %cond3A = arith.constant 0 : i32
      %cond3A_61 = arith.cmpi ne, %convert_element_type3A, %cond3A : i32
      scf.if %cond3A_61 {
        %add3A_79 = arith.constant 2 : i32
        %add3A_80 = arith.addi %add3A_52, %add3A_79 : i32
        %dma_start3A_81 = arith.constant 0 : i32
        %dma_start3A_82 = tpu.memref_slice %arg8[%add3A_80, %dma_start3A_81] : memref<40x128xi32, #tpu.memory_space<vmem>> -> memref<1x128xi32, #tpu.memory_space<vmem>>
        %dma_start3A_83 = tpu.memref_squeeze %dma_start3A_82 : memref<1x128xi32, #tpu.memory_space<vmem>> -> memref<128xi32, #tpu.memory_space<vmem>>
        %dma_start3A_84 = arith.constant 0 : i32
        %dma_start3A_85 = arith.constant 0 : i32
        %dma_start3A_86 = tpu.memref_slice %arg2[%dma_start3A_84, %dma_start3A_85] : memref<10000x128xf32, #tpu.memory_space<hbm>> -> memref<10000x128xf32, #tpu.memory_space<hbm>>
        tpu.enqueue_indirect_dma source(%dma_start3A_86 : memref<10000x128xf32, #tpu.memory_space<hbm>>) target(%arg10 : memref<128x128xf32, #tpu.memory_space<vmem>>) offsets(%dma_start3A_83 : memref<128xi32, #tpu.memory_space<vmem>>) semaphore(%arg12 : memref<!tpu.dma_semaphore, #tpu.memory_space<semaphore_mem>>)
      } else {
      }
      %add3A_62 = arith.constant 1 : i32
      %add3A_63 = arith.addi %add3A_52, %add3A_62 : i32
      %dma_wait3A_64 = arith.constant 0 : i32
      %dma_wait3A_65 = tpu.memref_slice %arg8[%add3A_63, %dma_wait3A_64] : memref<40x128xi32, #tpu.memory_space<vmem>> -> memref<1x128xi32, #tpu.memory_space<vmem>>
      %dma_wait3A_66 = tpu.memref_squeeze %dma_wait3A_65 : memref<1x128xi32, #tpu.memory_space<vmem>> -> memref<128xi32, #tpu.memory_space<vmem>>
      %dma_wait3A_67 = arith.constant 0 : i32
      %dma_wait3A_68 = arith.constant 0 : i32
      %dma_wait3A_69 = tpu.memref_slice %arg2[%dma_wait3A_67, %dma_wait3A_68] : memref<10000x128xf32, #tpu.memory_space<hbm>> -> memref<10000x128xf32, #tpu.memory_space<hbm>>
      tpu.wait_indirect_dma semaphore(%arg13 : memref<!tpu.dma_semaphore, #tpu.memory_space<semaphore_mem>>) src(%dma_wait3A_69 : memref<10000x128xf32, #tpu.memory_space<hbm>>) dst(%arg11 : memref<128x128xf32, #tpu.memory_space<vmem>>)
      %add3A_70 = arith.constant 1 : i32
      %add3A_71 = arith.addi %add3A_52, %add3A_70 : i32
      "tpu.region"() ({
        %run_scoped3A = tpu.sem_alloc : memref<!tpu.dma_semaphore, #tpu.memory_space<semaphore_mem>>
        %dma_start3A_79 = arith.constant 0 : i32
        %dma_start3A_80 = tpu.memref_slice %arg9[%add3A_71, %dma_start3A_79] : memref<40x128xi32, #tpu.memory_space<vmem>> -> memref<1x128xi32, #tpu.memory_space<vmem>>
        %dma_start3A_81 = tpu.memref_squeeze %dma_start3A_80 : memref<1x128xi32, #tpu.memory_space<vmem>> -> memref<128xi32, #tpu.memory_space<vmem>>
        %dma_start3A_82 = arith.constant 0 : i32
        %dma_start3A_83 = arith.constant 0 : i32
        %dma_start3A_84 = tpu.memref_slice %arg7[%dma_start3A_82, %dma_start3A_83] : memref<10112x128xf32, #tpu.memory_space<vmem_shared>> -> memref<10112x128xf32, #tpu.memory_space<vmem_shared>>
        tpu.enqueue_indirect_dma source(%arg11 : memref<128x128xf32, #tpu.memory_space<vmem>>) target(%dma_start3A_84 : memref<10112x128xf32, #tpu.memory_space<vmem_shared>>) offsets(%dma_start3A_81 : memref<128xi32, #tpu.memory_space<vmem>>) semaphore(%run_scoped3A : memref<!tpu.dma_semaphore, #tpu.memory_space<semaphore_mem>>) {add = true}
        %dma_wait3A_85 = arith.constant 0 : i32
        %dma_wait3A_86 = tpu.memref_slice %arg9[%add3A_71, %dma_wait3A_85] : memref<40x128xi32, #tpu.memory_space<vmem>> -> memref<1x128xi32, #tpu.memory_space<vmem>>
        %dma_wait3A_87 = tpu.memref_squeeze %dma_wait3A_86 : memref<1x128xi32, #tpu.memory_space<vmem>> -> memref<128xi32, #tpu.memory_space<vmem>>
        %dma_wait3A_88 = arith.constant 0 : i32
        %dma_wait3A_89 = arith.constant 0 : i32
        %dma_wait3A_90 = tpu.memref_slice %arg7[%dma_wait3A_88, %dma_wait3A_89] : memref<10112x128xf32, #tpu.memory_space<vmem_shared>> -> memref<10112x128xf32, #tpu.memory_space<vmem_shared>>
        tpu.wait_indirect_dma semaphore(%run_scoped3A : memref<!tpu.dma_semaphore, #tpu.memory_space<semaphore_mem>>) src(%arg11 : memref<128x128xf32, #tpu.memory_space<vmem>>) dst(%dma_wait3A_90 : memref<10112x128xf32, #tpu.memory_space<vmem_shared>>)
        tpu.yield
      }) : () -> ()
      %add3A_72 = arith.constant 3 : i32
      %add3A_73 = arith.addi %add3A_52, %add3A_72 : i32
      %lt3A_74 = arith.constant 40 : i32
      %lt3A_75 = arith.cmpi slt, %add3A_73, %lt3A_74 : i32
      %convert_element_type3A_76 = arith.extui %lt3A_75 : i1 to i32
      %cond3A_77 = arith.constant 0 : i32
      %cond3A_78 = arith.cmpi ne, %convert_element_type3A_76, %cond3A_77 : i32
      scf.if %cond3A_78 {
        %add3A_79 = arith.constant 3 : i32
        %add3A_80 = arith.addi %add3A_52, %add3A_79 : i32
        %dma_start3A_81 = arith.constant 0 : i32
        %dma_start3A_82 = tpu.memref_slice %arg8[%add3A_80, %dma_start3A_81] : memref<40x128xi32, #tpu.memory_space<vmem>> -> memref<1x128xi32, #tpu.memory_space<vmem>>
        %dma_start3A_83 = tpu.memref_squeeze %dma_start3A_82 : memref<1x128xi32, #tpu.memory_space<vmem>> -> memref<128xi32, #tpu.memory_space<vmem>>
        %dma_start3A_84 = arith.constant 0 : i32
        %dma_start3A_85 = arith.constant 0 : i32
        %dma_start3A_86 = tpu.memref_slice %arg2[%dma_start3A_84, %dma_start3A_85] : memref<10000x128xf32, #tpu.memory_space<hbm>> -> memref<10000x128xf32, #tpu.memory_space<hbm>>
        tpu.enqueue_indirect_dma source(%dma_start3A_86 : memref<10000x128xf32, #tpu.memory_space<hbm>>) target(%arg11 : memref<128x128xf32, #tpu.memory_space<vmem>>) offsets(%dma_start3A_83 : memref<128xi32, #tpu.memory_space<vmem>>) semaphore(%arg13 : memref<!tpu.dma_semaphore, #tpu.memory_space<semaphore_mem>>)
      } else {
      }
    }
    %scan3A_46 = arith.constant 20 : i32
    %barrier3A_47 = arith.constant 0 : index
    tpu.barrier barrier_id(%barrier3A_47)
    "tpu.region"() ({
      %run_scoped3A = tpu.sem_alloc : memref<!tpu.dma_semaphore, #tpu.memory_space<semaphore_mem>>
      %dma_start3A_48 = arith.constant 0 : i32
      %dma_start3A_49 = tpu.memref_slice %arg6[%arg0, %mul3A_2, %dma_start3A_48] : memref<2x10112x128xf32, #tpu.memory_space<hbm>> -> memref<1x632x128xf32, #tpu.memory_space<hbm>>
      %dma_start3A_50 = tpu.memref_squeeze %dma_start3A_49 : memref<1x632x128xf32, #tpu.memory_space<hbm>> -> memref<632x128xf32, #tpu.memory_space<hbm>>
      %dma_start3A_51 = arith.constant 0 : i32
      %dma_start3A_52 = tpu.memref_slice %arg7[%mul3A_2, %dma_start3A_51] : memref<10112x128xf32, #tpu.memory_space<vmem_shared>> -> memref<632x128xf32, #tpu.memory_space<vmem_shared>>
      tpu.enqueue_dma source(%dma_start3A_52 : memref<632x128xf32, #tpu.memory_space<vmem_shared>>) target(%dma_start3A_50 : memref<632x128xf32, #tpu.memory_space<hbm>>) target_semaphore(%run_scoped3A : memref<!tpu.dma_semaphore, #tpu.memory_space<semaphore_mem>>)
      %dma_wait3A = arith.constant 0 : i32
      %dma_wait3A_53 = tpu.memref_slice %arg6[%arg0, %mul3A_2, %dma_wait3A] : memref<2x10112x128xf32, #tpu.memory_space<hbm>> -> memref<1x632x128xf32, #tpu.memory_space<hbm>>
      %dma_wait3A_54 = tpu.memref_squeeze %dma_wait3A_53 : memref<1x632x128xf32, #tpu.memory_space<hbm>> -> memref<632x128xf32, #tpu.memory_space<hbm>>
      %dma_wait3A_55 = arith.constant 0 : i32
      %dma_wait3A_56 = tpu.memref_slice %arg7[%mul3A_2, %dma_wait3A_55] : memref<10112x128xf32, #tpu.memory_space<vmem_shared>> -> memref<632x128xf32, #tpu.memory_space<vmem_shared>>
      tpu.wait_dma2 semaphore(%run_scoped3A : memref<!tpu.dma_semaphore, #tpu.memory_space<semaphore_mem>>) src(%dma_wait3A_56 : memref<632x128xf32, #tpu.memory_space<vmem_shared>>) dst(%dma_wait3A_54 : memref<632x128xf32, #tpu.memory_space<hbm>>)
      tpu.yield
    }) : () -> ()
    return
  }
}

#map = affine_map<(d0, d1) -> (0, 0)>
#map1 = affine_map<(d0, d1) -> (0, 0, 0)>
module attributes {stable_mosaic.version = 14 : i64} {
  func.func @_sc_agg_body(%arg0: i32, %arg1: i32, %arg2: memref<10000x128xf32, #tpu.memory_space<hbm>>, %arg3: memref<2560x128xi32, #tpu.memory_space<hbm>>, %arg4: memref<2560x128xi32, #tpu.memory_space<hbm>>, %arg5: memref<10112x128xf32, #tpu.memory_space<hbm>>, %arg6: memref<2x10112x128xf32, #tpu.memory_space<hbm>>, %arg7: memref<10112x128xf32, #tpu.memory_space<vmem_shared>>, %arg8: memref<40x128xi32, #tpu.memory_space<vmem>>, %arg9: memref<40x128xi32, #tpu.memory_space<vmem>>, %arg10: memref<128x128xf32, #tpu.memory_space<vmem>>, %arg11: memref<128x128xf32, #tpu.memory_space<vmem>>, %arg12: memref<!tpu.dma_semaphore, #tpu.memory_space<semaphore_mem>>, %arg13: memref<!tpu.dma_semaphore, #tpu.memory_space<semaphore_mem>>) attributes {dimension_semantics = [#tpu.dimension_semantics<core_parallel>, #tpu.dimension_semantics<subcore_parallel>], iteration_bounds = array<i64: 2, 16>, scalar_prefetch = 0 : i64, scratch_operands = 7 : i64, tpu.core_type = #tpu.core_type<sc_vector_subcore>, window_params = [{transform_indices = #map}, {transform_indices = #map}, {transform_indices = #map}, {transform_indices = #map}, {transform_indices = #map1}]} {
    %mul3A = arith.constant 2 : i32
    %mul3A_0 = arith.muli %arg1, %mul3A : i32
    %add3A = arith.addi %mul3A_0, %arg0 : i32
    %mul3A_1 = arith.constant 632 : i32
    %mul3A_2 = arith.muli %arg1, %mul3A_1 : i32
    "tpu.region"() ({
      %run_scoped3A = tpu.sem_alloc : memref<!tpu.dma_semaphore, #tpu.memory_space<semaphore_mem>>
      %dma_start3A_48 = arith.constant 0 : i32
      %dma_start3A_49 = tpu.memref_slice %arg7[%mul3A_2, %dma_start3A_48] : memref<10112x128xf32, #tpu.memory_space<vmem_shared>> -> memref<632x128xf32, #tpu.memory_space<vmem_shared>>
      %dma_start3A_50 = arith.constant 0 : i32
      %dma_start3A_51 = tpu.memref_slice %arg5[%mul3A_2, %dma_start3A_50] : memref<10112x128xf32, #tpu.memory_space<hbm>> -> memref<632x128xf32, #tpu.memory_space<hbm>>
      tpu.enqueue_dma source(%dma_start3A_51 : memref<632x128xf32, #tpu.memory_space<hbm>>) target(%dma_start3A_49 : memref<632x128xf32, #tpu.memory_space<vmem_shared>>) target_semaphore(%run_scoped3A : memref<!tpu.dma_semaphore, #tpu.memory_space<semaphore_mem>>)
      %dma_wait3A = arith.constant 0 : i32
      %dma_wait3A_52 = tpu.memref_slice %arg7[%mul3A_2, %dma_wait3A] : memref<10112x128xf32, #tpu.memory_space<vmem_shared>> -> memref<632x128xf32, #tpu.memory_space<vmem_shared>>
      %dma_wait3A_53 = arith.constant 0 : i32
      %dma_wait3A_54 = tpu.memref_slice %arg5[%mul3A_2, %dma_wait3A_53] : memref<10112x128xf32, #tpu.memory_space<hbm>> -> memref<632x128xf32, #tpu.memory_space<hbm>>
      tpu.wait_dma2 semaphore(%run_scoped3A : memref<!tpu.dma_semaphore, #tpu.memory_space<semaphore_mem>>) src(%dma_wait3A_54 : memref<632x128xf32, #tpu.memory_space<hbm>>) dst(%dma_wait3A_52 : memref<632x128xf32, #tpu.memory_space<vmem_shared>>)
      tpu.yield
    }) : () -> ()
    %barrier3A = arith.constant 0 : index
    tpu.barrier barrier_id(%barrier3A)
    %mul3A_3 = arith.constant 80 : i32
    %mul3A_4 = arith.muli %add3A, %mul3A_3 : i32
    %add3A_5 = arith.constant 0 : i32
    %add3A_6 = arith.addi %mul3A_4, %add3A_5 : i32
    "tpu.region"() ({
      %run_scoped3A = tpu.sem_alloc : memref<!tpu.dma_semaphore, #tpu.memory_space<semaphore_mem>>
      %dma_start3A_48 = arith.constant 0 : i32
      %dma_start3A_49 = tpu.memref_slice %arg3[%add3A_6, %dma_start3A_48] : memref<2560x128xi32, #tpu.memory_space<hbm>> -> memref<40x128xi32, #tpu.memory_space<hbm>>
      %dma_start3A_50 = arith.constant 0 : i32
      %dma_start3A_51 = tpu.memref_slice %arg3[%add3A_6, %dma_start3A_50] : memref<2560x128xi32, #tpu.memory_space<hbm>> -> memref<40x128xi32, #tpu.memory_space<hbm>>
      tpu.enqueue_dma source(%dma_start3A_51 : memref<40x128xi32, #tpu.memory_space<hbm>>) target(%arg8 : memref<40x128xi32, #tpu.memory_space<vmem>>) target_semaphore(%run_scoped3A : memref<!tpu.dma_semaphore, #tpu.memory_space<semaphore_mem>>)
      %dma_wait3A = arith.constant 0 : i32
      %dma_wait3A_52 = tpu.memref_slice %arg3[%add3A_6, %dma_wait3A] : memref<2560x128xi32, #tpu.memory_space<hbm>> -> memref<40x128xi32, #tpu.memory_space<hbm>>
      %dma_wait3A_53 = arith.constant 0 : i32
      %dma_wait3A_54 = tpu.memref_slice %arg3[%add3A_6, %dma_wait3A_53] : memref<2560x128xi32, #tpu.memory_space<hbm>> -> memref<40x128xi32, #tpu.memory_space<hbm>>
      tpu.wait_dma2 semaphore(%run_scoped3A : memref<!tpu.dma_semaphore, #tpu.memory_space<semaphore_mem>>) src(%dma_wait3A_54 : memref<40x128xi32, #tpu.memory_space<hbm>>) dst(%arg8 : memref<40x128xi32, #tpu.memory_space<vmem>>)
      tpu.yield
    }) : () -> ()
    "tpu.region"() ({
      %run_scoped3A = tpu.sem_alloc : memref<!tpu.dma_semaphore, #tpu.memory_space<semaphore_mem>>
      %dma_start3A_48 = arith.constant 0 : i32
      %dma_start3A_49 = tpu.memref_slice %arg4[%add3A_6, %dma_start3A_48] : memref<2560x128xi32, #tpu.memory_space<hbm>> -> memref<40x128xi32, #tpu.memory_space<hbm>>
      %dma_start3A_50 = arith.constant 0 : i32
      %dma_start3A_51 = tpu.memref_slice %arg4[%add3A_6, %dma_start3A_50] : memref<2560x128xi32, #tpu.memory_space<hbm>> -> memref<40x128xi32, #tpu.memory_space<hbm>>
      tpu.enqueue_dma source(%dma_start3A_51 : memref<40x128xi32, #tpu.memory_space<hbm>>) target(%arg9 : memref<40x128xi32, #tpu.memory_space<vmem>>) target_semaphore(%run_scoped3A : memref<!tpu.dma_semaphore, #tpu.memory_space<semaphore_mem>>)
      %dma_wait3A = arith.constant 0 : i32
      %dma_wait3A_52 = tpu.memref_slice %arg4[%add3A_6, %dma_wait3A] : memref<2560x128xi32, #tpu.memory_space<hbm>> -> memref<40x128xi32, #tpu.memory_space<hbm>>
      %dma_wait3A_53 = arith.constant 0 : i32
      %dma_wait3A_54 = tpu.memref_slice %arg4[%add3A_6, %dma_wait3A_53] : memref<2560x128xi32, #tpu.memory_space<hbm>> -> memref<40x128xi32, #tpu.memory_space<hbm>>
      tpu.wait_dma2 semaphore(%run_scoped3A : memref<!tpu.dma_semaphore, #tpu.memory_space<semaphore_mem>>) src(%dma_wait3A_54 : memref<40x128xi32, #tpu.memory_space<hbm>>) dst(%arg9 : memref<40x128xi32, #tpu.memory_space<vmem>>)
      tpu.yield
    }) : () -> ()
    %dma_start3A = arith.constant 0 : i32
    %dma_start3A_7 = arith.constant 0 : i32
    %dma_start3A_8 = tpu.memref_slice %arg8[%dma_start3A, %dma_start3A_7] : memref<40x128xi32, #tpu.memory_space<vmem>> -> memref<1x128xi32, #tpu.memory_space<vmem>>
    %dma_start3A_9 = tpu.memref_squeeze %dma_start3A_8 : memref<1x128xi32, #tpu.memory_space<vmem>> -> memref<128xi32, #tpu.memory_space<vmem>>
    %dma_start3A_10 = arith.constant 0 : i32
    %dma_start3A_11 = arith.constant 0 : i32
    %dma_start3A_12 = tpu.memref_slice %arg2[%dma_start3A_10, %dma_start3A_11] : memref<10000x128xf32, #tpu.memory_space<hbm>> -> memref<10000x128xf32, #tpu.memory_space<hbm>>
    tpu.enqueue_indirect_dma source(%dma_start3A_12 : memref<10000x128xf32, #tpu.memory_space<hbm>>) target(%arg10 : memref<128x128xf32, #tpu.memory_space<vmem>>) offsets(%dma_start3A_9 : memref<128xi32, #tpu.memory_space<vmem>>) semaphore(%arg12 : memref<!tpu.dma_semaphore, #tpu.memory_space<semaphore_mem>>)
    %dma_start3A_13 = arith.constant 1 : i32
    %dma_start3A_14 = arith.constant 0 : i32
    %dma_start3A_15 = tpu.memref_slice %arg8[%dma_start3A_13, %dma_start3A_14] : memref<40x128xi32, #tpu.memory_space<vmem>> -> memref<1x128xi32, #tpu.memory_space<vmem>>
    %dma_start3A_16 = tpu.memref_squeeze %dma_start3A_15 : memref<1x128xi32, #tpu.memory_space<vmem>> -> memref<128xi32, #tpu.memory_space<vmem>>
    %dma_start3A_17 = arith.constant 0 : i32
    %dma_start3A_18 = arith.constant 0 : i32
    %dma_start3A_19 = tpu.memref_slice %arg2[%dma_start3A_17, %dma_start3A_18] : memref<10000x128xf32, #tpu.memory_space<hbm>> -> memref<10000x128xf32, #tpu.memory_space<hbm>>
    tpu.enqueue_indirect_dma source(%dma_start3A_19 : memref<10000x128xf32, #tpu.memory_space<hbm>>) target(%arg11 : memref<128x128xf32, #tpu.memory_space<vmem>>) offsets(%dma_start3A_16 : memref<128xi32, #tpu.memory_space<vmem>>) semaphore(%arg13 : memref<!tpu.dma_semaphore, #tpu.memory_space<semaphore_mem>>)
    %scan3A = arith.constant 0 : i32
    %scan3A_20 = arith.constant 20 : i32
    %scan3A_21 = arith.addi %scan3A, %scan3A_20 : i32
    %scan3A_22 = arith.constant 1 : i32
    scf.for %scan3A_48 = %scan3A to %scan3A_21 step %scan3A_22  : i32 {
      %mul3A_49 = arith.constant 2 : i32
      %mul3A_50 = arith.muli %scan3A_48, %mul3A_49 : i32
      %add3A_51 = arith.constant 0 : i32
      %add3A_52 = arith.addi %add3A_51, %mul3A_50 : i32
      %dma_wait3A = arith.constant 0 : i32
      %dma_wait3A_53 = tpu.memref_slice %arg8[%add3A_52, %dma_wait3A] : memref<40x128xi32, #tpu.memory_space<vmem>> -> memref<1x128xi32, #tpu.memory_space<vmem>>
      %dma_wait3A_54 = tpu.memref_squeeze %dma_wait3A_53 : memref<1x128xi32, #tpu.memory_space<vmem>> -> memref<128xi32, #tpu.memory_space<vmem>>
      %dma_wait3A_55 = arith.constant 0 : i32
      %dma_wait3A_56 = arith.constant 0 : i32
      %dma_wait3A_57 = tpu.memref_slice %arg2[%dma_wait3A_55, %dma_wait3A_56] : memref<10000x128xf32, #tpu.memory_space<hbm>> -> memref<10000x128xf32, #tpu.memory_space<hbm>>
      tpu.wait_indirect_dma semaphore(%arg12 : memref<!tpu.dma_semaphore, #tpu.memory_space<semaphore_mem>>) src(%dma_wait3A_57 : memref<10000x128xf32, #tpu.memory_space<hbm>>) dst(%arg10 : memref<128x128xf32, #tpu.memory_space<vmem>>)
      "tpu.region"() ({
        %run_scoped3A = tpu.sem_alloc : memref<!tpu.dma_semaphore, #tpu.memory_space<semaphore_mem>>
        %dma_start3A_79 = arith.constant 0 : i32
        %dma_start3A_80 = tpu.memref_slice %arg9[%add3A_52, %dma_start3A_79] : memref<40x128xi32, #tpu.memory_space<vmem>> -> memref<1x128xi32, #tpu.memory_space<vmem>>
        %dma_start3A_81 = tpu.memref_squeeze %dma_start3A_80 : memref<1x128xi32, #tpu.memory_space<vmem>> -> memref<128xi32, #tpu.memory_space<vmem>>
        %dma_start3A_82 = arith.constant 0 : i32
        %dma_start3A_83 = arith.constant 0 : i32
        %dma_start3A_84 = tpu.memref_slice %arg7[%dma_start3A_82, %dma_start3A_83] : memref<10112x128xf32, #tpu.memory_space<vmem_shared>> -> memref<10112x128xf32, #tpu.memory_space<vmem_shared>>
        tpu.enqueue_indirect_dma source(%arg10 : memref<128x128xf32, #tpu.memory_space<vmem>>) target(%dma_start3A_84 : memref<10112x128xf32, #tpu.memory_space<vmem_shared>>) offsets(%dma_start3A_81 : memref<128xi32, #tpu.memory_space<vmem>>) semaphore(%run_scoped3A : memref<!tpu.dma_semaphore, #tpu.memory_space<semaphore_mem>>) {add = true}
        %dma_wait3A_85 = arith.constant 0 : i32
        %dma_wait3A_86 = tpu.memref_slice %arg9[%add3A_52, %dma_wait3A_85] : memref<40x128xi32, #tpu.memory_space<vmem>> -> memref<1x128xi32, #tpu.memory_space<vmem>>
        %dma_wait3A_87 = tpu.memref_squeeze %dma_wait3A_86 : memref<1x128xi32, #tpu.memory_space<vmem>> -> memref<128xi32, #tpu.memory_space<vmem>>
        %dma_wait3A_88 = arith.constant 0 : i32
        %dma_wait3A_89 = arith.constant 0 : i32
        %dma_wait3A_90 = tpu.memref_slice %arg7[%dma_wait3A_88, %dma_wait3A_89] : memref<10112x128xf32, #tpu.memory_space<vmem_shared>> -> memref<10112x128xf32, #tpu.memory_space<vmem_shared>>
        tpu.wait_indirect_dma semaphore(%run_scoped3A : memref<!tpu.dma_semaphore, #tpu.memory_space<semaphore_mem>>) src(%arg10 : memref<128x128xf32, #tpu.memory_space<vmem>>) dst(%dma_wait3A_90 : memref<10112x128xf32, #tpu.memory_space<vmem_shared>>)
        tpu.yield
      }) : () -> ()
      %add3A_58 = arith.constant 2 : i32
      %add3A_59 = arith.addi %add3A_52, %add3A_58 : i32
      %lt3A = arith.constant 40 : i32
      %lt3A_60 = arith.cmpi slt, %add3A_59, %lt3A : i32
      %convert_element_type3A = arith.extui %lt3A_60 : i1 to i32
      %cond3A = arith.constant 0 : i32
      %cond3A_61 = arith.cmpi ne, %convert_element_type3A, %cond3A : i32
      scf.if %cond3A_61 {
        %add3A_79 = arith.constant 2 : i32
        %add3A_80 = arith.addi %add3A_52, %add3A_79 : i32
        %dma_start3A_81 = arith.constant 0 : i32
        %dma_start3A_82 = tpu.memref_slice %arg8[%add3A_80, %dma_start3A_81] : memref<40x128xi32, #tpu.memory_space<vmem>> -> memref<1x128xi32, #tpu.memory_space<vmem>>
        %dma_start3A_83 = tpu.memref_squeeze %dma_start3A_82 : memref<1x128xi32, #tpu.memory_space<vmem>> -> memref<128xi32, #tpu.memory_space<vmem>>
        %dma_start3A_84 = arith.constant 0 : i32
        %dma_start3A_85 = arith.constant 0 : i32
        %dma_start3A_86 = tpu.memref_slice %arg2[%dma_start3A_84, %dma_start3A_85] : memref<10000x128xf32, #tpu.memory_space<hbm>> -> memref<10000x128xf32, #tpu.memory_space<hbm>>
        tpu.enqueue_indirect_dma source(%dma_start3A_86 : memref<10000x128xf32, #tpu.memory_space<hbm>>) target(%arg10 : memref<128x128xf32, #tpu.memory_space<vmem>>) offsets(%dma_start3A_83 : memref<128xi32, #tpu.memory_space<vmem>>) semaphore(%arg12 : memref<!tpu.dma_semaphore, #tpu.memory_space<semaphore_mem>>)
      } else {
      }
      %add3A_62 = arith.constant 1 : i32
      %add3A_63 = arith.addi %add3A_52, %add3A_62 : i32
      %dma_wait3A_64 = arith.constant 0 : i32
      %dma_wait3A_65 = tpu.memref_slice %arg8[%add3A_63, %dma_wait3A_64] : memref<40x128xi32, #tpu.memory_space<vmem>> -> memref<1x128xi32, #tpu.memory_space<vmem>>
      %dma_wait3A_66 = tpu.memref_squeeze %dma_wait3A_65 : memref<1x128xi32, #tpu.memory_space<vmem>> -> memref<128xi32, #tpu.memory_space<vmem>>
      %dma_wait3A_67 = arith.constant 0 : i32
      %dma_wait3A_68 = arith.constant 0 : i32
      %dma_wait3A_69 = tpu.memref_slice %arg2[%dma_wait3A_67, %dma_wait3A_68] : memref<10000x128xf32, #tpu.memory_space<hbm>> -> memref<10000x128xf32, #tpu.memory_space<hbm>>
      tpu.wait_indirect_dma semaphore(%arg13 : memref<!tpu.dma_semaphore, #tpu.memory_space<semaphore_mem>>) src(%dma_wait3A_69 : memref<10000x128xf32, #tpu.memory_space<hbm>>) dst(%arg11 : memref<128x128xf32, #tpu.memory_space<vmem>>)
      %add3A_70 = arith.constant 1 : i32
      %add3A_71 = arith.addi %add3A_52, %add3A_70 : i32
      "tpu.region"() ({
        %run_scoped3A = tpu.sem_alloc : memref<!tpu.dma_semaphore, #tpu.memory_space<semaphore_mem>>
        %dma_start3A_79 = arith.constant 0 : i32
        %dma_start3A_80 = tpu.memref_slice %arg9[%add3A_71, %dma_start3A_79] : memref<40x128xi32, #tpu.memory_space<vmem>> -> memref<1x128xi32, #tpu.memory_space<vmem>>
        %dma_start3A_81 = tpu.memref_squeeze %dma_start3A_80 : memref<1x128xi32, #tpu.memory_space<vmem>> -> memref<128xi32, #tpu.memory_space<vmem>>
        %dma_start3A_82 = arith.constant 0 : i32
        %dma_start3A_83 = arith.constant 0 : i32
        %dma_start3A_84 = tpu.memref_slice %arg7[%dma_start3A_82, %dma_start3A_83] : memref<10112x128xf32, #tpu.memory_space<vmem_shared>> -> memref<10112x128xf32, #tpu.memory_space<vmem_shared>>
        tpu.enqueue_indirect_dma source(%arg11 : memref<128x128xf32, #tpu.memory_space<vmem>>) target(%dma_start3A_84 : memref<10112x128xf32, #tpu.memory_space<vmem_shared>>) offsets(%dma_start3A_81 : memref<128xi32, #tpu.memory_space<vmem>>) semaphore(%run_scoped3A : memref<!tpu.dma_semaphore, #tpu.memory_space<semaphore_mem>>) {add = true}
        %dma_wait3A_85 = arith.constant 0 : i32
        %dma_wait3A_86 = tpu.memref_slice %arg9[%add3A_71, %dma_wait3A_85] : memref<40x128xi32, #tpu.memory_space<vmem>> -> memref<1x128xi32, #tpu.memory_space<vmem>>
        %dma_wait3A_87 = tpu.memref_squeeze %dma_wait3A_86 : memref<1x128xi32, #tpu.memory_space<vmem>> -> memref<128xi32, #tpu.memory_space<vmem>>
        %dma_wait3A_88 = arith.constant 0 : i32
        %dma_wait3A_89 = arith.constant 0 : i32
        %dma_wait3A_90 = tpu.memref_slice %arg7[%dma_wait3A_88, %dma_wait3A_89] : memref<10112x128xf32, #tpu.memory_space<vmem_shared>> -> memref<10112x128xf32, #tpu.memory_space<vmem_shared>>
        tpu.wait_indirect_dma semaphore(%run_scoped3A : memref<!tpu.dma_semaphore, #tpu.memory_space<semaphore_mem>>) src(%arg11 : memref<128x128xf32, #tpu.memory_space<vmem>>) dst(%dma_wait3A_90 : memref<10112x128xf32, #tpu.memory_space<vmem_shared>>)
        tpu.yield
      }) : () -> ()
      %add3A_72 = arith.constant 3 : i32
      %add3A_73 = arith.addi %add3A_52, %add3A_72 : i32
      %lt3A_74 = arith.constant 40 : i32
      %lt3A_75 = arith.cmpi slt, %add3A_73, %lt3A_74 : i32
      %convert_element_type3A_76 = arith.extui %lt3A_75 : i1 to i32
      %cond3A_77 = arith.constant 0 : i32
      %cond3A_78 = arith.cmpi ne, %convert_element_type3A_76, %cond3A_77 : i32
      scf.if %cond3A_78 {
        %add3A_79 = arith.constant 3 : i32
        %add3A_80 = arith.addi %add3A_52, %add3A_79 : i32
        %dma_start3A_81 = arith.constant 0 : i32
        %dma_start3A_82 = tpu.memref_slice %arg8[%add3A_80, %dma_start3A_81] : memref<40x128xi32, #tpu.memory_space<vmem>> -> memref<1x128xi32, #tpu.memory_space<vmem>>
        %dma_start3A_83 = tpu.memref_squeeze %dma_start3A_82 : memref<1x128xi32, #tpu.memory_space<vmem>> -> memref<128xi32, #tpu.memory_space<vmem>>
        %dma_start3A_84 = arith.constant 0 : i32
        %dma_start3A_85 = arith.constant 0 : i32
        %dma_start3A_86 = tpu.memref_slice %arg2[%dma_start3A_84, %dma_start3A_85] : memref<10000x128xf32, #tpu.memory_space<hbm>> -> memref<10000x128xf32, #tpu.memory_space<hbm>>
        tpu.enqueue_indirect_dma source(%dma_start3A_86 : memref<10000x128xf32, #tpu.memory_space<hbm>>) target(%arg11 : memref<128x128xf32, #tpu.memory_space<vmem>>) offsets(%dma_start3A_83 : memref<128xi32, #tpu.memory_space<vmem>>) semaphore(%arg13 : memref<!tpu.dma_semaphore, #tpu.memory_space<semaphore_mem>>)
      } else {
      }
    }
    %scan3A_23 = arith.constant 20 : i32
    %mul3A_24 = arith.constant 80 : i32
    %mul3A_25 = arith.muli %add3A, %mul3A_24 : i32
    %add3A_26 = arith.constant 40 : i32
    %add3A_27 = arith.addi %mul3A_25, %add3A_26 : i32
    "tpu.region"() ({
      %run_scoped3A = tpu.sem_alloc : memref<!tpu.dma_semaphore, #tpu.memory_space<semaphore_mem>>
      %dma_start3A_48 = arith.constant 0 : i32
      %dma_start3A_49 = tpu.memref_slice %arg3[%add3A_27, %dma_start3A_48] : memref<2560x128xi32, #tpu.memory_space<hbm>> -> memref<40x128xi32, #tpu.memory_space<hbm>>
      %dma_start3A_50 = arith.constant 0 : i32
      %dma_start3A_51 = tpu.memref_slice %arg3[%add3A_27, %dma_start3A_50] : memref<2560x128xi32, #tpu.memory_space<hbm>> -> memref<40x128xi32, #tpu.memory_space<hbm>>
      tpu.enqueue_dma source(%dma_start3A_51 : memref<40x128xi32, #tpu.memory_space<hbm>>) target(%arg8 : memref<40x128xi32, #tpu.memory_space<vmem>>) target_semaphore(%run_scoped3A : memref<!tpu.dma_semaphore, #tpu.memory_space<semaphore_mem>>)
      %dma_wait3A = arith.constant 0 : i32
      %dma_wait3A_52 = tpu.memref_slice %arg3[%add3A_27, %dma_wait3A] : memref<2560x128xi32, #tpu.memory_space<hbm>> -> memref<40x128xi32, #tpu.memory_space<hbm>>
      %dma_wait3A_53 = arith.constant 0 : i32
      %dma_wait3A_54 = tpu.memref_slice %arg3[%add3A_27, %dma_wait3A_53] : memref<2560x128xi32, #tpu.memory_space<hbm>> -> memref<40x128xi32, #tpu.memory_space<hbm>>
      tpu.wait_dma2 semaphore(%run_scoped3A : memref<!tpu.dma_semaphore, #tpu.memory_space<semaphore_mem>>) src(%dma_wait3A_54 : memref<40x128xi32, #tpu.memory_space<hbm>>) dst(%arg8 : memref<40x128xi32, #tpu.memory_space<vmem>>)
      tpu.yield
    }) : () -> ()
    "tpu.region"() ({
      %run_scoped3A = tpu.sem_alloc : memref<!tpu.dma_semaphore, #tpu.memory_space<semaphore_mem>>
      %dma_start3A_48 = arith.constant 0 : i32
      %dma_start3A_49 = tpu.memref_slice %arg4[%add3A_27, %dma_start3A_48] : memref<2560x128xi32, #tpu.memory_space<hbm>> -> memref<40x128xi32, #tpu.memory_space<hbm>>
      %dma_start3A_50 = arith.constant 0 : i32
      %dma_start3A_51 = tpu.memref_slice %arg4[%add3A_27, %dma_start3A_50] : memref<2560x128xi32, #tpu.memory_space<hbm>> -> memref<40x128xi32, #tpu.memory_space<hbm>>
      tpu.enqueue_dma source(%dma_start3A_51 : memref<40x128xi32, #tpu.memory_space<hbm>>) target(%arg9 : memref<40x128xi32, #tpu.memory_space<vmem>>) target_semaphore(%run_scoped3A : memref<!tpu.dma_semaphore, #tpu.memory_space<semaphore_mem>>)
      %dma_wait3A = arith.constant 0 : i32
      %dma_wait3A_52 = tpu.memref_slice %arg4[%add3A_27, %dma_wait3A] : memref<2560x128xi32, #tpu.memory_space<hbm>> -> memref<40x128xi32, #tpu.memory_space<hbm>>
      %dma_wait3A_53 = arith.constant 0 : i32
      %dma_wait3A_54 = tpu.memref_slice %arg4[%add3A_27, %dma_wait3A_53] : memref<2560x128xi32, #tpu.memory_space<hbm>> -> memref<40x128xi32, #tpu.memory_space<hbm>>
      tpu.wait_dma2 semaphore(%run_scoped3A : memref<!tpu.dma_semaphore, #tpu.memory_space<semaphore_mem>>) src(%dma_wait3A_54 : memref<40x128xi32, #tpu.memory_space<hbm>>) dst(%arg9 : memref<40x128xi32, #tpu.memory_space<vmem>>)
      tpu.yield
    }) : () -> ()
    %dma_start3A_28 = arith.constant 0 : i32
    %dma_start3A_29 = arith.constant 0 : i32
    %dma_start3A_30 = tpu.memref_slice %arg8[%dma_start3A_28, %dma_start3A_29] : memref<40x128xi32, #tpu.memory_space<vmem>> -> memref<1x128xi32, #tpu.memory_space<vmem>>
    %dma_start3A_31 = tpu.memref_squeeze %dma_start3A_30 : memref<1x128xi32, #tpu.memory_space<vmem>> -> memref<128xi32, #tpu.memory_space<vmem>>
    %dma_start3A_32 = arith.constant 0 : i32
    %dma_start3A_33 = arith.constant 0 : i32
    %dma_start3A_34 = tpu.memref_slice %arg2[%dma_start3A_32, %dma_start3A_33] : memref<10000x128xf32, #tpu.memory_space<hbm>> -> memref<10000x128xf32, #tpu.memory_space<hbm>>
    tpu.enqueue_indirect_dma source(%dma_start3A_34 : memref<10000x128xf32, #tpu.memory_space<hbm>>) target(%arg10 : memref<128x128xf32, #tpu.memory_space<vmem>>) offsets(%dma_start3A_31 : memref<128xi32, #tpu.memory_space<vmem>>) semaphore(%arg12 : memref<!tpu.dma_semaphore, #tpu.memory_space<semaphore_mem>>)
    %dma_start3A_35 = arith.constant 1 : i32
    %dma_start3A_36 = arith.constant 0 : i32
    %dma_start3A_37 = tpu.memref_slice %arg8[%dma_start3A_35, %dma_start3A_36] : memref<40x128xi32, #tpu.memory_space<vmem>> -> memref<1x128xi32, #tpu.memory_space<vmem>>
    %dma_start3A_38 = tpu.memref_squeeze %dma_start3A_37 : memref<1x128xi32, #tpu.memory_space<vmem>> -> memref<128xi32, #tpu.memory_space<vmem>>
    %dma_start3A_39 = arith.constant 0 : i32
    %dma_start3A_40 = arith.constant 0 : i32
    %dma_start3A_41 = tpu.memref_slice %arg2[%dma_start3A_39, %dma_start3A_40] : memref<10000x128xf32, #tpu.memory_space<hbm>> -> memref<10000x128xf32, #tpu.memory_space<hbm>>
    tpu.enqueue_indirect_dma source(%dma_start3A_41 : memref<10000x128xf32, #tpu.memory_space<hbm>>) target(%arg11 : memref<128x128xf32, #tpu.memory_space<vmem>>) offsets(%dma_start3A_38 : memref<128xi32, #tpu.memory_space<vmem>>) semaphore(%arg13 : memref<!tpu.dma_semaphore, #tpu.memory_space<semaphore_mem>>)
    %scan3A_42 = arith.constant 0 : i32
    %scan3A_43 = arith.constant 20 : i32
    %scan3A_44 = arith.addi %scan3A_42, %scan3A_43 : i32
    %scan3A_45 = arith.constant 1 : i32
    scf.for %scan3A_48 = %scan3A_42 to %scan3A_44 step %scan3A_45  : i32 {
      %mul3A_49 = arith.constant 2 : i32
      %mul3A_50 = arith.muli %scan3A_48, %mul3A_49 : i32
      %add3A_51 = arith.constant 0 : i32
      %add3A_52 = arith.addi %add3A_51, %mul3A_50 : i32
      %dma_wait3A = arith.constant 0 : i32
      %dma_wait3A_53 = tpu.memref_slice %arg8[%add3A_52, %dma_wait3A] : memref<40x128xi32, #tpu.memory_space<vmem>> -> memref<1x128xi32, #tpu.memory_space<vmem>>
      %dma_wait3A_54 = tpu.memref_squeeze %dma_wait3A_53 : memref<1x128xi32, #tpu.memory_space<vmem>> -> memref<128xi32, #tpu.memory_space<vmem>>
      %dma_wait3A_55 = arith.constant 0 : i32
      %dma_wait3A_56 = arith.constant 0 : i32
      %dma_wait3A_57 = tpu.memref_slice %arg2[%dma_wait3A_55, %dma_wait3A_56] : memref<10000x128xf32, #tpu.memory_space<hbm>> -> memref<10000x128xf32, #tpu.memory_space<hbm>>
      tpu.wait_indirect_dma semaphore(%arg12 : memref<!tpu.dma_semaphore, #tpu.memory_space<semaphore_mem>>) src(%dma_wait3A_57 : memref<10000x128xf32, #tpu.memory_space<hbm>>) dst(%arg10 : memref<128x128xf32, #tpu.memory_space<vmem>>)
      "tpu.region"() ({
        %run_scoped3A = tpu.sem_alloc : memref<!tpu.dma_semaphore, #tpu.memory_space<semaphore_mem>>
        %dma_start3A_79 = arith.constant 0 : i32
        %dma_start3A_80 = tpu.memref_slice %arg9[%add3A_52, %dma_start3A_79] : memref<40x128xi32, #tpu.memory_space<vmem>> -> memref<1x128xi32, #tpu.memory_space<vmem>>
        %dma_start3A_81 = tpu.memref_squeeze %dma_start3A_80 : memref<1x128xi32, #tpu.memory_space<vmem>> -> memref<128xi32, #tpu.memory_space<vmem>>
        %dma_start3A_82 = arith.constant 0 : i32
        %dma_start3A_83 = arith.constant 0 : i32
        %dma_start3A_84 = tpu.memref_slice %arg7[%dma_start3A_82, %dma_start3A_83] : memref<10112x128xf32, #tpu.memory_space<vmem_shared>> -> memref<10112x128xf32, #tpu.memory_space<vmem_shared>>
        tpu.enqueue_indirect_dma source(%arg10 : memref<128x128xf32, #tpu.memory_space<vmem>>) target(%dma_start3A_84 : memref<10112x128xf32, #tpu.memory_space<vmem_shared>>) offsets(%dma_start3A_81 : memref<128xi32, #tpu.memory_space<vmem>>) semaphore(%run_scoped3A : memref<!tpu.dma_semaphore, #tpu.memory_space<semaphore_mem>>) {add = true}
        %dma_wait3A_85 = arith.constant 0 : i32
        %dma_wait3A_86 = tpu.memref_slice %arg9[%add3A_52, %dma_wait3A_85] : memref<40x128xi32, #tpu.memory_space<vmem>> -> memref<1x128xi32, #tpu.memory_space<vmem>>
        %dma_wait3A_87 = tpu.memref_squeeze %dma_wait3A_86 : memref<1x128xi32, #tpu.memory_space<vmem>> -> memref<128xi32, #tpu.memory_space<vmem>>
        %dma_wait3A_88 = arith.constant 0 : i32
        %dma_wait3A_89 = arith.constant 0 : i32
        %dma_wait3A_90 = tpu.memref_slice %arg7[%dma_wait3A_88, %dma_wait3A_89] : memref<10112x128xf32, #tpu.memory_space<vmem_shared>> -> memref<10112x128xf32, #tpu.memory_space<vmem_shared>>
        tpu.wait_indirect_dma semaphore(%run_scoped3A : memref<!tpu.dma_semaphore, #tpu.memory_space<semaphore_mem>>) src(%arg10 : memref<128x128xf32, #tpu.memory_space<vmem>>) dst(%dma_wait3A_90 : memref<10112x128xf32, #tpu.memory_space<vmem_shared>>)
        tpu.yield
      }) : () -> ()
      %add3A_58 = arith.constant 2 : i32
      %add3A_59 = arith.addi %add3A_52, %add3A_58 : i32
      %lt3A = arith.constant 40 : i32
      %lt3A_60 = arith.cmpi slt, %add3A_59, %lt3A : i32
      %convert_element_type3A = arith.extui %lt3A_60 : i1 to i32
      %cond3A = arith.constant 0 : i32
      %cond3A_61 = arith.cmpi ne, %convert_element_type3A, %cond3A : i32
      scf.if %cond3A_61 {
        %add3A_79 = arith.constant 2 : i32
        %add3A_80 = arith.addi %add3A_52, %add3A_79 : i32
        %dma_start3A_81 = arith.constant 0 : i32
        %dma_start3A_82 = tpu.memref_slice %arg8[%add3A_80, %dma_start3A_81] : memref<40x128xi32, #tpu.memory_space<vmem>> -> memref<1x128xi32, #tpu.memory_space<vmem>>
        %dma_start3A_83 = tpu.memref_squeeze %dma_start3A_82 : memref<1x128xi32, #tpu.memory_space<vmem>> -> memref<128xi32, #tpu.memory_space<vmem>>
        %dma_start3A_84 = arith.constant 0 : i32
        %dma_start3A_85 = arith.constant 0 : i32
        %dma_start3A_86 = tpu.memref_slice %arg2[%dma_start3A_84, %dma_start3A_85] : memref<10000x128xf32, #tpu.memory_space<hbm>> -> memref<10000x128xf32, #tpu.memory_space<hbm>>
        tpu.enqueue_indirect_dma source(%dma_start3A_86 : memref<10000x128xf32, #tpu.memory_space<hbm>>) target(%arg10 : memref<128x128xf32, #tpu.memory_space<vmem>>) offsets(%dma_start3A_83 : memref<128xi32, #tpu.memory_space<vmem>>) semaphore(%arg12 : memref<!tpu.dma_semaphore, #tpu.memory_space<semaphore_mem>>)
      } else {
      }
      %add3A_62 = arith.constant 1 : i32
      %add3A_63 = arith.addi %add3A_52, %add3A_62 : i32
      %dma_wait3A_64 = arith.constant 0 : i32
      %dma_wait3A_65 = tpu.memref_slice %arg8[%add3A_63, %dma_wait3A_64] : memref<40x128xi32, #tpu.memory_space<vmem>> -> memref<1x128xi32, #tpu.memory_space<vmem>>
      %dma_wait3A_66 = tpu.memref_squeeze %dma_wait3A_65 : memref<1x128xi32, #tpu.memory_space<vmem>> -> memref<128xi32, #tpu.memory_space<vmem>>
      %dma_wait3A_67 = arith.constant 0 : i32
      %dma_wait3A_68 = arith.constant 0 : i32
      %dma_wait3A_69 = tpu.memref_slice %arg2[%dma_wait3A_67, %dma_wait3A_68] : memref<10000x128xf32, #tpu.memory_space<hbm>> -> memref<10000x128xf32, #tpu.memory_space<hbm>>
      tpu.wait_indirect_dma semaphore(%arg13 : memref<!tpu.dma_semaphore, #tpu.memory_space<semaphore_mem>>) src(%dma_wait3A_69 : memref<10000x128xf32, #tpu.memory_space<hbm>>) dst(%arg11 : memref<128x128xf32, #tpu.memory_space<vmem>>)
      %add3A_70 = arith.constant 1 : i32
      %add3A_71 = arith.addi %add3A_52, %add3A_70 : i32
      "tpu.region"() ({
        %run_scoped3A = tpu.sem_alloc : memref<!tpu.dma_semaphore, #tpu.memory_space<semaphore_mem>>
        %dma_start3A_79 = arith.constant 0 : i32
        %dma_start3A_80 = tpu.memref_slice %arg9[%add3A_71, %dma_start3A_79] : memref<40x128xi32, #tpu.memory_space<vmem>> -> memref<1x128xi32, #tpu.memory_space<vmem>>
        %dma_start3A_81 = tpu.memref_squeeze %dma_start3A_80 : memref<1x128xi32, #tpu.memory_space<vmem>> -> memref<128xi32, #tpu.memory_space<vmem>>
        %dma_start3A_82 = arith.constant 0 : i32
        %dma_start3A_83 = arith.constant 0 : i32
        %dma_start3A_84 = tpu.memref_slice %arg7[%dma_start3A_82, %dma_start3A_83] : memref<10112x128xf32, #tpu.memory_space<vmem_shared>> -> memref<10112x128xf32, #tpu.memory_space<vmem_shared>>
        tpu.enqueue_indirect_dma source(%arg11 : memref<128x128xf32, #tpu.memory_space<vmem>>) target(%dma_start3A_84 : memref<10112x128xf32, #tpu.memory_space<vmem_shared>>) offsets(%dma_start3A_81 : memref<128xi32, #tpu.memory_space<vmem>>) semaphore(%run_scoped3A : memref<!tpu.dma_semaphore, #tpu.memory_space<semaphore_mem>>) {add = true}
        %dma_wait3A_85 = arith.constant 0 : i32
        %dma_wait3A_86 = tpu.memref_slice %arg9[%add3A_71, %dma_wait3A_85] : memref<40x128xi32, #tpu.memory_space<vmem>> -> memref<1x128xi32, #tpu.memory_space<vmem>>
        %dma_wait3A_87 = tpu.memref_squeeze %dma_wait3A_86 : memref<1x128xi32, #tpu.memory_space<vmem>> -> memref<128xi32, #tpu.memory_space<vmem>>
        %dma_wait3A_88 = arith.constant 0 : i32
        %dma_wait3A_89 = arith.constant 0 : i32
        %dma_wait3A_90 = tpu.memref_slice %arg7[%dma_wait3A_88, %dma_wait3A_89] : memref<10112x128xf32, #tpu.memory_space<vmem_shared>> -> memref<10112x128xf32, #tpu.memory_space<vmem_shared>>
        tpu.wait_indirect_dma semaphore(%run_scoped3A : memref<!tpu.dma_semaphore, #tpu.memory_space<semaphore_mem>>) src(%arg11 : memref<128x128xf32, #tpu.memory_space<vmem>>) dst(%dma_wait3A_90 : memref<10112x128xf32, #tpu.memory_space<vmem_shared>>)
        tpu.yield
      }) : () -> ()
      %add3A_72 = arith.constant 3 : i32
      %add3A_73 = arith.addi %add3A_52, %add3A_72 : i32
      %lt3A_74 = arith.constant 40 : i32
      %lt3A_75 = arith.cmpi slt, %add3A_73, %lt3A_74 : i32
      %convert_element_type3A_76 = arith.extui %lt3A_75 : i1 to i32
      %cond3A_77 = arith.constant 0 : i32
      %cond3A_78 = arith.cmpi ne, %convert_element_type3A_76, %cond3A_77 : i32
      scf.if %cond3A_78 {
        %add3A_79 = arith.constant 3 : i32
        %add3A_80 = arith.addi %add3A_52, %add3A_79 : i32
        %dma_start3A_81 = arith.constant 0 : i32
        %dma_start3A_82 = tpu.memref_slice %arg8[%add3A_80, %dma_start3A_81] : memref<40x128xi32, #tpu.memory_space<vmem>> -> memref<1x128xi32, #tpu.memory_space<vmem>>
        %dma_start3A_83 = tpu.memref_squeeze %dma_start3A_82 : memref<1x128xi32, #tpu.memory_space<vmem>> -> memref<128xi32, #tpu.memory_space<vmem>>
        %dma_start3A_84 = arith.constant 0 : i32
        %dma_start3A_85 = arith.constant 0 : i32
        %dma_start3A_86 = tpu.memref_slice %arg2[%dma_start3A_84, %dma_start3A_85] : memref<10000x128xf32, #tpu.memory_space<hbm>> -> memref<10000x128xf32, #tpu.memory_space<hbm>>
        tpu.enqueue_indirect_dma source(%dma_start3A_86 : memref<10000x128xf32, #tpu.memory_space<hbm>>) target(%arg11 : memref<128x128xf32, #tpu.memory_space<vmem>>) offsets(%dma_start3A_83 : memref<128xi32, #tpu.memory_space<vmem>>) semaphore(%arg13 : memref<!tpu.dma_semaphore, #tpu.memory_space<semaphore_mem>>)
      } else {
      }
    }
    %scan3A_46 = arith.constant 20 : i32
    %barrier3A_47 = arith.constant 0 : index
    tpu.barrier barrier_id(%barrier3A_47)
    "tpu.region"() ({
      %run_scoped3A = tpu.sem_alloc : memref<!tpu.dma_semaphore, #tpu.memory_space<semaphore_mem>>
      %dma_start3A_48 = arith.constant 0 : i32
      %dma_start3A_49 = tpu.memref_slice %arg6[%arg0, %mul3A_2, %dma_start3A_48] : memref<2x10112x128xf32, #tpu.memory_space<hbm>> -> memref<1x632x128xf32, #tpu.memory_space<hbm>>
      %dma_start3A_50 = tpu.memref_squeeze %dma_start3A_49 : memref<1x632x128xf32, #tpu.memory_space<hbm>> -> memref<632x128xf32, #tpu.memory_space<hbm>>
      %dma_start3A_51 = arith.constant 0 : i32
      %dma_start3A_52 = tpu.memref_slice %arg7[%mul3A_2, %dma_start3A_51] : memref<10112x128xf32, #tpu.memory_space<vmem_shared>> -> memref<632x128xf32, #tpu.memory_space<vmem_shared>>
      tpu.enqueue_dma source(%dma_start3A_52 : memref<632x128xf32, #tpu.memory_space<vmem_shared>>) target(%dma_start3A_50 : memref<632x128xf32, #tpu.memory_space<hbm>>) target_semaphore(%run_scoped3A : memref<!tpu.dma_semaphore, #tpu.memory_space<semaphore_mem>>)
      %dma_wait3A = arith.constant 0 : i32
      %dma_wait3A_53 = tpu.memref_slice %arg6[%arg0, %mul3A_2, %dma_wait3A] : memref<2x10112x128xf32, #tpu.memory_space<hbm>> -> memref<1x632x128xf32, #tpu.memory_space<hbm>>
      %dma_wait3A_54 = tpu.memref_squeeze %dma_wait3A_53 : memref<1x632x128xf32, #tpu.memory_space<hbm>> -> memref<632x128xf32, #tpu.memory_space<hbm>>
      %dma_wait3A_55 = arith.constant 0 : i32
      %dma_wait3A_56 = tpu.memref_slice %arg7[%mul3A_2, %dma_wait3A_55] : memref<10112x128xf32, #tpu.memory_space<vmem_shared>> -> memref<632x128xf32, #tpu.memory_space<vmem_shared>>
      tpu.wait_dma2 semaphore(%run_scoped3A : memref<!tpu.dma_semaphore, #tpu.memory_space<semaphore_mem>>) src(%dma_wait3A_56 : memref<632x128xf32, #tpu.memory_space<vmem_shared>>) dst(%dma_wait3A_54 : memref<632x128xf32, #tpu.memory_space<hbm>>)
      tpu.yield
    }) : () -> ()
    return
  }
}

module attributes {stable_mosaic.version = 14 : i64} {
  func.func @_tc1_body(%arg0: i32, %arg1: memref<2000x128xf32, #tpu.memory_space<vmem>>, %arg2: memref<2x2000x128xf32, #tpu.memory_space<vmem>>, %arg3: memref<1x32x2000xf32, #tpu.memory_space<vmem>>, %arg4: memref<128x128xf32, #tpu.memory_space<vmem>>, %arg5: memref<1x128xf32, #tpu.memory_space<vmem>>, %arg6: memref<128x128xf32, #tpu.memory_space<vmem>>, %arg7: memref<1x128xf32, #tpu.memory_space<vmem>>, %arg8: memref<2000x128xf32, #tpu.memory_space<vmem>>, %arg9: memref<2000x1xf32, #tpu.memory_space<vmem>>) attributes {dimension_semantics = [#tpu.dimension_semantics<arbitrary>], iteration_bounds = array<i64: 5>, scalar_prefetch = 0 : i64, scratch_operands = 0 : i64, tpu.core_type = #tpu.core_type<tc>, window_params = [{transform_indices = @transform_0, window_bounds = array<i64: 2000, 128>}, {transform_indices = @transform_1, window_bounds = array<i64: 2, 2000, 128>}, {transform_indices = @transform_2, window_bounds = array<i64: 1, 32, 2000>}, {pipeline_mode = #tpu.pipeline_mode<synchronous>, transform_indices = @transform_3, window_bounds = array<i64: 128, 128>}, {pipeline_mode = #tpu.pipeline_mode<synchronous>, transform_indices = @transform_4, window_bounds = array<i64: 1, 128>}, {pipeline_mode = #tpu.pipeline_mode<synchronous>, transform_indices = @transform_5, window_bounds = array<i64: 128, 128>}, {pipeline_mode = #tpu.pipeline_mode<synchronous>, transform_indices = @transform_6, window_bounds = array<i64: 1, 128>}, {transform_indices = @transform_7, window_bounds = array<i64: 2000, 128>}, {transform_indices = @transform_8, window_bounds = array<i64: 2000, 1>}]} {
    %get3A = arith.constant 0 : index
    %get3A_0 = arith.constant 0 : index
    %get3A_1 = arith.constant 0 : index
    %get3A_2 = vector.load %arg3[%get3A, %get3A_0, %get3A_1] : memref<1x32x2000xf32, #tpu.memory_space<vmem>>, vector<1x32x2000xf32>
    %get3A_3 = vector.shape_cast %get3A_2 : vector<1x32x2000xf32> to vector<32x2000xf32>
    %broadcast_in_dim3A = arith.constant 1.000000e+00 : f32
    %broadcast_in_dim3A_4 = vector.broadcast %broadcast_in_dim3A : f32 to vector<32x1xf32>
    %dot_general3A = arith.constant dense<0.000000e+00> : vector<2000x1xf32>
    %dot_general3A_5 = tpu.matmul %get3A_3, %broadcast_in_dim3A_4, %dot_general3A {dimension_numbers = #tpu.dot_dimension_numbers<[0], [0], [1], [1], [0, 1, 1, 1], [], []>, transpose_lhs_hint = false} : vector<32x2000xf32>, vector<32x1xf32>, vector<2000x1xf32> -> vector<2000x1xf32>
    %max3A = arith.constant 1.000000e+00 : f32
    %max3A_6 = vector.broadcast %max3A : f32 to vector<2000x1xf32>
    %max3A_7 = arith.maximumf %dot_general3A_5, %max3A_6 : vector<2000x1xf32>
    %div3A = arith.constant 1.000000e+00 : f32
    %div3A_8 = vector.broadcast %div3A : f32 to vector<2000x1xf32>
    %div3A_9 = arith.divf %div3A_8, %max3A_7 : vector<2000x1xf32>
    %swap3A = arith.constant 0 : index
    %swap3A_10 = arith.constant 0 : index
    %swap3A_11 = vector.load %arg9[%swap3A, %swap3A_10] : memref<2000x1xf32, #tpu.memory_space<vmem>>, vector<2000x1xf32>
    tpu.vector_store %arg9[%swap3A, %swap3A_10], %div3A_9 {strides = array<i32>} : memref<2000x1xf32, #tpu.memory_space<vmem>>, vector<2000x1xf32>,
    %get3A_12 = arith.constant 0 : index
    %get3A_13 = arith.constant 0 : index
    %get3A_14 = vector.load %arg1[%get3A_12, %get3A_13] : memref<2000x128xf32, #tpu.memory_space<vmem>>, vector<2000x128xf32>
    %get3A_15 = arith.constant 0 : index
    %get3A_16 = arith.constant 0 : index
    %get3A_17 = arith.constant 0 : index
    %get3A_18 = vector.load %arg2[%get3A_15, %get3A_16, %get3A_17] : memref<2x2000x128xf32, #tpu.memory_space<vmem>>, vector<1x2000x128xf32>
    %get3A_19 = vector.shape_cast %get3A_18 : vector<1x2000x128xf32> to vector<2000x128xf32>
    %get3A_20 = arith.constant 1 : index
    %get3A_21 = arith.constant 0 : index
    %get3A_22 = arith.constant 0 : index
    %get3A_23 = vector.load %arg2[%get3A_20, %get3A_21, %get3A_22] : memref<2x2000x128xf32, #tpu.memory_space<vmem>>, vector<1x2000x128xf32>
    %get3A_24 = vector.shape_cast %get3A_23 : vector<1x2000x128xf32> to vector<2000x128xf32>
    %get3A_25 = arith.constant 0 : index
    %get3A_26 = arith.constant 0 : index
    %get3A_27 = vector.load %arg4[%get3A_25, %get3A_26] : memref<128x128xf32, #tpu.memory_space<vmem>>, vector<128x128xf32>
    %get3A_28 = arith.constant 0 : index
    %get3A_29 = arith.constant 0 : index
    %get3A_30 = vector.load %arg5[%get3A_28, %get3A_29] : memref<1x128xf32, #tpu.memory_space<vmem>>, vector<1x128xf32>
    %get3A_31 = arith.constant 0 : index
    %get3A_32 = arith.constant 0 : index
    %get3A_33 = vector.load %arg6[%get3A_31, %get3A_32] : memref<128x128xf32, #tpu.memory_space<vmem>>, vector<128x128xf32>
    %get3A_34 = arith.constant 0 : index
    %get3A_35 = arith.constant 0 : index
    %get3A_36 = vector.load %arg7[%get3A_34, %get3A_35] : memref<1x128xf32, #tpu.memory_space<vmem>>, vector<1x128xf32>
    %add3A = arith.addf %get3A_19, %get3A_24 : vector<2000x128xf32>
    %mul3A = vector.broadcast %div3A_9 : vector<2000x1xf32> to vector<2000x128xf32>
    %mul3A_37 = arith.mulf %add3A, %mul3A : vector<2000x128xf32>
    %dot_general3A_38 = arith.constant dense<0.000000e+00> : vector<2000x128xf32>
    %dot_general3A_39 = tpu.matmul %get3A_14, %get3A_27, %dot_general3A_38 {dimension_numbers = #tpu.dot_dimension_numbers<[1], [0], [0], [1], [0, 0, 1, 1], [], []>, transpose_lhs_hint = false} : vector<2000x128xf32>, vector<128x128xf32>, vector<2000x128xf32> -> vector<2000x128xf32>
    %add3A_40 = vector.broadcast %get3A_30 : vector<1x128xf32> to vector<2000x128xf32>
    %add3A_41 = arith.addf %dot_general3A_39, %add3A_40 : vector<2000x128xf32>
    %dot_general3A_42 = arith.constant dense<0.000000e+00> : vector<2000x128xf32>
    %dot_general3A_43 = tpu.matmul %mul3A_37, %get3A_33, %dot_general3A_42 {dimension_numbers = #tpu.dot_dimension_numbers<[1], [0], [0], [1], [0, 0, 1, 1], [], []>, transpose_lhs_hint = false} : vector<2000x128xf32>, vector<128x128xf32>, vector<2000x128xf32> -> vector<2000x128xf32>
    %add3A_44 = arith.addf %add3A_41, %dot_general3A_43 : vector<2000x128xf32>
    %add3A_45 = vector.broadcast %get3A_36 : vector<1x128xf32> to vector<2000x128xf32>
    %add3A_46 = arith.addf %add3A_44, %add3A_45 : vector<2000x128xf32>
    %max3A_47 = arith.constant 0.000000e+00 : f32
    %max3A_48 = vector.broadcast %max3A_47 : f32 to vector<2000x128xf32>
    %max3A_49 = arith.maximumf %add3A_46, %max3A_48 : vector<2000x128xf32>
    %swap3A_50 = arith.constant 0 : index
    %swap3A_51 = arith.constant 0 : index
    %swap3A_52 = vector.load %arg8[%swap3A_50, %swap3A_51] : memref<2000x128xf32, #tpu.memory_space<vmem>>, vector<2000x128xf32>
    tpu.vector_store %arg8[%swap3A_50, %swap3A_51], %max3A_49 {strides = array<i32>} : memref<2000x128xf32, #tpu.memory_space<vmem>>, vector<2000x128xf32>,
    return
  }
  func.func @transform_0(%arg0: i32) -> (i32, i32) {
    %c0_i32 = arith.constant 0 : i32
    %c0_i32_0 = arith.constant 0 : i32
    return %arg0, %c0_i32 : i32, i32
  }
  func.func @transform_1(%arg0: i32) -> (i32, i32, i32) {
    %c0_i32 = arith.constant 0 : i32
    %c0_i32_0 = arith.constant 0 : i32
    %c0_i32_1 = arith.constant 0 : i32
    return %c0_i32, %arg0, %c0_i32_0 : i32, i32, i32
  }
  func.func @transform_2(%arg0: i32) -> (i32, i32, i32) {
    %c0_i32 = arith.constant 0 : i32
    %c0_i32_0 = arith.constant 0 : i32
    %c0_i32_1 = arith.constant 0 : i32
    return %arg0, %c0_i32, %c0_i32_0 : i32, i32, i32
  }
  func.func @transform_3(%arg0: i32) -> (i32, i32) {
    %c0_i32 = arith.constant 0 : i32
    %c0_i32_0 = arith.constant 0 : i32
    %c0_i32_1 = arith.constant 0 : i32
    return %c0_i32, %c0_i32_0 : i32, i32
  }
  func.func @transform_4(%arg0: i32) -> (i32, i32) {
    %c0_i32 = arith.constant 0 : i32
    %c0_i32_0 = arith.constant 0 : i32
    %c0_i32_1 = arith.constant 0 : i32
    return %c0_i32, %c0_i32_0 : i32, i32
  }
  func.func @transform_5(%arg0: i32) -> (i32, i32) {
    %c0_i32 = arith.constant 0 : i32
    %c0_i32_0 = arith.constant 0 : i32
    %c0_i32_1 = arith.constant 0 : i32
    return %c0_i32, %c0_i32_0 : i32, i32
  }
  func.func @transform_6(%arg0: i32) -> (i32, i32) {
    %c0_i32 = arith.constant 0 : i32
    %c0_i32_0 = arith.constant 0 : i32
    %c0_i32_1 = arith.constant 0 : i32
    return %c0_i32, %c0_i32_0 : i32, i32
  }
  func.func @transform_7(%arg0: i32) -> (i32, i32) {
    %c0_i32 = arith.constant 0 : i32
    %c0_i32_0 = arith.constant 0 : i32
    return %arg0, %c0_i32 : i32, i32
  }
  func.func @transform_8(%arg0: i32) -> (i32, i32) {
    %c0_i32 = arith.constant 0 : i32
    %c0_i32_0 = arith.constant 0 : i32
    return %arg0, %c0_i32 : i32, i32
  }
}

module attributes {stable_mosaic.version = 14 : i64} {
  func.func @_tc2_body(%arg0: i32, %arg1: memref<2000x128xf32, #tpu.memory_space<vmem>>, %arg2: memref<2x2000x128xf32, #tpu.memory_space<vmem>>, %arg3: memref<2000x1xf32, #tpu.memory_space<vmem>>, %arg4: memref<128x128xf32, #tpu.memory_space<vmem>>, %arg5: memref<1x128xf32, #tpu.memory_space<vmem>>, %arg6: memref<128x128xf32, #tpu.memory_space<vmem>>, %arg7: memref<1x128xf32, #tpu.memory_space<vmem>>, %arg8: memref<2000x128xf32, #tpu.memory_space<vmem>>) attributes {dimension_semantics = [#tpu.dimension_semantics<arbitrary>], iteration_bounds = array<i64: 5>, scalar_prefetch = 0 : i64, scratch_operands = 0 : i64, tpu.core_type = #tpu.core_type<tc>, window_params = [{transform_indices = @transform_0, window_bounds = array<i64: 2000, 128>}, {transform_indices = @transform_1, window_bounds = array<i64: 2, 2000, 128>}, {transform_indices = @transform_2, window_bounds = array<i64: 2000, 1>}, {pipeline_mode = #tpu.pipeline_mode<synchronous>, transform_indices = @transform_3, window_bounds = array<i64: 128, 128>}, {pipeline_mode = #tpu.pipeline_mode<synchronous>, transform_indices = @transform_4, window_bounds = array<i64: 1, 128>}, {pipeline_mode = #tpu.pipeline_mode<synchronous>, transform_indices = @transform_5, window_bounds = array<i64: 128, 128>}, {pipeline_mode = #tpu.pipeline_mode<synchronous>, transform_indices = @transform_6, window_bounds = array<i64: 1, 128>}, {transform_indices = @transform_7, window_bounds = array<i64: 2000, 128>}]} {
    %get3A = arith.constant 0 : index
    %get3A_0 = arith.constant 0 : index
    %get3A_1 = vector.load %arg1[%get3A, %get3A_0] : memref<2000x128xf32, #tpu.memory_space<vmem>>, vector<2000x128xf32>
    %get3A_2 = arith.constant 0 : index
    %get3A_3 = arith.constant 0 : index
    %get3A_4 = arith.constant 0 : index
    %get3A_5 = vector.load %arg2[%get3A_2, %get3A_3, %get3A_4] : memref<2x2000x128xf32, #tpu.memory_space<vmem>>, vector<1x2000x128xf32>
    %get3A_6 = vector.shape_cast %get3A_5 : vector<1x2000x128xf32> to vector<2000x128xf32>
    %get3A_7 = arith.constant 1 : index
    %get3A_8 = arith.constant 0 : index
    %get3A_9 = arith.constant 0 : index
    %get3A_10 = vector.load %arg2[%get3A_7, %get3A_8, %get3A_9] : memref<2x2000x128xf32, #tpu.memory_space<vmem>>, vector<1x2000x128xf32>
    %get3A_11 = vector.shape_cast %get3A_10 : vector<1x2000x128xf32> to vector<2000x128xf32>
    %get3A_12 = arith.constant 0 : index
    %get3A_13 = arith.constant 0 : index
    %get3A_14 = vector.load %arg3[%get3A_12, %get3A_13] : memref<2000x1xf32, #tpu.memory_space<vmem>>, vector<2000x1xf32>
    %get3A_15 = arith.constant 0 : index
    %get3A_16 = arith.constant 0 : index
    %get3A_17 = vector.load %arg4[%get3A_15, %get3A_16] : memref<128x128xf32, #tpu.memory_space<vmem>>, vector<128x128xf32>
    %get3A_18 = arith.constant 0 : index
    %get3A_19 = arith.constant 0 : index
    %get3A_20 = vector.load %arg5[%get3A_18, %get3A_19] : memref<1x128xf32, #tpu.memory_space<vmem>>, vector<1x128xf32>
    %get3A_21 = arith.constant 0 : index
    %get3A_22 = arith.constant 0 : index
    %get3A_23 = vector.load %arg6[%get3A_21, %get3A_22] : memref<128x128xf32, #tpu.memory_space<vmem>>, vector<128x128xf32>
    %get3A_24 = arith.constant 0 : index
    %get3A_25 = arith.constant 0 : index
    %get3A_26 = vector.load %arg7[%get3A_24, %get3A_25] : memref<1x128xf32, #tpu.memory_space<vmem>>, vector<1x128xf32>
    %add3A = arith.addf %get3A_6, %get3A_11 : vector<2000x128xf32>
    %mul3A = vector.broadcast %get3A_14 : vector<2000x1xf32> to vector<2000x128xf32>
    %mul3A_27 = arith.mulf %add3A, %mul3A : vector<2000x128xf32>
    %dot_general3A = arith.constant dense<0.000000e+00> : vector<2000x128xf32>
    %dot_general3A_28 = tpu.matmul %get3A_1, %get3A_17, %dot_general3A {dimension_numbers = #tpu.dot_dimension_numbers<[1], [0], [0], [1], [0, 0, 1, 1], [], []>, transpose_lhs_hint = false} : vector<2000x128xf32>, vector<128x128xf32>, vector<2000x128xf32> -> vector<2000x128xf32>
    %add3A_29 = vector.broadcast %get3A_20 : vector<1x128xf32> to vector<2000x128xf32>
    %add3A_30 = arith.addf %dot_general3A_28, %add3A_29 : vector<2000x128xf32>
    %dot_general3A_31 = arith.constant dense<0.000000e+00> : vector<2000x128xf32>
    %dot_general3A_32 = tpu.matmul %mul3A_27, %get3A_23, %dot_general3A_31 {dimension_numbers = #tpu.dot_dimension_numbers<[1], [0], [0], [1], [0, 0, 1, 1], [], []>, transpose_lhs_hint = false} : vector<2000x128xf32>, vector<128x128xf32>, vector<2000x128xf32> -> vector<2000x128xf32>
    %add3A_33 = arith.addf %add3A_30, %dot_general3A_32 : vector<2000x128xf32>
    %add3A_34 = vector.broadcast %get3A_26 : vector<1x128xf32> to vector<2000x128xf32>
    %add3A_35 = arith.addf %add3A_33, %add3A_34 : vector<2000x128xf32>
    %max3A = arith.constant 0.000000e+00 : f32
    %max3A_36 = vector.broadcast %max3A : f32 to vector<2000x128xf32>
    %max3A_37 = arith.maximumf %add3A_35, %max3A_36 : vector<2000x128xf32>
    %swap3A = arith.constant 0 : index
    %swap3A_38 = arith.constant 0 : index
    %swap3A_39 = vector.load %arg8[%swap3A, %swap3A_38] : memref<2000x128xf32, #tpu.memory_space<vmem>>, vector<2000x128xf32>
    tpu.vector_store %arg8[%swap3A, %swap3A_38], %max3A_37 {strides = array<i32>} : memref<2000x128xf32, #tpu.memory_space<vmem>>, vector<2000x128xf32>,
    return
  }
  func.func @transform_0(%arg0: i32) -> (i32, i32) {
    %c0_i32 = arith.constant 0 : i32
    %c0_i32_0 = arith.constant 0 : i32
    return %arg0, %c0_i32 : i32, i32
  }
  func.func @transform_1(%arg0: i32) -> (i32, i32, i32) {
    %c0_i32 = arith.constant 0 : i32
    %c0_i32_0 = arith.constant 0 : i32
    %c0_i32_1 = arith.constant 0 : i32
    return %c0_i32, %arg0, %c0_i32_0 : i32, i32, i32
  }
  func.func @transform_2(%arg0: i32) -> (i32, i32) {
    %c0_i32 = arith.constant 0 : i32
    %c0_i32_0 = arith.constant 0 : i32
    return %arg0, %c0_i32 : i32, i32
  }
  func.func @transform_3(%arg0: i32) -> (i32, i32) {
    %c0_i32 = arith.constant 0 : i32
    %c0_i32_0 = arith.constant 0 : i32
    %c0_i32_1 = arith.constant 0 : i32
    return %c0_i32, %c0_i32_0 : i32, i32
  }
  func.func @transform_4(%arg0: i32) -> (i32, i32) {
    %c0_i32 = arith.constant 0 : i32
    %c0_i32_0 = arith.constant 0 : i32
    %c0_i32_1 = arith.constant 0 : i32
    return %c0_i32, %c0_i32_0 : i32, i32
  }
  func.func @transform_5(%arg0: i32) -> (i32, i32) {
    %c0_i32 = arith.constant 0 : i32
    %c0_i32_0 = arith.constant 0 : i32
    %c0_i32_1 = arith.constant 0 : i32
    return %c0_i32, %c0_i32_0 : i32, i32
  }
  func.func @transform_6(%arg0: i32) -> (i32, i32) {
    %c0_i32 = arith.constant 0 : i32
    %c0_i32_0 = arith.constant 0 : i32
    %c0_i32_1 = arith.constant 0 : i32
    return %c0_i32, %c0_i32_0 : i32, i32
  }
  func.func @transform_7(%arg0: i32) -> (i32, i32) {
    %c0_i32 = arith.constant 0 : i32
    %c0_i32_0 = arith.constant 0 : i32
    return %arg0, %c0_i32 : i32, i32
  }
}

module attributes {stable_mosaic.version = 14 : i64} {
  func.func @_tc3_body(%arg0: i32, %arg1: memref<2000x128xf32, #tpu.memory_space<vmem>>, %arg2: memref<2x2000x128xf32, #tpu.memory_space<vmem>>, %arg3: memref<2000x1xf32, #tpu.memory_space<vmem>>, %arg4: memref<1x1x2000xi32, #tpu.memory_space<vmem>>, %arg5: memref<128x128xf32, #tpu.memory_space<vmem>>, %arg6: memref<1x128xf32, #tpu.memory_space<vmem>>, %arg7: memref<128x128xf32, #tpu.memory_space<vmem>>, %arg8: memref<1x128xf32, #tpu.memory_space<vmem>>, %arg9: memref<64x128xf32, #tpu.memory_space<vmem>>, %arg10: memref<64x128xf32, #tpu.memory_space<vmem>>, %arg11: memref<64x128xf32, #tpu.memory_space<vmem>>) attributes {dimension_semantics = [#tpu.dimension_semantics<arbitrary>], iteration_bounds = array<i64: 5>, scalar_prefetch = 0 : i64, scratch_operands = 2 : i64, tpu.core_type = #tpu.core_type<tc>, window_params = [{transform_indices = @transform_0, window_bounds = array<i64: 2000, 128>}, {transform_indices = @transform_1, window_bounds = array<i64: 2, 2000, 128>}, {transform_indices = @transform_2, window_bounds = array<i64: 2000, 1>}, {transform_indices = @transform_3, window_bounds = array<i64: 1, 1, 2000>}, {pipeline_mode = #tpu.pipeline_mode<synchronous>, transform_indices = @transform_4, window_bounds = array<i64: 128, 128>}, {pipeline_mode = #tpu.pipeline_mode<synchronous>, transform_indices = @transform_5, window_bounds = array<i64: 1, 128>}, {pipeline_mode = #tpu.pipeline_mode<synchronous>, transform_indices = @transform_6, window_bounds = array<i64: 128, 128>}, {pipeline_mode = #tpu.pipeline_mode<synchronous>, transform_indices = @transform_7, window_bounds = array<i64: 1, 128>}, {pipeline_mode = #tpu.pipeline_mode<synchronous>, transform_indices = @transform_8, window_bounds = array<i64: 64, 128>}]} {
    %eq3A = arith.constant 0 : i32
    %eq3A_0 = arith.cmpi eq, %arg0, %eq3A : i32
    %convert_element_type3A = arith.extui %eq3A_0 : i1 to i32
    %cond3A = arith.constant 0 : i32
    %cond3A_1 = arith.cmpi ne, %convert_element_type3A, %cond3A : i32
    scf.if %cond3A_1 {
      %broadcast_in_dim3A_72 = arith.constant 0.000000e+00 : f32
      %broadcast_in_dim3A_73 = vector.broadcast %broadcast_in_dim3A_72 : f32 to vector<64x128xf32>
      %swap3A_74 = arith.constant 0 : index
      %swap3A_75 = arith.constant 0 : index
      %swap3A_76 = vector.load %arg10[%swap3A_74, %swap3A_75] : memref<64x128xf32, #tpu.memory_space<vmem>>, vector<64x128xf32>
      tpu.vector_store %arg10[%swap3A_74, %swap3A_75], %broadcast_in_dim3A_73 {strides = array<i32>} : memref<64x128xf32, #tpu.memory_space<vmem>>, vector<64x128xf32>,
      %broadcast_in_dim3A_77 = arith.constant 0.000000e+00 : f32
      %broadcast_in_dim3A_78 = vector.broadcast %broadcast_in_dim3A_77 : f32 to vector<64x128xf32>
      %swap3A_79 = arith.constant 0 : index
      %swap3A_80 = arith.constant 0 : index
      %swap3A_81 = vector.load %arg11[%swap3A_79, %swap3A_80] : memref<64x128xf32, #tpu.memory_space<vmem>>, vector<64x128xf32>
      tpu.vector_store %arg11[%swap3A_79, %swap3A_80], %broadcast_in_dim3A_78 {strides = array<i32>} : memref<64x128xf32, #tpu.memory_space<vmem>>, vector<64x128xf32>,
    } else {
    }
    %get3A = arith.constant 0 : index
    %get3A_2 = arith.constant 0 : index
    %get3A_3 = vector.load %arg1[%get3A, %get3A_2] : memref<2000x128xf32, #tpu.memory_space<vmem>>, vector<2000x128xf32>
    %get3A_4 = arith.constant 0 : index
    %get3A_5 = arith.constant 0 : index
    %get3A_6 = arith.constant 0 : index
    %get3A_7 = vector.load %arg2[%get3A_4, %get3A_5, %get3A_6] : memref<2x2000x128xf32, #tpu.memory_space<vmem>>, vector<1x2000x128xf32>
    %get3A_8 = vector.shape_cast %get3A_7 : vector<1x2000x128xf32> to vector<2000x128xf32>
    %get3A_9 = arith.constant 1 : index
    %get3A_10 = arith.constant 0 : index
    %get3A_11 = arith.constant 0 : index
    %get3A_12 = vector.load %arg2[%get3A_9, %get3A_10, %get3A_11] : memref<2x2000x128xf32, #tpu.memory_space<vmem>>, vector<1x2000x128xf32>
    %get3A_13 = vector.shape_cast %get3A_12 : vector<1x2000x128xf32> to vector<2000x128xf32>
    %get3A_14 = arith.constant 0 : index
    %get3A_15 = arith.constant 0 : index
    %get3A_16 = vector.load %arg3[%get3A_14, %get3A_15] : memref<2000x1xf32, #tpu.memory_space<vmem>>, vector<2000x1xf32>
    %get3A_17 = arith.constant 0 : index
    %get3A_18 = arith.constant 0 : index
    %get3A_19 = vector.load %arg5[%get3A_17, %get3A_18] : memref<128x128xf32, #tpu.memory_space<vmem>>, vector<128x128xf32>
    %get3A_20 = arith.constant 0 : index
    %get3A_21 = arith.constant 0 : index
    %get3A_22 = vector.load %arg6[%get3A_20, %get3A_21] : memref<1x128xf32, #tpu.memory_space<vmem>>, vector<1x128xf32>
    %get3A_23 = arith.constant 0 : index
    %get3A_24 = arith.constant 0 : index
    %get3A_25 = vector.load %arg7[%get3A_23, %get3A_24] : memref<128x128xf32, #tpu.memory_space<vmem>>, vector<128x128xf32>
    %get3A_26 = arith.constant 0 : index
    %get3A_27 = arith.constant 0 : index
    %get3A_28 = vector.load %arg8[%get3A_26, %get3A_27] : memref<1x128xf32, #tpu.memory_space<vmem>>, vector<1x128xf32>
    %add3A = arith.addf %get3A_8, %get3A_13 : vector<2000x128xf32>
    %mul3A = vector.broadcast %get3A_16 : vector<2000x1xf32> to vector<2000x128xf32>
    %mul3A_29 = arith.mulf %add3A, %mul3A : vector<2000x128xf32>
    %dot_general3A = arith.constant dense<0.000000e+00> : vector<2000x128xf32>
    %dot_general3A_30 = tpu.matmul %get3A_3, %get3A_19, %dot_general3A {dimension_numbers = #tpu.dot_dimension_numbers<[1], [0], [0], [1], [0, 0, 1, 1], [], []>, transpose_lhs_hint = false} : vector<2000x128xf32>, vector<128x128xf32>, vector<2000x128xf32> -> vector<2000x128xf32>
    %add3A_31 = vector.broadcast %get3A_22 : vector<1x128xf32> to vector<2000x128xf32>
    %add3A_32 = arith.addf %dot_general3A_30, %add3A_31 : vector<2000x128xf32>
    %dot_general3A_33 = arith.constant dense<0.000000e+00> : vector<2000x128xf32>
    %dot_general3A_34 = tpu.matmul %mul3A_29, %get3A_25, %dot_general3A_33 {dimension_numbers = #tpu.dot_dimension_numbers<[1], [0], [0], [1], [0, 0, 1, 1], [], []>, transpose_lhs_hint = false} : vector<2000x128xf32>, vector<128x128xf32>, vector<2000x128xf32> -> vector<2000x128xf32>
    %add3A_35 = arith.addf %add3A_32, %dot_general3A_34 : vector<2000x128xf32>
    %add3A_36 = vector.broadcast %get3A_28 : vector<1x128xf32> to vector<2000x128xf32>
    %add3A_37 = arith.addf %add3A_35, %add3A_36 : vector<2000x128xf32>
    %max3A = arith.constant 0.000000e+00 : f32
    %max3A_38 = vector.broadcast %max3A : f32 to vector<2000x128xf32>
    %max3A_39 = arith.maximumf %add3A_37, %max3A_38 : vector<2000x128xf32>
    %get3A_40 = arith.constant 0 : index
    %get3A_41 = arith.constant 0 : index
    %get3A_42 = arith.constant 0 : index
    %get3A_43 = vector.load %arg4[%get3A_40, %get3A_41, %get3A_42] : memref<1x1x2000xi32, #tpu.memory_space<vmem>>, vector<1x1x2000xi32>
    %get3A_44 = vector.shape_cast %get3A_43 : vector<1x1x2000xi32> to vector<1x2000xi32>
    %iota3A = tpu.iota {dimensions = array<i32: 0>} : vector<64x2000xi32>
    %eq3A_45 = vector.broadcast %get3A_44 : vector<1x2000xi32> to vector<64x2000xi32>
    %eq3A_46 = arith.cmpi eq, %eq3A_45, %iota3A : vector<64x2000xi32>
    %convert_element_type3A_47 = arith.extui %eq3A_46 : vector<64x2000xi1> to vector<64x2000xi32>
    %convert_element_type3A_48 = arith.sitofp %convert_element_type3A_47 : vector<64x2000xi32> to vector<64x2000xf32>
    %get3A_49 = arith.constant 0 : index
    %get3A_50 = arith.constant 0 : index
    %get3A_51 = vector.load %arg10[%get3A_49, %get3A_50] : memref<64x128xf32, #tpu.memory_space<vmem>>, vector<64x128xf32>
    %dot_general3A_52 = arith.constant dense<0.000000e+00> : vector<64x128xf32>
    %dot_general3A_53 = tpu.matmul %convert_element_type3A_48, %max3A_39, %dot_general3A_52 {dimension_numbers = #tpu.dot_dimension_numbers<[1], [0], [0], [1], [0, 0, 1, 1], [], []>, transpose_lhs_hint = false} : vector<64x2000xf32>, vector<2000x128xf32>, vector<64x128xf32> -> vector<64x128xf32>
    %add3A_54 = arith.addf %get3A_51, %dot_general3A_53 : vector<64x128xf32>
    %swap3A = arith.constant 0 : index
    %swap3A_55 = arith.constant 0 : index
    %swap3A_56 = vector.load %arg10[%swap3A, %swap3A_55] : memref<64x128xf32, #tpu.memory_space<vmem>>, vector<64x128xf32>
    tpu.vector_store %arg10[%swap3A, %swap3A_55], %add3A_54 {strides = array<i32>} : memref<64x128xf32, #tpu.memory_space<vmem>>, vector<64x128xf32>,
    %get3A_57 = arith.constant 0 : index
    %get3A_58 = arith.constant 0 : index
    %get3A_59 = vector.load %arg11[%get3A_57, %get3A_58] : memref<64x128xf32, #tpu.memory_space<vmem>>, vector<64x128xf32>
    %reduce_sum3A = arith.constant dense<0.000000e+00> : vector<64xf32>
    %reduce_sum3A_60 = vector.multi_reduction <add>, %convert_element_type3A_48, %reduce_sum3A [1] : vector<64x2000xf32> to vector<64xf32>
    %broadcast_in_dim3A = vector.shape_cast %reduce_sum3A_60 : vector<64xf32> to vector<64x1xf32>
    %broadcast_in_dim3A_61 = vector.shape_cast %broadcast_in_dim3A : vector<64x1xf32> to vector<64x1xf32>
    %broadcast_in_dim3A_62 = vector.broadcast %broadcast_in_dim3A_61 : vector<64x1xf32> to vector<64x128xf32>
    %add3A_63 = arith.addf %get3A_59, %broadcast_in_dim3A_62 : vector<64x128xf32>
    %swap3A_64 = arith.constant 0 : index
    %swap3A_65 = arith.constant 0 : index
    %swap3A_66 = vector.load %arg11[%swap3A_64, %swap3A_65] : memref<64x128xf32, #tpu.memory_space<vmem>>, vector<64x128xf32>
    tpu.vector_store %arg11[%swap3A_64, %swap3A_65], %add3A_63 {strides = array<i32>} : memref<64x128xf32, #tpu.memory_space<vmem>>, vector<64x128xf32>,
    %eq3A_67 = arith.constant 4 : i32
    %eq3A_68 = arith.cmpi eq, %arg0, %eq3A_67 : i32
    %convert_element_type3A_69 = arith.extui %eq3A_68 : i1 to i32
    %cond3A_70 = arith.constant 0 : i32
    %cond3A_71 = arith.cmpi ne, %convert_element_type3A_69, %cond3A_70 : i32
    scf.if %cond3A_71 {
      %get3A_72 = arith.constant 0 : index
      %get3A_73 = arith.constant 0 : index
      %get3A_74 = vector.load %arg10[%get3A_72, %get3A_73] : memref<64x128xf32, #tpu.memory_space<vmem>>, vector<64x128xf32>
      %get3A_75 = arith.constant 0 : index
      %get3A_76 = arith.constant 0 : index
      %get3A_77 = vector.load %arg11[%get3A_75, %get3A_76] : memref<64x128xf32, #tpu.memory_space<vmem>>, vector<64x128xf32>
      %max3A_78 = arith.constant 1.000000e+00 : f32
      %max3A_79 = vector.broadcast %max3A_78 : f32 to vector<64x128xf32>
      %max3A_80 = arith.maximumf %get3A_77, %max3A_79 : vector<64x128xf32>
      %div3A = arith.divf %get3A_74, %max3A_80 : vector<64x128xf32>
      %swap3A_81 = arith.constant 0 : index
      %swap3A_82 = arith.constant 0 : index
      %swap3A_83 = vector.load %arg9[%swap3A_81, %swap3A_82] : memref<64x128xf32, #tpu.memory_space<vmem>>, vector<64x128xf32>
      tpu.vector_store %arg9[%swap3A_81, %swap3A_82], %div3A {strides = array<i32>} : memref<64x128xf32, #tpu.memory_space<vmem>>, vector<64x128xf32>,
    } else {
    }
    return
  }
  func.func @transform_0(%arg0: i32) -> (i32, i32) {
    %c0_i32 = arith.constant 0 : i32
    %c0_i32_0 = arith.constant 0 : i32
    return %arg0, %c0_i32 : i32, i32
  }
  func.func @transform_1(%arg0: i32) -> (i32, i32, i32) {
    %c0_i32 = arith.constant 0 : i32
    %c0_i32_0 = arith.constant 0 : i32
    %c0_i32_1 = arith.constant 0 : i32
    return %c0_i32, %arg0, %c0_i32_0 : i32, i32, i32
  }
  func.func @transform_2(%arg0: i32) -> (i32, i32) {
    %c0_i32 = arith.constant 0 : i32
    %c0_i32_0 = arith.constant 0 : i32
    return %arg0, %c0_i32 : i32, i32
  }
  func.func @transform_3(%arg0: i32) -> (i32, i32, i32) {
    %c0_i32 = arith.constant 0 : i32
    %c0_i32_0 = arith.constant 0 : i32
    %c0_i32_1 = arith.constant 0 : i32
    return %arg0, %c0_i32, %c0_i32_0 : i32, i32, i32
  }
  func.func @transform_4(%arg0: i32) -> (i32, i32) {
    %c0_i32 = arith.constant 0 : i32
    %c0_i32_0 = arith.constant 0 : i32
    %c0_i32_1 = arith.constant 0 : i32
    return %c0_i32, %c0_i32_0 : i32, i32
  }
  func.func @transform_5(%arg0: i32) -> (i32, i32) {
    %c0_i32 = arith.constant 0 : i32
    %c0_i32_0 = arith.constant 0 : i32
    %c0_i32_1 = arith.constant 0 : i32
    return %c0_i32, %c0_i32_0 : i32, i32
  }
  func.func @transform_6(%arg0: i32) -> (i32, i32) {
    %c0_i32 = arith.constant 0 : i32
    %c0_i32_0 = arith.constant 0 : i32
    %c0_i32_1 = arith.constant 0 : i32
    return %c0_i32, %c0_i32_0 : i32, i32
  }
  func.func @transform_7(%arg0: i32) -> (i32, i32) {
    %c0_i32 = arith.constant 0 : i32
    %c0_i32_0 = arith.constant 0 : i32
    %c0_i32_1 = arith.constant 0 : i32
    return %c0_i32, %c0_i32_0 : i32, i32
  }
  func.func @transform_8(%arg0: i32) -> (i32, i32) {
    %c0_i32 = arith.constant 0 : i32
    %c0_i32_0 = arith.constant 0 : i32
    %c0_i32_1 = arith.constant 0 : i32
    return %c0_i32, %c0_i32_0 : i32, i32
  }
}

</mosaic_0001>

<sc_bundles>
// kernel: kernel.11.cloned.1.call-start
scs
__scs_entry_jumppad:
0x0: {  	(pc) =	sbr.rel $0x88, $3  }
0x1: {  	(tag) =	ssettag $0x0;
	lr =	simm.s32 $0x1  }
0x2: {  	[smem:$0x3F92] =	sst lr;
	_ =	strace $0xD0000000  }
0x3: {  	_ = 	snop  }
0x4: {  	_ = 	snop  }
0x5: {  	_ = 	snop  }
0x6: {  	_ = 	snop  }
0x7: {  	_ = 	snop  }
__scs_overlays_trampoline_lowered:
0x8: {  	[smem:$0x3FA1] =	sst s0  }
0x9: {  	[smem:$0x3FA2] =	sst s1  }
0xa: {  	[smem:$0x3FA3] =	sst s2  }
0xb: {  	[smem:$0x3FA4] =	sst s3  }
0xc: {  	[smem:$0x3FA5] =	sst s4  }
0xd: {  	[smem:$0x3FA6] =	sst s5  }
0xe: {  	[smem:$0x3FA7] =	sst s6  }
0xf: {  	[smem:$0x3FA8] =	sst s7  }
0x10: {  	[smem:$0x3FA9] =	sst s8  }
0x11: {  	[smem:$0x3FAA] =	sst s9;
	s0 =	simm.s32 @!p0 $0x0  }
0x12: {  	s1 =	sld [smem:$0x3F90];
	s0 =	simm.s32 @p0 $0x1  }
0x13: {  	[smem:$0x3FAB] =	sst s0;
	s0 =	simm.s32 @!p1 $0x0  }
0x14: {  	s2 =	sld [smem:$0x3F8F];
	s0 =	simm.s32 @p1 $0x1  }
0x15: {  	[smem:$0x3FAC] =	sst s0;
	s0 =	simm.s32 @!p2 $0x0  }
0x16: {  	s3 =	sld [smem:$0x3FDB];
	s0 =	simm.s32 @p2 $0x1  }
0x17: {  	s4 =	simm.s32 $0x1BF5;
	[smem:$0x3FAE] =	sst s0  }
0x18: {  	s0 =	sld [smem:$0x3F91];
	_ =	swait.ge [sflag:s4], $0x0  }
0x19: {  	s7 =	sld [smem:$0x3F92]  }
0x1a: {  	s8 =	sadd.s32 $0xFFFFE003, lr  }
0x1b: {  	s9 =	sadd.s32 $0xFFFFFEF7, lr;
	s5 =	simm.s32 $0xFFFFFFFF;
	p2 =	slt.u32 s8, $0xFFFFF086  }
0x1c: {  	p1 =	slt.u32 s9, $0xF7A;
	s5 =	simm.s32 @!p2 $0x0  }
0x1d: {  	s5 =	simm.s32 @p1 $0x1;
	p0 =	seq.s32 s7, s2  }
0x1e: {  	s7 =	smul.u32 @!p0 $0xF7A, s2;
	p2 =	seq.s32 @!p0 s5, $0x0  }
0x1f: {  	s9 =	smul.u32 $0xF7A, s1;
	s8 =	simm.s32 @!p0 $0x1BF5;
	p2 =	por !p2, p0  }
0x20: {  	[sflag:s8] =	ssyncset.s32 @!p0 $0xFFFFF086;
	s6 =	sadd.s32 @!p0 s3, s7;
	s7 =	simm.s32 @!p0 $0x108  }
0x21: {  	s3 =	sadd.s32 s3, s9;
	s6 =	sadd.s32 @!p0 $0x88, s6;
	s7 =	simm.s32 @p2 $0x1082  }
0x22: {  	[simem:s7], [sflag:s8] =	dma.local @!p0 [hbm:s6], $0xF7A  }
0x23: {  	s9 =	sor.u32 $0xD0000000, s2;
	s6 =	simm.s32 $0x108;
	_ =	swait.ge @!p0 [sflag:s8], $0x0  }
0x24: {  	s3 =	sadd.s32 $0x88, s3;
	s6 =	simm.s32 @!p1 $0x1082;
	[sflag:s4] =	ssyncset.s32 $0xFFFFF086  }
0x25: {  	[simem:s6], [sflag:s4] =	dma.local [hbm:s3], $0xF7A  }
0x26: {  	[smem:$0x3F92] =	sst s1;
	(tag) =	ssettag s2;
	_ =	strace s9  }
0x27: {  	s1 =	sld [smem:$0x3FA2]  }
0x28: {  	s2 =	sld [smem:$0x3FA3]  }
0x29: {  	s4 =	sld [smem:$0x3FA5]  }
0x2a: {  	p0 =	seq.s32 s5, $0x0;
	s5 =	sld [smem:$0x3FA6]  }
0x2b: {  	s6 =	sld [smem:$0x3FA7]  }
0x2c: {  	s7 =	sld [smem:$0x3FA8]  }
0x2d: {  	s3 =	simm.s32 $0x108;
	s8 =	sld [smem:$0x3FA9]  }
0x2e: {  	s3 =	simm.s32 @!p0 $0x1082;
	s9 =	sld [smem:$0x3FAA]  }
0x2f: {  	lr =	sadd.s32 s0, s3;
	s0 =	sld [smem:$0x3FA1]  }
0x30: {  	s3 =	sld [smem:$0x3FA4]  }
0x31: {  	[smem:$0x3FAD] =	sst s10  }
0x32: {  	s10 =	sld [smem:$0x3FAB];
	_ =	sdelay $0x3  }
0x33: {  	p0 =	seq.s32 s10, $0x1;
	s10 =	sld [smem:$0x3FAD];
	_ =	sdelay $0x3  }
0x34: {  	[smem:$0x3FAD] =	sst s10  }
0x35: {  	s10 =	sld [smem:$0x3FAC];
	_ =	sdelay $0x3  }
0x36: {  	p1 =	seq.s32 s10, $0x1;
	s10 =	sld [smem:$0x3FAD];
	_ =	sdelay $0x3  }
0x37: {  	[smem:$0x3FAD] =	sst s10  }
0x38: {  	s10 =	sld [smem:$0x3FAE]  }
0x39: {  	_ = 	snop;
	(pc) =	sbr.ind lr, $3  }
0x3a: {  	_ = 	snop  }
0x3b: {  	_ = 	snop  }
0x3c: {  	p2 =	seq.s32 s10, $0x1;
	s10 =	sld [smem:$0x3FAD]  }
0x3d: {  	_ =	shalt  }
0x3e: {  	_ =	shalt  }
0x3f: {  	_ =	shalt  }
0x40: {  	_ =	shalt  }
0x41: {  	_ =	shalt  }
0x42: {  	_ =	shalt  }
0x43: {  	_ =	shalt  }
0x44: {  	_ =	shalt  }
0x45: {  	_ =	shalt  }
0x46: {  	_ =	shalt  }
0x47: {  	_ =	shalt  }
0x48: {  	_ =	shalt  }
0x49: {  	_ =	shalt  }
0x4a: {  	_ =	shalt  }
0x4b: {  	_ =	shalt  }
0x4c: {  	_ =	shalt  }
0x4d: {  	_ =	shalt  }
0x4e: {  	_ =	shalt  }
0x4f: {  	_ =	shalt  }
0x50: {  	_ =	shalt  }
0x51: {  	_ =	shalt  }
0x52: {  	_ =	shalt  }
0x53: {  	_ =	shalt  }
0x54: {  	_ =	shalt  }
0x55: {  	_ =	shalt  }
0x56: {  	_ =	shalt  }
0x57: {  	_ =	shalt  }
0x58: {  	_ =	shalt  }
0x59: {  	_ =	shalt  }
0x5a: {  	_ =	shalt  }
0x5b: {  	_ =	shalt  }
0x5c: {  	_ =	shalt  }
0x5d: {  	_ =	shalt  }
0x5e: {  	_ =	shalt  }
0x5f: {  	_ =	shalt  }
0x60: {  	_ =	shalt  }
0x61: {  	_ =	shalt  }
0x62: {  	_ =	shalt  }
0x63: {  	_ =	shalt  }
0x64: {  	_ =	shalt  }
0x65: {  	_ =	shalt  }
0x66: {  	_ =	shalt  }
0x67: {  	_ =	shalt  }
0x68: {  	_ =	shalt  }
0x69: {  	_ =	shalt  }
0x6a: {  	_ =	shalt  }
0x6b: {  	_ =	shalt  }
0x6c: {  	_ =	shalt  }
0x6d: {  	_ =	shalt  }
0x6e: {  	_ =	shalt  }
0x6f: {  	_ =	shalt  }
0x70: {  	_ =	shalt  }
0x71: {  	_ =	shalt  }
0x72: {  	_ =	shalt  }
0x73: {  	_ =	shalt  }
0x74: {  	_ =	shalt  }
0x75: {  	_ =	shalt  }
0x76: {  	_ =	shalt  }
0x77: {  	_ =	shalt  }
0x78: {  	_ =	shalt  }
0x79: {  	_ =	shalt  }
0x7a: {  	_ =	shalt  }
0x7b: {  	_ =	shalt  }
0x7c: {  	_ =	shalt  }
0x7d: {  	_ =	shalt  }
0x7e: {  	_ =	shalt  }
0x7f: {  	_ =	shalt  }
0x80: {  	_ =	shalt  }
0x81: {  	_ =	shalt  }
0x82: {  	_ =	shalt  }
0x83: {  	_ =	shalt  }
0x84: {  	_ =	shalt  }
0x85: {  	_ =	shalt  }
0x86: {  	_ =	shalt  }
0x87: {  	_ =	shalt  }
.Lfunc_end0:
.L_simem_size_0:
called_computation.1_lowered:
.L_overlay_start_0:
0x88: {  	s2 =	sld [smem:$0x3FD9]  }
0x89: {  	s3 =	sld [smem:$0x3FFE];
	_ =	sdelay $0x1  }
0x8a: {  	s1 =	srdreg.scid  }
0x8b: {  	s0 =	sand.u32 $0x1, s1  }
0x8c: {  	s16 =	sshll.u32 s0, $0xA;
	s2 =	sadd.s32 s3, s2  }
0x8d: {  	s2 =	sadd.s32 s2, s16  }
0x8e: {  	[smem:$0x3FB9] =	sst s2  }
0x8f: {  	_ = 	snop  }
0x90: {  	(tm) =	ssettm $0x1  }
0x91: {  	s17 =	sld [smem:$0x3FFB];
	_ =	sdelay $0x3  }
0x92: {  	_ =	strace s17  }
0x93: {  	s2 =	sld [smem:$0x3FFC];
	_ =	sdelay $0x3  }
0x94: {  	_ =	strace s2  }
0x95: {  	s2 =	sld [smem:$0x3FFD];
	_ =	sdelay $0x3  }
0x96: {  	_ =	strace s2  }
0x97: {  	_ =	strace $0x8FFFFFFF  }
0x98: {  	s18 =	sld [smem:$0x3FDB];
	_ =	sdelay $0x1  }
0x99: {  	s19 =	simm.s32 $_scs_section_size  }
0x9a: {  	s4 =	simm.s32 $_size__tile_overlayer_lowered;
	s5 =	simm.s32 $_tile_overlayer_lowered  }
0x9b: {  	s22 =	simm.s32 $0x1BFF;
	s21 =	sshll.u32 s5, $0x1;
	s2 =	sadd.s32 s19, s18  }
0x9c: {  	s6 =	simm.s32 $0x0;
	s20 =	sshll.u32 s4, $0x1;
	s4 =	sadd.s32 s21, s2  }
0x9d: {  	[timem:s6], [sflag:s22] =	dma.local [hbm:s4], s20  }
0x9e: {  	_ =	swait.ge [sflag:s22], s20  }
0x9f: {  	s3 =	ssub.s32 $0x0, s20;
	[sflag:s22] =	ssyncset.done $0x0  }
0xa0: {  	[sflag:s22] =	ssyncadd.s32 s3;
	_ =	sdelay $0x1  }
0xa1: {  	s23 =	simm.s32 $0x1B8B  }
0xa2: {  	_ =	swait.ge [sflag:s23], $0x1  }
0xa3: {  	[sflag:s23] =	ssyncset.done $0x0  }
0xa4: {  	s25 =	simm.s32 $0x1B8E;
	s24 =	sld [smem:$0x3FFE];
	[sflag:s23] =	ssyncadd.s32 $0xFFFFFFFF  }
0xa5: {  	s26 =	simm.s32 $execute0_lowered;
	[smem:$0x3FD2] =	sst s25  }
0xa6: {  	s4 =	sshll.u32 s26, $0x1;
	_ =	strace $0x80000049;
	[dreg:$0x1] =	wrdreg $0xFFFFFFFF  }
0xa7: {  	s28 =	simm.s32 $_size_execute0_lowered;
	s2 =	sadd.s32 s2, s4;
	[dreg:$0x0] =	wrdreg $0x0  }
0xa8: {  	s4 =	sshll.u32 s28, $0x1;
	[dreg:$0x2] =	wrdreg s2  }
0xa9: {  	[dreg:$0x3] =	wrdreg s4  }
0xaa: {  	[dreg:$0x4] =	wrdreg $0xC0  }
0xab: {  	_ =	task [dreg:s6], $0x5FFFF  }
0xac: {  	[dreg:$0x1] =	wrdreg $0xFFFFFFFF  }
0xad: {  	[dreg:$0x0] =	wrdreg $0x60  }
0xae: {  	[dreg:$0x2] =	wrdreg s24  }
0xaf: {  	[dreg:$0x3] =	wrdreg $0x0  }
0xb0: {  	[dreg:$0x4] =	wrdreg $0x9  }
0xb1: {  	_ =	task.clear_ibuf [dreg:s6], $0x5FFFF;
	_ =	strace $0x90000049  }
0xb2: {  	s29 =	simm.s32 $0x9;
	_ =	strace $0x8000004B  }
0xb3: {  	_ =	swait.ge [sflag:s29], $0x1  }
0xb4: {  	[sflag:s29] =	ssyncadd.s32 $0xFFFFFFFF  }
0xb5: {  	_ =	strace $0x9000004B  }
0xb6: {  	_ =	sfence  }
0xb7: {  	s30 =	sld [smem:$0x0];
	_ =	sdelay $0x2  }
0xb8: {  	s31 =	sshll.u32 s1, $0xD;
	s1 =	sshrl.u32 s1, $0x2  }
0xb9: {  	s3 =	sand.u32 $0x4000, s31;
	s1 =	sadd.s32 s1, s30  }
0xba: {  	s0 =	sor.u32 s3, s0;
	s1 =	sshll.u32 s1, $0x11  }
0xbb: {  	s0 =	sor.u32 s1, s0  }
0xbc: {  	s0 =	sadd.s32 $0x8F2B, s0  }
0xbd: {  	[sflag:s0] =	ssyncadd.remote.s32 $0x1  }
0xbe: {  	_ =	sfence.sel $0xFFFF  }
0xbf: {  	[dreg:$0x0] =	wrdreg $0xFFFFFFFF;
	(pc) =	sbr.abs _section_cstart, $3  }
0xc0: {  	[dreg:$0x1] =	wrdreg $0xFFFFFFFF  }
0xc1: {  	_ =	task.clear_ibuf [dreg:s6], $0x2FFFF;
	_ =	strace $0x9FFFFFFF  }
0xc2: {  	(tm) =	ssettm $0x7FFFFFFF  }
0xc3: {  	_ =	shalt  }
tec
execute0_lowered:
.L_overlay_start_1:
0x0: {  	(tag) =	ssettag $0x1  }
0x1: {  	s5 =	rddreg [dreg:$0x0]  }
0x2: {  	s2 =	rddreg [dreg:$0x1]  }
0x3: {  	s0 =	rddreg [dreg:$0x2];
	s3 =	simm.s32 $0x0;
	s1 =	stileid.u32  }
0x4: {  	s4 =	srdreg.scid;
	s16 =	simm.s32 $0x15000;
	s17 =	simm.s32 $0x80  }
0x5: {  	s18 =	simm.s32 $0x16400;
	s19 =	simm.s32 $0x13C80;
	s20 =	simm.s32 $0x1A400  }
0x6: {  	s21 =	simm.s32 $0x1;
	[smem:$0x7FF] =	sst s3;
	s6 =	smul.u32 $0x13C00, s1  }
0x7: {  	s7 =	sand.u32 $0x1, s4;
	s4 =	sadd.s32 $0x3F600, s5;
	s9 =	sadd.s32 $0x3E00, s5  }
0x8: {  	s11 =	sadd.s32 $0xDE00, s5;
	s22 =	sshll.u32 s1, $0x1;
	s12 =	smul.u32 $0x4F000, s1  }
0x9: {  	s30 =	sshll.u32 s1, $0x6;
	_ =	strace $0x8000004A;
	s8 =	smul.u32 $0x13C000, s7  }
0xa: {  	s23 =	ssub.s32 $0x2, s7;
	s24 =	sor.u32 s7, s22;
	s22 =	simm.s32 $0x2  }
0xb: {  	s10 =	sshrl.u32 s6, $0x3;
	s25 =	sshrl.u32 s23, $0x1;
	s28 =	smul.u32 $0x2800, s24  }
0xc: {  	s26 =	sshrl.u32 s12, $0x2;
	s29 =	smul.u32 $0x500, s24;
	s24 =	simm.s32 $0x16380  }
0xd: {  	s10 =	sadd.s32 s10, s5;
	s6 =	sadd.s32 s6, s8;
	s14 =	ssub.s32 s23, s25  }
0xe: {  	s15 =	sadd.s32 s26, s2;
	s23 =	simm.s32 $0x16300;
	s25 =	simm.s32 $0x0  }
0xf: {  	s6 =	sshrl.u32 s6, $0x3;
	s31 =	sshrl.u32 s28, $0x3;
	s7 =	sadd.s32 s9, s29  }
0x10: {  	s8 =	sadd.s32 s11, s29;
	s12 =	smax.u32 s14, $0x1;
	s14 =	simm.s32 $0x3  }
0x11: {  	s13 =	sadd.s32 s6, s5;
	s5 =	sadd.s32 $0x17E00, s10;
	s10 =	sadd.s32 $0x280, s31  }
0x12: {  	s6 =	sor.u32 $0x1C03, s30;
	s9 =	sadd.s32 s9, s10;
	s10 =	sadd.s32 s11, s10  }
0x13: {  	s11 =	sadd.s32 $0x66800, s13;
	s13 =	sshrl.u32 s15, $0x3;
	s15 =	simm.s32 $0x13C00  }
.LBB2_1:
0x14: {  	[spmem:s13], [sflag:s6] =	dma.local [hbm:s5], $0x2780  }
0x15: {  	_ =	swait.ge [sflag:s14], $0x2780  }
0x16: {  	[sflag:s14] =	ssyncset.done $0x0  }
0x17: {  	[sflag:s14] =	ssyncadd.s32 $0xFFFFD880  }
0x18: {  	[bflag:$0x0] =	sbarrier.arrive $0xFFFF  }
0x19: {  	[tilespmem:s15], [sflag:$0x3] =	stream.linear.gather [hbm4b:s7+s3], $0x1400, $0x38;
	[tilespmem:$0x1E400] =	vst v63  }
0x1a: {  	_ =	swait.ge [sflag:s14], $0x1400  }
0x1b: {  	[sflag:s14] =	ssyncset.done $0x0  }
0x1c: {  	[sflag:s14] =	ssyncadd.s32 $0xFFFFEC00  }
0x1d: {  	[tilespmem:s16], [sflag:$0x3] =	stream.linear.gather [hbm4b:s8+s3], $0x1400, $0x38;
	[tilespmem:$0x1E400] =	vst v63  }
0x1e: {  	_ =	swait.ge [sflag:s14], $0x1400  }
0x1f: {  	[sflag:s14] =	ssyncset.done $0x0  }
0x20: {  	[sflag:s14] =	ssyncadd.s32 $0xFFFFEC00  }
0x21: {  	[tilespmem:s18], [sflag:$0x1] =	stream.indirect.gather [hbm4b:s4+s17], $0x80, s15, s17, $0xb8;
	[tilespmem:$0x1E400] =	vst v63  }
0x22: {  	_ = 	snop  }
0x23: {  	[tilespmem:s20], [sflag:$0x2] =	stream.indirect.gather [hbm4b:s4+s17], $0x80, s19, s17, $0xb8;
	[tilespmem:$0x1E400] =	vst v63  }
0x24: {  	_ =	swait.ge [sflag:s21], $0x4000  }
0x25: {  	[sflag:s21] =	ssyncset.done $0x0  }
0x26: {  	s26 =	simm.s32 $0x15000;
	[sflag:s21] =	ssyncadd.s32 $0xFFFFC000  }
0x27: {  	[spmem:s2] =	stream.indirect.scatter.add.f32 [tilespmem:s18], [sflag:$0x3], $0x80, s26, s17, $0xb8;
	[tilespmem:$0x1E400] =	vst v63  }
0x28: {  	_ =	swait.ge [sflag:s14], $0x4000  }
0x29: {  	[sflag:s14] =	ssyncset.done $0x0  }
0x2a: {  	s30 =	simm.s32 $0x13D00;
	[sflag:s14] =	ssyncadd.s32 $0xFFFFC000  }
0x2b: {  	[tilespmem:s18], [sflag:$0x1] =	stream.indirect.gather [hbm4b:s4+s17], $0x80, s30, s17, $0xb8;
	[tilespmem:$0x1E400] =	vst v63  }
0x2c: {  	_ =	swait.ge [sflag:s22], $0x4000  }
0x2d: {  	[sflag:s22] =	ssyncset.done $0x0  }
0x2e: {  	s31 =	simm.s32 $0x15080;
	[sflag:s22] =	ssyncadd.s32 $0xFFFFC000  }
0x2f: {  	[spmem:s2] =	stream.indirect.scatter.add.f32 [tilespmem:s20], [sflag:$0x3], $0x80, s31, s17, $0xb8;
	[tilespmem:$0x1E400] =	vst v63  }
0x30: {  	_ =	swait.ge [sflag:s14], $0x4000  }
0x31: {  	[sflag:s14] =	ssyncset.done $0x0  }
0x32: {  	s28 =	simm.s32 $0x13D80;
	s26 =	simm.s32 $0x400;
	[sflag:s14] =	ssyncadd.s32 $0xFFFFC000  }
.LBB2_2:
0x33: {  	[tilespmem:s20], [sflag:$0x2] =	stream.indirect.gather [hbm4b:s4+s17], $0x80, s28, s17, $0xb8;
	[tilespmem:$0x1E400] =	vst v63  }
0x34: {  	s28 =	smov.u32 s26  }
0x35: {  	p0 =	sne.s32 s26, $0x4800;
	s26 =	sadd.s32 $0x400, s26;
	_ =	swait.ge [sflag:s21], $0x4000  }
0x36: {  	s28 =	sshra.s32 s28, $0x2;
	[sflag:s21] =	ssyncset.done $0x0  }
0x37: {  	s29 =	sadd.s32 $0x15000, s28;
	[sflag:s21] =	ssyncadd.s32 $0xFFFFC000  }
0x38: {  	[spmem:s2] =	stream.indirect.scatter.add.f32 [tilespmem:s18], [sflag:$0x3], $0x80, s29, s17, $0xb8;
	[tilespmem:$0x1E400] =	vst v63  }
0x39: {  	_ =	swait.ge [sflag:s14], $0x4000  }
0x3a: {  	[sflag:s14] =	ssyncset.done $0x0  }
0x3b: {  	s29 =	sadd.s32 $0x13D00, s28;
	[sflag:s14] =	ssyncadd.s32 $0xFFFFC000  }
0x3c: {  	[tilespmem:s18], [sflag:$0x1] =	stream.indirect.gather [hbm4b:s4+s17], $0x80, s29, s17, $0xb8;
	[tilespmem:$0x1E400] =	vst v63  }
0x3d: {  	_ =	swait.ge [sflag:s22], $0x4000  }
0x3e: {  	[sflag:s22] =	ssyncset.done $0x0  }
.Ltmp0:
0x3f: {  	s29 =	sadd.s32 $0x15080, s28;
	[sflag:s22] =	ssyncadd.s32 $0xFFFFC000;
	(pc) =	sbr.rel @p0 .LBB2_2-.Ltmp0, $4  }
0x40: {  	[spmem:s2] =	stream.indirect.scatter.add.f32 [tilespmem:s20], [sflag:$0x3], $0x80, s29, s17, $0xb8;
	[tilespmem:$0x1E400] =	vst v63  }
0x41: {  	_ =	swait.ge [sflag:s14], $0x4000  }
0x42: {  	[sflag:s14] =	ssyncset.done $0x0  }
0x43: {  	s28 =	sadd.s32 $0x13D80, s28;
	[sflag:s14] =	ssyncadd.s32 $0xFFFFC000  }
0x44: {  	[tilespmem:s20], [sflag:$0x2] =	stream.indirect.gather [hbm4b:s4+s17], $0x80, s28, s17, $0xb8;
	[tilespmem:$0x1E400] =	vst v63  }
0x45: {  	_ =	swait.ge [sflag:s21], $0x4000  }
0x46: {  	[sflag:s21] =	ssyncset.done $0x0  }
0x47: {  	[sflag:s21] =	ssyncadd.s32 $0xFFFFC000  }
0x48: {  	[spmem:s2] =	stream.indirect.scatter.add.f32 [tilespmem:s18], [sflag:$0x3], $0x80, s23, s17, $0xb8;
	[tilespmem:$0x1E400] =	vst v63  }
0x49: {  	_ =	swait.ge [sflag:s14], $0x4000  }
0x4a: {  	[sflag:s14] =	ssyncset.done $0x0  }
0x4b: {  	[sflag:s14] =	ssyncadd.s32 $0xFFFFC000  }
0x4c: {  	_ =	swait.ge [sflag:s22], $0x4000  }
0x4d: {  	[sflag:s22] =	ssyncset.done $0x0  }
0x4e: {  	[sflag:s22] =	ssyncadd.s32 $0xFFFFC000  }
0x4f: {  	[spmem:s2] =	stream.indirect.scatter.add.f32 [tilespmem:s20], [sflag:$0x3], $0x80, s24, s17, $0xb8;
	[tilespmem:$0x1E400] =	vst v63  }
0x50: {  	_ =	swait.ge [sflag:s14], $0x4000  }
0x51: {  	[sflag:s14] =	ssyncset.done $0x0  }
0x52: {  	s26 =	simm.s32 $0x0;
	[sflag:s14] =	ssyncadd.s32 $0xFFFFC000  }
0x53: {  	[tilespmem:s15], [sflag:$0x3] =	stream.linear.gather [hbm4b:s9+s26], $0x1400, $0x38;
	[tilespmem:$0x1E400] =	vst v63  }
0x54: {  	_ =	swait.ge [sflag:s14], $0x1400  }
0x55: {  	[sflag:s14] =	ssyncset.done $0x0  }
0x56: {  	[sflag:s14] =	ssyncadd.s32 $0xFFFFEC00  }
0x57: {  	[tilespmem:s16], [sflag:$0x3] =	stream.linear.gather [hbm4b:s10+s26], $0x1400, $0x38;
	[tilespmem:$0x1E400] =	vst v63  }
0x58: {  	_ =	swait.ge [sflag:s14], $0x1400  }
0x59: {  	[sflag:s14] =	ssyncset.done $0x0  }
0x5a: {  	[sflag:s14] =	ssyncadd.s32 $0xFFFFEC00  }
0x5b: {  	[tilespmem:s18], [sflag:$0x1] =	stream.indirect.gather [hbm4b:s4+s17], $0x80, s15, s17, $0xb8;
	[tilespmem:$0x1E400] =	vst v63  }
0x5c: {  	_ = 	snop  }
0x5d: {  	[tilespmem:s20], [sflag:$0x2] =	stream.indirect.gather [hbm4b:s4+s17], $0x80, s19, s17, $0xb8;
	[tilespmem:$0x1E400] =	vst v63  }
0x5e: {  	_ =	swait.ge [sflag:s21], $0x4000  }
0x5f: {  	[sflag:s21] =	ssyncset.done $0x0  }
0x60: {  	s29 =	simm.s32 $0x15000;
	[sflag:s21] =	ssyncadd.s32 $0xFFFFC000  }
0x61: {  	[spmem:s2] =	stream.indirect.scatter.add.f32 [tilespmem:s18], [sflag:$0x3], $0x80, s29, s17, $0xb8;
	[tilespmem:$0x1E400] =	vst v63  }
0x62: {  	_ =	swait.ge [sflag:s14], $0x4000  }
0x63: {  	[sflag:s14] =	ssyncset.done $0x0  }
0x64: {  	s30 =	simm.s32 $0x13D00;
	[sflag:s14] =	ssyncadd.s32 $0xFFFFC000  }
0x65: {  	[tilespmem:s18], [sflag:$0x1] =	stream.indirect.gather [hbm4b:s4+s17], $0x80, s30, s17, $0xb8;
	[tilespmem:$0x1E400] =	vst v63  }
0x66: {  	_ =	swait.ge [sflag:s22], $0x4000  }
0x67: {  	[sflag:s22] =	ssyncset.done $0x0  }
0x68: {  	s31 =	simm.s32 $0x15080;
	[sflag:s22] =	ssyncadd.s32 $0xFFFFC000  }
0x69: {  	[spmem:s2] =	stream.indirect.scatter.add.f32 [tilespmem:s20], [sflag:$0x3], $0x80, s31, s17, $0xb8;
	[tilespmem:$0x1E400] =	vst v63  }
0x6a: {  	_ =	swait.ge [sflag:s14], $0x4000  }
0x6b: {  	[sflag:s14] =	ssyncset.done $0x0  }
0x6c: {  	s28 =	simm.s32 $0x13D80;
	s26 =	simm.s32 $0x400;
	[sflag:s14] =	ssyncadd.s32 $0xFFFFC000  }
.LBB2_4:
0x6d: {  	[tilespmem:s20], [sflag:$0x2] =	stream.indirect.gather [hbm4b:s4+s17], $0x80, s28, s17, $0xb8;
	[tilespmem:$0x1E400] =	vst v63  }
0x6e: {  	s28 =	smov.u32 s26  }
0x6f: {  	p0 =	sne.s32 s26, $0x4800;
	s26 =	sadd.s32 $0x400, s26;
	_ =	swait.ge [sflag:s21], $0x4000  }
0x70: {  	s28 =	sshra.s32 s28, $0x2;
	[sflag:s21] =	ssyncset.done $0x0  }
0x71: {  	s29 =	sadd.s32 $0x15000, s28;
	[sflag:s21] =	ssyncadd.s32 $0xFFFFC000  }
0x72: {  	[spmem:s2] =	stream.indirect.scatter.add.f32 [tilespmem:s18], [sflag:$0x3], $0x80, s29, s17, $0xb8;
	[tilespmem:$0x1E400] =	vst v63  }
0x73: {  	_ =	swait.ge [sflag:s14], $0x4000  }
0x74: {  	[sflag:s14] =	ssyncset.done $0x0  }
0x75: {  	s29 =	sadd.s32 $0x13D00, s28;
	[sflag:s14] =	ssyncadd.s32 $0xFFFFC000  }
0x76: {  	[tilespmem:s18], [sflag:$0x1] =	stream.indirect.gather [hbm4b:s4+s17], $0x80, s29, s17, $0xb8;
	[tilespmem:$0x1E400] =	vst v63  }
0x77: {  	_ =	swait.ge [sflag:s22], $0x4000  }
0x78: {  	[sflag:s22] =	ssyncset.done $0x0  }
.Ltmp1:
0x79: {  	s29 =	sadd.s32 $0x15080, s28;
	[sflag:s22] =	ssyncadd.s32 $0xFFFFC000;
	(pc) =	sbr.rel @p0 .LBB2_4-.Ltmp1, $4  }
0x7a: {  	[spmem:s2] =	stream.indirect.scatter.add.f32 [tilespmem:s20], [sflag:$0x3], $0x80, s29, s17, $0xb8;
	[tilespmem:$0x1E400] =	vst v63  }
0x7b: {  	_ =	swait.ge [sflag:s14], $0x4000  }
0x7c: {  	[sflag:s14] =	ssyncset.done $0x0  }
0x7d: {  	s28 =	sadd.s32 $0x13D80, s28;
	[sflag:s14] =	ssyncadd.s32 $0xFFFFC000  }
0x7e: {  	[tilespmem:s20], [sflag:$0x2] =	stream.indirect.gather [hbm4b:s4+s17], $0x80, s28, s17, $0xb8;
	[tilespmem:$0x1E400] =	vst v63  }
0x7f: {  	_ =	swait.ge [sflag:s21], $0x4000  }
0x80: {  	[sflag:s21] =	ssyncset.done $0x0  }
0x81: {  	[sflag:s21] =	ssyncadd.s32 $0xFFFFC000  }
0x82: {  	[spmem:s2] =	stream.indirect.scatter.add.f32 [tilespmem:s18], [sflag:$0x3], $0x80, s23, s17, $0xb8;
	[tilespmem:$0x1E400] =	vst v63  }
0x83: {  	_ =	swait.ge [sflag:s14], $0x4000  }
0x84: {  	[sflag:s14] =	ssyncset.done $0x0  }
0x85: {  	[sflag:s14] =	ssyncadd.s32 $0xFFFFC000  }
0x86: {  	_ =	swait.ge [sflag:s22], $0x4000  }
0x87: {  	[sflag:s22] =	ssyncset.done $0x0  }
0x88: {  	[sflag:s22] =	ssyncadd.s32 $0xFFFFC000  }
0x89: {  	[spmem:s2] =	stream.indirect.scatter.add.f32 [tilespmem:s20], [sflag:$0x3], $0x80, s24, s17, $0xb8;
	[tilespmem:$0x1E400] =	vst v63  }
0x8a: {  	_ =	swait.ge [sflag:s14], $0x4000  }
0x8b: {  	s25 =	sadd.s32 $0x1, s25;
	[sflag:s14] =	ssyncset.done $0x0  }
0x8c: {  	p0 =	sne.s32 s25, s12;
	[sflag:s14] =	ssyncadd.s32 $0xFFFFC000  }
.Ltmp2:
0x8d: {  	[bflag:$0x0] =	sbarrier.arrive $0xFFFF;
	(pc) =	sbr.rel @p0 .LBB2_1-.Ltmp2, $4  }
0x8e: {  	[hbm:s11], [sflag:s6] =	dma.local [spmem:s13], $0x2780  }
0x8f: {  	_ =	swait.ge [sflag:s14], $0x2780  }
0x90: {  	[sflag:s14] =	ssyncset.done $0x0  }
0x91: {  	[sflag:s14] =	ssyncadd.s32 $0xFFFFD880  }
0x92: {  	_ =	sfence.sel $0x180000  }
0x93: {  	[bflag:$0x0] =	sbarrier.arrive $0xFFFF  }
0x94: {  	p0 =	sne.s32 s1, $0x0;
	_ =	strace $0x9000004A  }
0x95: {  	s0 =	sadd.s32 @!p0 $0x100000, s0;
	[bflag:$0x2] =	sbarrier.arrive $0xFFFF  }
0x96: {  	[sflag:s0] =	ssyncadd.tile.s32 @!p0 $0x1;
	_ =	shalt  }
.Lfunc_end2:
_tile_overlayer_lowered:
.L_overlay_start_2:
0x97: {  	(tag) =	ssettag $0x2  }
0x98: {  	s0 =	rddreg [dreg:$0x0];
	s2 =	stileid.u32  }
0x99: {  	s1 =	rddreg [dreg:$0x1];
	p0 =	sne.s32 s2, $0x0  }
0x9a: {  	s3 =	rddreg [dreg:$0x2];
	[bflag:$0x3] =	sbarrier.arrive $0xFFFF;
	s2 =	simm.s32 @!p0 $0x1C03  }
0x9b: {  	[timem:s3], [sflag:s2] =	dma.local @!p0 [hbm:s0], s1  }
0x9c: {  	s0 =	simm.s32 @!p0 $0x3  }
0x9d: {  	_ =	swait.ge @!p0 [sflag:s0], s1  }
0x9e: {  	s1 =	ssub.s32 @!p0 $0x0, s1;
	[sflag:s0] =	ssyncset.done @!p0 $0x0  }
0x9f: {  	[sflag:s0] =	ssyncadd.s32 @!p0 s1  }
0xa0: {  	[bflag:$0x3] =	sbarrier.arrive $0xFFFF  }
0xa1: {  	_ =	shalt  }

// kernel: kernel.14.cloned.1.call-start
scs
__scs_entry_jumppad:
0x0: {  	(pc) =	sbr.rel $0x88, $3  }
0x1: {  	(tag) =	ssettag $0x0;
	lr =	simm.s32 $0x1  }
0x2: {  	[smem:$0x3F92] =	sst lr;
	_ =	strace $0xD0000000  }
0x3: {  	_ = 	snop  }
0x4: {  	_ = 	snop  }
0x5: {  	_ = 	snop  }
0x6: {  	_ = 	snop  }
0x7: {  	_ = 	snop  }
__scs_overlays_trampoline_lowered:
0x8: {  	[smem:$0x3FA1] =	sst s0  }
0x9: {  	[smem:$0x3FA2] =	sst s1  }
0xa: {  	[smem:$0x3FA3] =	sst s2  }
0xb: {  	[smem:$0x3FA4] =	sst s3  }
0xc: {  	[smem:$0x3FA5] =	sst s4  }
0xd: {  	[smem:$0x3FA6] =	sst s5  }
0xe: {  	[smem:$0x3FA7] =	sst s6  }
0xf: {  	[smem:$0x3FA8] =	sst s7  }
0x10: {  	[smem:$0x3FA9] =	sst s8  }
0x11: {  	[smem:$0x3FAA] =	sst s9;
	s0 =	simm.s32 @!p0 $0x0  }
0x12: {  	s1 =	sld [smem:$0x3F90];
	s0 =	simm.s32 @p0 $0x1  }
0x13: {  	[smem:$0x3FAB] =	sst s0;
	s0 =	simm.s32 @!p1 $0x0  }
0x14: {  	s2 =	sld [smem:$0x3F8F];
	s0 =	simm.s32 @p1 $0x1  }
0x15: {  	[smem:$0x3FAC] =	sst s0;
	s0 =	simm.s32 @!p2 $0x0  }
0x16: {  	s3 =	sld [smem:$0x3FDB];
	s0 =	simm.s32 @p2 $0x1  }
0x17: {  	s4 =	simm.s32 $0x1BF5;
	[smem:$0x3FAE] =	sst s0  }
0x18: {  	s0 =	sld [smem:$0x3F91];
	_ =	swait.ge [sflag:s4], $0x0  }
0x19: {  	s7 =	sld [smem:$0x3F92]  }
0x1a: {  	s8 =	sadd.s32 $0xFFFFE003, lr  }
0x1b: {  	s9 =	sadd.s32 $0xFFFFFEF7, lr;
	s5 =	simm.s32 $0xFFFFFFFF;
	p2 =	slt.u32 s8, $0xFFFFF086  }
0x1c: {  	p1 =	slt.u32 s9, $0xF7A;
	s5 =	simm.s32 @!p2 $0x0  }
0x1d: {  	s5 =	simm.s32 @p1 $0x1;
	p0 =	seq.s32 s7, s2  }
0x1e: {  	s7 =	smul.u32 @!p0 $0xF7A, s2;
	p2 =	seq.s32 @!p0 s5, $0x0  }
0x1f: {  	s9 =	smul.u32 $0xF7A, s1;
	s8 =	simm.s32 @!p0 $0x1BF5;
	p2 =	por !p2, p0  }
0x20: {  	[sflag:s8] =	ssyncset.s32 @!p0 $0xFFFFF086;
	s6 =	sadd.s32 @!p0 s3, s7;
	s7 =	simm.s32 @!p0 $0x108  }
0x21: {  	s3 =	sadd.s32 s3, s9;
	s6 =	sadd.s32 @!p0 $0x88, s6;
	s7 =	simm.s32 @p2 $0x1082  }
0x22: {  	[simem:s7], [sflag:s8] =	dma.local @!p0 [hbm:s6], $0xF7A  }
0x23: {  	s9 =	sor.u32 $0xD0000000, s2;
	s6 =	simm.s32 $0x108;
	_ =	swait.ge @!p0 [sflag:s8], $0x0  }
0x24: {  	s3 =	sadd.s32 $0x88, s3;
	s6 =	simm.s32 @!p1 $0x1082;
	[sflag:s4] =	ssyncset.s32 $0xFFFFF086  }
0x25: {  	[simem:s6], [sflag:s4] =	dma.local [hbm:s3], $0xF7A  }
0x26: {  	[smem:$0x3F92] =	sst s1;
	(tag) =	ssettag s2;
	_ =	strace s9  }
0x27: {  	s1 =	sld [smem:$0x3FA2]  }
0x28: {  	s2 =	sld [smem:$0x3FA3]  }
0x29: {  	s4 =	sld [smem:$0x3FA5]  }
0x2a: {  	p0 =	seq.s32 s5, $0x0;
	s5 =	sld [smem:$0x3FA6]  }
0x2b: {  	s6 =	sld [smem:$0x3FA7]  }
0x2c: {  	s7 =	sld [smem:$0x3FA8]  }
0x2d: {  	s3 =	simm.s32 $0x108;
	s8 =	sld [smem:$0x3FA9]  }
0x2e: {  	s3 =	simm.s32 @!p0 $0x1082;
	s9 =	sld [smem:$0x3FAA]  }
0x2f: {  	lr =	sadd.s32 s0, s3;
	s0 =	sld [smem:$0x3FA1]  }
0x30: {  	s3 =	sld [smem:$0x3FA4]  }
0x31: {  	[smem:$0x3FAD] =	sst s10  }
0x32: {  	s10 =	sld [smem:$0x3FAB];
	_ =	sdelay $0x3  }
0x33: {  	p0 =	seq.s32 s10, $0x1;
	s10 =	sld [smem:$0x3FAD];
	_ =	sdelay $0x3  }
0x34: {  	[smem:$0x3FAD] =	sst s10  }
0x35: {  	s10 =	sld [smem:$0x3FAC];
	_ =	sdelay $0x3  }
0x36: {  	p1 =	seq.s32 s10, $0x1;
	s10 =	sld [smem:$0x3FAD];
	_ =	sdelay $0x3  }
0x37: {  	[smem:$0x3FAD] =	sst s10  }
0x38: {  	s10 =	sld [smem:$0x3FAE]  }
0x39: {  	_ = 	snop;
	(pc) =	sbr.ind lr, $3  }
0x3a: {  	_ = 	snop  }
0x3b: {  	_ = 	snop  }
0x3c: {  	p2 =	seq.s32 s10, $0x1;
	s10 =	sld [smem:$0x3FAD]  }
0x3d: {  	_ =	shalt  }
0x3e: {  	_ =	shalt  }
0x3f: {  	_ =	shalt  }
0x40: {  	_ =	shalt  }
0x41: {  	_ =	shalt  }
0x42: {  	_ =	shalt  }
0x43: {  	_ =	shalt  }
0x44: {  	_ =	shalt  }
0x45: {  	_ =	shalt  }
0x46: {  	_ =	shalt  }
0x47: {  	_ =	shalt  }
0x48: {  	_ =	shalt  }
0x49: {  	_ =	shalt  }
0x4a: {  	_ =	shalt  }
0x4b: {  	_ =	shalt  }
0x4c: {  	_ =	shalt  }
0x4d: {  	_ =	shalt  }
0x4e: {  	_ =	shalt  }
0x4f: {  	_ =	shalt  }
0x50: {  	_ =	shalt  }
0x51: {  	_ =	shalt  }
0x52: {  	_ =	shalt  }
0x53: {  	_ =	shalt  }
0x54: {  	_ =	shalt  }
0x55: {  	_ =	shalt  }
0x56: {  	_ =	shalt  }
0x57: {  	_ =	shalt  }
0x58: {  	_ =	shalt  }
0x59: {  	_ =	shalt  }
0x5a: {  	_ =	shalt  }
0x5b: {  	_ =	shalt  }
0x5c: {  	_ =	shalt  }
0x5d: {  	_ =	shalt  }
0x5e: {  	_ =	shalt  }
0x5f: {  	_ =	shalt  }
0x60: {  	_ =	shalt  }
0x61: {  	_ =	shalt  }
0x62: {  	_ =	shalt  }
0x63: {  	_ =	shalt  }
0x64: {  	_ =	shalt  }
0x65: {  	_ =	shalt  }
0x66: {  	_ =	shalt  }
0x67: {  	_ =	shalt  }
0x68: {  	_ =	shalt  }
0x69: {  	_ =	shalt  }
0x6a: {  	_ =	shalt  }
0x6b: {  	_ =	shalt  }
0x6c: {  	_ =	shalt  }
0x6d: {  	_ =	shalt  }
0x6e: {  	_ =	shalt  }
0x6f: {  	_ =	shalt  }
0x70: {  	_ =	shalt  }
0x71: {  	_ =	shalt  }
0x72: {  	_ =	shalt  }
0x73: {  	_ =	shalt  }
0x74: {  	_ =	shalt  }
0x75: {  	_ =	shalt  }
0x76: {  	_ =	shalt  }
0x77: {  	_ =	shalt  }
0x78: {  	_ =	shalt  }
0x79: {  	_ =	shalt  }
0x7a: {  	_ =	shalt  }
0x7b: {  	_ =	shalt  }
0x7c: {  	_ =	shalt  }
0x7d: {  	_ =	shalt  }
0x7e: {  	_ =	shalt  }
0x7f: {  	_ =	shalt  }
0x80: {  	_ =	shalt  }
0x81: {  	_ =	shalt  }
0x82: {  	_ =	shalt  }
0x83: {  	_ =	shalt  }
0x84: {  	_ =	shalt  }
0x85: {  	_ =	shalt  }
0x86: {  	_ =	shalt  }
0x87: {  	_ =	shalt  }
.Lfunc_end0:
.L_simem_size_0:
called_computation.2_lowered:
.L_overlay_start_0:
0x88: {  	s2 =	sld [smem:$0x3FD9]  }
0x89: {  	s3 =	sld [smem:$0x3FFE];
	_ =	sdelay $0x1  }
0x8a: {  	s1 =	srdreg.scid  }
0x8b: {  	s0 =	sand.u32 $0x1, s1  }
0x8c: {  	s16 =	sshll.u32 s0, $0xA;
	s2 =	sadd.s32 s3, s2  }
0x8d: {  	s2 =	sadd.s32 s2, s16  }
0x8e: {  	[smem:$0x3FB9] =	sst s2  }
0x8f: {  	_ = 	snop  }
0x90: {  	(tm) =	ssettm $0x1  }
0x91: {  	s17 =	sld [smem:$0x3FFB];
	_ =	sdelay $0x3  }
0x92: {  	_ =	strace s17  }
0x93: {  	s2 =	sld [smem:$0x3FFC];
	_ =	sdelay $0x3  }
0x94: {  	_ =	strace s2  }
0x95: {  	s2 =	sld [smem:$0x3FFD];
	_ =	sdelay $0x3  }
0x96: {  	_ =	strace s2  }
0x97: {  	_ =	strace $0x8FFFFFFF  }
0x98: {  	s18 =	sld [smem:$0x3FDB];
	_ =	sdelay $0x1  }
0x99: {  	s19 =	simm.s32 $_scs_section_size  }
0x9a: {  	s4 =	simm.s32 $_size__tile_overlayer_lowered;
	s5 =	simm.s32 $_tile_overlayer_lowered  }
0x9b: {  	s22 =	simm.s32 $0x1BFF;
	s21 =	sshll.u32 s5, $0x1;
	s2 =	sadd.s32 s19, s18  }
0x9c: {  	s6 =	simm.s32 $0x0;
	s20 =	sshll.u32 s4, $0x1;
	s4 =	sadd.s32 s21, s2  }
0x9d: {  	[timem:s6], [sflag:s22] =	dma.local [hbm:s4], s20  }
0x9e: {  	_ =	swait.ge [sflag:s22], s20  }
0x9f: {  	s3 =	ssub.s32 $0x0, s20;
	[sflag:s22] =	ssyncset.done $0x0  }
0xa0: {  	[sflag:s22] =	ssyncadd.s32 s3;
	_ =	sdelay $0x1  }
0xa1: {  	s23 =	simm.s32 $0x1B8B  }
0xa2: {  	_ =	swait.ge [sflag:s23], $0x1  }
0xa3: {  	[sflag:s23] =	ssyncset.done $0x0  }
0xa4: {  	s25 =	simm.s32 $0x1B8E;
	s24 =	sld [smem:$0x3FFE];
	[sflag:s23] =	ssyncadd.s32 $0xFFFFFFFF  }
0xa5: {  	s26 =	simm.s32 $execute0_lowered;
	[smem:$0x3FD2] =	sst s25  }
0xa6: {  	s4 =	sshll.u32 s26, $0x1;
	_ =	strace $0x8000004C;
	[dreg:$0x1] =	wrdreg $0xFFFFFFFF  }
0xa7: {  	s28 =	simm.s32 $_size_execute0_lowered;
	s2 =	sadd.s32 s2, s4;
	[dreg:$0x0] =	wrdreg $0x0  }
0xa8: {  	s4 =	sshll.u32 s28, $0x1;
	[dreg:$0x2] =	wrdreg s2  }
0xa9: {  	[dreg:$0x3] =	wrdreg s4  }
0xaa: {  	[dreg:$0x4] =	wrdreg $0xC0  }
0xab: {  	_ =	task [dreg:s6], $0x5FFFF  }
0xac: {  	[dreg:$0x1] =	wrdreg $0xFFFFFFFF  }
0xad: {  	[dreg:$0x0] =	wrdreg $0x60  }
0xae: {  	[dreg:$0x2] =	wrdreg s24  }
0xaf: {  	[dreg:$0x3] =	wrdreg $0x0  }
0xb0: {  	[dreg:$0x4] =	wrdreg $0x9  }
0xb1: {  	_ =	task.clear_ibuf [dreg:s6], $0x5FFFF;
	_ =	strace $0x9000004C  }
0xb2: {  	s29 =	simm.s32 $0x9;
	_ =	strace $0x8000004E  }
0xb3: {  	_ =	swait.ge [sflag:s29], $0x1  }
0xb4: {  	[sflag:s29] =	ssyncadd.s32 $0xFFFFFFFF  }
0xb5: {  	_ =	strace $0x9000004E  }
0xb6: {  	_ =	sfence  }
0xb7: {  	s30 =	sld [smem:$0x0];
	_ =	sdelay $0x2  }
0xb8: {  	s31 =	sshll.u32 s1, $0xD;
	s1 =	sshrl.u32 s1, $0x2  }
0xb9: {  	s3 =	sand.u32 $0x4000, s31;
	s1 =	sadd.s32 s1, s30  }
0xba: {  	s0 =	sor.u32 s3, s0;
	s1 =	sshll.u32 s1, $0x11  }
0xbb: {  	s0 =	sor.u32 s1, s0  }
0xbc: {  	s0 =	sadd.s32 $0x8F2B, s0  }
0xbd: {  	[sflag:s0] =	ssyncadd.remote.s32 $0x1  }
0xbe: {  	_ =	sfence.sel $0xFFFF  }
0xbf: {  	[dreg:$0x0] =	wrdreg $0xFFFFFFFF;
	(pc) =	sbr.abs _section_cstart, $3  }
0xc0: {  	[dreg:$0x1] =	wrdreg $0xFFFFFFFF  }
0xc1: {  	_ =	task.clear_ibuf [dreg:s6], $0x2FFFF;
	_ =	strace $0x9FFFFFFF  }
0xc2: {  	(tm) =	ssettm $0x7FFFFFFF  }
0xc3: {  	_ =	shalt  }
tec
execute0_lowered:
.L_overlay_start_1:
0x0: {  	(tag) =	ssettag $0x1  }
0x1: {  	s5 =	rddreg [dreg:$0x0]  }
0x2: {  	s2 =	rddreg [dreg:$0x1]  }
0x3: {  	s0 =	rddreg [dreg:$0x2];
	s3 =	simm.s32 $0x0;
	s1 =	stileid.u32  }
0x4: {  	s4 =	srdreg.scid;
	s16 =	simm.s32 $0x15000;
	s17 =	simm.s32 $0x80  }
0x5: {  	s18 =	simm.s32 $0x16400;
	s19 =	simm.s32 $0x13C80;
	s20 =	simm.s32 $0x1A400  }
0x6: {  	s21 =	simm.s32 $0x1;
	[smem:$0x7FF] =	sst s3;
	s6 =	smul.u32 $0x13C00, s1  }
0x7: {  	s7 =	sand.u32 $0x1, s4;
	s4 =	sadd.s32 $0x3F600, s5;
	s9 =	sadd.s32 $0x3E00, s5  }
0x8: {  	s11 =	sadd.s32 $0xDE00, s5;
	s22 =	sshll.u32 s1, $0x1;
	s12 =	smul.u32 $0x4F000, s1  }
0x9: {  	s30 =	sshll.u32 s1, $0x6;
	_ =	strace $0x8000004D;
	s8 =	smul.u32 $0x13C000, s7  }
0xa: {  	s23 =	ssub.s32 $0x2, s7;
	s24 =	sor.u32 s7, s22;
	s22 =	simm.s32 $0x2  }
0xb: {  	s10 =	sshrl.u32 s6, $0x3;
	s25 =	sshrl.u32 s23, $0x1;
	s28 =	smul.u32 $0x2800, s24  }
0xc: {  	s26 =	sshrl.u32 s12, $0x2;
	s29 =	smul.u32 $0x500, s24;
	s24 =	simm.s32 $0x16380  }
0xd: {  	s10 =	sadd.s32 s10, s5;
	s6 =	sadd.s32 s6, s8;
	s14 =	ssub.s32 s23, s25  }
0xe: {  	s15 =	sadd.s32 s26, s2;
	s23 =	simm.s32 $0x16300;
	s25 =	simm.s32 $0x0  }
0xf: {  	s6 =	sshrl.u32 s6, $0x3;
	s31 =	sshrl.u32 s28, $0x3;
	s7 =	sadd.s32 s9, s29  }
0x10: {  	s8 =	sadd.s32 s11, s29;
	s12 =	smax.u32 s14, $0x1;
	s14 =	simm.s32 $0x3  }
0x11: {  	s13 =	sadd.s32 s6, s5;
	s5 =	sadd.s32 $0x17E00, s10;
	s10 =	sadd.s32 $0x280, s31  }
0x12: {  	s6 =	sor.u32 $0x1C03, s30;
	s9 =	sadd.s32 s9, s10;
	s10 =	sadd.s32 s11, s10  }
0x13: {  	s11 =	sadd.s32 $0x66800, s13;
	s13 =	sshrl.u32 s15, $0x3;
	s15 =	simm.s32 $0x13C00  }
.LBB2_1:
0x14: {  	[spmem:s13], [sflag:s6] =	dma.local [hbm:s5], $0x2780  }
0x15: {  	_ =	swait.ge [sflag:s14], $0x2780  }
0x16: {  	[sflag:s14] =	ssyncset.done $0x0  }
0x17: {  	[sflag:s14] =	ssyncadd.s32 $0xFFFFD880  }
0x18: {  	[bflag:$0x0] =	sbarrier.arrive $0xFFFF  }
0x19: {  	[tilespmem:s15], [sflag:$0x3] =	stream.linear.gather [hbm4b:s7+s3], $0x1400, $0x38;
	[tilespmem:$0x1E400] =	vst v63  }
0x1a: {  	_ =	swait.ge [sflag:s14], $0x1400  }
0x1b: {  	[sflag:s14] =	ssyncset.done $0x0  }
0x1c: {  	[sflag:s14] =	ssyncadd.s32 $0xFFFFEC00  }
0x1d: {  	[tilespmem:s16], [sflag:$0x3] =	stream.linear.gather [hbm4b:s8+s3], $0x1400, $0x38;
	[tilespmem:$0x1E400] =	vst v63  }
0x1e: {  	_ =	swait.ge [sflag:s14], $0x1400  }
0x1f: {  	[sflag:s14] =	ssyncset.done $0x0  }
0x20: {  	[sflag:s14] =	ssyncadd.s32 $0xFFFFEC00  }
0x21: {  	[tilespmem:s18], [sflag:$0x1] =	stream.indirect.gather [hbm4b:s4+s17], $0x80, s15, s17, $0xb8;
	[tilespmem:$0x1E400] =	vst v63  }
0x22: {  	_ = 	snop  }
0x23: {  	[tilespmem:s20], [sflag:$0x2] =	stream.indirect.gather [hbm4b:s4+s17], $0x80, s19, s17, $0xb8;
	[tilespmem:$0x1E400] =	vst v63  }
0x24: {  	_ =	swait.ge [sflag:s21], $0x4000  }
0x25: {  	[sflag:s21] =	ssyncset.done $0x0  }
0x26: {  	s26 =	simm.s32 $0x15000;
	[sflag:s21] =	ssyncadd.s32 $0xFFFFC000  }
0x27: {  	[spmem:s2] =	stream.indirect.scatter.add.f32 [tilespmem:s18], [sflag:$0x3], $0x80, s26, s17, $0xb8;
	[tilespmem:$0x1E400] =	vst v63  }
0x28: {  	_ =	swait.ge [sflag:s14], $0x4000  }
0x29: {  	[sflag:s14] =	ssyncset.done $0x0  }
0x2a: {  	s30 =	simm.s32 $0x13D00;
	[sflag:s14] =	ssyncadd.s32 $0xFFFFC000  }
0x2b: {  	[tilespmem:s18], [sflag:$0x1] =	stream.indirect.gather [hbm4b:s4+s17], $0x80, s30, s17, $0xb8;
	[tilespmem:$0x1E400] =	vst v63  }
0x2c: {  	_ =	swait.ge [sflag:s22], $0x4000  }
0x2d: {  	[sflag:s22] =	ssyncset.done $0x0  }
0x2e: {  	s31 =	simm.s32 $0x15080;
	[sflag:s22] =	ssyncadd.s32 $0xFFFFC000  }
0x2f: {  	[spmem:s2] =	stream.indirect.scatter.add.f32 [tilespmem:s20], [sflag:$0x3], $0x80, s31, s17, $0xb8;
	[tilespmem:$0x1E400] =	vst v63  }
0x30: {  	_ =	swait.ge [sflag:s14], $0x4000  }
0x31: {  	[sflag:s14] =	ssyncset.done $0x0  }
0x32: {  	s28 =	simm.s32 $0x13D80;
	s26 =	simm.s32 $0x400;
	[sflag:s14] =	ssyncadd.s32 $0xFFFFC000  }
.LBB2_2:
0x33: {  	[tilespmem:s20], [sflag:$0x2] =	stream.indirect.gather [hbm4b:s4+s17], $0x80, s28, s17, $0xb8;
	[tilespmem:$0x1E400] =	vst v63  }
0x34: {  	s28 =	smov.u32 s26  }
0x35: {  	p0 =	sne.s32 s26, $0x4800;
	s26 =	sadd.s32 $0x400, s26;
	_ =	swait.ge [sflag:s21], $0x4000  }
0x36: {  	s28 =	sshra.s32 s28, $0x2;
	[sflag:s21] =	ssyncset.done $0x0  }
0x37: {  	s29 =	sadd.s32 $0x15000, s28;
	[sflag:s21] =	ssyncadd.s32 $0xFFFFC000  }
0x38: {  	[spmem:s2] =	stream.indirect.scatter.add.f32 [tilespmem:s18], [sflag:$0x3], $0x80, s29, s17, $0xb8;
	[tilespmem:$0x1E400] =	vst v63  }
0x39: {  	_ =	swait.ge [sflag:s14], $0x4000  }
0x3a: {  	[sflag:s14] =	ssyncset.done $0x0  }
0x3b: {  	s29 =	sadd.s32 $0x13D00, s28;
	[sflag:s14] =	ssyncadd.s32 $0xFFFFC000  }
0x3c: {  	[tilespmem:s18], [sflag:$0x1] =	stream.indirect.gather [hbm4b:s4+s17], $0x80, s29, s17, $0xb8;
	[tilespmem:$0x1E400] =	vst v63  }
0x3d: {  	_ =	swait.ge [sflag:s22], $0x4000  }
0x3e: {  	[sflag:s22] =	ssyncset.done $0x0  }
.Ltmp0:
0x3f: {  	s29 =	sadd.s32 $0x15080, s28;
	[sflag:s22] =	ssyncadd.s32 $0xFFFFC000;
	(pc) =	sbr.rel @p0 .LBB2_2-.Ltmp0, $4  }
0x40: {  	[spmem:s2] =	stream.indirect.scatter.add.f32 [tilespmem:s20], [sflag:$0x3], $0x80, s29, s17, $0xb8;
	[tilespmem:$0x1E400] =	vst v63  }
0x41: {  	_ =	swait.ge [sflag:s14], $0x4000  }
0x42: {  	[sflag:s14] =	ssyncset.done $0x0  }
0x43: {  	s28 =	sadd.s32 $0x13D80, s28;
	[sflag:s14] =	ssyncadd.s32 $0xFFFFC000  }
0x44: {  	[tilespmem:s20], [sflag:$0x2] =	stream.indirect.gather [hbm4b:s4+s17], $0x80, s28, s17, $0xb8;
	[tilespmem:$0x1E400] =	vst v63  }
0x45: {  	_ =	swait.ge [sflag:s21], $0x4000  }
0x46: {  	[sflag:s21] =	ssyncset.done $0x0  }
0x47: {  	[sflag:s21] =	ssyncadd.s32 $0xFFFFC000  }
0x48: {  	[spmem:s2] =	stream.indirect.scatter.add.f32 [tilespmem:s18], [sflag:$0x3], $0x80, s23, s17, $0xb8;
	[tilespmem:$0x1E400] =	vst v63  }
0x49: {  	_ =	swait.ge [sflag:s14], $0x4000  }
0x4a: {  	[sflag:s14] =	ssyncset.done $0x0  }
0x4b: {  	[sflag:s14] =	ssyncadd.s32 $0xFFFFC000  }
0x4c: {  	_ =	swait.ge [sflag:s22], $0x4000  }
0x4d: {  	[sflag:s22] =	ssyncset.done $0x0  }
0x4e: {  	[sflag:s22] =	ssyncadd.s32 $0xFFFFC000  }
0x4f: {  	[spmem:s2] =	stream.indirect.scatter.add.f32 [tilespmem:s20], [sflag:$0x3], $0x80, s24, s17, $0xb8;
	[tilespmem:$0x1E400] =	vst v63  }
0x50: {  	_ =	swait.ge [sflag:s14], $0x4000  }
0x51: {  	[sflag:s14] =	ssyncset.done $0x0  }
0x52: {  	s26 =	simm.s32 $0x0;
	[sflag:s14] =	ssyncadd.s32 $0xFFFFC000  }
0x53: {  	[tilespmem:s15], [sflag:$0x3] =	stream.linear.gather [hbm4b:s9+s26], $0x1400, $0x38;
	[tilespmem:$0x1E400] =	vst v63  }
0x54: {  	_ =	swait.ge [sflag:s14], $0x1400  }
0x55: {  	[sflag:s14] =	ssyncset.done $0x0  }
0x56: {  	[sflag:s14] =	ssyncadd.s32 $0xFFFFEC00  }
0x57: {  	[tilespmem:s16], [sflag:$0x3] =	stream.linear.gather [hbm4b:s10+s26], $0x1400, $0x38;
	[tilespmem:$0x1E400] =	vst v63  }
0x58: {  	_ =	swait.ge [sflag:s14], $0x1400  }
0x59: {  	[sflag:s14] =	ssyncset.done $0x0  }
0x5a: {  	[sflag:s14] =	ssyncadd.s32 $0xFFFFEC00  }
0x5b: {  	[tilespmem:s18], [sflag:$0x1] =	stream.indirect.gather [hbm4b:s4+s17], $0x80, s15, s17, $0xb8;
	[tilespmem:$0x1E400] =	vst v63  }
0x5c: {  	_ = 	snop  }
0x5d: {  	[tilespmem:s20], [sflag:$0x2] =	stream.indirect.gather [hbm4b:s4+s17], $0x80, s19, s17, $0xb8;
	[tilespmem:$0x1E400] =	vst v63  }
0x5e: {  	_ =	swait.ge [sflag:s21], $0x4000  }
0x5f: {  	[sflag:s21] =	ssyncset.done $0x0  }
0x60: {  	s29 =	simm.s32 $0x15000;
	[sflag:s21] =	ssyncadd.s32 $0xFFFFC000  }
0x61: {  	[spmem:s2] =	stream.indirect.scatter.add.f32 [tilespmem:s18], [sflag:$0x3], $0x80, s29, s17, $0xb8;
	[tilespmem:$0x1E400] =	vst v63  }
0x62: {  	_ =	swait.ge [sflag:s14], $0x4000  }
0x63: {  	[sflag:s14] =	ssyncset.done $0x0  }
0x64: {  	s30 =	simm.s32 $0x13D00;
	[sflag:s14] =	ssyncadd.s32 $0xFFFFC000  }
0x65: {  	[tilespmem:s18], [sflag:$0x1] =	stream.indirect.gather [hbm4b:s4+s17], $0x80, s30, s17, $0xb8;
	[tilespmem:$0x1E400] =	vst v63  }
0x66: {  	_ =	swait.ge [sflag:s22], $0x4000  }
0x67: {  	[sflag:s22] =	ssyncset.done $0x0  }
0x68: {  	s31 =	simm.s32 $0x15080;
	[sflag:s22] =	ssyncadd.s32 $0xFFFFC000  }
0x69: {  	[spmem:s2] =	stream.indirect.scatter.add.f32 [tilespmem:s20], [sflag:$0x3], $0x80, s31, s17, $0xb8;
	[tilespmem:$0x1E400] =	vst v63  }
0x6a: {  	_ =	swait.ge [sflag:s14], $0x4000  }
0x6b: {  	[sflag:s14] =	ssyncset.done $0x0  }
0x6c: {  	s28 =	simm.s32 $0x13D80;
	s26 =	simm.s32 $0x400;
	[sflag:s14] =	ssyncadd.s32 $0xFFFFC000  }
.LBB2_4:
0x6d: {  	[tilespmem:s20], [sflag:$0x2] =	stream.indirect.gather [hbm4b:s4+s17], $0x80, s28, s17, $0xb8;
	[tilespmem:$0x1E400] =	vst v63  }
0x6e: {  	s28 =	smov.u32 s26  }
0x6f: {  	p0 =	sne.s32 s26, $0x4800;
	s26 =	sadd.s32 $0x400, s26;
	_ =	swait.ge [sflag:s21], $0x4000  }
0x70: {  	s28 =	sshra.s32 s28, $0x2;
	[sflag:s21] =	ssyncset.done $0x0  }
0x71: {  	s29 =	sadd.s32 $0x15000, s28;
	[sflag:s21] =	ssyncadd.s32 $0xFFFFC000  }
0x72: {  	[spmem:s2] =	stream.indirect.scatter.add.f32 [tilespmem:s18], [sflag:$0x3], $0x80, s29, s17, $0xb8;
	[tilespmem:$0x1E400] =	vst v63  }
0x73: {  	_ =	swait.ge [sflag:s14], $0x4000  }
0x74: {  	[sflag:s14] =	ssyncset.done $0x0  }
0x75: {  	s29 =	sadd.s32 $0x13D00, s28;
	[sflag:s14] =	ssyncadd.s32 $0xFFFFC000  }
0x76: {  	[tilespmem:s18], [sflag:$0x1] =	stream.indirect.gather [hbm4b:s4+s17], $0x80, s29, s17, $0xb8;
	[tilespmem:$0x1E400] =	vst v63  }
0x77: {  	_ =	swait.ge [sflag:s22], $0x4000  }
0x78: {  	[sflag:s22] =	ssyncset.done $0x0  }
.Ltmp1:
0x79: {  	s29 =	sadd.s32 $0x15080, s28;
	[sflag:s22] =	ssyncadd.s32 $0xFFFFC000;
	(pc) =	sbr.rel @p0 .LBB2_4-.Ltmp1, $4  }
0x7a: {  	[spmem:s2] =	stream.indirect.scatter.add.f32 [tilespmem:s20], [sflag:$0x3], $0x80, s29, s17, $0xb8;
	[tilespmem:$0x1E400] =	vst v63  }
0x7b: {  	_ =	swait.ge [sflag:s14], $0x4000  }
0x7c: {  	[sflag:s14] =	ssyncset.done $0x0  }
0x7d: {  	s28 =	sadd.s32 $0x13D80, s28;
	[sflag:s14] =	ssyncadd.s32 $0xFFFFC000  }
0x7e: {  	[tilespmem:s20], [sflag:$0x2] =	stream.indirect.gather [hbm4b:s4+s17], $0x80, s28, s17, $0xb8;
	[tilespmem:$0x1E400] =	vst v63  }
0x7f: {  	_ =	swait.ge [sflag:s21], $0x4000  }
0x80: {  	[sflag:s21] =	ssyncset.done $0x0  }
0x81: {  	[sflag:s21] =	ssyncadd.s32 $0xFFFFC000  }
0x82: {  	[spmem:s2] =	stream.indirect.scatter.add.f32 [tilespmem:s18], [sflag:$0x3], $0x80, s23, s17, $0xb8;
	[tilespmem:$0x1E400] =	vst v63  }
0x83: {  	_ =	swait.ge [sflag:s14], $0x4000  }
0x84: {  	[sflag:s14] =	ssyncset.done $0x0  }
0x85: {  	[sflag:s14] =	ssyncadd.s32 $0xFFFFC000  }
0x86: {  	_ =	swait.ge [sflag:s22], $0x4000  }
0x87: {  	[sflag:s22] =	ssyncset.done $0x0  }
0x88: {  	[sflag:s22] =	ssyncadd.s32 $0xFFFFC000  }
0x89: {  	[spmem:s2] =	stream.indirect.scatter.add.f32 [tilespmem:s20], [sflag:$0x3], $0x80, s24, s17, $0xb8;
	[tilespmem:$0x1E400] =	vst v63  }
0x8a: {  	_ =	swait.ge [sflag:s14], $0x4000  }
0x8b: {  	s25 =	sadd.s32 $0x1, s25;
	[sflag:s14] =	ssyncset.done $0x0  }
0x8c: {  	p0 =	sne.s32 s25, s12;
	[sflag:s14] =	ssyncadd.s32 $0xFFFFC000  }
.Ltmp2:
0x8d: {  	[bflag:$0x0] =	sbarrier.arrive $0xFFFF;
	(pc) =	sbr.rel @p0 .LBB2_1-.Ltmp2, $4  }
0x8e: {  	[hbm:s11], [sflag:s6] =	dma.local [spmem:s13], $0x2780  }
0x8f: {  	_ =	swait.ge [sflag:s14], $0x2780  }
0x90: {  	[sflag:s14] =	ssyncset.done $0x0  }
0x91: {  	[sflag:s14] =	ssyncadd.s32 $0xFFFFD880  }
0x92: {  	_ =	sfence.sel $0x180000  }
0x93: {  	[bflag:$0x0] =	sbarrier.arrive $0xFFFF  }
0x94: {  	p0 =	sne.s32 s1, $0x0;
	_ =	strace $0x9000004D  }
0x95: {  	s0 =	sadd.s32 @!p0 $0x100000, s0;
	[bflag:$0x2] =	sbarrier.arrive $0xFFFF  }
0x96: {  	[sflag:s0] =	ssyncadd.tile.s32 @!p0 $0x1;
	_ =	shalt  }
.Lfunc_end2:
_tile_overlayer_lowered:
.L_overlay_start_2:
0x97: {  	(tag) =	ssettag $0x2  }
0x98: {  	s0 =	rddreg [dreg:$0x0];
	s2 =	stileid.u32  }
0x99: {  	s1 =	rddreg [dreg:$0x1];
	p0 =	sne.s32 s2, $0x0  }
0x9a: {  	s3 =	rddreg [dreg:$0x2];
	[bflag:$0x3] =	sbarrier.arrive $0xFFFF;
	s2 =	simm.s32 @!p0 $0x1C03  }
0x9b: {  	[timem:s3], [sflag:s2] =	dma.local @!p0 [hbm:s0], s1  }
0x9c: {  	s0 =	simm.s32 @!p0 $0x3  }
0x9d: {  	_ =	swait.ge @!p0 [sflag:s0], s1  }
0x9e: {  	s1 =	ssub.s32 @!p0 $0x0, s1;
	[sflag:s0] =	ssyncset.done @!p0 $0x0  }
0x9f: {  	[sflag:s0] =	ssyncadd.s32 @!p0 s1  }
0xa0: {  	[bflag:$0x3] =	sbarrier.arrive $0xFFFF  }
0xa1: {  	_ =	shalt  }

// kernel: kernel.8.cloned.1.call-start
scs
__scs_entry_jumppad:
0x0: {  	(pc) =	sbr.rel $0x88, $3  }
0x1: {  	(tag) =	ssettag $0x0;
	lr =	simm.s32 $0x1  }
0x2: {  	[smem:$0x3F92] =	sst lr;
	_ =	strace $0xD0000000  }
0x3: {  	_ = 	snop  }
0x4: {  	_ = 	snop  }
0x5: {  	_ = 	snop  }
0x6: {  	_ = 	snop  }
0x7: {  	_ = 	snop  }
__scs_overlays_trampoline_lowered:
0x8: {  	[smem:$0x3FA1] =	sst s0  }
0x9: {  	[smem:$0x3FA2] =	sst s1  }
0xa: {  	[smem:$0x3FA3] =	sst s2  }
0xb: {  	[smem:$0x3FA4] =	sst s3  }
0xc: {  	[smem:$0x3FA5] =	sst s4  }
0xd: {  	[smem:$0x3FA6] =	sst s5  }
0xe: {  	[smem:$0x3FA7] =	sst s6  }
0xf: {  	[smem:$0x3FA8] =	sst s7  }
0x10: {  	[smem:$0x3FA9] =	sst s8  }
0x11: {  	[smem:$0x3FAA] =	sst s9;
	s0 =	simm.s32 @!p0 $0x0  }
0x12: {  	s1 =	sld [smem:$0x3F90];
	s0 =	simm.s32 @p0 $0x1  }
0x13: {  	[smem:$0x3FAB] =	sst s0;
	s0 =	simm.s32 @!p1 $0x0  }
0x14: {  	s2 =	sld [smem:$0x3F8F];
	s0 =	simm.s32 @p1 $0x1  }
0x15: {  	[smem:$0x3FAC] =	sst s0;
	s0 =	simm.s32 @!p2 $0x0  }
0x16: {  	s3 =	sld [smem:$0x3FDB];
	s0 =	simm.s32 @p2 $0x1  }
0x17: {  	s4 =	simm.s32 $0x1BF5;
	[smem:$0x3FAE] =	sst s0  }
0x18: {  	s0 =	sld [smem:$0x3F91];
	_ =	swait.ge [sflag:s4], $0x0  }
0x19: {  	s7 =	sld [smem:$0x3F92]  }
0x1a: {  	s8 =	sadd.s32 $0xFFFFE003, lr  }
0x1b: {  	s9 =	sadd.s32 $0xFFFFFEF7, lr;
	s5 =	simm.s32 $0xFFFFFFFF;
	p2 =	slt.u32 s8, $0xFFFFF086  }
0x1c: {  	p1 =	slt.u32 s9, $0xF7A;
	s5 =	simm.s32 @!p2 $0x0  }
0x1d: {  	s5 =	simm.s32 @p1 $0x1;
	p0 =	seq.s32 s7, s2  }
0x1e: {  	s7 =	smul.u32 @!p0 $0xF7A, s2;
	p2 =	seq.s32 @!p0 s5, $0x0  }
0x1f: {  	s9 =	smul.u32 $0xF7A, s1;
	s8 =	simm.s32 @!p0 $0x1BF5;
	p2 =	por !p2, p0  }
0x20: {  	[sflag:s8] =	ssyncset.s32 @!p0 $0xFFFFF086;
	s6 =	sadd.s32 @!p0 s3, s7;
	s7 =	simm.s32 @!p0 $0x108  }
0x21: {  	s3 =	sadd.s32 s3, s9;
	s6 =	sadd.s32 @!p0 $0x88, s6;
	s7 =	simm.s32 @p2 $0x1082  }
0x22: {  	[simem:s7], [sflag:s8] =	dma.local @!p0 [hbm:s6], $0xF7A  }
0x23: {  	s9 =	sor.u32 $0xD0000000, s2;
	s6 =	simm.s32 $0x108;
	_ =	swait.ge @!p0 [sflag:s8], $0x0  }
0x24: {  	s3 =	sadd.s32 $0x88, s3;
	s6 =	simm.s32 @!p1 $0x1082;
	[sflag:s4] =	ssyncset.s32 $0xFFFFF086  }
0x25: {  	[simem:s6], [sflag:s4] =	dma.local [hbm:s3], $0xF7A  }
0x26: {  	[smem:$0x3F92] =	sst s1;
	(tag) =	ssettag s2;
	_ =	strace s9  }
0x27: {  	s1 =	sld [smem:$0x3FA2]  }
0x28: {  	s2 =	sld [smem:$0x3FA3]  }
0x29: {  	s4 =	sld [smem:$0x3FA5]  }
0x2a: {  	p0 =	seq.s32 s5, $0x0;
	s5 =	sld [smem:$0x3FA6]  }
0x2b: {  	s6 =	sld [smem:$0x3FA7]  }
0x2c: {  	s7 =	sld [smem:$0x3FA8]  }
0x2d: {  	s3 =	simm.s32 $0x108;
	s8 =	sld [smem:$0x3FA9]  }
0x2e: {  	s3 =	simm.s32 @!p0 $0x1082;
	s9 =	sld [smem:$0x3FAA]  }
0x2f: {  	lr =	sadd.s32 s0, s3;
	s0 =	sld [smem:$0x3FA1]  }
0x30: {  	s3 =	sld [smem:$0x3FA4]  }
0x31: {  	[smem:$0x3FAD] =	sst s10  }
0x32: {  	s10 =	sld [smem:$0x3FAB];
	_ =	sdelay $0x3  }
0x33: {  	p0 =	seq.s32 s10, $0x1;
	s10 =	sld [smem:$0x3FAD];
	_ =	sdelay $0x3  }
0x34: {  	[smem:$0x3FAD] =	sst s10  }
0x35: {  	s10 =	sld [smem:$0x3FAC];
	_ =	sdelay $0x3  }
0x36: {  	p1 =	seq.s32 s10, $0x1;
	s10 =	sld [smem:$0x3FAD];
	_ =	sdelay $0x3  }
0x37: {  	[smem:$0x3FAD] =	sst s10  }
0x38: {  	s10 =	sld [smem:$0x3FAE]  }
0x39: {  	_ = 	snop;
	(pc) =	sbr.ind lr, $3  }
0x3a: {  	_ = 	snop  }
0x3b: {  	_ = 	snop  }
0x3c: {  	p2 =	seq.s32 s10, $0x1;
	s10 =	sld [smem:$0x3FAD]  }
0x3d: {  	_ =	shalt  }
0x3e: {  	_ =	shalt  }
0x3f: {  	_ =	shalt  }
0x40: {  	_ =	shalt  }
0x41: {  	_ =	shalt  }
0x42: {  	_ =	shalt  }
0x43: {  	_ =	shalt  }
0x44: {  	_ =	shalt  }
0x45: {  	_ =	shalt  }
0x46: {  	_ =	shalt  }
0x47: {  	_ =	shalt  }
0x48: {  	_ =	shalt  }
0x49: {  	_ =	shalt  }
0x4a: {  	_ =	shalt  }
0x4b: {  	_ =	shalt  }
0x4c: {  	_ =	shalt  }
0x4d: {  	_ =	shalt  }
0x4e: {  	_ =	shalt  }
0x4f: {  	_ =	shalt  }
0x50: {  	_ =	shalt  }
0x51: {  	_ =	shalt  }
0x52: {  	_ =	shalt  }
0x53: {  	_ =	shalt  }
0x54: {  	_ =	shalt  }
0x55: {  	_ =	shalt  }
0x56: {  	_ =	shalt  }
0x57: {  	_ =	shalt  }
0x58: {  	_ =	shalt  }
0x59: {  	_ =	shalt  }
0x5a: {  	_ =	shalt  }
0x5b: {  	_ =	shalt  }
0x5c: {  	_ =	shalt  }
0x5d: {  	_ =	shalt  }
0x5e: {  	_ =	shalt  }
0x5f: {  	_ =	shalt  }
0x60: {  	_ =	shalt  }
0x61: {  	_ =	shalt  }
0x62: {  	_ =	shalt  }
0x63: {  	_ =	shalt  }
0x64: {  	_ =	shalt  }
0x65: {  	_ =	shalt  }
0x66: {  	_ =	shalt  }
0x67: {  	_ =	shalt  }
0x68: {  	_ =	shalt  }
0x69: {  	_ =	shalt  }
0x6a: {  	_ =	shalt  }
0x6b: {  	_ =	shalt  }
0x6c: {  	_ =	shalt  }
0x6d: {  	_ =	shalt  }
0x6e: {  	_ =	shalt  }
0x6f: {  	_ =	shalt  }
0x70: {  	_ =	shalt  }
0x71: {  	_ =	shalt  }
0x72: {  	_ =	shalt  }
0x73: {  	_ =	shalt  }
0x74: {  	_ =	shalt  }
0x75: {  	_ =	shalt  }
0x76: {  	_ =	shalt  }
0x77: {  	_ =	shalt  }
0x78: {  	_ =	shalt  }
0x79: {  	_ =	shalt  }
0x7a: {  	_ =	shalt  }
0x7b: {  	_ =	shalt  }
0x7c: {  	_ =	shalt  }
0x7d: {  	_ =	shalt  }
0x7e: {  	_ =	shalt  }
0x7f: {  	_ =	shalt  }
0x80: {  	_ =	shalt  }
0x81: {  	_ =	shalt  }
0x82: {  	_ =	shalt  }
0x83: {  	_ =	shalt  }
0x84: {  	_ =	shalt  }
0x85: {  	_ =	shalt  }
0x86: {  	_ =	shalt  }
0x87: {  	_ =	shalt  }
.Lfunc_end0:
.L_simem_size_0:
called_computation_lowered:
.L_overlay_start_0:
0x88: {  	s2 =	sld [smem:$0x3FD9]  }
0x89: {  	s3 =	sld [smem:$0x3FFE];
	_ =	sdelay $0x1  }
0x8a: {  	s1 =	srdreg.scid  }
0x8b: {  	s0 =	sand.u32 $0x1, s1  }
0x8c: {  	s17 =	sshll.u32 s0, $0xA;
	s2 =	sadd.s32 s3, s2  }
0x8d: {  	s2 =	sadd.s32 s2, s17  }
0x8e: {  	[smem:$0x3FB9] =	sst s2  }
0x8f: {  	_ = 	snop  }
0x90: {  	s2 =	sld [smem:$0x3FC9];
	(tm) =	ssettm $0x1  }
0x91: {  	s18 =	sld [smem:$0x3FFB];
	_ =	sdelay $0x3  }
0x92: {  	_ =	strace s18  }
0x93: {  	s3 =	sld [smem:$0x3FFC];
	_ =	sdelay $0x3  }
0x94: {  	_ =	strace s3  }
0x95: {  	s3 =	sld [smem:$0x3FFD];
	_ =	sdelay $0x3  }
0x96: {  	_ =	strace s3  }
0x97: {  	_ =	strace $0x8FFFFFFF  }
0x98: {  	s19 =	sld [smem:$0x3FDB];
	_ =	sdelay $0x1  }
0x99: {  	s4 =	simm.s32 $_scs_section_size  }
0x9a: {  	s5 =	simm.s32 $_size__tile_overlayer_lowered;
	s6 =	simm.s32 $_tile_overlayer_lowered  }
0x9b: {  	s22 =	simm.s32 $0x1BFF;
	s21 =	sshll.u32 s6, $0x1;
	s3 =	sadd.s32 s4, s19  }
0x9c: {  	s7 =	simm.s32 $0x0;
	s20 =	sshll.u32 s5, $0x1;
	s5 =	sadd.s32 s21, s3  }
0x9d: {  	[timem:s7], [sflag:s22] =	dma.local [hbm:s5], s20  }
0x9e: {  	_ =	swait.ge [sflag:s22], s20  }
0x9f: {  	s4 =	ssub.s32 $0x0, s20;
	[sflag:s22] =	ssyncset.done $0x0  }
0xa0: {  	[sflag:s22] =	ssyncadd.s32 s4;
	_ =	sdelay $0x1  }
0xa1: {  	s23 =	simm.s32 $0x1B8B  }
0xa2: {  	_ =	swait.ge [sflag:s23], $0x1  }
0xa3: {  	[sflag:s23] =	ssyncset.done $0x0  }
0xa4: {  	s25 =	simm.s32 $0x1B8E;
	s24 =	sld [smem:$0x3FFE];
	[sflag:s23] =	ssyncadd.s32 $0xFFFFFFFF  }
0xa5: {  	s26 =	simm.s32 $execute0_lowered;
	[smem:$0x3FD2] =	sst s25  }
0xa6: {  	s5 =	sshll.u32 s26, $0x1;
	_ =	strace $0x80000046;
	[dreg:$0x1] =	wrdreg $0xFFFFFFFF  }
0xa7: {  	s28 =	simm.s32 $_size_execute0_lowered;
	s3 =	sadd.s32 s3, s5;
	[dreg:$0x0] =	wrdreg $0x0  }
0xa8: {  	s5 =	sshll.u32 s28, $0x1;
	[dreg:$0x2] =	wrdreg s3  }
0xa9: {  	[dreg:$0x3] =	wrdreg s5  }
0xaa: {  	[dreg:$0x4] =	wrdreg $0xC0  }
0xab: {  	_ =	task [dreg:s7], $0x5FFFF  }
0xac: {  	[dreg:$0x1] =	wrdreg $0xFFFFFFFF  }
0xad: {  	[dreg:$0x0] =	wrdreg $0x60  }
0xae: {  	[dreg:$0x2] =	wrdreg s2  }
0xaf: {  	[dreg:$0x3] =	wrdreg s24  }
0xb0: {  	[dreg:$0x4] =	wrdreg $0x0  }
0xb1: {  	[dreg:$0x5] =	wrdreg $0x9  }
0xb2: {  	_ =	task.clear_ibuf [dreg:s7], $0x6FFFF;
	_ =	strace $0x90000046  }
0xb3: {  	s29 =	simm.s32 $0x9;
	_ =	strace $0x80000048  }
0xb4: {  	_ =	swait.ge [sflag:s29], $0x1  }
0xb5: {  	[sflag:s29] =	ssyncadd.s32 $0xFFFFFFFF  }
0xb6: {  	_ =	strace $0x90000048  }
0xb7: {  	_ =	sfence  }
0xb8: {  	s30 =	sld [smem:$0x0];
	_ =	sdelay $0x2  }
0xb9: {  	s31 =	sshll.u32 s1, $0xD;
	s1 =	sshrl.u32 s1, $0x2  }
0xba: {  	s3 =	sand.u32 $0x4000, s31;
	s1 =	sadd.s32 s1, s30  }
0xbb: {  	s0 =	sor.u32 s3, s0;
	s1 =	sshll.u32 s1, $0x11  }
0xbc: {  	s0 =	sor.u32 s1, s0  }
0xbd: {  	s0 =	sadd.s32 $0x8F2B, s0  }
0xbe: {  	[sflag:s0] =	ssyncadd.remote.s32 $0x1  }
0xbf: {  	_ =	sfence.sel $0xFFFF  }
0xc0: {  	[dreg:$0x0] =	wrdreg $0xFFFFFFFF;
	(pc) =	sbr.abs _section_cstart, $3  }
0xc1: {  	[dreg:$0x1] =	wrdreg $0xFFFFFFFF  }
0xc2: {  	_ =	task.clear_ibuf [dreg:s7], $0x2FFFF;
	_ =	strace $0x9FFFFFFF  }
0xc3: {  	(tm) =	ssettm $0x7FFFFFFF  }
tec
execute0_lowered:
.L_overlay_start_1:
0x0: {  	(tag) =	ssettag $0x1  }
0x1: {  	s1 =	rddreg [dreg:$0x0]  }
0x2: {  	s0 =	rddreg [dreg:$0x1]  }
0x3: {  	s3 =	rddreg [dreg:$0x2];
	s4 =	simm.s32 $0x0  }
0x4: {  	s12 =	stileid.u32;
	s2 =	srdreg.scid;
	s28 =	simm.s32 $0x14C00  }
0x5: {  	s29 =	simm.s32 $0x13C80;
	s30 =	simm.s32 $0x18C00;
	s31 =	simm.s32 $0x1  }
0x6: {  	[smem:$0x7FF] =	sst s4;
	s5 =	smul.u32 $0x13C00, s12;
	s2 =	sand.u32 $0x1, s2  }
0x7: {  	s6 =	sadd.s32 $0x3E00, s0;
	s18 =	sadd.s32 $0xDE00, s0;
	s9 =	sshll.u32 s12, $0x1  }
0x8: {  	s17 =	sadd.s32 $0x3F600, s0;
	s10 =	smul.u32 $0x4F000, s12;
	s22 =	sshll.u32 s12, $0x6  }
0x9: {  	_ =	strace $0x80000047;
	s7 =	smul.u32 $0x13C000, s2;
	s16 =	sor.u32 s2, s9  }
0xa: {  	[dreg:$0x4] =	wrdreg s17;
	s2 =	ssub.s32 $0x2, s2;
	s19 =	smul.u32 $0x4F0, s16  }
0xb: {  	s8 =	sshrl.u32 s5, $0x3;
	s20 =	sshrl.u32 s2, $0x1;
	s11 =	smul.u32 $0x500, s16  }
0xc: {  	s21 =	sshrl.u32 s10, $0x2;
	s8 =	sadd.s32 s8, s0;
	s5 =	sadd.s32 s5, s7  }
0xd: {  	s2 =	ssub.s32 s2, s20;
	s7 =	smul.u32 $0x2800, s16;
	s9 =	sadd.s32 s21, s3  }
0xe: {  	s5 =	sshrl.u32 s5, $0x3;
	[dreg:$0x5] =	wrdreg s9;
	s8 =	sadd.s32 $0x17E00, s8  }
0xf: {  	s23 =	sadd.s32 s6, s11;
	s24 =	sadd.s32 s18, s11;
	s21 =	smax.u32 s2, $0x1  }
0x10: {  	s2 =	simm.s32 $0x0;
	s5 =	sadd.s32 s5, s0;
	[dreg:$0x6] =	wrdreg s8  }
0x11: {  	s0 =	sadd.s32 s19, s0;
	s8 =	sor.u32 $0x1C03, s22;
	[dreg:$0x7] =	wrdreg s23  }
0x12: {  	s7 =	sshrl.u32 s7, $0x3;
	[dreg:$0x8] =	wrdreg s24;
	s22 =	simm.s32 $0x3  }
0x13: {  	s23 =	simm.s32 $0x1CC00;
	s24 =	simm.s32 $0x13C00;
	s25 =	sadd.s32 $0x100, s7  }
0x14: {  	s14 =	sadd.s32 $0x200, s7;
	s16 =	sadd.s32 $0x300, s7;
	s7 =	sadd.s32 $0x400, s7  }
.Ltmp0:
0x15: {  	s19 =	sadd.s32 $0x49A00, s5;
	s20 =	sadd.s32 $0x3FC00, s0;
	(pc) =	sbr.rel .LBB2_1-.Ltmp0, $4  }
0x16: {  	s0 =	simm.s32 $0x2;
	s26 =	sadd.s32 s6, s25;
	s12 =	sadd.s32 s18, s25  }
0x17: {  	s13 =	sadd.s32 s6, s14;
	s14 =	sadd.s32 s18, s14;
	s15 =	sadd.s32 s6, s16  }
0x18: {  	s16 =	sadd.s32 s18, s16;
	s17 =	sadd.s32 s6, s7;
	s18 =	sadd.s32 s18, s7  }
0x19: {  	s25 =	simm.s32 $0x14400;
	[dreg:$0x9] =	wrdreg s26;
	s26 =	simm.s32 $0x80  }
.LBB2_16:
0x1a: {  	[bflag:$0x0] =	sbarrier.arrive $0xFFFF  }
0x1b: {  	[hbm:s19], [sflag:s8] =	dma.local [spmem:s5], $0x2780  }
0x1c: {  	s2 =	sadd.s32 $0x1, s2;
	_ =	swait.ge [sflag:s22], $0x2780  }
0x1d: {  	p0 =	sne.s32 s2, s21;
	[sflag:s22] =	ssyncset.done $0x0  }
.Ltmp1:
0x1e: {  	[sflag:s22] =	ssyncadd.s32 $0xFFFFD880;
	(pc) =	sbr.rel @!p0 .LBB2_17-.Ltmp1, $4  }
0x1f: {  	[hbm4b:s20+s4] =	stream.linear.scatter [tilespmem:s23], [sflag:$0x3], $0x2780, $0x38;
	[tilespmem:$0x1F380] =	vst v63  }
0x20: {  	_ =	swait.ge [sflag:s22], $0x2780  }
0x21: {  	[sflag:s22] =	ssyncset.done $0x0  }
0x22: {  	[sflag:s22] =	ssyncadd.s32 $0xFFFFD880  }
.LBB2_1:
0x23: {  	s5 =	rddreg [dreg:$0x5]  }
0x24: {  	s6 =	rddreg [dreg:$0x6];
	s5 =	sshrl.u32 s5, $0x3  }
0x25: {  	[spmem:s5], [sflag:s8] =	dma.local [hbm:s6], $0x2780  }
0x26: {  	_ =	swait.ge [sflag:s22], $0x2780  }
0x27: {  	[sflag:s22] =	ssyncset.done $0x0  }
0x28: {  	s9 =	rddreg [dreg:$0x4];
	[sflag:s22] =	ssyncadd.s32 $0xFFFFD880  }
0x29: {  	[tilespmem:s23], [sflag:$0x3] =	stream.linear.gather [hbm4b:s9+s4], $0x2780, $0x38;
	[tilespmem:$0x1F380] =	vst v63  }
0x2a: {  	_ =	swait.ge [sflag:s22], $0x2780  }
0x2b: {  	[sflag:s22] =	ssyncset.done $0x0  }
0x2c: {  	[sflag:s22] =	ssyncadd.s32 $0xFFFFD880  }
0x2d: {  	[bflag:$0x0] =	sbarrier.arrive $0xFFFF  }
0x2e: {  	s10 =	rddreg [dreg:$0x7]  }
0x2f: {  	[tilespmem:s24], [sflag:$0x3] =	stream.linear.gather [hbm4b:s10+s4], $0x800, $0x38;
	[tilespmem:$0x1F380] =	vst v63  }
0x30: {  	_ =	swait.ge [sflag:s22], $0x800  }
0x31: {  	[sflag:s22] =	ssyncset.done $0x0  }
0x32: {  	s11 =	rddreg [dreg:$0x8];
	[sflag:s22] =	ssyncadd.s32 $0xFFFFF800  }
0x33: {  	[tilespmem:s25], [sflag:$0x3] =	stream.linear.gather [hbm4b:s11+s4], $0x800, $0x38;
	[tilespmem:$0x1F380] =	vst v63  }
0x34: {  	_ =	swait.ge [sflag:s22], $0x800  }
0x35: {  	[sflag:s22] =	ssyncset.done $0x0  }
0x36: {  	[sflag:s22] =	ssyncadd.s32 $0xFFFFF800  }
0x37: {  	[tilespmem:s28], [sflag:$0x1] =	stream.indirect.gather [hbm4b:s1+s26], $0x80, s24, s26, $0xb8;
	[tilespmem:$0x1F380] =	vst v63  }
0x38: {  	s6 =	simm.s32 $0x0  }
0x39: {  	[tilespmem:s30], [sflag:$0x2] =	stream.indirect.gather [hbm4b:s1+s26], $0x80, s29, s26, $0xb8;
	[tilespmem:$0x1F380] =	vst v63  }
.LBB2_2:
0x3a: {  	s7 =	sshra.s32 s6, $0x2  }
0x3b: {  	v0 =	vld [tilespmem:s7+$0x14400];
	_ =	sdelay $0x4  }
0x3c: {  	(xrf1) =	vunique.msk.u32 $0xffff, v0;
	_ =	sdelay $0xd  }
0x3d: {  	_, v1, vm0 =	vpop (xrf1);
	_ =	sdelay $0x3  }
0x3e: {  	v1 =	vcvt.s32.f32 v1;
	_ =	sdelay $0x1  }
0x3f: {  	[tilespmem:v0+s23+$0x0] =	vst.idx.add.f32.msk vm0, v1  }
0x40: {  	v0 =	vld [tilespmem:s7+$0x14410];
	_ =	sdelay $0x4  }
0x41: {  	(xrf1) =	vunique.msk.u32 $0xffff, v0;
	_ =	sdelay $0xd  }
0x42: {  	_, v1, vm0 =	vpop (xrf1);
	_ =	sdelay $0x3  }
0x43: {  	v1 =	vcvt.s32.f32 v1;
	_ =	sdelay $0x1  }
0x44: {  	[tilespmem:v0+s23+$0x0] =	vst.idx.add.f32.msk vm0, v1  }
0x45: {  	v0 =	vld [tilespmem:s7+$0x14420];
	_ =	sdelay $0x4  }
0x46: {  	(xrf1) =	vunique.msk.u32 $0xffff, v0;
	_ =	sdelay $0xd  }
0x47: {  	_, v1, vm0 =	vpop (xrf1);
	_ =	sdelay $0x3  }
0x48: {  	v1 =	vcvt.s32.f32 v1;
	_ =	sdelay $0x1  }
0x49: {  	[tilespmem:v0+s23+$0x0] =	vst.idx.add.f32.msk vm0, v1  }
0x4a: {  	v0 =	vld [tilespmem:s7+$0x14430];
	_ =	sdelay $0x4  }
0x4b: {  	(xrf1) =	vunique.msk.u32 $0xffff, v0;
	_ =	sdelay $0xd  }
0x4c: {  	_, v1, vm0 =	vpop (xrf1);
	_ =	sdelay $0x3  }
0x4d: {  	v1 =	vcvt.s32.f32 v1;
	_ =	sdelay $0x1  }
0x4e: {  	[tilespmem:v0+s23+$0x0] =	vst.idx.add.f32.msk vm0, v1  }
0x4f: {  	v0 =	vld [tilespmem:s7+$0x14440];
	_ =	sdelay $0x4  }
0x50: {  	(xrf1) =	vunique.msk.u32 $0xffff, v0;
	_ =	sdelay $0xd  }
0x51: {  	_, v1, vm0 =	vpop (xrf1);
	_ =	sdelay $0x3  }
0x52: {  	v1 =	vcvt.s32.f32 v1;
	_ =	sdelay $0x1  }
0x53: {  	[tilespmem:v0+s23+$0x0] =	vst.idx.add.f32.msk vm0, v1  }
0x54: {  	v0 =	vld [tilespmem:s7+$0x14450];
	_ =	sdelay $0x4  }
0x55: {  	(xrf1) =	vunique.msk.u32 $0xffff, v0;
	_ =	sdelay $0xd  }
0x56: {  	_, v1, vm0 =	vpop (xrf1);
	_ =	sdelay $0x3  }
0x57: {  	v1 =	vcvt.s32.f32 v1;
	_ =	sdelay $0x1  }
0x58: {  	[tilespmem:v0+s23+$0x0] =	vst.idx.add.f32.msk vm0, v1  }
0x59: {  	v0 =	vld [tilespmem:s7+$0x14460];
	_ =	sdelay $0x4  }
0x5a: {  	(xrf1) =	vunique.msk.u32 $0xffff, v0;
	_ =	sdelay $0xd  }
0x5b: {  	_, v1, vm0 =	vpop (xrf1);
	_ =	sdelay $0x3  }
0x5c: {  	v1 =	vcvt.s32.f32 v1;
	_ =	sdelay $0x1  }
0x5d: {  	[tilespmem:v0+s23+$0x0] =	vst.idx.add.f32.msk vm0, v1  }
0x5e: {  	v0 =	vld [tilespmem:s7+$0x14470];
	_ =	sdelay $0x4  }
0x5f: {  	(xrf1) =	vunique.msk.u32 $0xffff, v0;
	_ =	sdelay $0xd  }
0x60: {  	_, v1, vm0 =	vpop (xrf1);
	_ =	sdelay $0x3  }
0x61: {  	v1 =	vcvt.s32.f32 v1;
	_ =	sdelay $0x1  }
0x62: {  	[tilespmem:v0+s23+$0x0] =	vst.idx.add.f32.msk vm0, v1  }
0x63: {  	_ =	swait.ge [sflag:s31], $0x4000  }
0x64: {  	[sflag:s31] =	ssyncset.done $0x0  }
0x65: {  	s9 =	sadd.s32 $0x14400, s7;
	[sflag:s31] =	ssyncadd.s32 $0xFFFFC000  }
0x66: {  	[spmem:s3] =	stream.indirect.scatter.add.f32 [tilespmem:s28], [sflag:$0x3], $0x80, s9, s26, $0xb8;
	[tilespmem:$0x1F380] =	vst v63  }
0x67: {  	p0 =	seq.s32 s6, $0x1C00;
	_ =	swait.ge [sflag:s22], $0x4000  }
0x68: {  	s10 =	simm.s32 @!p0 $0x80;
	s9 =	sshra.s32 @!p0 s6, $0x2;
	[sflag:s22] =	ssyncset.done $0x0  }
0x69: {  	s11 =	simm.s32 @!p0 $0x14C00;
	s9 =	sadd.s32 @!p0 $0x13D00, s9;
	[sflag:s22] =	ssyncadd.s32 $0xFFFFC000  }
0x6a: {  	[tilespmem:s11], [sflag:$0x1] =	stream.indirect.gather @!p0 [hbm4b:s1+s10], $0x80, s9, s10, $0xb8;
	[tilespmem:$0x1F380] =	vst v63  }
0x6b: {  	v63 =	vld [tilespmem:s7+$0x14480];
	_ =	sdelay $0x4  }
0x6c: {  	(xrf1) =	vunique.msk.u32 $0xffff, v63;
	_ =	sdelay $0xd  }
0x6d: {  	_, v1, vm0 =	vpop (xrf1);
	_ =	sdelay $0x3  }
0x6e: {  	v1 =	vcvt.s32.f32 v1;
	_ =	sdelay $0x1  }
0x6f: {  	[tilespmem:v63+s23+$0x0] =	vst.idx.add.f32.msk vm0, v1  }
0x70: {  	v0 =	vld [tilespmem:s7+$0x14490];
	_ =	sdelay $0x4  }
0x71: {  	(xrf1) =	vunique.msk.u32 $0xffff, v0;
	_ =	sdelay $0xd  }
0x72: {  	_, v1, vm0 =	vpop (xrf1);
	_ =	sdelay $0x3  }
0x73: {  	v1 =	vcvt.s32.f32 v1;
	_ =	sdelay $0x1  }
0x74: {  	[tilespmem:v0+s23+$0x0] =	vst.idx.add.f32.msk vm0, v1  }
0x75: {  	v0 =	vld [tilespmem:s7+$0x144A0];
	_ =	sdelay $0x4  }
0x76: {  	(xrf1) =	vunique.msk.u32 $0xffff, v0;
	_ =	sdelay $0xd  }
0x77: {  	_, v1, vm0 =	vpop (xrf1);
	_ =	sdelay $0x3  }
0x78: {  	v1 =	vcvt.s32.f32 v1;
	_ =	sdelay $0x1  }
0x79: {  	[tilespmem:v0+s23+$0x0] =	vst.idx.add.f32.msk vm0, v1  }
0x7a: {  	v0 =	vld [tilespmem:s7+$0x144B0];
	_ =	sdelay $0x4  }
0x7b: {  	(xrf1) =	vunique.msk.u32 $0xffff, v0;
	_ =	sdelay $0xd  }
0x7c: {  	_, v1, vm0 =	vpop (xrf1);
	_ =	sdelay $0x3  }
0x7d: {  	v1 =	vcvt.s32.f32 v1;
	_ =	sdelay $0x1  }
0x7e: {  	[tilespmem:v0+s23+$0x0] =	vst.idx.add.f32.msk vm0, v1  }
0x7f: {  	v0 =	vld [tilespmem:s7+$0x144C0];
	_ =	sdelay $0x4  }
0x80: {  	(xrf1) =	vunique.msk.u32 $0xffff, v0;
	_ =	sdelay $0xd  }
0x81: {  	_, v1, vm0 =	vpop (xrf1);
	_ =	sdelay $0x3  }
0x82: {  	v1 =	vcvt.s32.f32 v1;
	_ =	sdelay $0x1  }
0x83: {  	[tilespmem:v0+s23+$0x0] =	vst.idx.add.f32.msk vm0, v1  }
0x84: {  	v0 =	vld [tilespmem:s7+$0x144D0];
	_ =	sdelay $0x4  }
0x85: {  	(xrf1) =	vunique.msk.u32 $0xffff, v0;
	_ =	sdelay $0xd  }
0x86: {  	_, v1, vm0 =	vpop (xrf1);
	_ =	sdelay $0x3  }
0x87: {  	v1 =	vcvt.s32.f32 v1;
	_ =	sdelay $0x1  }
0x88: {  	[tilespmem:v0+s23+$0x0] =	vst.idx.add.f32.msk vm0, v1  }
0x89: {  	v0 =	vld [tilespmem:s7+$0x144E0];
	_ =	sdelay $0x4  }
0x8a: {  	(xrf1) =	vunique.msk.u32 $0xffff, v0;
	_ =	sdelay $0xd  }
0x8b: {  	_, v1, vm0 =	vpop (xrf1);
	_ =	sdelay $0x3  }
0x8c: {  	v1 =	vcvt.s32.f32 v1;
	_ =	sdelay $0x1  }
0x8d: {  	[tilespmem:v0+s23+$0x0] =	vst.idx.add.f32.msk vm0, v1  }
0x8e: {  	v0 =	vld [tilespmem:s7+$0x144F0];
	_ =	sdelay $0x4  }
0x8f: {  	(xrf1) =	vunique.msk.u32 $0xffff, v0;
	_ =	sdelay $0xd  }
0x90: {  	_, v1, vm0 =	vpop (xrf1);
	_ =	sdelay $0x3  }
0x91: {  	v1 =	vcvt.s32.f32 v1;
	_ =	sdelay $0x1  }
0x92: {  	[tilespmem:v0+s23+$0x0] =	vst.idx.add.f32.msk vm0, v1  }
0x93: {  	_ =	swait.ge [sflag:s0], $0x4000  }
0x94: {  	[sflag:s0] =	ssyncset.done $0x0  }
.Ltmp2:
0x95: {  	s11 =	sadd.s32 $0x14480, s7;
	[sflag:s0] =	ssyncadd.s32 $0xFFFFC000;
	(pc) =	sbr.rel @p0 .LBB2_4-.Ltmp2, $4  }
0x96: {  	[spmem:s3] =	stream.indirect.scatter.add.f32 [tilespmem:s30], [sflag:$0x3], $0x80, s11, s26, $0xb8;
	[tilespmem:$0x1F380] =	vst v63  }
0x97: {  	_ =	swait.ge [sflag:s22], $0x4000  }
0x98: {  	[sflag:s22] =	ssyncset.done $0x0  }
0x99: {  	[sflag:s22] =	ssyncadd.s32 $0xFFFFC000  }
.Ltmp3:
0x9a: {  	(pc) =	sbr.rel .LBB2_2-.Ltmp3, $3  }
0x9b: {  	_ =	sdelay $0x1  }
0x9c: {  	s7 =	sadd.s32 $0x13D80, s7;
	s6 =	sadd.s32 $0x400, s6  }
0x9d: {  	[tilespmem:s30], [sflag:$0x2] =	stream.indirect.gather [hbm4b:s1+s26], $0x80, s7, s26, $0xb8;
	[tilespmem:$0x1F380] =	vst v63  }
.LBB2_4:
0x9e: {  	s6 =	simm.s32 $0x0;
	s7 =	rddreg [dreg:$0x9]  }
0x9f: {  	[tilespmem:s24], [sflag:$0x3] =	stream.linear.gather [hbm4b:s7+s6], $0x800, $0x38;
	[tilespmem:$0x1F380] =	vst v63  }
0xa0: {  	_ =	swait.ge [sflag:s22], $0x800  }
0xa1: {  	[sflag:s22] =	ssyncset.done $0x0  }
0xa2: {  	[sflag:s22] =	ssyncadd.s32 $0xFFFFF800  }
0xa3: {  	[tilespmem:s25], [sflag:$0x3] =	stream.linear.gather [hbm4b:s12+s6], $0x800, $0x38;
	[tilespmem:$0x1F380] =	vst v63  }
0xa4: {  	_ =	swait.ge [sflag:s22], $0x800  }
0xa5: {  	[sflag:s22] =	ssyncset.done $0x0  }
0xa6: {  	[sflag:s22] =	ssyncadd.s32 $0xFFFFF800  }
0xa7: {  	[tilespmem:s28], [sflag:$0x1] =	stream.indirect.gather [hbm4b:s1+s26], $0x80, s24, s26, $0xb8;
	[tilespmem:$0x1F380] =	vst v63  }
0xa8: {  	_ = 	snop  }
0xa9: {  	[tilespmem:s30], [sflag:$0x2] =	stream.indirect.gather [hbm4b:s1+s26], $0x80, s29, s26, $0xb8;
	[tilespmem:$0x1F380] =	vst v63  }
.LBB2_5:
0xaa: {  	s7 =	sshra.s32 s6, $0x2  }
0xab: {  	v0 =	vld [tilespmem:s7+$0x14400];
	_ =	sdelay $0x4  }
0xac: {  	(xrf1) =	vunique.msk.u32 $0xffff, v0;
	_ =	sdelay $0xd  }
0xad: {  	_, v1, vm0 =	vpop (xrf1);
	_ =	sdelay $0x3  }
0xae: {  	v1 =	vcvt.s32.f32 v1;
	_ =	sdelay $0x1  }
0xaf: {  	[tilespmem:v0+s23+$0x0] =	vst.idx.add.f32.msk vm0, v1  }
0xb0: {  	v0 =	vld [tilespmem:s7+$0x14410];
	_ =	sdelay $0x4  }
0xb1: {  	(xrf1) =	vunique.msk.u32 $0xffff, v0;
	_ =	sdelay $0xd  }
0xb2: {  	_, v1, vm0 =	vpop (xrf1);
	_ =	sdelay $0x3  }
0xb3: {  	v1 =	vcvt.s32.f32 v1;
	_ =	sdelay $0x1  }
0xb4: {  	[tilespmem:v0+s23+$0x0] =	vst.idx.add.f32.msk vm0, v1  }
0xb5: {  	v0 =	vld [tilespmem:s7+$0x14420];
	_ =	sdelay $0x4  }
0xb6: {  	(xrf1) =	vunique.msk.u32 $0xffff, v0;
	_ =	sdelay $0xd  }
0xb7: {  	_, v1, vm0 =	vpop (xrf1);
	_ =	sdelay $0x3  }
0xb8: {  	v1 =	vcvt.s32.f32 v1;
	_ =	sdelay $0x1  }
0xb9: {  	[tilespmem:v0+s23+$0x0] =	vst.idx.add.f32.msk vm0, v1  }
0xba: {  	v0 =	vld [tilespmem:s7+$0x14430];
	_ =	sdelay $0x4  }
0xbb: {  	(xrf1) =	vunique.msk.u32 $0xffff, v0;
	_ =	sdelay $0xd  }
0xbc: {  	_, v1, vm0 =	vpop (xrf1);
	_ =	sdelay $0x3  }
0xbd: {  	v1 =	vcvt.s32.f32 v1;
	_ =	sdelay $0x1  }
0xbe: {  	[tilespmem:v0+s23+$0x0] =	vst.idx.add.f32.msk vm0, v1  }
0xbf: {  	v0 =	vld [tilespmem:s7+$0x14440];
	_ =	sdelay $0x4  }
0xc0: {  	(xrf1) =	vunique.msk.u32 $0xffff, v0;
	_ =	sdelay $0xd  }
0xc1: {  	_, v1, vm0 =	vpop (xrf1);
	_ =	sdelay $0x3  }
0xc2: {  	v1 =	vcvt.s32.f32 v1;
	_ =	sdelay $0x1  }
0xc3: {  	[tilespmem:v0+s23+$0x0] =	vst.idx.add.f32.msk vm0, v1  }
0xc4: {  	v0 =	vld [tilespmem:s7+$0x14450];
	_ =	sdelay $0x4  }
0xc5: {  	(xrf1) =	vunique.msk.u32 $0xffff, v0;
	_ =	sdelay $0xd  }
0xc6: {  	_, v1, vm0 =	vpop (xrf1);
	_ =	sdelay $0x3  }
0xc7: {  	v1 =	vcvt.s32.f32 v1;
	_ =	sdelay $0x1  }
0xc8: {  	[tilespmem:v0+s23+$0x0] =	vst.idx.add.f32.msk vm0, v1  }
0xc9: {  	v0 =	vld [tilespmem:s7+$0x14460];
	_ =	sdelay $0x4  }
0xca: {  	(xrf1) =	vunique.msk.u32 $0xffff, v0;
	_ =	sdelay $0xd  }
0xcb: {  	_, v1, vm0 =	vpop (xrf1);
	_ =	sdelay $0x3  }
0xcc: {  	v1 =	vcvt.s32.f32 v1;
	_ =	sdelay $0x1  }
0xcd: {  	[tilespmem:v0+s23+$0x0] =	vst.idx.add.f32.msk vm0, v1  }
0xce: {  	v0 =	vld [tilespmem:s7+$0x14470];
	_ =	sdelay $0x4  }
0xcf: {  	(xrf1) =	vunique.msk.u32 $0xffff, v0;
	_ =	sdelay $0xd  }
0xd0: {  	_, v1, vm0 =	vpop (xrf1);
	_ =	sdelay $0x3  }
0xd1: {  	v1 =	vcvt.s32.f32 v1;
	_ =	sdelay $0x1  }
0xd2: {  	[tilespmem:v0+s23+$0x0] =	vst.idx.add.f32.msk vm0, v1  }
0xd3: {  	_ =	swait.ge [sflag:s31], $0x4000  }
0xd4: {  	[sflag:s31] =	ssyncset.done $0x0  }
0xd5: {  	s9 =	sadd.s32 $0x14400, s7;
	[sflag:s31] =	ssyncadd.s32 $0xFFFFC000  }
0xd6: {  	[spmem:s3] =	stream.indirect.scatter.add.f32 [tilespmem:s28], [sflag:$0x3], $0x80, s9, s26, $0xb8;
	[tilespmem:$0x1F380] =	vst v63  }
0xd7: {  	p0 =	seq.s32 s6, $0x1C00;
	_ =	swait.ge [sflag:s22], $0x4000  }
0xd8: {  	s10 =	simm.s32 @!p0 $0x80;
	s9 =	sshra.s32 @!p0 s6, $0x2;
	[sflag:s22] =	ssyncset.done $0x0  }
0xd9: {  	s11 =	simm.s32 @!p0 $0x14C00;
	s9 =	sadd.s32 @!p0 $0x13D00, s9;
	[sflag:s22] =	ssyncadd.s32 $0xFFFFC000  }
0xda: {  	[tilespmem:s11], [sflag:$0x1] =	stream.indirect.gather @!p0 [hbm4b:s1+s10], $0x80, s9, s10, $0xb8;
	[tilespmem:$0x1F380] =	vst v63  }
0xdb: {  	v63 =	vld [tilespmem:s7+$0x14480];
	_ =	sdelay $0x4  }
0xdc: {  	(xrf1) =	vunique.msk.u32 $0xffff, v63;
	_ =	sdelay $0xd  }
0xdd: {  	_, v1, vm0 =	vpop (xrf1);
	_ =	sdelay $0x3  }
0xde: {  	v1 =	vcvt.s32.f32 v1;
	_ =	sdelay $0x1  }
0xdf: {  	[tilespmem:v63+s23+$0x0] =	vst.idx.add.f32.msk vm0, v1  }
0xe0: {  	v0 =	vld [tilespmem:s7+$0x14490];
	_ =	sdelay $0x4  }
0xe1: {  	(xrf1) =	vunique.msk.u32 $0xffff, v0;
	_ =	sdelay $0xd  }
0xe2: {  	_, v1, vm0 =	vpop (xrf1);
	_ =	sdelay $0x3  }
0xe3: {  	v1 =	vcvt.s32.f32 v1;
	_ =	sdelay $0x1  }
0xe4: {  	[tilespmem:v0+s23+$0x0] =	vst.idx.add.f32.msk vm0, v1  }
0xe5: {  	v0 =	vld [tilespmem:s7+$0x144A0];
	_ =	sdelay $0x4  }
0xe6: {  	(xrf1) =	vunique.msk.u32 $0xffff, v0;
	_ =	sdelay $0xd  }
0xe7: {  	_, v1, vm0 =	vpop (xrf1);
	_ =	sdelay $0x3  }
0xe8: {  	v1 =	vcvt.s32.f32 v1;
	_ =	sdelay $0x1  }
0xe9: {  	[tilespmem:v0+s23+$0x0] =	vst.idx.add.f32.msk vm0, v1  }
0xea: {  	v0 =	vld [tilespmem:s7+$0x144B0];
	_ =	sdelay $0x4  }
0xeb: {  	(xrf1) =	vunique.msk.u32 $0xffff, v0;
	_ =	sdelay $0xd  }
0xec: {  	_, v1, vm0 =	vpop (xrf1);
	_ =	sdelay $0x3  }
0xed: {  	v1 =	vcvt.s32.f32 v1;
	_ =	sdelay $0x1  }
0xee: {  	[tilespmem:v0+s23+$0x0] =	vst.idx.add.f32.msk vm0, v1  }
0xef: {  	v0 =	vld [tilespmem:s7+$0x144C0];
	_ =	sdelay $0x4  }
0xf0: {  	(xrf1) =	vunique.msk.u32 $0xffff, v0;
	_ =	sdelay $0xd  }
0xf1: {  	_, v1, vm0 =	vpop (xrf1);
	_ =	sdelay $0x3  }
0xf2: {  	v1 =	vcvt.s32.f32 v1;
	_ =	sdelay $0x1  }
0xf3: {  	[tilespmem:v0+s23+$0x0] =	vst.idx.add.f32.msk vm0, v1  }
0xf4: {  	v0 =	vld [tilespmem:s7+$0x144D0];
	_ =	sdelay $0x4  }
0xf5: {  	(xrf1) =	vunique.msk.u32 $0xffff, v0;
	_ =	sdelay $0xd  }
0xf6: {  	_, v1, vm0 =	vpop (xrf1);
	_ =	sdelay $0x3  }
0xf7: {  	v1 =	vcvt.s32.f32 v1;
	_ =	sdelay $0x1  }
0xf8: {  	[tilespmem:v0+s23+$0x0] =	vst.idx.add.f32.msk vm0, v1  }
0xf9: {  	v0 =	vld [tilespmem:s7+$0x144E0];
	_ =	sdelay $0x4  }
0xfa: {  	(xrf1) =	vunique.msk.u32 $0xffff, v0;
	_ =	sdelay $0xd  }
0xfb: {  	_, v1, vm0 =	vpop (xrf1);
	_ =	sdelay $0x3  }
0xfc: {  	v1 =	vcvt.s32.f32 v1;
	_ =	sdelay $0x1  }
0xfd: {  	[tilespmem:v0+s23+$0x0] =	vst.idx.add.f32.msk vm0, v1  }
0xfe: {  	v0 =	vld [tilespmem:s7+$0x144F0];
	_ =	sdelay $0x4  }
0xff: {  	(xrf1) =	vunique.msk.u32 $0xffff, v0;
	_ =	sdelay $0xd  }
0x100: {  	_, v1, vm0 =	vpop (xrf1);
	_ =	sdelay $0x3  }
0x101: {  	v1 =	vcvt.s32.f32 v1;
	_ =	sdelay $0x1  }
0x102: {  	[tilespmem:v0+s23+$0x0] =	vst.idx.add.f32.msk vm0, v1  }
0x103: {  	_ =	swait.ge [sflag:s0], $0x4000  }
0x104: {  	[sflag:s0] =	ssyncset.done $0x0  }
.Ltmp4:
0x105: {  	s11 =	sadd.s32 $0x14480, s7;
	[sflag:s0] =	ssyncadd.s32 $0xFFFFC000;
	(pc) =	sbr.rel @p0 .LBB2_7-.Ltmp4, $4  }
0x106: {  	[spmem:s3] =	stream.indirect.scatter.add.f32 [tilespmem:s30], [sflag:$0x3], $0x80, s11, s26, $0xb8;
	[tilespmem:$0x1F380] =	vst v63  }
0x107: {  	_ =	swait.ge [sflag:s22], $0x4000  }
0x108: {  	[sflag:s22] =	ssyncset.done $0x0  }
0x109: {  	[sflag:s22] =	ssyncadd.s32 $0xFFFFC000  }
.Ltmp5:
0x10a: {  	(pc) =	sbr.rel .LBB2_5-.Ltmp5, $3  }
0x10b: {  	_ =	sdelay $0x1  }
0x10c: {  	s7 =	sadd.s32 $0x13D80, s7;
	s6 =	sadd.s32 $0x400, s6  }
0x10d: {  	[tilespmem:s30], [sflag:$0x2] =	stream.indirect.gather [hbm4b:s1+s26], $0x80, s7, s26, $0xb8;
	[tilespmem:$0x1F380] =	vst v63  }
.LBB2_7:
0x10e: {  	s6 =	simm.s32 $0x0  }
0x10f: {  	[tilespmem:s24], [sflag:$0x3] =	stream.linear.gather [hbm4b:s13+s6], $0x800, $0x38;
	[tilespmem:$0x1F380] =	vst v63  }
0x110: {  	_ =	swait.ge [sflag:s22], $0x800  }
0x111: {  	[sflag:s22] =	ssyncset.done $0x0  }
0x112: {  	[sflag:s22] =	ssyncadd.s32 $0xFFFFF800  }
0x113: {  	[tilespmem:s25], [sflag:$0x3] =	stream.linear.gather [hbm4b:s14+s6], $0x800, $0x38;
	[tilespmem:$0x1F380] =	vst v63  }
0x114: {  	_ =	swait.ge [sflag:s22], $0x800  }
0x115: {  	[sflag:s22] =	ssyncset.done $0x0  }
0x116: {  	[sflag:s22] =	ssyncadd.s32 $0xFFFFF800  }
0x117: {  	[tilespmem:s28], [sflag:$0x1] =	stream.indirect.gather [hbm4b:s1+s26], $0x80, s24, s26, $0xb8;
	[tilespmem:$0x1F380] =	vst v63  }
0x118: {  	_ = 	snop  }
0x119: {  	[tilespmem:s30], [sflag:$0x2] =	stream.indirect.gather [hbm4b:s1+s26], $0x80, s29, s26, $0xb8;
	[tilespmem:$0x1F380] =	vst v63  }
.LBB2_8:
0x11a: {  	s7 =	sshra.s32 s6, $0x2  }
0x11b: {  	v0 =	vld [tilespmem:s7+$0x14400];
	_ =	sdelay $0x4  }
0x11c: {  	(xrf1) =	vunique.msk.u32 $0xffff, v0;
	_ =	sdelay $0xd  }
0x11d: {  	_, v1, vm0 =	vpop (xrf1);
	_ =	sdelay $0x3  }
0x11e: {  	v1 =	vcvt.s32.f32 v1;
	_ =	sdelay $0x1  }
0x11f: {  	[tilespmem:v0+s23+$0x0] =	vst.idx.add.f32.msk vm0, v1  }
0x120: {  	v0 =	vld [tilespmem:s7+$0x14410];
	_ =	sdelay $0x4  }
0x121: {  	(xrf1) =	vunique.msk.u32 $0xffff, v0;
	_ =	sdelay $0xd  }
0x122: {  	_, v1, vm0 =	vpop (xrf1);
	_ =	sdelay $0x3  }
0x123: {  	v1 =	vcvt.s32.f32 v1;
	_ =	sdelay $0x1  }
0x124: {  	[tilespmem:v0+s23+$0x0] =	vst.idx.add.f32.msk vm0, v1  }
0x125: {  	v0 =	vld [tilespmem:s7+$0x14420];
	_ =	sdelay $0x4  }
0x126: {  	(xrf1) =	vunique.msk.u32 $0xffff, v0;
	_ =	sdelay $0xd  }
0x127: {  	_, v1, vm0 =	vpop (xrf1);
	_ =	sdelay $0x3  }
0x128: {  	v1 =	vcvt.s32.f32 v1;
	_ =	sdelay $0x1  }
0x129: {  	[tilespmem:v0+s23+$0x0] =	vst.idx.add.f32.msk vm0, v1  }
0x12a: {  	v0 =	vld [tilespmem:s7+$0x14430];
	_ =	sdelay $0x4  }
0x12b: {  	(xrf1) =	vunique.msk.u32 $0xffff, v0;
	_ =	sdelay $0xd  }
0x12c: {  	_, v1, vm0 =	vpop (xrf1);
	_ =	sdelay $0x3  }
0x12d: {  	v1 =	vcvt.s32.f32 v1;
	_ =	sdelay $0x1  }
0x12e: {  	[tilespmem:v0+s23+$0x0] =	vst.idx.add.f32.msk vm0, v1  }
0x12f: {  	v0 =	vld [tilespmem:s7+$0x14440];
	_ =	sdelay $0x4  }
0x130: {  	(xrf1) =	vunique.msk.u32 $0xffff, v0;
	_ =	sdelay $0xd  }
0x131: {  	_, v1, vm0 =	vpop (xrf1);
	_ =	sdelay $0x3  }
0x132: {  	v1 =	vcvt.s32.f32 v1;
	_ =	sdelay $0x1  }
0x133: {  	[tilespmem:v0+s23+$0x0] =	vst.idx.add.f32.msk vm0, v1  }
0x134: {  	v0 =	vld [tilespmem:s7+$0x14450];
	_ =	sdelay $0x4  }
0x135: {  	(xrf1) =	vunique.msk.u32 $0xffff, v0;
	_ =	sdelay $0xd  }
0x136: {  	_, v1, vm0 =	vpop (xrf1);
	_ =	sdelay $0x3  }
0x137: {  	v1 =	vcvt.s32.f32 v1;
	_ =	sdelay $0x1  }
0x138: {  	[tilespmem:v0+s23+$0x0] =	vst.idx.add.f32.msk vm0, v1  }
0x139: {  	v0 =	vld [tilespmem:s7+$0x14460];
	_ =	sdelay $0x4  }
0x13a: {  	(xrf1) =	vunique.msk.u32 $0xffff, v0;
	_ =	sdelay $0xd  }
0x13b: {  	_, v1, vm0 =	vpop (xrf1);
	_ =	sdelay $0x3  }
0x13c: {  	v1 =	vcvt.s32.f32 v1;
	_ =	sdelay $0x1  }
0x13d: {  	[tilespmem:v0+s23+$0x0] =	vst.idx.add.f32.msk vm0, v1  }
0x13e: {  	v0 =	vld [tilespmem:s7+$0x14470];
	_ =	sdelay $0x4  }
0x13f: {  	(xrf1) =	vunique.msk.u32 $0xffff, v0;
	_ =	sdelay $0xd  }
0x140: {  	_, v1, vm0 =	vpop (xrf1);
	_ =	sdelay $0x3  }
0x141: {  	v1 =	vcvt.s32.f32 v1;
	_ =	sdelay $0x1  }
0x142: {  	[tilespmem:v0+s23+$0x0] =	vst.idx.add.f32.msk vm0, v1  }
0x143: {  	_ =	swait.ge [sflag:s31], $0x4000  }
0x144: {  	[sflag:s31] =	ssyncset.done $0x0  }
0x145: {  	s9 =	sadd.s32 $0x14400, s7;
	[sflag:s31] =	ssyncadd.s32 $0xFFFFC000  }
0x146: {  	[spmem:s3] =	stream.indirect.scatter.add.f32 [tilespmem:s28], [sflag:$0x3], $0x80, s9, s26, $0xb8;
	[tilespmem:$0x1F380] =	vst v63  }
0x147: {  	p0 =	seq.s32 s6, $0x1C00;
	_ =	swait.ge [sflag:s22], $0x4000  }
0x148: {  	s10 =	simm.s32 @!p0 $0x80;
	s9 =	sshra.s32 @!p0 s6, $0x2;
	[sflag:s22] =	ssyncset.done $0x0  }
0x149: {  	s11 =	simm.s32 @!p0 $0x14C00;
	s9 =	sadd.s32 @!p0 $0x13D00, s9;
	[sflag:s22] =	ssyncadd.s32 $0xFFFFC000  }
0x14a: {  	[tilespmem:s11], [sflag:$0x1] =	stream.indirect.gather @!p0 [hbm4b:s1+s10], $0x80, s9, s10, $0xb8;
	[tilespmem:$0x1F380] =	vst v63  }
0x14b: {  	v63 =	vld [tilespmem:s7+$0x14480];
	_ =	sdelay $0x4  }
0x14c: {  	(xrf1) =	vunique.msk.u32 $0xffff, v63;
	_ =	sdelay $0xd  }
0x14d: {  	_, v1, vm0 =	vpop (xrf1);
	_ =	sdelay $0x3  }
0x14e: {  	v1 =	vcvt.s32.f32 v1;
	_ =	sdelay $0x1  }
0x14f: {  	[tilespmem:v63+s23+$0x0] =	vst.idx.add.f32.msk vm0, v1  }
0x150: {  	v0 =	vld [tilespmem:s7+$0x14490];
	_ =	sdelay $0x4  }
0x151: {  	(xrf1) =	vunique.msk.u32 $0xffff, v0;
	_ =	sdelay $0xd  }
0x152: {  	_, v1, vm0 =	vpop (xrf1);
	_ =	sdelay $0x3  }
0x153: {  	v1 =	vcvt.s32.f32 v1;
	_ =	sdelay $0x1  }
0x154: {  	[tilespmem:v0+s23+$0x0] =	vst.idx.add.f32.msk vm0, v1  }
0x155: {  	v0 =	vld [tilespmem:s7+$0x144A0];
	_ =	sdelay $0x4  }
0x156: {  	(xrf1) =	vunique.msk.u32 $0xffff, v0;
	_ =	sdelay $0xd  }
0x157: {  	_, v1, vm0 =	vpop (xrf1);
	_ =	sdelay $0x3  }
0x158: {  	v1 =	vcvt.s32.f32 v1;
	_ =	sdelay $0x1  }
0x159: {  	[tilespmem:v0+s23+$0x0] =	vst.idx.add.f32.msk vm0, v1  }
0x15a: {  	v0 =	vld [tilespmem:s7+$0x144B0];
	_ =	sdelay $0x4  }
0x15b: {  	(xrf1) =	vunique.msk.u32 $0xffff, v0;
	_ =	sdelay $0xd  }
0x15c: {  	_, v1, vm0 =	vpop (xrf1);
	_ =	sdelay $0x3  }
0x15d: {  	v1 =	vcvt.s32.f32 v1;
	_ =	sdelay $0x1  }
0x15e: {  	[tilespmem:v0+s23+$0x0] =	vst.idx.add.f32.msk vm0, v1  }
0x15f: {  	v0 =	vld [tilespmem:s7+$0x144C0];
	_ =	sdelay $0x4  }
0x160: {  	(xrf1) =	vunique.msk.u32 $0xffff, v0;
	_ =	sdelay $0xd  }
0x161: {  	_, v1, vm0 =	vpop (xrf1);
	_ =	sdelay $0x3  }
0x162: {  	v1 =	vcvt.s32.f32 v1;
	_ =	sdelay $0x1  }
0x163: {  	[tilespmem:v0+s23+$0x0] =	vst.idx.add.f32.msk vm0, v1  }
0x164: {  	v0 =	vld [tilespmem:s7+$0x144D0];
	_ =	sdelay $0x4  }
0x165: {  	(xrf1) =	vunique.msk.u32 $0xffff, v0;
	_ =	sdelay $0xd  }
0x166: {  	_, v1, vm0 =	vpop (xrf1);
	_ =	sdelay $0x3  }
0x167: {  	v1 =	vcvt.s32.f32 v1;
	_ =	sdelay $0x1  }
0x168: {  	[tilespmem:v0+s23+$0x0] =	vst.idx.add.f32.msk vm0, v1  }
0x169: {  	v0 =	vld [tilespmem:s7+$0x144E0];
	_ =	sdelay $0x4  }
0x16a: {  	(xrf1) =	vunique.msk.u32 $0xffff, v0;
	_ =	sdelay $0xd  }
0x16b: {  	_, v1, vm0 =	vpop (xrf1);
	_ =	sdelay $0x3  }
0x16c: {  	v1 =	vcvt.s32.f32 v1;
	_ =	sdelay $0x1  }
0x16d: {  	[tilespmem:v0+s23+$0x0] =	vst.idx.add.f32.msk vm0, v1  }
0x16e: {  	v0 =	vld [tilespmem:s7+$0x144F0];
	_ =	sdelay $0x4  }
0x16f: {  	(xrf1) =	vunique.msk.u32 $0xffff, v0;
	_ =	sdelay $0xd  }
0x170: {  	_, v1, vm0 =	vpop (xrf1);
	_ =	sdelay $0x3  }
0x171: {  	v1 =	vcvt.s32.f32 v1;
	_ =	sdelay $0x1  }
0x172: {  	[tilespmem:v0+s23+$0x0] =	vst.idx.add.f32.msk vm0, v1  }
0x173: {  	_ =	swait.ge [sflag:s0], $0x4000  }
0x174: {  	[sflag:s0] =	ssyncset.done $0x0  }
.Ltmp6:
0x175: {  	s11 =	sadd.s32 $0x14480, s7;
	[sflag:s0] =	ssyncadd.s32 $0xFFFFC000;
	(pc) =	sbr.rel @p0 .LBB2_10-.Ltmp6, $4  }
0x176: {  	[spmem:s3] =	stream.indirect.scatter.add.f32 [tilespmem:s30], [sflag:$0x3], $0x80, s11, s26, $0xb8;
	[tilespmem:$0x1F380] =	vst v63  }
0x177: {  	_ =	swait.ge [sflag:s22], $0x4000  }
0x178: {  	[sflag:s22] =	ssyncset.done $0x0  }
0x179: {  	[sflag:s22] =	ssyncadd.s32 $0xFFFFC000  }
.Ltmp7:
0x17a: {  	(pc) =	sbr.rel .LBB2_8-.Ltmp7, $3  }
0x17b: {  	_ =	sdelay $0x1  }
0x17c: {  	s7 =	sadd.s32 $0x13D80, s7;
	s6 =	sadd.s32 $0x400, s6  }
0x17d: {  	[tilespmem:s30], [sflag:$0x2] =	stream.indirect.gather [hbm4b:s1+s26], $0x80, s7, s26, $0xb8;
	[tilespmem:$0x1F380] =	vst v63  }
.LBB2_10:
0x17e: {  	s6 =	simm.s32 $0x0  }
0x17f: {  	[tilespmem:s24], [sflag:$0x3] =	stream.linear.gather [hbm4b:s15+s6], $0x800, $0x38;
	[tilespmem:$0x1F380] =	vst v63  }
0x180: {  	_ =	swait.ge [sflag:s22], $0x800  }
0x181: {  	[sflag:s22] =	ssyncset.done $0x0  }
0x182: {  	[sflag:s22] =	ssyncadd.s32 $0xFFFFF800  }
0x183: {  	[tilespmem:s25], [sflag:$0x3] =	stream.linear.gather [hbm4b:s16+s6], $0x800, $0x38;
	[tilespmem:$0x1F380] =	vst v63  }
0x184: {  	_ =	swait.ge [sflag:s22], $0x800  }
0x185: {  	[sflag:s22] =	ssyncset.done $0x0  }
0x186: {  	[sflag:s22] =	ssyncadd.s32 $0xFFFFF800  }
0x187: {  	[tilespmem:s28], [sflag:$0x1] =	stream.indirect.gather [hbm4b:s1+s26], $0x80, s24, s26, $0xb8;
	[tilespmem:$0x1F380] =	vst v63  }
0x188: {  	_ = 	snop  }
0x189: {  	[tilespmem:s30], [sflag:$0x2] =	stream.indirect.gather [hbm4b:s1+s26], $0x80, s29, s26, $0xb8;
	[tilespmem:$0x1F380] =	vst v63  }
.LBB2_11:
0x18a: {  	s7 =	sshra.s32 s6, $0x2  }
0x18b: {  	v0 =	vld [tilespmem:s7+$0x14400];
	_ =	sdelay $0x4  }
0x18c: {  	(xrf1) =	vunique.msk.u32 $0xffff, v0;
	_ =	sdelay $0xd  }
0x18d: {  	_, v1, vm0 =	vpop (xrf1);
	_ =	sdelay $0x3  }
0x18e: {  	v1 =	vcvt.s32.f32 v1;
	_ =	sdelay $0x1  }
0x18f: {  	[tilespmem:v0+s23+$0x0] =	vst.idx.add.f32.msk vm0, v1  }
0x190: {  	v0 =	vld [tilespmem:s7+$0x14410];
	_ =	sdelay $0x4  }
0x191: {  	(xrf1) =	vunique.msk.u32 $0xffff, v0;
	_ =	sdelay $0xd  }
0x192: {  	_, v1, vm0 =	vpop (xrf1);
	_ =	sdelay $0x3  }
0x193: {  	v1 =	vcvt.s32.f32 v1;
	_ =	sdelay $0x1  }
0x194: {  	[tilespmem:v0+s23+$0x0] =	vst.idx.add.f32.msk vm0, v1  }
0x195: {  	v0 =	vld [tilespmem:s7+$0x14420];
	_ =	sdelay $0x4  }
0x196: {  	(xrf1) =	vunique.msk.u32 $0xffff, v0;
	_ =	sdelay $0xd  }
0x197: {  	_, v1, vm0 =	vpop (xrf1);
	_ =	sdelay $0x3  }
0x198: {  	v1 =	vcvt.s32.f32 v1;
	_ =	sdelay $0x1  }
0x199: {  	[tilespmem:v0+s23+$0x0] =	vst.idx.add.f32.msk vm0, v1  }
0x19a: {  	v0 =	vld [tilespmem:s7+$0x14430];
	_ =	sdelay $0x4  }
0x19b: {  	(xrf1) =	vunique.msk.u32 $0xffff, v0;
	_ =	sdelay $0xd  }
0x19c: {  	_, v1, vm0 =	vpop (xrf1);
	_ =	sdelay $0x3  }
0x19d: {  	v1 =	vcvt.s32.f32 v1;
	_ =	sdelay $0x1  }
0x19e: {  	[tilespmem:v0+s23+$0x0] =	vst.idx.add.f32.msk vm0, v1  }
0x19f: {  	v0 =	vld [tilespmem:s7+$0x14440];
	_ =	sdelay $0x4  }
0x1a0: {  	(xrf1) =	vunique.msk.u32 $0xffff, v0;
	_ =	sdelay $0xd  }
0x1a1: {  	_, v1, vm0 =	vpop (xrf1);
	_ =	sdelay $0x3  }
0x1a2: {  	v1 =	vcvt.s32.f32 v1;
	_ =	sdelay $0x1  }
0x1a3: {  	[tilespmem:v0+s23+$0x0] =	vst.idx.add.f32.msk vm0, v1  }
0x1a4: {  	v0 =	vld [tilespmem:s7+$0x14450];
	_ =	sdelay $0x4  }
0x1a5: {  	(xrf1) =	vunique.msk.u32 $0xffff, v0;
	_ =	sdelay $0xd  }
0x1a6: {  	_, v1, vm0 =	vpop (xrf1);
	_ =	sdelay $0x3  }
0x1a7: {  	v1 =	vcvt.s32.f32 v1;
	_ =	sdelay $0x1  }
0x1a8: {  	[tilespmem:v0+s23+$0x0] =	vst.idx.add.f32.msk vm0, v1  }
0x1a9: {  	v0 =	vld [tilespmem:s7+$0x14460];
	_ =	sdelay $0x4  }
0x1aa: {  	(xrf1) =	vunique.msk.u32 $0xffff, v0;
	_ =	sdelay $0xd  }
0x1ab: {  	_, v1, vm0 =	vpop (xrf1);
	_ =	sdelay $0x3  }
0x1ac: {  	v1 =	vcvt.s32.f32 v1;
	_ =	sdelay $0x1  }
0x1ad: {  	[tilespmem:v0+s23+$0x0] =	vst.idx.add.f32.msk vm0, v1  }
0x1ae: {  	v0 =	vld [tilespmem:s7+$0x14470];
	_ =	sdelay $0x4  }
0x1af: {  	(xrf1) =	vunique.msk.u32 $0xffff, v0;
	_ =	sdelay $0xd  }
0x1b0: {  	_, v1, vm0 =	vpop (xrf1);
	_ =	sdelay $0x3  }
0x1b1: {  	v1 =	vcvt.s32.f32 v1;
	_ =	sdelay $0x1  }
0x1b2: {  	[tilespmem:v0+s23+$0x0] =	vst.idx.add.f32.msk vm0, v1  }
0x1b3: {  	_ =	swait.ge [sflag:s31], $0x4000  }
0x1b4: {  	[sflag:s31] =	ssyncset.done $0x0  }
0x1b5: {  	s9 =	sadd.s32 $0x14400, s7;
	[sflag:s31] =	ssyncadd.s32 $0xFFFFC000  }
0x1b6: {  	[spmem:s3] =	stream.indirect.scatter.add.f32 [tilespmem:s28], [sflag:$0x3], $0x80, s9, s26, $0xb8;
	[tilespmem:$0x1F380] =	vst v63  }
0x1b7: {  	p0 =	seq.s32 s6, $0x1C00;
	_ =	swait.ge [sflag:s22], $0x4000  }
0x1b8: {  	s10 =	simm.s32 @!p0 $0x80;
	s9 =	sshra.s32 @!p0 s6, $0x2;
	[sflag:s22] =	ssyncset.done $0x0  }
0x1b9: {  	s11 =	simm.s32 @!p0 $0x14C00;
	s9 =	sadd.s32 @!p0 $0x13D00, s9;
	[sflag:s22] =	ssyncadd.s32 $0xFFFFC000  }
0x1ba: {  	[tilespmem:s11], [sflag:$0x1] =	stream.indirect.gather @!p0 [hbm4b:s1+s10], $0x80, s9, s10, $0xb8;
	[tilespmem:$0x1F380] =	vst v63  }
0x1bb: {  	v63 =	vld [tilespmem:s7+$0x14480];
	_ =	sdelay $0x4  }
0x1bc: {  	(xrf1) =	vunique.msk.u32 $0xffff, v63;
	_ =	sdelay $0xd  }
0x1bd: {  	_, v1, vm0 =	vpop (xrf1);
	_ =	sdelay $0x3  }
0x1be: {  	v1 =	vcvt.s32.f32 v1;
	_ =	sdelay $0x1  }
0x1bf: {  	[tilespmem:v63+s23+$0x0] =	vst.idx.add.f32.msk vm0, v1  }
0x1c0: {  	v0 =	vld [tilespmem:s7+$0x14490];
	_ =	sdelay $0x4  }
0x1c1: {  	(xrf1) =	vunique.msk.u32 $0xffff, v0;
	_ =	sdelay $0xd  }
0x1c2: {  	_, v1, vm0 =	vpop (xrf1);
	_ =	sdelay $0x3  }
0x1c3: {  	v1 =	vcvt.s32.f32 v1;
	_ =	sdelay $0x1  }
0x1c4: {  	[tilespmem:v0+s23+$0x0] =	vst.idx.add.f32.msk vm0, v1  }
0x1c5: {  	v0 =	vld [tilespmem:s7+$0x144A0];
	_ =	sdelay $0x4  }
0x1c6: {  	(xrf1) =	vunique.msk.u32 $0xffff, v0;
	_ =	sdelay $0xd  }
0x1c7: {  	_, v1, vm0 =	vpop (xrf1);
	_ =	sdelay $0x3  }
0x1c8: {  	v1 =	vcvt.s32.f32 v1;
	_ =	sdelay $0x1  }
0x1c9: {  	[tilespmem:v0+s23+$0x0] =	vst.idx.add.f32.msk vm0, v1  }
0x1ca: {  	v0 =	vld [tilespmem:s7+$0x144B0];
	_ =	sdelay $0x4  }
0x1cb: {  	(xrf1) =	vunique.msk.u32 $0xffff, v0;
	_ =	sdelay $0xd  }
0x1cc: {  	_, v1, vm0 =	vpop (xrf1);
	_ =	sdelay $0x3  }
0x1cd: {  	v1 =	vcvt.s32.f32 v1;
	_ =	sdelay $0x1  }
0x1ce: {  	[tilespmem:v0+s23+$0x0] =	vst.idx.add.f32.msk vm0, v1  }
0x1cf: {  	v0 =	vld [tilespmem:s7+$0x144C0];
	_ =	sdelay $0x4  }
0x1d0: {  	(xrf1) =	vunique.msk.u32 $0xffff, v0;
	_ =	sdelay $0xd  }
0x1d1: {  	_, v1, vm0 =	vpop (xrf1);
	_ =	sdelay $0x3  }
0x1d2: {  	v1 =	vcvt.s32.f32 v1;
	_ =	sdelay $0x1  }
0x1d3: {  	[tilespmem:v0+s23+$0x0] =	vst.idx.add.f32.msk vm0, v1  }
0x1d4: {  	v0 =	vld [tilespmem:s7+$0x144D0];
	_ =	sdelay $0x4  }
0x1d5: {  	(xrf1) =	vunique.msk.u32 $0xffff, v0;
	_ =	sdelay $0xd  }
0x1d6: {  	_, v1, vm0 =	vpop (xrf1);
	_ =	sdelay $0x3  }
0x1d7: {  	v1 =	vcvt.s32.f32 v1;
	_ =	sdelay $0x1  }
0x1d8: {  	[tilespmem:v0+s23+$0x0] =	vst.idx.add.f32.msk vm0, v1  }
0x1d9: {  	v0 =	vld [tilespmem:s7+$0x144E0];
	_ =	sdelay $0x4  }
0x1da: {  	(xrf1) =	vunique.msk.u32 $0xffff, v0;
	_ =	sdelay $0xd  }
0x1db: {  	_, v1, vm0 =	vpop (xrf1);
	_ =	sdelay $0x3  }
0x1dc: {  	v1 =	vcvt.s32.f32 v1;
	_ =	sdelay $0x1  }
0x1dd: {  	[tilespmem:v0+s23+$0x0] =	vst.idx.add.f32.msk vm0, v1  }
0x1de: {  	v0 =	vld [tilespmem:s7+$0x144F0];
	_ =	sdelay $0x4  }
0x1df: {  	(xrf1) =	vunique.msk.u32 $0xffff, v0;
	_ =	sdelay $0xd  }
0x1e0: {  	_, v1, vm0 =	vpop (xrf1);
	_ =	sdelay $0x3  }
0x1e1: {  	v1 =	vcvt.s32.f32 v1;
	_ =	sdelay $0x1  }
0x1e2: {  	[tilespmem:v0+s23+$0x0] =	vst.idx.add.f32.msk vm0, v1  }
0x1e3: {  	_ =	swait.ge [sflag:s0], $0x4000  }
0x1e4: {  	[sflag:s0] =	ssyncset.done $0x0  }
.Ltmp8:
0x1e5: {  	s11 =	sadd.s32 $0x14480, s7;
	[sflag:s0] =	ssyncadd.s32 $0xFFFFC000;
	(pc) =	sbr.rel @p0 .LBB2_13-.Ltmp8, $4  }
0x1e6: {  	[spmem:s3] =	stream.indirect.scatter.add.f32 [tilespmem:s30], [sflag:$0x3], $0x80, s11, s26, $0xb8;
	[tilespmem:$0x1F380] =	vst v63  }
0x1e7: {  	_ =	swait.ge [sflag:s22], $0x4000  }
0x1e8: {  	[sflag:s22] =	ssyncset.done $0x0  }
0x1e9: {  	[sflag:s22] =	ssyncadd.s32 $0xFFFFC000  }
.Ltmp9:
0x1ea: {  	(pc) =	sbr.rel .LBB2_11-.Ltmp9, $3  }
0x1eb: {  	_ =	sdelay $0x1  }
0x1ec: {  	s7 =	sadd.s32 $0x13D80, s7;
	s6 =	sadd.s32 $0x400, s6  }
0x1ed: {  	[tilespmem:s30], [sflag:$0x2] =	stream.indirect.gather [hbm4b:s1+s26], $0x80, s7, s26, $0xb8;
	[tilespmem:$0x1F380] =	vst v63  }
.LBB2_13:
0x1ee: {  	s6 =	simm.s32 $0x0  }
0x1ef: {  	[tilespmem:s24], [sflag:$0x3] =	stream.linear.gather [hbm4b:s17+s6], $0x800, $0x38;
	[tilespmem:$0x1F380] =	vst v63  }
0x1f0: {  	_ =	swait.ge [sflag:s22], $0x800  }
0x1f1: {  	[sflag:s22] =	ssyncset.done $0x0  }
0x1f2: {  	[sflag:s22] =	ssyncadd.s32 $0xFFFFF800  }
0x1f3: {  	[tilespmem:s25], [sflag:$0x3] =	stream.linear.gather [hbm4b:s18+s6], $0x800, $0x38;
	[tilespmem:$0x1F380] =	vst v63  }
0x1f4: {  	_ =	swait.ge [sflag:s22], $0x800  }
0x1f5: {  	[sflag:s22] =	ssyncset.done $0x0  }
0x1f6: {  	[sflag:s22] =	ssyncadd.s32 $0xFFFFF800  }
0x1f7: {  	[tilespmem:s28], [sflag:$0x1] =	stream.indirect.gather [hbm4b:s1+s26], $0x80, s24, s26, $0xb8;
	[tilespmem:$0x1F380] =	vst v63  }
0x1f8: {  	_ = 	snop  }
0x1f9: {  	[tilespmem:s30], [sflag:$0x2] =	stream.indirect.gather [hbm4b:s1+s26], $0x80, s29, s26, $0xb8;
	[tilespmem:$0x1F380] =	vst v63  }
.LBB2_14:
0x1fa: {  	s7 =	sshra.s32 s6, $0x2  }
0x1fb: {  	v0 =	vld [tilespmem:s7+$0x14400];
	_ =	sdelay $0x4  }
0x1fc: {  	(xrf1) =	vunique.msk.u32 $0xffff, v0;
	_ =	sdelay $0xd  }
0x1fd: {  	_, v1, vm0 =	vpop (xrf1);
	_ =	sdelay $0x3  }
0x1fe: {  	v1 =	vcvt.s32.f32 v1;
	_ =	sdelay $0x1  }
0x1ff: {  	[tilespmem:v0+s23+$0x0] =	vst.idx.add.f32.msk vm0, v1  }
0x200: {  	v0 =	vld [tilespmem:s7+$0x14410];
	_ =	sdelay $0x4  }
0x201: {  	(xrf1) =	vunique.msk.u32 $0xffff, v0;
	_ =	sdelay $0xd  }
0x202: {  	_, v1, vm0 =	vpop (xrf1);
	_ =	sdelay $0x3  }
0x203: {  	v1 =	vcvt.s32.f32 v1;
	_ =	sdelay $0x1  }
0x204: {  	[tilespmem:v0+s23+$0x0] =	vst.idx.add.f32.msk vm0, v1  }
0x205: {  	v0 =	vld [tilespmem:s7+$0x14420];
	_ =	sdelay $0x4  }
0x206: {  	(xrf1) =	vunique.msk.u32 $0xffff, v0;
	_ =	sdelay $0xd  }
0x207: {  	_, v1, vm0 =	vpop (xrf1);
	_ =	sdelay $0x3  }
0x208: {  	v1 =	vcvt.s32.f32 v1;
	_ =	sdelay $0x1  }
0x209: {  	[tilespmem:v0+s23+$0x0] =	vst.idx.add.f32.msk vm0, v1  }
0x20a: {  	v0 =	vld [tilespmem:s7+$0x14430];
	_ =	sdelay $0x4  }
0x20b: {  	(xrf1) =	vunique.msk.u32 $0xffff, v0;
	_ =	sdelay $0xd  }
0x20c: {  	_, v1, vm0 =	vpop (xrf1);
	_ =	sdelay $0x3  }
0x20d: {  	v1 =	vcvt.s32.f32 v1;
	_ =	sdelay $0x1  }
0x20e: {  	[tilespmem:v0+s23+$0x0] =	vst.idx.add.f32.msk vm0, v1  }
0x20f: {  	v0 =	vld [tilespmem:s7+$0x14440];
	_ =	sdelay $0x4  }
0x210: {  	(xrf1) =	vunique.msk.u32 $0xffff, v0;
	_ =	sdelay $0xd  }
0x211: {  	_, v1, vm0 =	vpop (xrf1);
	_ =	sdelay $0x3  }
0x212: {  	v1 =	vcvt.s32.f32 v1;
	_ =	sdelay $0x1  }
0x213: {  	[tilespmem:v0+s23+$0x0] =	vst.idx.add.f32.msk vm0, v1  }
0x214: {  	v0 =	vld [tilespmem:s7+$0x14450];
	_ =	sdelay $0x4  }
0x215: {  	(xrf1) =	vunique.msk.u32 $0xffff, v0;
	_ =	sdelay $0xd  }
0x216: {  	_, v1, vm0 =	vpop (xrf1);
	_ =	sdelay $0x3  }
0x217: {  	v1 =	vcvt.s32.f32 v1;
	_ =	sdelay $0x1  }
0x218: {  	[tilespmem:v0+s23+$0x0] =	vst.idx.add.f32.msk vm0, v1  }
0x219: {  	v0 =	vld [tilespmem:s7+$0x14460];
	_ =	sdelay $0x4  }
0x21a: {  	(xrf1) =	vunique.msk.u32 $0xffff, v0;
	_ =	sdelay $0xd  }
0x21b: {  	_, v1, vm0 =	vpop (xrf1);
	_ =	sdelay $0x3  }
0x21c: {  	v1 =	vcvt.s32.f32 v1;
	_ =	sdelay $0x1  }
0x21d: {  	[tilespmem:v0+s23+$0x0] =	vst.idx.add.f32.msk vm0, v1  }
0x21e: {  	v0 =	vld [tilespmem:s7+$0x14470];
	_ =	sdelay $0x4  }
0x21f: {  	(xrf1) =	vunique.msk.u32 $0xffff, v0;
	_ =	sdelay $0xd  }
0x220: {  	_, v1, vm0 =	vpop (xrf1);
	_ =	sdelay $0x3  }
0x221: {  	v1 =	vcvt.s32.f32 v1;
	_ =	sdelay $0x1  }
0x222: {  	[tilespmem:v0+s23+$0x0] =	vst.idx.add.f32.msk vm0, v1  }
0x223: {  	_ =	swait.ge [sflag:s31], $0x4000  }
0x224: {  	[sflag:s31] =	ssyncset.done $0x0  }
0x225: {  	s9 =	sadd.s32 $0x14400, s7;
	[sflag:s31] =	ssyncadd.s32 $0xFFFFC000  }
0x226: {  	[spmem:s3] =	stream.indirect.scatter.add.f32 [tilespmem:s28], [sflag:$0x3], $0x80, s9, s26, $0xb8;
	[tilespmem:$0x1F380] =	vst v63  }
0x227: {  	p0 =	seq.s32 s6, $0x1C00;
	_ =	swait.ge [sflag:s22], $0x4000  }
0x228: {  	s10 =	simm.s32 @!p0 $0x80;
	s9 =	sshra.s32 @!p0 s6, $0x2;
	[sflag:s22] =	ssyncset.done $0x0  }
0x229: {  	s11 =	simm.s32 @!p0 $0x14C00;
	s9 =	sadd.s32 @!p0 $0x13D00, s9;
	[sflag:s22] =	ssyncadd.s32 $0xFFFFC000  }
0x22a: {  	[tilespmem:s11], [sflag:$0x1] =	stream.indirect.gather @!p0 [hbm4b:s1+s10], $0x80, s9, s10, $0xb8;
	[tilespmem:$0x1F380] =	vst v63  }
0x22b: {  	v63 =	vld [tilespmem:s7+$0x14480];
	_ =	sdelay $0x4  }
0x22c: {  	(xrf1) =	vunique.msk.u32 $0xffff, v63;
	_ =	sdelay $0xd  }
0x22d: {  	_, v1, vm0 =	vpop (xrf1);
	_ =	sdelay $0x3  }
0x22e: {  	v1 =	vcvt.s32.f32 v1;
	_ =	sdelay $0x1  }
0x22f: {  	[tilespmem:v63+s23+$0x0] =	vst.idx.add.f32.msk vm0, v1  }
0x230: {  	v0 =	vld [tilespmem:s7+$0x14490];
	_ =	sdelay $0x4  }
0x231: {  	(xrf1) =	vunique.msk.u32 $0xffff, v0;
	_ =	sdelay $0xd  }
0x232: {  	_, v1, vm0 =	vpop (xrf1);
	_ =	sdelay $0x3  }
0x233: {  	v1 =	vcvt.s32.f32 v1;
	_ =	sdelay $0x1  }
0x234: {  	[tilespmem:v0+s23+$0x0] =	vst.idx.add.f32.msk vm0, v1  }
0x235: {  	v0 =	vld [tilespmem:s7+$0x144A0];
	_ =	sdelay $0x4  }
0x236: {  	(xrf1) =	vunique.msk.u32 $0xffff, v0;
	_ =	sdelay $0xd  }
0x237: {  	_, v1, vm0 =	vpop (xrf1);
	_ =	sdelay $0x3  }
0x238: {  	v1 =	vcvt.s32.f32 v1;
	_ =	sdelay $0x1  }
0x239: {  	[tilespmem:v0+s23+$0x0] =	vst.idx.add.f32.msk vm0, v1  }
0x23a: {  	v0 =	vld [tilespmem:s7+$0x144B0];
	_ =	sdelay $0x4  }
0x23b: {  	(xrf1) =	vunique.msk.u32 $0xffff, v0;
	_ =	sdelay $0xd  }
0x23c: {  	_, v1, vm0 =	vpop (xrf1);
	_ =	sdelay $0x3  }
0x23d: {  	v1 =	vcvt.s32.f32 v1;
	_ =	sdelay $0x1  }
0x23e: {  	[tilespmem:v0+s23+$0x0] =	vst.idx.add.f32.msk vm0, v1  }
0x23f: {  	v0 =	vld [tilespmem:s7+$0x144C0];
	_ =	sdelay $0x4  }
0x240: {  	(xrf1) =	vunique.msk.u32 $0xffff, v0;
	_ =	sdelay $0xd  }
0x241: {  	_, v1, vm0 =	vpop (xrf1);
	_ =	sdelay $0x3  }
0x242: {  	v1 =	vcvt.s32.f32 v1;
	_ =	sdelay $0x1  }
0x243: {  	[tilespmem:v0+s23+$0x0] =	vst.idx.add.f32.msk vm0, v1  }
0x244: {  	v0 =	vld [tilespmem:s7+$0x144D0];
	_ =	sdelay $0x4  }
0x245: {  	(xrf1) =	vunique.msk.u32 $0xffff, v0;
	_ =	sdelay $0xd  }
0x246: {  	_, v1, vm0 =	vpop (xrf1);
	_ =	sdelay $0x3  }
0x247: {  	v1 =	vcvt.s32.f32 v1;
	_ =	sdelay $0x1  }
0x248: {  	[tilespmem:v0+s23+$0x0] =	vst.idx.add.f32.msk vm0, v1  }
0x249: {  	v0 =	vld [tilespmem:s7+$0x144E0];
	_ =	sdelay $0x4  }
0x24a: {  	(xrf1) =	vunique.msk.u32 $0xffff, v0;
	_ =	sdelay $0xd  }
0x24b: {  	_, v1, vm0 =	vpop (xrf1);
	_ =	sdelay $0x3  }
0x24c: {  	v1 =	vcvt.s32.f32 v1;
	_ =	sdelay $0x1  }
0x24d: {  	[tilespmem:v0+s23+$0x0] =	vst.idx.add.f32.msk vm0, v1  }
0x24e: {  	v0 =	vld [tilespmem:s7+$0x144F0];
	_ =	sdelay $0x4  }
0x24f: {  	(xrf1) =	vunique.msk.u32 $0xffff, v0;
	_ =	sdelay $0xd  }
0x250: {  	_, v1, vm0 =	vpop (xrf1);
	_ =	sdelay $0x3  }
0x251: {  	v1 =	vcvt.s32.f32 v1;
	_ =	sdelay $0x1  }
0x252: {  	[tilespmem:v0+s23+$0x0] =	vst.idx.add.f32.msk vm0, v1  }
0x253: {  	_ =	swait.ge [sflag:s0], $0x4000  }
0x254: {  	[sflag:s0] =	ssyncset.done $0x0  }
.Ltmp10:
0x255: {  	s11 =	sadd.s32 $0x14480, s7;
	[sflag:s0] =	ssyncadd.s32 $0xFFFFC000;
	(pc) =	sbr.rel @p0 .LBB2_16-.Ltmp10, $4  }
0x256: {  	[spmem:s3] =	stream.indirect.scatter.add.f32 [tilespmem:s30], [sflag:$0x3], $0x80, s11, s26, $0xb8;
	[tilespmem:$0x1F380] =	vst v63  }
0x257: {  	_ =	swait.ge [sflag:s22], $0x4000  }
0x258: {  	[sflag:s22] =	ssyncset.done $0x0  }
0x259: {  	[sflag:s22] =	ssyncadd.s32 $0xFFFFC000  }
.Ltmp11:
0x25a: {  	(pc) =	sbr.rel .LBB2_14-.Ltmp11, $3  }
0x25b: {  	_ =	sdelay $0x1  }
0x25c: {  	s7 =	sadd.s32 $0x13D80, s7;
	s6 =	sadd.s32 $0x400, s6  }
0x25d: {  	[tilespmem:s30], [sflag:$0x2] =	stream.indirect.gather [hbm4b:s1+s26], $0x80, s7, s26, $0xb8;
	[tilespmem:$0x1F380] =	vst v63  }
.LBB2_17:
0x25e: {  	_ =	sfence.sel $0x180000  }
0x25f: {  	[bflag:$0x0] =	sbarrier.arrive $0xFFFF  }
0x260: {  	_ =	strace $0x90000047  }
0x261: {  	s0 =	stileid.u32;
	[bflag:$0x2] =	sbarrier.arrive $0xFFFF  }
0x262: {  	p0 =	sne.s32 s0, $0x0;
	s0 =	rddreg [dreg:$0x3]  }
0x263: {  	s0 =	sadd.s32 @!p0 $0x100000, s0  }
0x264: {  	[sflag:s0] =	ssyncadd.tile.s32 @!p0 $0x1;
	_ =	shalt  }
.Lfunc_end2:
_tile_overlayer_lowered:
.L_overlay_start_2:
0x265: {  	(tag) =	ssettag $0x2  }
0x266: {  	s0 =	rddreg [dreg:$0x0];
	s2 =	stileid.u32  }
0x267: {  	s1 =	rddreg [dreg:$0x1];
	p0 =	sne.s32 s2, $0x0  }
0x268: {  	s3 =	rddreg [dreg:$0x2];
	[bflag:$0x3] =	sbarrier.arrive $0xFFFF;
	s2 =	simm.s32 @!p0 $0x1C03  }
0x269: {  	[timem:s3], [sflag:s2] =	dma.local @!p0 [hbm:s0], s1  }
0x26a: {  	s0 =	simm.s32 @!p0 $0x3  }
0x26b: {  	_ =	swait.ge @!p0 [sflag:s0], s1  }
0x26c: {  	s1 =	ssub.s32 @!p0 $0x0, s1;
	[sflag:s0] =	ssyncset.done @!p0 $0x0  }
0x26d: {  	[sflag:s0] =	ssyncadd.s32 @!p0 s1  }
0x26e: {  	[bflag:$0x3] =	sbarrier.arrive $0xFFFF  }
0x26f: {  	_ =	shalt  }

</sc_bundles>
